<compile_context>
chip_gen: v7x
topology: tpu7x:2x2x1
jax: 0.10.2.dev20260603
libtpu: 0.0.44.dev20260713+nightly
codegen_flags: <defaults>
</compile_context>

<pallas_src>
import functools

import jax
import jax.numpy as jnp
from jax import lax
from jax.experimental import pallas as pl
from jax.experimental.pallas import tpu as pltpu
from jax.experimental.pallas import tpu_sc as plsc

B = 4096
NS = 26
ND = 13
V = 100000
D = 16
L = 20
NSEQ = 2

NW = 32
BPW = B // NW
E2_ROWS = BPW * NS
SEQ_ROWS = BPW * L


def _sc_gather_e2(idx_all, E2t):
    mesh = plsc.VectorSubcoreMesh(core_axis_name="c", subcore_axis_name="s")

    @functools.partial(
        pl.kernel,
        out_type=jax.ShapeDtypeStruct((D, B * NS), jnp.float32),
        mesh=mesh,
        compiler_params=pltpu.CompilerParams(use_tc_tiling_on_sc=False),
        scratch_types=[
            pltpu.VMEM((D * E2_ROWS,), jnp.int32),
            pltpu.VMEM((D * E2_ROWS,), jnp.float32),
            pltpu.SemaphoreType.DMA,
            pltpu.SemaphoreType.DMA,
        ],
    )
    def k(idx_all_h, E2t_h, out_dm, idx_v, val_v, sem_g, sem_wr):
        wid = lax.axis_index("s") * 2 + lax.axis_index("c")
        rbase = wid * E2_ROWS

        for d in range(D):
            pltpu.sync_copy(idx_all_h.at[d, pl.ds(rbase, E2_ROWS)],
                            idx_v.at[pl.ds(d * E2_ROWS, E2_ROWS)])

        e2_flat = E2t_h.at[0].at[0]
        ds_g = []
        for d in range(D):
            ds_g.append(pltpu.async_copy(
                e2_flat.at[idx_v.at[pl.ds(d * E2_ROWS, E2_ROWS)]],
                val_v.at[pl.ds(d * E2_ROWS, E2_ROWS)], sem_g))
        d_wr = []
        for d in range(D):
            ds_g[d].wait()
            d_wr.append(pltpu.async_copy(
                val_v.at[pl.ds(d * E2_ROWS, E2_ROWS)],
                out_dm.at[d, pl.ds(rbase, E2_ROWS)], sem_wr))
        for d in d_wr:
            d.wait()

    return k(idx_all, E2t)


def _sc_gather_rest(idx_sp, idx_sa, idx_sg, E1t, Eseq):
    mesh = plsc.VectorSubcoreMesh(core_axis_name="c", subcore_axis_name="s")

    @functools.partial(
        pl.kernel,
        out_type=[
            jax.ShapeDtypeStruct((B, NSEQ * D), jnp.float32),
            jax.ShapeDtypeStruct((B,), jnp.float32),
        ],
        mesh=mesh,
        compiler_params=pltpu.CompilerParams(use_tc_tiling_on_sc=False),
        scratch_types=[
            pltpu.VMEM((E2_ROWS,), jnp.int32),
            pltpu.VMEM((SEQ_ROWS,), jnp.int32),
            pltpu.VMEM((SEQ_ROWS, D), jnp.float32),
            pltpu.VMEM((E2_ROWS,), jnp.float32),
            pltpu.VMEM((BPW, NSEQ * D), jnp.float32),
            pltpu.VMEM((BPW,), jnp.float32),
            pltpu.SemaphoreType.DMA,
            pltpu.SemaphoreType.DMA,
            pltpu.SemaphoreType.DMA,
        ],
    )
    def k(idx_sp_h, idx_sa_h, idx_sg_h, E1_h, Eseq_h,
          seq_out, lin_out,
          idx2_v, idxsa_v, rowss_v, e1_v, pooled_v, lin_v,
          sem_e1, sem_sa, sem_sg):
        wid = lax.axis_index("s") * 2 + lax.axis_index("c")
        bbase = wid * BPW
        sbase = wid * SEQ_ROWS

        pltpu.sync_copy(idx_sp_h.at[pl.ds(bbase * NS, E2_ROWS)], idx2_v)
        pltpu.sync_copy(idx_sa_h.at[pl.ds(sbase, SEQ_ROWS)], idxsa_v)

        d_sa = pltpu.async_copy(Eseq_h.at[0].at[idxsa_v], rowss_v, sem_sa)
        d_e1 = pltpu.async_copy(E1_h.at[0].at[0].at[idx2_v], e1_v, sem_e1)

        d_sa.wait()

        def pool_a(bl, _):
            acc = jnp.zeros((D,), jnp.float32)
            for l in range(L):
                acc = acc + rowss_v[bl * L + l, :]
            pooled_v[bl, pl.ds(0, D)] = acc * (1.0 / L)
            return 0

        lax.fori_loop(0, BPW, pool_a, 0)
        pltpu.sync_copy(idx_sg_h.at[pl.ds(sbase, SEQ_ROWS)], idxsa_v)
        d_sg = pltpu.async_copy(Eseq_h.at[1].at[idxsa_v], rowss_v, sem_sg)

        d_e1.wait()

        def lin_body(c, _):
            acc = jnp.zeros((D,), jnp.float32)
            for i in range(NS):
                acc = acc + e1_v[pl.ds(i * BPW + c * D, D)]
            lin_v[pl.ds(c * D, D)] = acc
            return 0

        lax.fori_loop(0, BPW // D, lin_body, 0)
        pltpu.sync_copy(lin_v, lin_out.at[pl.ds(bbase, BPW)])

        d_sg.wait()

        def pool_g(bl, _):
            acc = jnp.zeros((D,), jnp.float32)
            for l in range(L):
                acc = acc + rowss_v[bl * L + l, :]
            pooled_v[bl, pl.ds(D, D)] = acc * (1.0 / L)
            return 0

        lax.fori_loop(0, BPW, pool_g, 0)
        pltpu.sync_copy(pooled_v, seq_out.at[pl.ds(bbase, BPW)])

    return k(idx_sp, idx_sa, idx_sg, E1t, Eseq)


_TC_BLK = 512


def _tc_body(dense_r, emb_r, seqp_r, lin_r, W1d_r, W1e_r, W1s_r, b1_r,
             W2_r, b2_r, W3_r, b3_r, W4_r, b4_r, Wlin_r, blin_r,
             Wf_r, bf_r, Wl_r, bl_r, ones26_r, fin_o, like_o):
    f32 = jnp.float32
    dot = lambda a, b: lax.dot(a, b, preferred_element_type=f32)
    xd = dense_r[...]
    xs = seqp_r[...]
    h = dot(xd, W1d_r[...]) + dot(xs, W1s_r[...]) + b1_r[...]
    ones26 = ones26_r[...]
    E = emb_r[...].reshape(D, _TC_BLK, NS)
    sq = jnp.zeros((_TC_BLK, 1), f32)
    sqsum = jnp.zeros((_TC_BLK, 1), f32)
    for d in range(D):
        Ed = E[d]
        h = h + dot(Ed, W1e_r[d])
        sd = jnp.sum(Ed, axis=1, keepdims=True)
        tot = sd + xs[:, d:d + 1] + xs[:, D + d:D + d + 1]
        sq = sq + tot * tot
        sqsum = sqsum + jnp.sum(Ed * Ed, axis=1, keepdims=True)
    h = jnp.maximum(h, 0.0)
    h = jnp.maximum(dot(h, W2_r[...]) + b2_r[...], 0.0)
    h = jnp.maximum(dot(h, W3_r[...]) + b3_r[...], 0.0)
    dnn = dot(h, W4_r[...]) + b4_r[...]
    so = 0.5 * (sq - sqsum)
    fo = dot(xd, Wlin_r[...]) + blin_r[...] + lin_r[...]
    logits = fo + so + dnn
    fin_o[...] = jax.nn.sigmoid(logits * Wf_r[0, 0] + bf_r[0, 0])
    like_o[...] = jax.nn.sigmoid(logits * Wl_r[0, 0] + bl_r[0, 0])


def _tc_head(dense, emb3, seqp, lin, W1d, W1e_dm, W1s, b1, W2, b2, W3, b3,
             W4, b4, Wlin, blin, Wf, bf, Wl, bl, ones26):
    n_blk = B // _TC_BLK

    def bspec(shape):
        return pl.BlockSpec(shape, lambda i: tuple(0 for _ in shape))

    in_specs = [
        pl.BlockSpec((_TC_BLK, ND), lambda i: (i, 0)),
        pl.BlockSpec((D, _TC_BLK * NS), lambda i: (0, i)),
        pl.BlockSpec((_TC_BLK, NSEQ * D), lambda i: (i, 0)),
        pl.BlockSpec((_TC_BLK, 1), lambda i: (i, 0)),
        bspec(W1d.shape), bspec(W1e_dm.shape), bspec(W1s.shape), bspec(b1.shape),
        bspec(W2.shape), bspec(b2.shape), bspec(W3.shape), bspec(b3.shape),
        bspec(W4.shape), bspec(b4.shape), bspec(Wlin.shape), bspec(blin.shape),
        bspec(Wf.shape), bspec(bf.shape), bspec(Wl.shape), bspec(bl.shape),
        bspec(ones26.shape),
    ]
    out_specs = [
        pl.BlockSpec((_TC_BLK, 1), lambda i: (i, 0)),
        pl.BlockSpec((_TC_BLK, 1), lambda i: (i, 0)),
    ]
    return pl.pallas_call(
        _tc_body,
        grid=(n_blk,),
        in_specs=in_specs,
        out_specs=out_specs,
        out_shape=[
            jax.ShapeDtypeStruct((B, 1), jnp.float32),
            jax.ShapeDtypeStruct((B, 1), jnp.float32),
        ],
    )(dense, emb3, seqp, lin, W1d, W1e_dm, W1s, b1, W2, b2, W3, b3, W4, b4,
      Wlin, blin, Wf, bf, Wl, bl, ones26)


def kernel(sparse_inputs, dense_inputs, seq_actors, seq_genres, E1, E2, Eseq,
           Wlin, blin, W1, b1, W2, b2, W3, b3, W4, b4, Wf, bf, Wl, bl):
    si = sparse_inputs.astype(jnp.int32)
    offs = jnp.arange(NS, dtype=jnp.int32) * (D * V)
    base = si + offs[None, :]
    doff = jnp.arange(D, dtype=jnp.int32) * V
    idx_all = (doff[:, None, None] + base[None, :, :]).reshape(D, B * NS)
    E2t = E2.transpose(0, 2, 1)

    offs1 = jnp.arange(NS, dtype=jnp.int32) * V
    idx_sp = (si + offs1[None, :]).reshape(NW, BPW, NS).transpose(0, 2, 1).reshape(-1)
    idx_sa = seq_actors.astype(jnp.int32).reshape(-1)
    idx_sg = seq_genres.astype(jnp.int32).reshape(-1)
    E1t = E1.transpose(0, 2, 1)

    emb3 = _sc_gather_e2(idx_all, E2t)
    seqp, lin_sum = _sc_gather_rest(idx_sp, idx_sa, idx_sg, E1t, Eseq)
    lin = lin_sum.reshape(B, 1)

    W1e_dm = W1[ND:ND + NS * D].reshape(NS, D, 200).transpose(1, 0, 2)
    ones26 = jnp.ones((NS, 1), jnp.float32)
    W1d = W1[:ND]
    W1s = W1[ND + NS * D:]

    fin, like = _tc_head(
        dense_inputs, emb3, seqp, lin, W1d, W1e_dm, W1s, b1.reshape(1, -1),
        W2, b2.reshape(1, -1), W3, b3.reshape(1, -1), W4, b4.reshape(1, -1),
        Wlin, blin.reshape(1, 1), Wf, bf.reshape(1, 1), Wl, bl.reshape(1, 1),
        ones26)
    return (fin, like)

# --- scband reference (transcript-rebuilt; emitter-appended) ---
"""Pipeline reference for scband-deep-fm-mtl-71167608095121 (READ-ONLY COPY).

The authoritative reference and input builder live on the scoring server;
editing this copy changes nothing except your own understanding.
"""

import jax, jax.numpy as jnp
import numpy as np

B = 4096
NS = 26
ND = 13
V = 100000
D = 16
L = 20
NSEQ = 2
DNN_IN = ND + NS * D + NSEQ * D


def setup_inputs(seed: int = 0) -> dict:
    key = jax.random.key(seed)
    ks = jax.random.split(key, 26)
    inp = {}
    inp['sparse_inputs'] = jax.random.randint(ks[0], (B, NS), 0, V)
    inp['dense_inputs'] = jax.random.normal(ks[1], (B, ND), dtype=jnp.float32)
    inp['seq_actors'] = jax.random.randint(ks[2], (B, L), 0, V)
    inp['seq_genres'] = jax.random.randint(ks[3], (B, L), 0, V)
    # parameters
    inp['E1'] = jax.random.normal(ks[4], (NS, V, 1), dtype=jnp.float32) * 0.01
    inp['E2'] = jax.random.normal(ks[5], (NS, V, D), dtype=jnp.float32) * 0.01
    inp['Eseq'] = jax.random.normal(ks[6], (NSEQ, V, D), dtype=jnp.float32) * 0.01
    inp['Wlin'] = jax.random.normal(ks[7], (ND, 1), dtype=jnp.float32) * 0.05
    inp['blin'] = jnp.zeros((1,), dtype=jnp.float32)
    inp['W1'] = jax.random.normal(ks[8], (DNN_IN, 200), dtype=jnp.float32) * 0.05
    inp['b1'] = jnp.zeros((200,), dtype=jnp.float32)
    inp['W2'] = jax.random.normal(ks[9], (200, 200), dtype=jnp.float32) * 0.05
    inp['b2'] = jnp.zeros((200,), dtype=jnp.float32)
    inp['W3'] = jax.random.normal(ks[10], (200, 200), dtype=jnp.float32) * 0.05
    inp['b3'] = jnp.zeros((200,), dtype=jnp.float32)
    inp['W4'] = jax.random.normal(ks[11], (200, 1), dtype=jnp.float32) * 0.05
    inp['b4'] = jnp.zeros((1,), dtype=jnp.float32)
    inp['Wf'] = jax.random.normal(ks[12], (1, 1), dtype=jnp.float32) * 0.5
    inp['bf'] = jnp.zeros((1,), dtype=jnp.float32)
    inp['Wl'] = jax.random.normal(ks[13], (1, 1), dtype=jnp.float32) * 0.5
    inp['bl'] = jnp.zeros((1,), dtype=jnp.float32)
    return inp


def reference(sparse_inputs, dense_inputs, seq_actors, seq_genres, E1, E2, Eseq,
              Wlin, blin, W1, b1, W2, b2, W3, b3, W4, b4, Wf, bf, Wl, bl):
    # first order
    linear_dense_out = dense_inputs @ Wlin + blin                      # [B,1]
    lin_sparse = jnp.concatenate(
        [jnp.take(E1[i], sparse_inputs[:, i], axis=0) for i in range(NS)], axis=1)  # [B,NS]
    linear_sparse_out = jnp.sum(lin_sparse, axis=1, keepdims=True)
    first_order = linear_dense_out + linear_sparse_out
    # second order sparse embeddings
    embeddings = jnp.stack(
        [jnp.take(E2[i], sparse_inputs[:, i], axis=0) for i in range(NS)], axis=1)  # [B,NS,D]
    # sequence embeddings (mean pooled)
    seq_inputs = [seq_actors, seq_genres]
    seq_embeds = []
    for i in range(NSEQ):
        se = jnp.take(Eseq[i], seq_inputs[i], axis=0)                  # [B,L,D]
        pooled = jnp.mean(se, axis=1, keepdims=True)                   # [B,1,D]
        seq_embeds.append(pooled)
    merged_sequence_embeds = jnp.concatenate(seq_embeds, axis=1)       # [B,NSEQ,D]
    combined = jnp.concatenate([embeddings, merged_sequence_embeds], axis=1)
    summed = jnp.sum(combined, axis=1)
    squared_sum = jnp.square(summed)
    squared = jnp.sum(jnp.square(embeddings), axis=1)  # NOTE: original uses sparse embeddings only here
    second_order = 0.5 * jnp.sum(squared_sum - squared, axis=1, keepdims=True)
    # dnn
    flat_emb = embeddings.reshape(-1, NS * D)
    flat_seq = merged_sequence_embeds.reshape(-1, NSEQ * D)
    dnn_input = jnp.concatenate([dense_inputs, flat_emb, flat_seq], axis=1)
    h = jax.nn.relu(dnn_input @ W1 + b1)
    h = jax.nn.relu(h @ W2 + b2)
    h = jax.nn.relu(h @ W3 + b3)
    dnn_output = h @ W4 + b4
    logits = first_order + second_order + dnn_output
    finish = jax.nn.sigmoid(logits @ Wf + bf)
    like = jax.nn.sigmoid(logits @ Wl + bl)
    return (finish, like)

if __name__ == "__main__":
    import jax
    _d = setup_inputs()
    print(jax.jit(kernel)(*tuple(_d.values())))

</pallas_src>

<mosaic_0001>
#map = affine_map<(d0, d1) -> (0)>
#map1 = affine_map<(d0, d1) -> (0, 0, 0)>
#map2 = affine_map<(d0, d1) -> (0, 0)>
module attributes {stable_mosaic.version = 14 : i64} {
  func.func @k(%arg0: i32, %arg1: i32, %arg2: memref<106496xi32, #tpu.memory_space<hbm>>, %arg3: memref<81920xi32, #tpu.memory_space<hbm>>, %arg4: memref<81920xi32, #tpu.memory_space<hbm>>, %arg5: memref<26x1x100000xf32, #tpu.memory_space<hbm>>, %arg6: memref<2x100000x16xf32, #tpu.memory_space<hbm>>, %arg7: memref<4096x32xf32, #tpu.memory_space<hbm>>, %arg8: memref<4096xf32, #tpu.memory_space<hbm>>, %arg9: memref<3328xi32, #tpu.memory_space<vmem>>, %arg10: memref<2560xi32, #tpu.memory_space<vmem>>, %arg11: memref<2560x16xf32, #tpu.memory_space<vmem>>, %arg12: memref<3328xf32, #tpu.memory_space<vmem>>, %arg13: memref<128x32xf32, #tpu.memory_space<vmem>>, %arg14: memref<128xf32, #tpu.memory_space<vmem>>, %arg15: memref<!tpu.dma_semaphore, #tpu.memory_space<semaphore_mem>>, %arg16: memref<!tpu.dma_semaphore, #tpu.memory_space<semaphore_mem>>, %arg17: memref<!tpu.dma_semaphore, #tpu.memory_space<semaphore_mem>>) attributes {dimension_semantics = [#tpu.dimension_semantics<core_parallel>, #tpu.dimension_semantics<subcore_parallel>], iteration_bounds = array<i64: 2, 16>, scalar_prefetch = 0 : i64, scratch_operands = 9 : i64, tpu.core_type = #tpu.core_type<sc_vector_subcore>, window_params = [{transform_indices = #map}, {transform_indices = #map}, {transform_indices = #map}, {transform_indices = #map1}, {transform_indices = #map1}, {transform_indices = #map2}, {transform_indices = #map}]} {
    %mul3A = arith.constant 2 : i32
    %mul3A_0 = arith.muli %arg1, %mul3A : i32
    %add3A = arith.addi %mul3A_0, %arg0 : i32
    %mul3A_1 = arith.constant 128 : i32
    %mul3A_2 = arith.muli %add3A, %mul3A_1 : i32
    %mul3A_3 = arith.constant 2560 : i32
    %mul3A_4 = arith.muli %add3A, %mul3A_3 : i32
    %mul3A_5 = arith.constant 26 : i32
    %mul3A_6 = arith.muli %mul3A_2, %mul3A_5 : i32
    "tpu.region"() ({
      %run_scoped3A = tpu.sem_alloc : memref<!tpu.dma_semaphore, #tpu.memory_space<semaphore_mem>>
      %dma_start3A_79 = tpu.memref_slice %arg2[%mul3A_6] : memref<106496xi32, #tpu.memory_space<hbm>> -> memref<3328xi32, #tpu.memory_space<hbm>>
      %dma_start3A_80 = tpu.memref_slice %arg2[%mul3A_6] : memref<106496xi32, #tpu.memory_space<hbm>> -> memref<3328xi32, #tpu.memory_space<hbm>>
      tpu.enqueue_dma source(%dma_start3A_80 : memref<3328xi32, #tpu.memory_space<hbm>>) target(%arg9 : memref<3328xi32, #tpu.memory_space<vmem>>) target_semaphore(%run_scoped3A : memref<!tpu.dma_semaphore, #tpu.memory_space<semaphore_mem>>)
      %dma_wait3A_81 = tpu.memref_slice %arg2[%mul3A_6] : memref<106496xi32, #tpu.memory_space<hbm>> -> memref<3328xi32, #tpu.memory_space<hbm>>
      %dma_wait3A_82 = tpu.memref_slice %arg2[%mul3A_6] : memref<106496xi32, #tpu.memory_space<hbm>> -> memref<3328xi32, #tpu.memory_space<hbm>>
      tpu.wait_dma2 semaphore(%run_scoped3A : memref<!tpu.dma_semaphore, #tpu.memory_space<semaphore_mem>>) src(%dma_wait3A_82 : memref<3328xi32, #tpu.memory_space<hbm>>) dst(%arg9 : memref<3328xi32, #tpu.memory_space<vmem>>)
      tpu.yield
    }) : () -> ()
    "tpu.region"() ({
      %run_scoped3A = tpu.sem_alloc : memref<!tpu.dma_semaphore, #tpu.memory_space<semaphore_mem>>
      %dma_start3A_79 = tpu.memref_slice %arg3[%mul3A_4] : memref<81920xi32, #tpu.memory_space<hbm>> -> memref<2560xi32, #tpu.memory_space<hbm>>
      %dma_start3A_80 = tpu.memref_slice %arg3[%mul3A_4] : memref<81920xi32, #tpu.memory_space<hbm>> -> memref<2560xi32, #tpu.memory_space<hbm>>
      tpu.enqueue_dma source(%dma_start3A_80 : memref<2560xi32, #tpu.memory_space<hbm>>) target(%arg10 : memref<2560xi32, #tpu.memory_space<vmem>>) target_semaphore(%run_scoped3A : memref<!tpu.dma_semaphore, #tpu.memory_space<semaphore_mem>>)
      %dma_wait3A_81 = tpu.memref_slice %arg3[%mul3A_4] : memref<81920xi32, #tpu.memory_space<hbm>> -> memref<2560xi32, #tpu.memory_space<hbm>>
      %dma_wait3A_82 = tpu.memref_slice %arg3[%mul3A_4] : memref<81920xi32, #tpu.memory_space<hbm>> -> memref<2560xi32, #tpu.memory_space<hbm>>
      tpu.wait_dma2 semaphore(%run_scoped3A : memref<!tpu.dma_semaphore, #tpu.memory_space<semaphore_mem>>) src(%dma_wait3A_82 : memref<2560xi32, #tpu.memory_space<hbm>>) dst(%arg10 : memref<2560xi32, #tpu.memory_space<vmem>>)
      tpu.yield
    }) : () -> ()
    %dma_start3A = arith.constant 0 : i32
    %dma_start3A_7 = arith.constant 0 : i32
    %dma_start3A_8 = arith.constant 0 : i32
    %dma_start3A_9 = tpu.memref_slice %arg6[%dma_start3A, %dma_start3A_7, %dma_start3A_8] : memref<2x100000x16xf32, #tpu.memory_space<hbm>> -> memref<1x100000x16xf32, #tpu.memory_space<hbm>>
    %dma_start3A_10 = tpu.memref_squeeze %dma_start3A_9 : memref<1x100000x16xf32, #tpu.memory_space<hbm>> -> memref<100000x16xf32, #tpu.memory_space<hbm>>
    %dma_start3A_11 = arith.constant 0 : i32
    %dma_start3A_12 = arith.constant 0 : i32
    %dma_start3A_13 = tpu.memref_slice %dma_start3A_10[%dma_start3A_11, %dma_start3A_12] : memref<100000x16xf32, #tpu.memory_space<hbm>> -> memref<100000x16xf32, #tpu.memory_space<hbm>>
    tpu.enqueue_indirect_dma source(%dma_start3A_13 : memref<100000x16xf32, #tpu.memory_space<hbm>>) target(%arg11 : memref<2560x16xf32, #tpu.memory_space<vmem>>) offsets(%arg10 : memref<2560xi32, #tpu.memory_space<vmem>>) semaphore(%arg16 : memref<!tpu.dma_semaphore, #tpu.memory_space<semaphore_mem>>)
    %dma_start3A_14 = arith.constant 0 : i32
    %dma_start3A_15 = arith.constant 0 : i32
    %dma_start3A_16 = arith.constant 0 : i32
    %dma_start3A_17 = arith.constant 0 : i32
    %dma_start3A_18 = tpu.memref_slice %arg5[%dma_start3A_14, %dma_start3A_16, %dma_start3A_17] : memref<26x1x100000xf32, #tpu.memory_space<hbm>> -> memref<1x1x100000xf32, #tpu.memory_space<hbm>>
    %dma_start3A_19 = tpu.memref_squeeze %dma_start3A_18 : memref<1x1x100000xf32, #tpu.memory_space<hbm>> -> memref<1x100000xf32, #tpu.memory_space<hbm>>
    %dma_start3A_20 = arith.constant 0 : i32
    %dma_start3A_21 = tpu.memref_slice %dma_start3A_19[%dma_start3A_15, %dma_start3A_20] : memref<1x100000xf32, #tpu.memory_space<hbm>> -> memref<1x100000xf32, #tpu.memory_space<hbm>>
    %dma_start3A_22 = tpu.memref_squeeze %dma_start3A_21 : memref<1x100000xf32, #tpu.memory_space<hbm>> -> memref<100000xf32, #tpu.memory_space<hbm>>
    %dma_start3A_23 = arith.constant 0 : i32
    %dma_start3A_24 = tpu.memref_slice %dma_start3A_22[%dma_start3A_23] : memref<100000xf32, #tpu.memory_space<hbm>> -> memref<100000xf32, #tpu.memory_space<hbm>>
    tpu.enqueue_indirect_dma source(%dma_start3A_24 : memref<100000xf32, #tpu.memory_space<hbm>>) target(%arg12 : memref<3328xf32, #tpu.memory_space<vmem>>) offsets(%arg9 : memref<3328xi32, #tpu.memory_space<vmem>>) semaphore(%arg15 : memref<!tpu.dma_semaphore, #tpu.memory_space<semaphore_mem>>)
    %dma_wait3A = arith.constant 0 : i32
    %dma_wait3A_25 = arith.constant 0 : i32
    %dma_wait3A_26 = arith.constant 0 : i32
    %dma_wait3A_27 = tpu.memref_slice %arg6[%dma_wait3A, %dma_wait3A_25, %dma_wait3A_26] : memref<2x100000x16xf32, #tpu.memory_space<hbm>> -> memref<1x100000x16xf32, #tpu.memory_space<hbm>>
    %dma_wait3A_28 = tpu.memref_squeeze %dma_wait3A_27 : memref<1x100000x16xf32, #tpu.memory_space<hbm>> -> memref<100000x16xf32, #tpu.memory_space<hbm>>
    %dma_wait3A_29 = arith.constant 0 : i32
    %dma_wait3A_30 = arith.constant 0 : i32
    %dma_wait3A_31 = tpu.memref_slice %dma_wait3A_28[%dma_wait3A_29, %dma_wait3A_30] : memref<100000x16xf32, #tpu.memory_space<hbm>> -> memref<100000x16xf32, #tpu.memory_space<hbm>>
    tpu.wait_indirect_dma semaphore(%arg16 : memref<!tpu.dma_semaphore, #tpu.memory_space<semaphore_mem>>) src(%dma_wait3A_31 : memref<100000x16xf32, #tpu.memory_space<hbm>>) dst(%arg11 : memref<2560x16xf32, #tpu.memory_space<vmem>>)
    %scan3A = arith.constant 0 : i32
    %scan3A_32 = arith.constant 0 : i32
    %scan3A_33 = arith.constant 128 : i32
    %scan3A_34 = arith.addi %scan3A_32, %scan3A_33 : i32
    %scan3A_35 = arith.constant 1 : i32
    %scan3A_36 = scf.for %scan3A_79 = %scan3A_32 to %scan3A_34 step %scan3A_35 iter_args(%scan3A_80 = %scan3A) -> (i32)  : i32 {
      %broadcast_in_dim3A = arith.constant 0.000000e+00 : f32
      %broadcast_in_dim3A_81 = vector.broadcast %broadcast_in_dim3A : f32 to vector<16xf32>
      %mul3A_82 = arith.constant 20 : i32
      %mul3A_83 = arith.muli %scan3A_79, %mul3A_82 : i32
      %add3A_84 = arith.constant 0 : i32
      %add3A_85 = arith.addi %mul3A_83, %add3A_84 : i32
      %get3A = arith.index_cast %add3A_85 : i32 to index
      %get3A_86 = arith.constant 0 : index
      %get3A_87 = tpu.vector_load %arg11[%get3A, %get3A_86] {strides = array<i32>} : memref<2560x16xf32, #tpu.memory_space<vmem>>, vector<1x16xf32>,
      %get3A_88 = vector.shape_cast %get3A_87 : vector<1x16xf32> to vector<16xf32>
      %add3A_89 = arith.addf %broadcast_in_dim3A_81, %get3A_88 : vector<16xf32>
      %mul3A_90 = arith.constant 20 : i32
      %mul3A_91 = arith.muli %scan3A_79, %mul3A_90 : i32
      %add3A_92 = arith.constant 1 : i32
      %add3A_93 = arith.addi %mul3A_91, %add3A_92 : i32
      %get3A_94 = arith.index_cast %add3A_93 : i32 to index
      %get3A_95 = arith.constant 0 : index
      %get3A_96 = tpu.vector_load %arg11[%get3A_94, %get3A_95] {strides = array<i32>} : memref<2560x16xf32, #tpu.memory_space<vmem>>, vector<1x16xf32>,
      %get3A_97 = vector.shape_cast %get3A_96 : vector<1x16xf32> to vector<16xf32>
      %add3A_98 = arith.addf %add3A_89, %get3A_97 : vector<16xf32>
      %mul3A_99 = arith.constant 20 : i32
      %mul3A_100 = arith.muli %scan3A_79, %mul3A_99 : i32
      %add3A_101 = arith.constant 2 : i32
      %add3A_102 = arith.addi %mul3A_100, %add3A_101 : i32
      %get3A_103 = arith.index_cast %add3A_102 : i32 to index
      %get3A_104 = arith.constant 0 : index
      %get3A_105 = tpu.vector_load %arg11[%get3A_103, %get3A_104] {strides = array<i32>} : memref<2560x16xf32, #tpu.memory_space<vmem>>, vector<1x16xf32>,
      %get3A_106 = vector.shape_cast %get3A_105 : vector<1x16xf32> to vector<16xf32>
      %add3A_107 = arith.addf %add3A_98, %get3A_106 : vector<16xf32>
      %mul3A_108 = arith.constant 20 : i32
      %mul3A_109 = arith.muli %scan3A_79, %mul3A_108 : i32
      %add3A_110 = arith.constant 3 : i32
      %add3A_111 = arith.addi %mul3A_109, %add3A_110 : i32
      %get3A_112 = arith.index_cast %add3A_111 : i32 to index
      %get3A_113 = arith.constant 0 : index
      %get3A_114 = tpu.vector_load %arg11[%get3A_112, %get3A_113] {strides = array<i32>} : memref<2560x16xf32, #tpu.memory_space<vmem>>, vector<1x16xf32>,
      %get3A_115 = vector.shape_cast %get3A_114 : vector<1x16xf32> to vector<16xf32>
      %add3A_116 = arith.addf %add3A_107, %get3A_115 : vector<16xf32>
      %mul3A_117 = arith.constant 20 : i32
      %mul3A_118 = arith.muli %scan3A_79, %mul3A_117 : i32
      %add3A_119 = arith.constant 4 : i32
      %add3A_120 = arith.addi %mul3A_118, %add3A_119 : i32
      %get3A_121 = arith.index_cast %add3A_120 : i32 to index
      %get3A_122 = arith.constant 0 : index
      %get3A_123 = tpu.vector_load %arg11[%get3A_121, %get3A_122] {strides = array<i32>} : memref<2560x16xf32, #tpu.memory_space<vmem>>, vector<1x16xf32>,
      %get3A_124 = vector.shape_cast %get3A_123 : vector<1x16xf32> to vector<16xf32>
      %add3A_125 = arith.addf %add3A_116, %get3A_124 : vector<16xf32>
      %mul3A_126 = arith.constant 20 : i32
      %mul3A_127 = arith.muli %scan3A_79, %mul3A_126 : i32
      %add3A_128 = arith.constant 5 : i32
      %add3A_129 = arith.addi %mul3A_127, %add3A_128 : i32
      %get3A_130 = arith.index_cast %add3A_129 : i32 to index
      %get3A_131 = arith.constant 0 : index
      %get3A_132 = tpu.vector_load %arg11[%get3A_130, %get3A_131] {strides = array<i32>} : memref<2560x16xf32, #tpu.memory_space<vmem>>, vector<1x16xf32>,
      %get3A_133 = vector.shape_cast %get3A_132 : vector<1x16xf32> to vector<16xf32>
      %add3A_134 = arith.addf %add3A_125, %get3A_133 : vector<16xf32>
      %mul3A_135 = arith.constant 20 : i32
      %mul3A_136 = arith.muli %scan3A_79, %mul3A_135 : i32
      %add3A_137 = arith.constant 6 : i32
      %add3A_138 = arith.addi %mul3A_136, %add3A_137 : i32
      %get3A_139 = arith.index_cast %add3A_138 : i32 to index
      %get3A_140 = arith.constant 0 : index
      %get3A_141 = tpu.vector_load %arg11[%get3A_139, %get3A_140] {strides = array<i32>} : memref<2560x16xf32, #tpu.memory_space<vmem>>, vector<1x16xf32>,
      %get3A_142 = vector.shape_cast %get3A_141 : vector<1x16xf32> to vector<16xf32>
      %add3A_143 = arith.addf %add3A_134, %get3A_142 : vector<16xf32>
      %mul3A_144 = arith.constant 20 : i32
      %mul3A_145 = arith.muli %scan3A_79, %mul3A_144 : i32
      %add3A_146 = arith.constant 7 : i32
      %add3A_147 = arith.addi %mul3A_145, %add3A_146 : i32
      %get3A_148 = arith.index_cast %add3A_147 : i32 to index
      %get3A_149 = arith.constant 0 : index
      %get3A_150 = tpu.vector_load %arg11[%get3A_148, %get3A_149] {strides = array<i32>} : memref<2560x16xf32, #tpu.memory_space<vmem>>, vector<1x16xf32>,
      %get3A_151 = vector.shape_cast %get3A_150 : vector<1x16xf32> to vector<16xf32>
      %add3A_152 = arith.addf %add3A_143, %get3A_151 : vector<16xf32>
      %mul3A_153 = arith.constant 20 : i32
      %mul3A_154 = arith.muli %scan3A_79, %mul3A_153 : i32
      %add3A_155 = arith.constant 8 : i32
      %add3A_156 = arith.addi %mul3A_154, %add3A_155 : i32
      %get3A_157 = arith.index_cast %add3A_156 : i32 to index
      %get3A_158 = arith.constant 0 : index
      %get3A_159 = tpu.vector_load %arg11[%get3A_157, %get3A_158] {strides = array<i32>} : memref<2560x16xf32, #tpu.memory_space<vmem>>, vector<1x16xf32>,
      %get3A_160 = vector.shape_cast %get3A_159 : vector<1x16xf32> to vector<16xf32>
      %add3A_161 = arith.addf %add3A_152, %get3A_160 : vector<16xf32>
      %mul3A_162 = arith.constant 20 : i32
      %mul3A_163 = arith.muli %scan3A_79, %mul3A_162 : i32
      %add3A_164 = arith.constant 9 : i32
      %add3A_165 = arith.addi %mul3A_163, %add3A_164 : i32
      %get3A_166 = arith.index_cast %add3A_165 : i32 to index
      %get3A_167 = arith.constant 0 : index
      %get3A_168 = tpu.vector_load %arg11[%get3A_166, %get3A_167] {strides = array<i32>} : memref<2560x16xf32, #tpu.memory_space<vmem>>, vector<1x16xf32>,
      %get3A_169 = vector.shape_cast %get3A_168 : vector<1x16xf32> to vector<16xf32>
      %add3A_170 = arith.addf %add3A_161, %get3A_169 : vector<16xf32>
      %mul3A_171 = arith.constant 20 : i32
      %mul3A_172 = arith.muli %scan3A_79, %mul3A_171 : i32
      %add3A_173 = arith.constant 10 : i32
      %add3A_174 = arith.addi %mul3A_172, %add3A_173 : i32
      %get3A_175 = arith.index_cast %add3A_174 : i32 to index
      %get3A_176 = arith.constant 0 : index
      %get3A_177 = tpu.vector_load %arg11[%get3A_175, %get3A_176] {strides = array<i32>} : memref<2560x16xf32, #tpu.memory_space<vmem>>, vector<1x16xf32>,
      %get3A_178 = vector.shape_cast %get3A_177 : vector<1x16xf32> to vector<16xf32>
      %add3A_179 = arith.addf %add3A_170, %get3A_178 : vector<16xf32>
      %mul3A_180 = arith.constant 20 : i32
      %mul3A_181 = arith.muli %scan3A_79, %mul3A_180 : i32
      %add3A_182 = arith.constant 11 : i32
      %add3A_183 = arith.addi %mul3A_181, %add3A_182 : i32
      %get3A_184 = arith.index_cast %add3A_183 : i32 to index
      %get3A_185 = arith.constant 0 : index
      %get3A_186 = tpu.vector_load %arg11[%get3A_184, %get3A_185] {strides = array<i32>} : memref<2560x16xf32, #tpu.memory_space<vmem>>, vector<1x16xf32>,
      %get3A_187 = vector.shape_cast %get3A_186 : vector<1x16xf32> to vector<16xf32>
      %add3A_188 = arith.addf %add3A_179, %get3A_187 : vector<16xf32>
      %mul3A_189 = arith.constant 20 : i32
      %mul3A_190 = arith.muli %scan3A_79, %mul3A_189 : i32
      %add3A_191 = arith.constant 12 : i32
      %add3A_192 = arith.addi %mul3A_190, %add3A_191 : i32
      %get3A_193 = arith.index_cast %add3A_192 : i32 to index
      %get3A_194 = arith.constant 0 : index
      %get3A_195 = tpu.vector_load %arg11[%get3A_193, %get3A_194] {strides = array<i32>} : memref<2560x16xf32, #tpu.memory_space<vmem>>, vector<1x16xf32>,
      %get3A_196 = vector.shape_cast %get3A_195 : vector<1x16xf32> to vector<16xf32>
      %add3A_197 = arith.addf %add3A_188, %get3A_196 : vector<16xf32>
      %mul3A_198 = arith.constant 20 : i32
      %mul3A_199 = arith.muli %scan3A_79, %mul3A_198 : i32
      %add3A_200 = arith.constant 13 : i32
      %add3A_201 = arith.addi %mul3A_199, %add3A_200 : i32
      %get3A_202 = arith.index_cast %add3A_201 : i32 to index
      %get3A_203 = arith.constant 0 : index
      %get3A_204 = tpu.vector_load %arg11[%get3A_202, %get3A_203] {strides = array<i32>} : memref<2560x16xf32, #tpu.memory_space<vmem>>, vector<1x16xf32>,
      %get3A_205 = vector.shape_cast %get3A_204 : vector<1x16xf32> to vector<16xf32>
      %add3A_206 = arith.addf %add3A_197, %get3A_205 : vector<16xf32>
      %mul3A_207 = arith.constant 20 : i32
      %mul3A_208 = arith.muli %scan3A_79, %mul3A_207 : i32
      %add3A_209 = arith.constant 14 : i32
      %add3A_210 = arith.addi %mul3A_208, %add3A_209 : i32
      %get3A_211 = arith.index_cast %add3A_210 : i32 to index
      %get3A_212 = arith.constant 0 : index
      %get3A_213 = tpu.vector_load %arg11[%get3A_211, %get3A_212] {strides = array<i32>} : memref<2560x16xf32, #tpu.memory_space<vmem>>, vector<1x16xf32>,
      %get3A_214 = vector.shape_cast %get3A_213 : vector<1x16xf32> to vector<16xf32>
      %add3A_215 = arith.addf %add3A_206, %get3A_214 : vector<16xf32>
      %mul3A_216 = arith.constant 20 : i32
      %mul3A_217 = arith.muli %scan3A_79, %mul3A_216 : i32
      %add3A_218 = arith.constant 15 : i32
      %add3A_219 = arith.addi %mul3A_217, %add3A_218 : i32
      %get3A_220 = arith.index_cast %add3A_219 : i32 to index
      %get3A_221 = arith.constant 0 : index
      %get3A_222 = tpu.vector_load %arg11[%get3A_220, %get3A_221] {strides = array<i32>} : memref<2560x16xf32, #tpu.memory_space<vmem>>, vector<1x16xf32>,
      %get3A_223 = vector.shape_cast %get3A_222 : vector<1x16xf32> to vector<16xf32>
      %add3A_224 = arith.addf %add3A_215, %get3A_223 : vector<16xf32>
      %mul3A_225 = arith.constant 20 : i32
      %mul3A_226 = arith.muli %scan3A_79, %mul3A_225 : i32
      %add3A_227 = arith.constant 16 : i32
      %add3A_228 = arith.addi %mul3A_226, %add3A_227 : i32
      %get3A_229 = arith.index_cast %add3A_228 : i32 to index
      %get3A_230 = arith.constant 0 : index
      %get3A_231 = tpu.vector_load %arg11[%get3A_229, %get3A_230] {strides = array<i32>} : memref<2560x16xf32, #tpu.memory_space<vmem>>, vector<1x16xf32>,
      %get3A_232 = vector.shape_cast %get3A_231 : vector<1x16xf32> to vector<16xf32>
      %add3A_233 = arith.addf %add3A_224, %get3A_232 : vector<16xf32>
      %mul3A_234 = arith.constant 20 : i32
      %mul3A_235 = arith.muli %scan3A_79, %mul3A_234 : i32
      %add3A_236 = arith.constant 17 : i32
      %add3A_237 = arith.addi %mul3A_235, %add3A_236 : i32
      %get3A_238 = arith.index_cast %add3A_237 : i32 to index
      %get3A_239 = arith.constant 0 : index
      %get3A_240 = tpu.vector_load %arg11[%get3A_238, %get3A_239] {strides = array<i32>} : memref<2560x16xf32, #tpu.memory_space<vmem>>, vector<1x16xf32>,
      %get3A_241 = vector.shape_cast %get3A_240 : vector<1x16xf32> to vector<16xf32>
      %add3A_242 = arith.addf %add3A_233, %get3A_241 : vector<16xf32>
      %mul3A_243 = arith.constant 20 : i32
      %mul3A_244 = arith.muli %scan3A_79, %mul3A_243 : i32
      %add3A_245 = arith.constant 18 : i32
      %add3A_246 = arith.addi %mul3A_244, %add3A_245 : i32
      %get3A_247 = arith.index_cast %add3A_246 : i32 to index
      %get3A_248 = arith.constant 0 : index
      %get3A_249 = tpu.vector_load %arg11[%get3A_247, %get3A_248] {strides = array<i32>} : memref<2560x16xf32, #tpu.memory_space<vmem>>, vector<1x16xf32>,
      %get3A_250 = vector.shape_cast %get3A_249 : vector<1x16xf32> to vector<16xf32>
      %add3A_251 = arith.addf %add3A_242, %get3A_250 : vector<16xf32>
      %mul3A_252 = arith.constant 20 : i32
      %mul3A_253 = arith.muli %scan3A_79, %mul3A_252 : i32
      %add3A_254 = arith.constant 19 : i32
      %add3A_255 = arith.addi %mul3A_253, %add3A_254 : i32
      %get3A_256 = arith.index_cast %add3A_255 : i32 to index
      %get3A_257 = arith.constant 0 : index
      %get3A_258 = tpu.vector_load %arg11[%get3A_256, %get3A_257] {strides = array<i32>} : memref<2560x16xf32, #tpu.memory_space<vmem>>, vector<1x16xf32>,
      %get3A_259 = vector.shape_cast %get3A_258 : vector<1x16xf32> to vector<16xf32>
      %add3A_260 = arith.addf %add3A_251, %get3A_259 : vector<16xf32>
      %mul3A_261 = arith.constant 5.000000e-02 : f32
      %mul3A_262 = vector.broadcast %mul3A_261 : f32 to vector<16xf32>
      %mul3A_263 = arith.mulf %add3A_260, %mul3A_262 : vector<16xf32>
      %swap3A = arith.index_cast %scan3A_79 : i32 to index
      %swap3A_264 = arith.constant 0 : index
      %swap3A_265 = tpu.vector_load %arg13[%swap3A, %swap3A_264] {strides = array<i32>} : memref<128x32xf32, #tpu.memory_space<vmem>>, vector<1x16xf32>,
      %swap3A_266 = vector.shape_cast %swap3A_265 : vector<1x16xf32> to vector<16xf32>
      %swap3A_267 = vector.shape_cast %mul3A_263 : vector<16xf32> to vector<1x16xf32>
      tpu.vector_store %arg13[%swap3A, %swap3A_264], %swap3A_267 {strides = array<i32>} : memref<128x32xf32, #tpu.memory_space<vmem>>, vector<1x16xf32>,
      %scan3A_268 = arith.constant 0 : i32
      scf.yield %scan3A_268 : i32
    }
    %scan3A_37 = arith.constant 128 : i32
    "tpu.region"() ({
      %run_scoped3A = tpu.sem_alloc : memref<!tpu.dma_semaphore, #tpu.memory_space<semaphore_mem>>
      %dma_start3A_79 = tpu.memref_slice %arg4[%mul3A_4] : memref<81920xi32, #tpu.memory_space<hbm>> -> memref<2560xi32, #tpu.memory_space<hbm>>
      %dma_start3A_80 = tpu.memref_slice %arg4[%mul3A_4] : memref<81920xi32, #tpu.memory_space<hbm>> -> memref<2560xi32, #tpu.memory_space<hbm>>
      tpu.enqueue_dma source(%dma_start3A_80 : memref<2560xi32, #tpu.memory_space<hbm>>) target(%arg10 : memref<2560xi32, #tpu.memory_space<vmem>>) target_semaphore(%run_scoped3A : memref<!tpu.dma_semaphore, #tpu.memory_space<semaphore_mem>>)
      %dma_wait3A_81 = tpu.memref_slice %arg4[%mul3A_4] : memref<81920xi32, #tpu.memory_space<hbm>> -> memref<2560xi32, #tpu.memory_space<hbm>>
      %dma_wait3A_82 = tpu.memref_slice %arg4[%mul3A_4] : memref<81920xi32, #tpu.memory_space<hbm>> -> memref<2560xi32, #tpu.memory_space<hbm>>
      tpu.wait_dma2 semaphore(%run_scoped3A : memref<!tpu.dma_semaphore, #tpu.memory_space<semaphore_mem>>) src(%dma_wait3A_82 : memref<2560xi32, #tpu.memory_space<hbm>>) dst(%arg10 : memref<2560xi32, #tpu.memory_space<vmem>>)
      tpu.yield
    }) : () -> ()
    %dma_start3A_38 = arith.constant 1 : i32
    %dma_start3A_39 = arith.constant 0 : i32
    %dma_start3A_40 = arith.constant 0 : i32
    %dma_start3A_41 = tpu.memref_slice %arg6[%dma_start3A_38, %dma_start3A_39, %dma_start3A_40] : memref<2x100000x16xf32, #tpu.memory_space<hbm>> -> memref<1x100000x16xf32, #tpu.memory_space<hbm>>
    %dma_start3A_42 = tpu.memref_squeeze %dma_start3A_41 : memref<1x100000x16xf32, #tpu.memory_space<hbm>> -> memref<100000x16xf32, #tpu.memory_space<hbm>>
    %dma_start3A_43 = arith.constant 0 : i32
    %dma_start3A_44 = arith.constant 0 : i32
    %dma_start3A_45 = tpu.memref_slice %dma_start3A_42[%dma_start3A_43, %dma_start3A_44] : memref<100000x16xf32, #tpu.memory_space<hbm>> -> memref<100000x16xf32, #tpu.memory_space<hbm>>
    tpu.enqueue_indirect_dma source(%dma_start3A_45 : memref<100000x16xf32, #tpu.memory_space<hbm>>) target(%arg11 : memref<2560x16xf32, #tpu.memory_space<vmem>>) offsets(%arg10 : memref<2560xi32, #tpu.memory_space<vmem>>) semaphore(%arg17 : memref<!tpu.dma_semaphore, #tpu.memory_space<semaphore_mem>>)
    %dma_wait3A_46 = arith.constant 0 : i32
    %dma_wait3A_47 = arith.constant 0 : i32
    %dma_wait3A_48 = arith.constant 0 : i32
    %dma_wait3A_49 = arith.constant 0 : i32
    %dma_wait3A_50 = tpu.memref_slice %arg5[%dma_wait3A_46, %dma_wait3A_48, %dma_wait3A_49] : memref<26x1x100000xf32, #tpu.memory_space<hbm>> -> memref<1x1x100000xf32, #tpu.memory_space<hbm>>
    %dma_wait3A_51 = tpu.memref_squeeze %dma_wait3A_50 : memref<1x1x100000xf32, #tpu.memory_space<hbm>> -> memref<1x100000xf32, #tpu.memory_space<hbm>>
    %dma_wait3A_52 = arith.constant 0 : i32
    %dma_wait3A_53 = tpu.memref_slice %dma_wait3A_51[%dma_wait3A_47, %dma_wait3A_52] : memref<1x100000xf32, #tpu.memory_space<hbm>> -> memref<1x100000xf32, #tpu.memory_space<hbm>>
    %dma_wait3A_54 = tpu.memref_squeeze %dma_wait3A_53 : memref<1x100000xf32, #tpu.memory_space<hbm>> -> memref<100000xf32, #tpu.memory_space<hbm>>
    %dma_wait3A_55 = arith.constant 0 : i32
    %dma_wait3A_56 = tpu.memref_slice %dma_wait3A_54[%dma_wait3A_55] : memref<100000xf32, #tpu.memory_space<hbm>> -> memref<100000xf32, #tpu.memory_space<hbm>>
    tpu.wait_indirect_dma semaphore(%arg15 : memref<!tpu.dma_semaphore, #tpu.memory_space<semaphore_mem>>) src(%dma_wait3A_56 : memref<100000xf32, #tpu.memory_space<hbm>>) dst(%arg12 : memref<3328xf32, #tpu.memory_space<vmem>>)
    %scan3A_57 = arith.constant 0 : i32
    %scan3A_58 = arith.constant 0 : i32
    %scan3A_59 = arith.constant 8 : i32
    %scan3A_60 = arith.addi %scan3A_58, %scan3A_59 : i32
    %scan3A_61 = arith.constant 1 : i32
    %scan3A_62 = scf.for %scan3A_79 = %scan3A_58 to %scan3A_60 step %scan3A_61 iter_args(%scan3A_80 = %scan3A_57) -> (i32)  : i32 {
      %broadcast_in_dim3A = arith.constant 0.000000e+00 : f32
      %broadcast_in_dim3A_81 = vector.broadcast %broadcast_in_dim3A : f32 to vector<16xf32>
      %mul3A_82 = arith.constant 16 : i32
      %mul3A_83 = arith.muli %scan3A_79, %mul3A_82 : i32
      %add3A_84 = arith.constant 0 : i32
      %add3A_85 = arith.addi %add3A_84, %mul3A_83 : i32
      %get3A = arith.index_cast %add3A_85 : i32 to index
      %get3A_86 = tpu.vector_load %arg12[%get3A] {strides = array<i32>} : memref<3328xf32, #tpu.memory_space<vmem>>, vector<16xf32>,
      %get3A_87 = vector.shape_cast %get3A_86 : vector<16xf32> to vector<16xf32>
      %add3A_88 = arith.addf %broadcast_in_dim3A_81, %get3A_87 : vector<16xf32>
      %mul3A_89 = arith.constant 16 : i32
      %mul3A_90 = arith.muli %scan3A_79, %mul3A_89 : i32
      %add3A_91 = arith.constant 128 : i32
      %add3A_92 = arith.addi %add3A_91, %mul3A_90 : i32
      %get3A_93 = arith.index_cast %add3A_92 : i32 to index
      %get3A_94 = tpu.vector_load %arg12[%get3A_93] {strides = array<i32>} : memref<3328xf32, #tpu.memory_space<vmem>>, vector<16xf32>,
      %get3A_95 = vector.shape_cast %get3A_94 : vector<16xf32> to vector<16xf32>
      %add3A_96 = arith.addf %add3A_88, %get3A_95 : vector<16xf32>
      %mul3A_97 = arith.constant 16 : i32
      %mul3A_98 = arith.muli %scan3A_79, %mul3A_97 : i32
      %add3A_99 = arith.constant 256 : i32
      %add3A_100 = arith.addi %add3A_99, %mul3A_98 : i32
      %get3A_101 = arith.index_cast %add3A_100 : i32 to index
      %get3A_102 = tpu.vector_load %arg12[%get3A_101] {strides = array<i32>} : memref<3328xf32, #tpu.memory_space<vmem>>, vector<16xf32>,
      %get3A_103 = vector.shape_cast %get3A_102 : vector<16xf32> to vector<16xf32>
      %add3A_104 = arith.addf %add3A_96, %get3A_103 : vector<16xf32>
      %mul3A_105 = arith.constant 16 : i32
      %mul3A_106 = arith.muli %scan3A_79, %mul3A_105 : i32
      %add3A_107 = arith.constant 384 : i32
      %add3A_108 = arith.addi %add3A_107, %mul3A_106 : i32
      %get3A_109 = arith.index_cast %add3A_108 : i32 to index
      %get3A_110 = tpu.vector_load %arg12[%get3A_109] {strides = array<i32>} : memref<3328xf32, #tpu.memory_space<vmem>>, vector<16xf32>,
      %get3A_111 = vector.shape_cast %get3A_110 : vector<16xf32> to vector<16xf32>
      %add3A_112 = arith.addf %add3A_104, %get3A_111 : vector<16xf32>
      %mul3A_113 = arith.constant 16 : i32
      %mul3A_114 = arith.muli %scan3A_79, %mul3A_113 : i32
      %add3A_115 = arith.constant 512 : i32
      %add3A_116 = arith.addi %add3A_115, %mul3A_114 : i32
      %get3A_117 = arith.index_cast %add3A_116 : i32 to index
      %get3A_118 = tpu.vector_load %arg12[%get3A_117] {strides = array<i32>} : memref<3328xf32, #tpu.memory_space<vmem>>, vector<16xf32>,
      %get3A_119 = vector.shape_cast %get3A_118 : vector<16xf32> to vector<16xf32>
      %add3A_120 = arith.addf %add3A_112, %get3A_119 : vector<16xf32>
      %mul3A_121 = arith.constant 16 : i32
      %mul3A_122 = arith.muli %scan3A_79, %mul3A_121 : i32
      %add3A_123 = arith.constant 640 : i32
      %add3A_124 = arith.addi %add3A_123, %mul3A_122 : i32
      %get3A_125 = arith.index_cast %add3A_124 : i32 to index
      %get3A_126 = tpu.vector_load %arg12[%get3A_125] {strides = array<i32>} : memref<3328xf32, #tpu.memory_space<vmem>>, vector<16xf32>,
      %get3A_127 = vector.shape_cast %get3A_126 : vector<16xf32> to vector<16xf32>
      %add3A_128 = arith.addf %add3A_120, %get3A_127 : vector<16xf32>
      %mul3A_129 = arith.constant 16 : i32
      %mul3A_130 = arith.muli %scan3A_79, %mul3A_129 : i32
      %add3A_131 = arith.constant 768 : i32
      %add3A_132 = arith.addi %add3A_131, %mul3A_130 : i32
      %get3A_133 = arith.index_cast %add3A_132 : i32 to index
      %get3A_134 = tpu.vector_load %arg12[%get3A_133] {strides = array<i32>} : memref<3328xf32, #tpu.memory_space<vmem>>, vector<16xf32>,
      %get3A_135 = vector.shape_cast %get3A_134 : vector<16xf32> to vector<16xf32>
      %add3A_136 = arith.addf %add3A_128, %get3A_135 : vector<16xf32>
      %mul3A_137 = arith.constant 16 : i32
      %mul3A_138 = arith.muli %scan3A_79, %mul3A_137 : i32
      %add3A_139 = arith.constant 896 : i32
      %add3A_140 = arith.addi %add3A_139, %mul3A_138 : i32
      %get3A_141 = arith.index_cast %add3A_140 : i32 to index
      %get3A_142 = tpu.vector_load %arg12[%get3A_141] {strides = array<i32>} : memref<3328xf32, #tpu.memory_space<vmem>>, vector<16xf32>,
      %get3A_143 = vector.shape_cast %get3A_142 : vector<16xf32> to vector<16xf32>
      %add3A_144 = arith.addf %add3A_136, %get3A_143 : vector<16xf32>
      %mul3A_145 = arith.constant 16 : i32
      %mul3A_146 = arith.muli %scan3A_79, %mul3A_145 : i32
      %add3A_147 = arith.constant 1024 : i32
      %add3A_148 = arith.addi %add3A_147, %mul3A_146 : i32
      %get3A_149 = arith.index_cast %add3A_148 : i32 to index
      %get3A_150 = tpu.vector_load %arg12[%get3A_149] {strides = array<i32>} : memref<3328xf32, #tpu.memory_space<vmem>>, vector<16xf32>,
      %get3A_151 = vector.shape_cast %get3A_150 : vector<16xf32> to vector<16xf32>
      %add3A_152 = arith.addf %add3A_144, %get3A_151 : vector<16xf32>
      %mul3A_153 = arith.constant 16 : i32
      %mul3A_154 = arith.muli %scan3A_79, %mul3A_153 : i32
      %add3A_155 = arith.constant 1152 : i32
      %add3A_156 = arith.addi %add3A_155, %mul3A_154 : i32
      %get3A_157 = arith.index_cast %add3A_156 : i32 to index
      %get3A_158 = tpu.vector_load %arg12[%get3A_157] {strides = array<i32>} : memref<3328xf32, #tpu.memory_space<vmem>>, vector<16xf32>,
      %get3A_159 = vector.shape_cast %get3A_158 : vector<16xf32> to vector<16xf32>
      %add3A_160 = arith.addf %add3A_152, %get3A_159 : vector<16xf32>
      %mul3A_161 = arith.constant 16 : i32
      %mul3A_162 = arith.muli %scan3A_79, %mul3A_161 : i32
      %add3A_163 = arith.constant 1280 : i32
      %add3A_164 = arith.addi %add3A_163, %mul3A_162 : i32
      %get3A_165 = arith.index_cast %add3A_164 : i32 to index
      %get3A_166 = tpu.vector_load %arg12[%get3A_165] {strides = array<i32>} : memref<3328xf32, #tpu.memory_space<vmem>>, vector<16xf32>,
      %get3A_167 = vector.shape_cast %get3A_166 : vector<16xf32> to vector<16xf32>
      %add3A_168 = arith.addf %add3A_160, %get3A_167 : vector<16xf32>
      %mul3A_169 = arith.constant 16 : i32
      %mul3A_170 = arith.muli %scan3A_79, %mul3A_169 : i32
      %add3A_171 = arith.constant 1408 : i32
      %add3A_172 = arith.addi %add3A_171, %mul3A_170 : i32
      %get3A_173 = arith.index_cast %add3A_172 : i32 to index
      %get3A_174 = tpu.vector_load %arg12[%get3A_173] {strides = array<i32>} : memref<3328xf32, #tpu.memory_space<vmem>>, vector<16xf32>,
      %get3A_175 = vector.shape_cast %get3A_174 : vector<16xf32> to vector<16xf32>
      %add3A_176 = arith.addf %add3A_168, %get3A_175 : vector<16xf32>
      %mul3A_177 = arith.constant 16 : i32
      %mul3A_178 = arith.muli %scan3A_79, %mul3A_177 : i32
      %add3A_179 = arith.constant 1536 : i32
      %add3A_180 = arith.addi %add3A_179, %mul3A_178 : i32
      %get3A_181 = arith.index_cast %add3A_180 : i32 to index
      %get3A_182 = tpu.vector_load %arg12[%get3A_181] {strides = array<i32>} : memref<3328xf32, #tpu.memory_space<vmem>>, vector<16xf32>,
      %get3A_183 = vector.shape_cast %get3A_182 : vector<16xf32> to vector<16xf32>
      %add3A_184 = arith.addf %add3A_176, %get3A_183 : vector<16xf32>
      %mul3A_185 = arith.constant 16 : i32
      %mul3A_186 = arith.muli %scan3A_79, %mul3A_185 : i32
      %add3A_187 = arith.constant 1664 : i32
      %add3A_188 = arith.addi %add3A_187, %mul3A_186 : i32
      %get3A_189 = arith.index_cast %add3A_188 : i32 to index
      %get3A_190 = tpu.vector_load %arg12[%get3A_189] {strides = array<i32>} : memref<3328xf32, #tpu.memory_space<vmem>>, vector<16xf32>,
      %get3A_191 = vector.shape_cast %get3A_190 : vector<16xf32> to vector<16xf32>
      %add3A_192 = arith.addf %add3A_184, %get3A_191 : vector<16xf32>
      %mul3A_193 = arith.constant 16 : i32
      %mul3A_194 = arith.muli %scan3A_79, %mul3A_193 : i32
      %add3A_195 = arith.constant 1792 : i32
      %add3A_196 = arith.addi %add3A_195, %mul3A_194 : i32
      %get3A_197 = arith.index_cast %add3A_196 : i32 to index
      %get3A_198 = tpu.vector_load %arg12[%get3A_197] {strides = array<i32>} : memref<3328xf32, #tpu.memory_space<vmem>>, vector<16xf32>,
      %get3A_199 = vector.shape_cast %get3A_198 : vector<16xf32> to vector<16xf32>
      %add3A_200 = arith.addf %add3A_192, %get3A_199 : vector<16xf32>
      %mul3A_201 = arith.constant 16 : i32
      %mul3A_202 = arith.muli %scan3A_79, %mul3A_201 : i32
      %add3A_203 = arith.constant 1920 : i32
      %add3A_204 = arith.addi %add3A_203, %mul3A_202 : i32
      %get3A_205 = arith.index_cast %add3A_204 : i32 to index
      %get3A_206 = tpu.vector_load %arg12[%get3A_205] {strides = array<i32>} : memref<3328xf32, #tpu.memory_space<vmem>>, vector<16xf32>,
      %get3A_207 = vector.shape_cast %get3A_206 : vector<16xf32> to vector<16xf32>
      %add3A_208 = arith.addf %add3A_200, %get3A_207 : vector<16xf32>
      %mul3A_209 = arith.constant 16 : i32
      %mul3A_210 = arith.muli %scan3A_79, %mul3A_209 : i32
      %add3A_211 = arith.constant 2048 : i32
      %add3A_212 = arith.addi %add3A_211, %mul3A_210 : i32
      %get3A_213 = arith.index_cast %add3A_212 : i32 to index
      %get3A_214 = tpu.vector_load %arg12[%get3A_213] {strides = array<i32>} : memref<3328xf32, #tpu.memory_space<vmem>>, vector<16xf32>,
      %get3A_215 = vector.shape_cast %get3A_214 : vector<16xf32> to vector<16xf32>
      %add3A_216 = arith.addf %add3A_208, %get3A_215 : vector<16xf32>
      %mul3A_217 = arith.constant 16 : i32
      %mul3A_218 = arith.muli %scan3A_79, %mul3A_217 : i32
      %add3A_219 = arith.constant 2176 : i32
      %add3A_220 = arith.addi %add3A_219, %mul3A_218 : i32
      %get3A_221 = arith.index_cast %add3A_220 : i32 to index
      %get3A_222 = tpu.vector_load %arg12[%get3A_221] {strides = array<i32>} : memref<3328xf32, #tpu.memory_space<vmem>>, vector<16xf32>,
      %get3A_223 = vector.shape_cast %get3A_222 : vector<16xf32> to vector<16xf32>
      %add3A_224 = arith.addf %add3A_216, %get3A_223 : vector<16xf32>
      %mul3A_225 = arith.constant 16 : i32
      %mul3A_226 = arith.muli %scan3A_79, %mul3A_225 : i32
      %add3A_227 = arith.constant 2304 : i32
      %add3A_228 = arith.addi %add3A_227, %mul3A_226 : i32
      %get3A_229 = arith.index_cast %add3A_228 : i32 to index
      %get3A_230 = tpu.vector_load %arg12[%get3A_229] {strides = array<i32>} : memref<3328xf32, #tpu.memory_space<vmem>>, vector<16xf32>,
      %get3A_231 = vector.shape_cast %get3A_230 : vector<16xf32> to vector<16xf32>
      %add3A_232 = arith.addf %add3A_224, %get3A_231 : vector<16xf32>
      %mul3A_233 = arith.constant 16 : i32
      %mul3A_234 = arith.muli %scan3A_79, %mul3A_233 : i32
      %add3A_235 = arith.constant 2432 : i32
      %add3A_236 = arith.addi %add3A_235, %mul3A_234 : i32
      %get3A_237 = arith.index_cast %add3A_236 : i32 to index
      %get3A_238 = tpu.vector_load %arg12[%get3A_237] {strides = array<i32>} : memref<3328xf32, #tpu.memory_space<vmem>>, vector<16xf32>,
      %get3A_239 = vector.shape_cast %get3A_238 : vector<16xf32> to vector<16xf32>
      %add3A_240 = arith.addf %add3A_232, %get3A_239 : vector<16xf32>
      %mul3A_241 = arith.constant 16 : i32
      %mul3A_242 = arith.muli %scan3A_79, %mul3A_241 : i32
      %add3A_243 = arith.constant 2560 : i32
      %add3A_244 = arith.addi %add3A_243, %mul3A_242 : i32
      %get3A_245 = arith.index_cast %add3A_244 : i32 to index
      %get3A_246 = tpu.vector_load %arg12[%get3A_245] {strides = array<i32>} : memref<3328xf32, #tpu.memory_space<vmem>>, vector<16xf32>,
      %get3A_247 = vector.shape_cast %get3A_246 : vector<16xf32> to vector<16xf32>
      %add3A_248 = arith.addf %add3A_240, %get3A_247 : vector<16xf32>
      %mul3A_249 = arith.constant 16 : i32
      %mul3A_250 = arith.muli %scan3A_79, %mul3A_249 : i32
      %add3A_251 = arith.constant 2688 : i32
      %add3A_252 = arith.addi %add3A_251, %mul3A_250 : i32
      %get3A_253 = arith.index_cast %add3A_252 : i32 to index
      %get3A_254 = tpu.vector_load %arg12[%get3A_253] {strides = array<i32>} : memref<3328xf32, #tpu.memory_space<vmem>>, vector<16xf32>,
      %get3A_255 = vector.shape_cast %get3A_254 : vector<16xf32> to vector<16xf32>
      %add3A_256 = arith.addf %add3A_248, %get3A_255 : vector<16xf32>
      %mul3A_257 = arith.constant 16 : i32
      %mul3A_258 = arith.muli %scan3A_79, %mul3A_257 : i32
      %add3A_259 = arith.constant 2816 : i32
      %add3A_260 = arith.addi %add3A_259, %mul3A_258 : i32
      %get3A_261 = arith.index_cast %add3A_260 : i32 to index
      %get3A_262 = tpu.vector_load %arg12[%get3A_261] {strides = array<i32>} : memref<3328xf32, #tpu.memory_space<vmem>>, vector<16xf32>,
      %get3A_263 = vector.shape_cast %get3A_262 : vector<16xf32> to vector<16xf32>
      %add3A_264 = arith.addf %add3A_256, %get3A_263 : vector<16xf32>
      %mul3A_265 = arith.constant 16 : i32
      %mul3A_266 = arith.muli %scan3A_79, %mul3A_265 : i32
      %add3A_267 = arith.constant 2944 : i32
      %add3A_268 = arith.addi %add3A_267, %mul3A_266 : i32
      %get3A_269 = arith.index_cast %add3A_268 : i32 to index
      %get3A_270 = tpu.vector_load %arg12[%get3A_269] {strides = array<i32>} : memref<3328xf32, #tpu.memory_space<vmem>>, vector<16xf32>,
      %get3A_271 = vector.shape_cast %get3A_270 : vector<16xf32> to vector<16xf32>
      %add3A_272 = arith.addf %add3A_264, %get3A_271 : vector<16xf32>
      %mul3A_273 = arith.constant 16 : i32
      %mul3A_274 = arith.muli %scan3A_79, %mul3A_273 : i32
      %add3A_275 = arith.constant 3072 : i32
      %add3A_276 = arith.addi %add3A_275, %mul3A_274 : i32
      %get3A_277 = arith.index_cast %add3A_276 : i32 to index
      %get3A_278 = tpu.vector_load %arg12[%get3A_277] {strides = array<i32>} : memref<3328xf32, #tpu.memory_space<vmem>>, vector<16xf32>,
      %get3A_279 = vector.shape_cast %get3A_278 : vector<16xf32> to vector<16xf32>
      %add3A_280 = arith.addf %add3A_272, %get3A_279 : vector<16xf32>
      %mul3A_281 = arith.constant 16 : i32
      %mul3A_282 = arith.muli %scan3A_79, %mul3A_281 : i32
      %add3A_283 = arith.constant 3200 : i32
      %add3A_284 = arith.addi %add3A_283, %mul3A_282 : i32
      %get3A_285 = arith.index_cast %add3A_284 : i32 to index
      %get3A_286 = tpu.vector_load %arg12[%get3A_285] {strides = array<i32>} : memref<3328xf32, #tpu.memory_space<vmem>>, vector<16xf32>,
      %get3A_287 = vector.shape_cast %get3A_286 : vector<16xf32> to vector<16xf32>
      %add3A_288 = arith.addf %add3A_280, %get3A_287 : vector<16xf32>
      %mul3A_289 = arith.constant 16 : i32
      %mul3A_290 = arith.muli %scan3A_79, %mul3A_289 : i32
      %swap3A = arith.index_cast %mul3A_290 : i32 to index
      %swap3A_291 = tpu.vector_load %arg14[%swap3A] {strides = array<i32>} : memref<128xf32, #tpu.memory_space<vmem>>, vector<16xf32>,
      %swap3A_292 = vector.shape_cast %swap3A_291 : vector<16xf32> to vector<16xf32>
      %swap3A_293 = vector.shape_cast %add3A_288 : vector<16xf32> to vector<16xf32>
      tpu.vector_store %arg14[%swap3A], %swap3A_293 {strides = array<i32>} : memref<128xf32, #tpu.memory_space<vmem>>, vector<16xf32>,
      %scan3A_294 = arith.constant 0 : i32
      scf.yield %scan3A_294 : i32
    }
    %scan3A_63 = arith.constant 8 : i32
    "tpu.region"() ({
      %run_scoped3A = tpu.sem_alloc : memref<!tpu.dma_semaphore, #tpu.memory_space<semaphore_mem>>
      %dma_start3A_79 = tpu.memref_slice %arg8[%mul3A_2] : memref<4096xf32, #tpu.memory_space<hbm>> -> memref<128xf32, #tpu.memory_space<hbm>>
      %dma_start3A_80 = tpu.memref_slice %arg8[%mul3A_2] : memref<4096xf32, #tpu.memory_space<hbm>> -> memref<128xf32, #tpu.memory_space<hbm>>
      tpu.enqueue_dma source(%arg14 : memref<128xf32, #tpu.memory_space<vmem>>) target(%dma_start3A_80 : memref<128xf32, #tpu.memory_space<hbm>>) target_semaphore(%run_scoped3A : memref<!tpu.dma_semaphore, #tpu.memory_space<semaphore_mem>>)
      %dma_wait3A_81 = tpu.memref_slice %arg8[%mul3A_2] : memref<4096xf32, #tpu.memory_space<hbm>> -> memref<128xf32, #tpu.memory_space<hbm>>
      %dma_wait3A_82 = tpu.memref_slice %arg8[%mul3A_2] : memref<4096xf32, #tpu.memory_space<hbm>> -> memref<128xf32, #tpu.memory_space<hbm>>
      tpu.wait_dma2 semaphore(%run_scoped3A : memref<!tpu.dma_semaphore, #tpu.memory_space<semaphore_mem>>) src(%arg14 : memref<128xf32, #tpu.memory_space<vmem>>) dst(%dma_wait3A_82 : memref<128xf32, #tpu.memory_space<hbm>>)
      tpu.yield
    }) : () -> ()
    %dma_wait3A_64 = arith.constant 1 : i32
    %dma_wait3A_65 = arith.constant 0 : i32
    %dma_wait3A_66 = arith.constant 0 : i32
    %dma_wait3A_67 = tpu.memref_slice %arg6[%dma_wait3A_64, %dma_wait3A_65, %dma_wait3A_66] : memref<2x100000x16xf32, #tpu.memory_space<hbm>> -> memref<1x100000x16xf32, #tpu.memory_space<hbm>>
    %dma_wait3A_68 = tpu.memref_squeeze %dma_wait3A_67 : memref<1x100000x16xf32, #tpu.memory_space<hbm>> -> memref<100000x16xf32, #tpu.memory_space<hbm>>
    %dma_wait3A_69 = arith.constant 0 : i32
    %dma_wait3A_70 = arith.constant 0 : i32
    %dma_wait3A_71 = tpu.memref_slice %dma_wait3A_68[%dma_wait3A_69, %dma_wait3A_70] : memref<100000x16xf32, #tpu.memory_space<hbm>> -> memref<100000x16xf32, #tpu.memory_space<hbm>>
    tpu.wait_indirect_dma semaphore(%arg17 : memref<!tpu.dma_semaphore, #tpu.memory_space<semaphore_mem>>) src(%dma_wait3A_71 : memref<100000x16xf32, #tpu.memory_space<hbm>>) dst(%arg11 : memref<2560x16xf32, #tpu.memory_space<vmem>>)
    %scan3A_72 = arith.constant 0 : i32
    %scan3A_73 = arith.constant 0 : i32
    %scan3A_74 = arith.constant 128 : i32
    %scan3A_75 = arith.addi %scan3A_73, %scan3A_74 : i32
    %scan3A_76 = arith.constant 1 : i32
    %scan3A_77 = scf.for %scan3A_79 = %scan3A_73 to %scan3A_75 step %scan3A_76 iter_args(%scan3A_80 = %scan3A_72) -> (i32)  : i32 {
      %broadcast_in_dim3A = arith.constant 0.000000e+00 : f32
      %broadcast_in_dim3A_81 = vector.broadcast %broadcast_in_dim3A : f32 to vector<16xf32>
      %mul3A_82 = arith.constant 20 : i32
      %mul3A_83 = arith.muli %scan3A_79, %mul3A_82 : i32
      %add3A_84 = arith.constant 0 : i32
      %add3A_85 = arith.addi %mul3A_83, %add3A_84 : i32
      %get3A = arith.index_cast %add3A_85 : i32 to index
      %get3A_86 = arith.constant 0 : index
      %get3A_87 = tpu.vector_load %arg11[%get3A, %get3A_86] {strides = array<i32>} : memref<2560x16xf32, #tpu.memory_space<vmem>>, vector<1x16xf32>,
      %get3A_88 = vector.shape_cast %get3A_87 : vector<1x16xf32> to vector<16xf32>
      %add3A_89 = arith.addf %broadcast_in_dim3A_81, %get3A_88 : vector<16xf32>
      %mul3A_90 = arith.constant 20 : i32
      %mul3A_91 = arith.muli %scan3A_79, %mul3A_90 : i32
      %add3A_92 = arith.constant 1 : i32
      %add3A_93 = arith.addi %mul3A_91, %add3A_92 : i32
      %get3A_94 = arith.index_cast %add3A_93 : i32 to index
      %get3A_95 = arith.constant 0 : index
      %get3A_96 = tpu.vector_load %arg11[%get3A_94, %get3A_95] {strides = array<i32>} : memref<2560x16xf32, #tpu.memory_space<vmem>>, vector<1x16xf32>,
      %get3A_97 = vector.shape_cast %get3A_96 : vector<1x16xf32> to vector<16xf32>
      %add3A_98 = arith.addf %add3A_89, %get3A_97 : vector<16xf32>
      %mul3A_99 = arith.constant 20 : i32
      %mul3A_100 = arith.muli %scan3A_79, %mul3A_99 : i32
      %add3A_101 = arith.constant 2 : i32
      %add3A_102 = arith.addi %mul3A_100, %add3A_101 : i32
      %get3A_103 = arith.index_cast %add3A_102 : i32 to index
      %get3A_104 = arith.constant 0 : index
      %get3A_105 = tpu.vector_load %arg11[%get3A_103, %get3A_104] {strides = array<i32>} : memref<2560x16xf32, #tpu.memory_space<vmem>>, vector<1x16xf32>,
      %get3A_106 = vector.shape_cast %get3A_105 : vector<1x16xf32> to vector<16xf32>
      %add3A_107 = arith.addf %add3A_98, %get3A_106 : vector<16xf32>
      %mul3A_108 = arith.constant 20 : i32
      %mul3A_109 = arith.muli %scan3A_79, %mul3A_108 : i32
      %add3A_110 = arith.constant 3 : i32
      %add3A_111 = arith.addi %mul3A_109, %add3A_110 : i32
      %get3A_112 = arith.index_cast %add3A_111 : i32 to index
      %get3A_113 = arith.constant 0 : index
      %get3A_114 = tpu.vector_load %arg11[%get3A_112, %get3A_113] {strides = array<i32>} : memref<2560x16xf32, #tpu.memory_space<vmem>>, vector<1x16xf32>,
      %get3A_115 = vector.shape_cast %get3A_114 : vector<1x16xf32> to vector<16xf32>
      %add3A_116 = arith.addf %add3A_107, %get3A_115 : vector<16xf32>
      %mul3A_117 = arith.constant 20 : i32
      %mul3A_118 = arith.muli %scan3A_79, %mul3A_117 : i32
      %add3A_119 = arith.constant 4 : i32
      %add3A_120 = arith.addi %mul3A_118, %add3A_119 : i32
      %get3A_121 = arith.index_cast %add3A_120 : i32 to index
      %get3A_122 = arith.constant 0 : index
      %get3A_123 = tpu.vector_load %arg11[%get3A_121, %get3A_122] {strides = array<i32>} : memref<2560x16xf32, #tpu.memory_space<vmem>>, vector<1x16xf32>,
      %get3A_124 = vector.shape_cast %get3A_123 : vector<1x16xf32> to vector<16xf32>
      %add3A_125 = arith.addf %add3A_116, %get3A_124 : vector<16xf32>
      %mul3A_126 = arith.constant 20 : i32
      %mul3A_127 = arith.muli %scan3A_79, %mul3A_126 : i32
      %add3A_128 = arith.constant 5 : i32
      %add3A_129 = arith.addi %mul3A_127, %add3A_128 : i32
      %get3A_130 = arith.index_cast %add3A_129 : i32 to index
      %get3A_131 = arith.constant 0 : index
      %get3A_132 = tpu.vector_load %arg11[%get3A_130, %get3A_131] {strides = array<i32>} : memref<2560x16xf32, #tpu.memory_space<vmem>>, vector<1x16xf32>,
      %get3A_133 = vector.shape_cast %get3A_132 : vector<1x16xf32> to vector<16xf32>
      %add3A_134 = arith.addf %add3A_125, %get3A_133 : vector<16xf32>
      %mul3A_135 = arith.constant 20 : i32
      %mul3A_136 = arith.muli %scan3A_79, %mul3A_135 : i32
      %add3A_137 = arith.constant 6 : i32
      %add3A_138 = arith.addi %mul3A_136, %add3A_137 : i32
      %get3A_139 = arith.index_cast %add3A_138 : i32 to index
      %get3A_140 = arith.constant 0 : index
      %get3A_141 = tpu.vector_load %arg11[%get3A_139, %get3A_140] {strides = array<i32>} : memref<2560x16xf32, #tpu.memory_space<vmem>>, vector<1x16xf32>,
      %get3A_142 = vector.shape_cast %get3A_141 : vector<1x16xf32> to vector<16xf32>
      %add3A_143 = arith.addf %add3A_134, %get3A_142 : vector<16xf32>
      %mul3A_144 = arith.constant 20 : i32
      %mul3A_145 = arith.muli %scan3A_79, %mul3A_144 : i32
      %add3A_146 = arith.constant 7 : i32
      %add3A_147 = arith.addi %mul3A_145, %add3A_146 : i32
      %get3A_148 = arith.index_cast %add3A_147 : i32 to index
      %get3A_149 = arith.constant 0 : index
      %get3A_150 = tpu.vector_load %arg11[%get3A_148, %get3A_149] {strides = array<i32>} : memref<2560x16xf32, #tpu.memory_space<vmem>>, vector<1x16xf32>,
      %get3A_151 = vector.shape_cast %get3A_150 : vector<1x16xf32> to vector<16xf32>
      %add3A_152 = arith.addf %add3A_143, %get3A_151 : vector<16xf32>
      %mul3A_153 = arith.constant 20 : i32
      %mul3A_154 = arith.muli %scan3A_79, %mul3A_153 : i32
      %add3A_155 = arith.constant 8 : i32
      %add3A_156 = arith.addi %mul3A_154, %add3A_155 : i32
      %get3A_157 = arith.index_cast %add3A_156 : i32 to index
      %get3A_158 = arith.constant 0 : index
      %get3A_159 = tpu.vector_load %arg11[%get3A_157, %get3A_158] {strides = array<i32>} : memref<2560x16xf32, #tpu.memory_space<vmem>>, vector<1x16xf32>,
      %get3A_160 = vector.shape_cast %get3A_159 : vector<1x16xf32> to vector<16xf32>
      %add3A_161 = arith.addf %add3A_152, %get3A_160 : vector<16xf32>
      %mul3A_162 = arith.constant 20 : i32
      %mul3A_163 = arith.muli %scan3A_79, %mul3A_162 : i32
      %add3A_164 = arith.constant 9 : i32
      %add3A_165 = arith.addi %mul3A_163, %add3A_164 : i32
      %get3A_166 = arith.index_cast %add3A_165 : i32 to index
      %get3A_167 = arith.constant 0 : index
      %get3A_168 = tpu.vector_load %arg11[%get3A_166, %get3A_167] {strides = array<i32>} : memref<2560x16xf32, #tpu.memory_space<vmem>>, vector<1x16xf32>,
      %get3A_169 = vector.shape_cast %get3A_168 : vector<1x16xf32> to vector<16xf32>
      %add3A_170 = arith.addf %add3A_161, %get3A_169 : vector<16xf32>
      %mul3A_171 = arith.constant 20 : i32
      %mul3A_172 = arith.muli %scan3A_79, %mul3A_171 : i32
      %add3A_173 = arith.constant 10 : i32
      %add3A_174 = arith.addi %mul3A_172, %add3A_173 : i32
      %get3A_175 = arith.index_cast %add3A_174 : i32 to index
      %get3A_176 = arith.constant 0 : index
      %get3A_177 = tpu.vector_load %arg11[%get3A_175, %get3A_176] {strides = array<i32>} : memref<2560x16xf32, #tpu.memory_space<vmem>>, vector<1x16xf32>,
      %get3A_178 = vector.shape_cast %get3A_177 : vector<1x16xf32> to vector<16xf32>
      %add3A_179 = arith.addf %add3A_170, %get3A_178 : vector<16xf32>
      %mul3A_180 = arith.constant 20 : i32
      %mul3A_181 = arith.muli %scan3A_79, %mul3A_180 : i32
      %add3A_182 = arith.constant 11 : i32
      %add3A_183 = arith.addi %mul3A_181, %add3A_182 : i32
      %get3A_184 = arith.index_cast %add3A_183 : i32 to index
      %get3A_185 = arith.constant 0 : index
      %get3A_186 = tpu.vector_load %arg11[%get3A_184, %get3A_185] {strides = array<i32>} : memref<2560x16xf32, #tpu.memory_space<vmem>>, vector<1x16xf32>,
      %get3A_187 = vector.shape_cast %get3A_186 : vector<1x16xf32> to vector<16xf32>
      %add3A_188 = arith.addf %add3A_179, %get3A_187 : vector<16xf32>
      %mul3A_189 = arith.constant 20 : i32
      %mul3A_190 = arith.muli %scan3A_79, %mul3A_189 : i32
      %add3A_191 = arith.constant 12 : i32
      %add3A_192 = arith.addi %mul3A_190, %add3A_191 : i32
      %get3A_193 = arith.index_cast %add3A_192 : i32 to index
      %get3A_194 = arith.constant 0 : index
      %get3A_195 = tpu.vector_load %arg11[%get3A_193, %get3A_194] {strides = array<i32>} : memref<2560x16xf32, #tpu.memory_space<vmem>>, vector<1x16xf32>,
      %get3A_196 = vector.shape_cast %get3A_195 : vector<1x16xf32> to vector<16xf32>
      %add3A_197 = arith.addf %add3A_188, %get3A_196 : vector<16xf32>
      %mul3A_198 = arith.constant 20 : i32
      %mul3A_199 = arith.muli %scan3A_79, %mul3A_198 : i32
      %add3A_200 = arith.constant 13 : i32
      %add3A_201 = arith.addi %mul3A_199, %add3A_200 : i32
      %get3A_202 = arith.index_cast %add3A_201 : i32 to index
      %get3A_203 = arith.constant 0 : index
      %get3A_204 = tpu.vector_load %arg11[%get3A_202, %get3A_203] {strides = array<i32>} : memref<2560x16xf32, #tpu.memory_space<vmem>>, vector<1x16xf32>,
      %get3A_205 = vector.shape_cast %get3A_204 : vector<1x16xf32> to vector<16xf32>
      %add3A_206 = arith.addf %add3A_197, %get3A_205 : vector<16xf32>
      %mul3A_207 = arith.constant 20 : i32
      %mul3A_208 = arith.muli %scan3A_79, %mul3A_207 : i32
      %add3A_209 = arith.constant 14 : i32
      %add3A_210 = arith.addi %mul3A_208, %add3A_209 : i32
      %get3A_211 = arith.index_cast %add3A_210 : i32 to index
      %get3A_212 = arith.constant 0 : index
      %get3A_213 = tpu.vector_load %arg11[%get3A_211, %get3A_212] {strides = array<i32>} : memref<2560x16xf32, #tpu.memory_space<vmem>>, vector<1x16xf32>,
      %get3A_214 = vector.shape_cast %get3A_213 : vector<1x16xf32> to vector<16xf32>
      %add3A_215 = arith.addf %add3A_206, %get3A_214 : vector<16xf32>
      %mul3A_216 = arith.constant 20 : i32
      %mul3A_217 = arith.muli %scan3A_79, %mul3A_216 : i32
      %add3A_218 = arith.constant 15 : i32
      %add3A_219 = arith.addi %mul3A_217, %add3A_218 : i32
      %get3A_220 = arith.index_cast %add3A_219 : i32 to index
      %get3A_221 = arith.constant 0 : index
      %get3A_222 = tpu.vector_load %arg11[%get3A_220, %get3A_221] {strides = array<i32>} : memref<2560x16xf32, #tpu.memory_space<vmem>>, vector<1x16xf32>,
      %get3A_223 = vector.shape_cast %get3A_222 : vector<1x16xf32> to vector<16xf32>
      %add3A_224 = arith.addf %add3A_215, %get3A_223 : vector<16xf32>
      %mul3A_225 = arith.constant 20 : i32
      %mul3A_226 = arith.muli %scan3A_79, %mul3A_225 : i32
      %add3A_227 = arith.constant 16 : i32
      %add3A_228 = arith.addi %mul3A_226, %add3A_227 : i32
      %get3A_229 = arith.index_cast %add3A_228 : i32 to index
      %get3A_230 = arith.constant 0 : index
      %get3A_231 = tpu.vector_load %arg11[%get3A_229, %get3A_230] {strides = array<i32>} : memref<2560x16xf32, #tpu.memory_space<vmem>>, vector<1x16xf32>,
      %get3A_232 = vector.shape_cast %get3A_231 : vector<1x16xf32> to vector<16xf32>
      %add3A_233 = arith.addf %add3A_224, %get3A_232 : vector<16xf32>
      %mul3A_234 = arith.constant 20 : i32
      %mul3A_235 = arith.muli %scan3A_79, %mul3A_234 : i32
      %add3A_236 = arith.constant 17 : i32
      %add3A_237 = arith.addi %mul3A_235, %add3A_236 : i32
      %get3A_238 = arith.index_cast %add3A_237 : i32 to index
      %get3A_239 = arith.constant 0 : index
      %get3A_240 = tpu.vector_load %arg11[%get3A_238, %get3A_239] {strides = array<i32>} : memref<2560x16xf32, #tpu.memory_space<vmem>>, vector<1x16xf32>,
      %get3A_241 = vector.shape_cast %get3A_240 : vector<1x16xf32> to vector<16xf32>
      %add3A_242 = arith.addf %add3A_233, %get3A_241 : vector<16xf32>
      %mul3A_243 = arith.constant 20 : i32
      %mul3A_244 = arith.muli %scan3A_79, %mul3A_243 : i32
      %add3A_245 = arith.constant 18 : i32
      %add3A_246 = arith.addi %mul3A_244, %add3A_245 : i32
      %get3A_247 = arith.index_cast %add3A_246 : i32 to index
      %get3A_248 = arith.constant 0 : index
      %get3A_249 = tpu.vector_load %arg11[%get3A_247, %get3A_248] {strides = array<i32>} : memref<2560x16xf32, #tpu.memory_space<vmem>>, vector<1x16xf32>,
      %get3A_250 = vector.shape_cast %get3A_249 : vector<1x16xf32> to vector<16xf32>
      %add3A_251 = arith.addf %add3A_242, %get3A_250 : vector<16xf32>
      %mul3A_252 = arith.constant 20 : i32
      %mul3A_253 = arith.muli %scan3A_79, %mul3A_252 : i32
      %add3A_254 = arith.constant 19 : i32
      %add3A_255 = arith.addi %mul3A_253, %add3A_254 : i32
      %get3A_256 = arith.index_cast %add3A_255 : i32 to index
      %get3A_257 = arith.constant 0 : index
      %get3A_258 = tpu.vector_load %arg11[%get3A_256, %get3A_257] {strides = array<i32>} : memref<2560x16xf32, #tpu.memory_space<vmem>>, vector<1x16xf32>,
      %get3A_259 = vector.shape_cast %get3A_258 : vector<1x16xf32> to vector<16xf32>
      %add3A_260 = arith.addf %add3A_251, %get3A_259 : vector<16xf32>
      %mul3A_261 = arith.constant 5.000000e-02 : f32
      %mul3A_262 = vector.broadcast %mul3A_261 : f32 to vector<16xf32>
      %mul3A_263 = arith.mulf %add3A_260, %mul3A_262 : vector<16xf32>
      %swap3A = arith.index_cast %scan3A_79 : i32 to index
      %swap3A_264 = arith.constant 16 : index
      %swap3A_265 = tpu.vector_load %arg13[%swap3A, %swap3A_264] {strides = array<i32>} : memref<128x32xf32, #tpu.memory_space<vmem>>, vector<1x16xf32>,
      %swap3A_266 = vector.shape_cast %swap3A_265 : vector<1x16xf32> to vector<16xf32>
      %swap3A_267 = vector.shape_cast %mul3A_263 : vector<16xf32> to vector<1x16xf32>
      tpu.vector_store %arg13[%swap3A, %swap3A_264], %swap3A_267 {strides = array<i32>} : memref<128x32xf32, #tpu.memory_space<vmem>>, vector<1x16xf32>,
      %scan3A_268 = arith.constant 0 : i32
      scf.yield %scan3A_268 : i32
    }
    %scan3A_78 = arith.constant 128 : i32
    "tpu.region"() ({
      %run_scoped3A = tpu.sem_alloc : memref<!tpu.dma_semaphore, #tpu.memory_space<semaphore_mem>>
      %dma_start3A_79 = arith.constant 0 : i32
      %dma_start3A_80 = tpu.memref_slice %arg7[%mul3A_2, %dma_start3A_79] : memref<4096x32xf32, #tpu.memory_space<hbm>> -> memref<128x32xf32, #tpu.memory_space<hbm>>
      %dma_start3A_81 = arith.constant 0 : i32
      %dma_start3A_82 = tpu.memref_slice %arg7[%mul3A_2, %dma_start3A_81] : memref<4096x32xf32, #tpu.memory_space<hbm>> -> memref<128x32xf32, #tpu.memory_space<hbm>>
      tpu.enqueue_dma source(%arg13 : memref<128x32xf32, #tpu.memory_space<vmem>>) target(%dma_start3A_82 : memref<128x32xf32, #tpu.memory_space<hbm>>) target_semaphore(%run_scoped3A : memref<!tpu.dma_semaphore, #tpu.memory_space<semaphore_mem>>)
      %dma_wait3A_83 = arith.constant 0 : i32
      %dma_wait3A_84 = tpu.memref_slice %arg7[%mul3A_2, %dma_wait3A_83] : memref<4096x32xf32, #tpu.memory_space<hbm>> -> memref<128x32xf32, #tpu.memory_space<hbm>>
      %dma_wait3A_85 = arith.constant 0 : i32
      %dma_wait3A_86 = tpu.memref_slice %arg7[%mul3A_2, %dma_wait3A_85] : memref<4096x32xf32, #tpu.memory_space<hbm>> -> memref<128x32xf32, #tpu.memory_space<hbm>>
      tpu.wait_dma2 semaphore(%run_scoped3A : memref<!tpu.dma_semaphore, #tpu.memory_space<semaphore_mem>>) src(%arg13 : memref<128x32xf32, #tpu.memory_space<vmem>>) dst(%dma_wait3A_86 : memref<128x32xf32, #tpu.memory_space<hbm>>)
      tpu.yield
    }) : () -> ()
    return
  }
}

#map = affine_map<(d0, d1) -> (0, 0)>
#map1 = affine_map<(d0, d1) -> (0, 0, 0)>
module attributes {stable_mosaic.version = 14 : i64} {
  func.func @k(%arg0: i32, %arg1: i32, %arg2: memref<16x106496xi32, #tpu.memory_space<hbm>>, %arg3: memref<26x16x100000xf32, #tpu.memory_space<hbm>>, %arg4: memref<16x106496xf32, #tpu.memory_space<hbm>>, %arg5: memref<53248xi32, #tpu.memory_space<vmem>>, %arg6: memref<53248xf32, #tpu.memory_space<vmem>>, %arg7: memref<!tpu.dma_semaphore, #tpu.memory_space<semaphore_mem>>, %arg8: memref<!tpu.dma_semaphore, #tpu.memory_space<semaphore_mem>>) attributes {dimension_semantics = [#tpu.dimension_semantics<core_parallel>, #tpu.dimension_semantics<subcore_parallel>], iteration_bounds = array<i64: 2, 16>, scalar_prefetch = 0 : i64, scratch_operands = 4 : i64, tpu.core_type = #tpu.core_type<sc_vector_subcore>, window_params = [{transform_indices = #map}, {transform_indices = #map1}, {transform_indices = #map}]} {
    %mul3A = arith.constant 2 : i32
    %mul3A_0 = arith.muli %arg1, %mul3A : i32
    %add3A = arith.addi %mul3A_0, %arg0 : i32
    %mul3A_1 = arith.constant 3328 : i32
    %mul3A_2 = arith.muli %add3A, %mul3A_1 : i32
    %run_scoped3A = arith.constant 0 : i32
    "tpu.region"() ({
      %run_scoped3A_784 = tpu.sem_alloc : memref<!tpu.dma_semaphore, #tpu.memory_space<semaphore_mem>>
      %dma_start3A_785 = arith.constant 0 : i32
      %dma_start3A_786 = tpu.memref_slice %arg5[%dma_start3A_785] : memref<53248xi32, #tpu.memory_space<vmem>> -> memref<3328xi32, #tpu.memory_space<vmem>>
      %dma_start3A_787 = tpu.memref_slice %arg2[%run_scoped3A, %mul3A_2] : memref<16x106496xi32, #tpu.memory_space<hbm>> -> memref<1x3328xi32, #tpu.memory_space<hbm>>
      %dma_start3A_788 = tpu.memref_squeeze %dma_start3A_787 : memref<1x3328xi32, #tpu.memory_space<hbm>> -> memref<3328xi32, #tpu.memory_space<hbm>>
      %dma_start3A_789 = arith.constant 0 : i32
      %dma_start3A_790 = tpu.memref_slice %arg5[%dma_start3A_789] : memref<53248xi32, #tpu.memory_space<vmem>> -> memref<3328xi32, #tpu.memory_space<vmem>>
      %dma_start3A_791 = tpu.memref_slice %arg2[%run_scoped3A, %mul3A_2] : memref<16x106496xi32, #tpu.memory_space<hbm>> -> memref<1x3328xi32, #tpu.memory_space<hbm>>
      %dma_start3A_792 = tpu.memref_squeeze %dma_start3A_791 : memref<1x3328xi32, #tpu.memory_space<hbm>> -> memref<3328xi32, #tpu.memory_space<hbm>>
      tpu.enqueue_dma source(%dma_start3A_792 : memref<3328xi32, #tpu.memory_space<hbm>>) target(%dma_start3A_790 : memref<3328xi32, #tpu.memory_space<vmem>>) target_semaphore(%run_scoped3A_784 : memref<!tpu.dma_semaphore, #tpu.memory_space<semaphore_mem>>)
      %dma_wait3A_793 = arith.constant 0 : i32
      %dma_wait3A_794 = tpu.memref_slice %arg5[%dma_wait3A_793] : memref<53248xi32, #tpu.memory_space<vmem>> -> memref<3328xi32, #tpu.memory_space<vmem>>
      %dma_wait3A_795 = tpu.memref_slice %arg2[%run_scoped3A, %mul3A_2] : memref<16x106496xi32, #tpu.memory_space<hbm>> -> memref<1x3328xi32, #tpu.memory_space<hbm>>
      %dma_wait3A_796 = tpu.memref_squeeze %dma_wait3A_795 : memref<1x3328xi32, #tpu.memory_space<hbm>> -> memref<3328xi32, #tpu.memory_space<hbm>>
      %dma_wait3A_797 = arith.constant 0 : i32
      %dma_wait3A_798 = tpu.memref_slice %arg5[%dma_wait3A_797] : memref<53248xi32, #tpu.memory_space<vmem>> -> memref<3328xi32, #tpu.memory_space<vmem>>
      %dma_wait3A_799 = tpu.memref_slice %arg2[%run_scoped3A, %mul3A_2] : memref<16x106496xi32, #tpu.memory_space<hbm>> -> memref<1x3328xi32, #tpu.memory_space<hbm>>
      %dma_wait3A_800 = tpu.memref_squeeze %dma_wait3A_799 : memref<1x3328xi32, #tpu.memory_space<hbm>> -> memref<3328xi32, #tpu.memory_space<hbm>>
      tpu.wait_dma2 semaphore(%run_scoped3A_784 : memref<!tpu.dma_semaphore, #tpu.memory_space<semaphore_mem>>) src(%dma_wait3A_800 : memref<3328xi32, #tpu.memory_space<hbm>>) dst(%dma_wait3A_798 : memref<3328xi32, #tpu.memory_space<vmem>>)
      tpu.yield
    }) : () -> ()
    %run_scoped3A_3 = arith.constant 1 : i32
    "tpu.region"() ({
      %run_scoped3A_784 = tpu.sem_alloc : memref<!tpu.dma_semaphore, #tpu.memory_space<semaphore_mem>>
      %dma_start3A_785 = arith.constant 3328 : i32
      %dma_start3A_786 = tpu.memref_slice %arg5[%dma_start3A_785] : memref<53248xi32, #tpu.memory_space<vmem>> -> memref<3328xi32, #tpu.memory_space<vmem>>
      %dma_start3A_787 = tpu.memref_slice %arg2[%run_scoped3A_3, %mul3A_2] : memref<16x106496xi32, #tpu.memory_space<hbm>> -> memref<1x3328xi32, #tpu.memory_space<hbm>>
      %dma_start3A_788 = tpu.memref_squeeze %dma_start3A_787 : memref<1x3328xi32, #tpu.memory_space<hbm>> -> memref<3328xi32, #tpu.memory_space<hbm>>
      %dma_start3A_789 = arith.constant 3328 : i32
      %dma_start3A_790 = tpu.memref_slice %arg5[%dma_start3A_789] : memref<53248xi32, #tpu.memory_space<vmem>> -> memref<3328xi32, #tpu.memory_space<vmem>>
      %dma_start3A_791 = tpu.memref_slice %arg2[%run_scoped3A_3, %mul3A_2] : memref<16x106496xi32, #tpu.memory_space<hbm>> -> memref<1x3328xi32, #tpu.memory_space<hbm>>
      %dma_start3A_792 = tpu.memref_squeeze %dma_start3A_791 : memref<1x3328xi32, #tpu.memory_space<hbm>> -> memref<3328xi32, #tpu.memory_space<hbm>>
      tpu.enqueue_dma source(%dma_start3A_792 : memref<3328xi32, #tpu.memory_space<hbm>>) target(%dma_start3A_790 : memref<3328xi32, #tpu.memory_space<vmem>>) target_semaphore(%run_scoped3A_784 : memref<!tpu.dma_semaphore, #tpu.memory_space<semaphore_mem>>)
      %dma_wait3A_793 = arith.constant 3328 : i32
      %dma_wait3A_794 = tpu.memref_slice %arg5[%dma_wait3A_793] : memref<53248xi32, #tpu.memory_space<vmem>> -> memref<3328xi32, #tpu.memory_space<vmem>>
      %dma_wait3A_795 = tpu.memref_slice %arg2[%run_scoped3A_3, %mul3A_2] : memref<16x106496xi32, #tpu.memory_space<hbm>> -> memref<1x3328xi32, #tpu.memory_space<hbm>>
      %dma_wait3A_796 = tpu.memref_squeeze %dma_wait3A_795 : memref<1x3328xi32, #tpu.memory_space<hbm>> -> memref<3328xi32, #tpu.memory_space<hbm>>
      %dma_wait3A_797 = arith.constant 3328 : i32
      %dma_wait3A_798 = tpu.memref_slice %arg5[%dma_wait3A_797] : memref<53248xi32, #tpu.memory_space<vmem>> -> memref<3328xi32, #tpu.memory_space<vmem>>
      %dma_wait3A_799 = tpu.memref_slice %arg2[%run_scoped3A_3, %mul3A_2] : memref<16x106496xi32, #tpu.memory_space<hbm>> -> memref<1x3328xi32, #tpu.memory_space<hbm>>
      %dma_wait3A_800 = tpu.memref_squeeze %dma_wait3A_799 : memref<1x3328xi32, #tpu.memory_space<hbm>> -> memref<3328xi32, #tpu.memory_space<hbm>>
      tpu.wait_dma2 semaphore(%run_scoped3A_784 : memref<!tpu.dma_semaphore, #tpu.memory_space<semaphore_mem>>) src(%dma_wait3A_800 : memref<3328xi32, #tpu.memory_space<hbm>>) dst(%dma_wait3A_798 : memref<3328xi32, #tpu.memory_space<vmem>>)
      tpu.yield
    }) : () -> ()
    %run_scoped3A_4 = arith.constant 2 : i32
    "tpu.region"() ({
      %run_scoped3A_784 = tpu.sem_alloc : memref<!tpu.dma_semaphore, #tpu.memory_space<semaphore_mem>>
      %dma_start3A_785 = arith.constant 6656 : i32
      %dma_start3A_786 = tpu.memref_slice %arg5[%dma_start3A_785] : memref<53248xi32, #tpu.memory_space<vmem>> -> memref<3328xi32, #tpu.memory_space<vmem>>
      %dma_start3A_787 = tpu.memref_slice %arg2[%run_scoped3A_4, %mul3A_2] : memref<16x106496xi32, #tpu.memory_space<hbm>> -> memref<1x3328xi32, #tpu.memory_space<hbm>>
      %dma_start3A_788 = tpu.memref_squeeze %dma_start3A_787 : memref<1x3328xi32, #tpu.memory_space<hbm>> -> memref<3328xi32, #tpu.memory_space<hbm>>
      %dma_start3A_789 = arith.constant 6656 : i32
      %dma_start3A_790 = tpu.memref_slice %arg5[%dma_start3A_789] : memref<53248xi32, #tpu.memory_space<vmem>> -> memref<3328xi32, #tpu.memory_space<vmem>>
      %dma_start3A_791 = tpu.memref_slice %arg2[%run_scoped3A_4, %mul3A_2] : memref<16x106496xi32, #tpu.memory_space<hbm>> -> memref<1x3328xi32, #tpu.memory_space<hbm>>
      %dma_start3A_792 = tpu.memref_squeeze %dma_start3A_791 : memref<1x3328xi32, #tpu.memory_space<hbm>> -> memref<3328xi32, #tpu.memory_space<hbm>>
      tpu.enqueue_dma source(%dma_start3A_792 : memref<3328xi32, #tpu.memory_space<hbm>>) target(%dma_start3A_790 : memref<3328xi32, #tpu.memory_space<vmem>>) target_semaphore(%run_scoped3A_784 : memref<!tpu.dma_semaphore, #tpu.memory_space<semaphore_mem>>)
      %dma_wait3A_793 = arith.constant 6656 : i32
      %dma_wait3A_794 = tpu.memref_slice %arg5[%dma_wait3A_793] : memref<53248xi32, #tpu.memory_space<vmem>> -> memref<3328xi32, #tpu.memory_space<vmem>>
      %dma_wait3A_795 = tpu.memref_slice %arg2[%run_scoped3A_4, %mul3A_2] : memref<16x106496xi32, #tpu.memory_space<hbm>> -> memref<1x3328xi32, #tpu.memory_space<hbm>>
      %dma_wait3A_796 = tpu.memref_squeeze %dma_wait3A_795 : memref<1x3328xi32, #tpu.memory_space<hbm>> -> memref<3328xi32, #tpu.memory_space<hbm>>
      %dma_wait3A_797 = arith.constant 6656 : i32
      %dma_wait3A_798 = tpu.memref_slice %arg5[%dma_wait3A_797] : memref<53248xi32, #tpu.memory_space<vmem>> -> memref<3328xi32, #tpu.memory_space<vmem>>
      %dma_wait3A_799 = tpu.memref_slice %arg2[%run_scoped3A_4, %mul3A_2] : memref<16x106496xi32, #tpu.memory_space<hbm>> -> memref<1x3328xi32, #tpu.memory_space<hbm>>
      %dma_wait3A_800 = tpu.memref_squeeze %dma_wait3A_799 : memref<1x3328xi32, #tpu.memory_space<hbm>> -> memref<3328xi32, #tpu.memory_space<hbm>>
      tpu.wait_dma2 semaphore(%run_scoped3A_784 : memref<!tpu.dma_semaphore, #tpu.memory_space<semaphore_mem>>) src(%dma_wait3A_800 : memref<3328xi32, #tpu.memory_space<hbm>>) dst(%dma_wait3A_798 : memref<3328xi32, #tpu.memory_space<vmem>>)
      tpu.yield
    }) : () -> ()
    %run_scoped3A_5 = arith.constant 3 : i32
    "tpu.region"() ({
      %run_scoped3A_784 = tpu.sem_alloc : memref<!tpu.dma_semaphore, #tpu.memory_space<semaphore_mem>>
      %dma_start3A_785 = arith.constant 9984 : i32
      %dma_start3A_786 = tpu.memref_slice %arg5[%dma_start3A_785] : memref<53248xi32, #tpu.memory_space<vmem>> -> memref<3328xi32, #tpu.memory_space<vmem>>
      %dma_start3A_787 = tpu.memref_slice %arg2[%run_scoped3A_5, %mul3A_2] : memref<16x106496xi32, #tpu.memory_space<hbm>> -> memref<1x3328xi32, #tpu.memory_space<hbm>>
      %dma_start3A_788 = tpu.memref_squeeze %dma_start3A_787 : memref<1x3328xi32, #tpu.memory_space<hbm>> -> memref<3328xi32, #tpu.memory_space<hbm>>
      %dma_start3A_789 = arith.constant 9984 : i32
      %dma_start3A_790 = tpu.memref_slice %arg5[%dma_start3A_789] : memref<53248xi32, #tpu.memory_space<vmem>> -> memref<3328xi32, #tpu.memory_space<vmem>>
      %dma_start3A_791 = tpu.memref_slice %arg2[%run_scoped3A_5, %mul3A_2] : memref<16x106496xi32, #tpu.memory_space<hbm>> -> memref<1x3328xi32, #tpu.memory_space<hbm>>
      %dma_start3A_792 = tpu.memref_squeeze %dma_start3A_791 : memref<1x3328xi32, #tpu.memory_space<hbm>> -> memref<3328xi32, #tpu.memory_space<hbm>>
      tpu.enqueue_dma source(%dma_start3A_792 : memref<3328xi32, #tpu.memory_space<hbm>>) target(%dma_start3A_790 : memref<3328xi32, #tpu.memory_space<vmem>>) target_semaphore(%run_scoped3A_784 : memref<!tpu.dma_semaphore, #tpu.memory_space<semaphore_mem>>)
      %dma_wait3A_793 = arith.constant 9984 : i32
      %dma_wait3A_794 = tpu.memref_slice %arg5[%dma_wait3A_793] : memref<53248xi32, #tpu.memory_space<vmem>> -> memref<3328xi32, #tpu.memory_space<vmem>>
      %dma_wait3A_795 = tpu.memref_slice %arg2[%run_scoped3A_5, %mul3A_2] : memref<16x106496xi32, #tpu.memory_space<hbm>> -> memref<1x3328xi32, #tpu.memory_space<hbm>>
      %dma_wait3A_796 = tpu.memref_squeeze %dma_wait3A_795 : memref<1x3328xi32, #tpu.memory_space<hbm>> -> memref<3328xi32, #tpu.memory_space<hbm>>
      %dma_wait3A_797 = arith.constant 9984 : i32
      %dma_wait3A_798 = tpu.memref_slice %arg5[%dma_wait3A_797] : memref<53248xi32, #tpu.memory_space<vmem>> -> memref<3328xi32, #tpu.memory_space<vmem>>
      %dma_wait3A_799 = tpu.memref_slice %arg2[%run_scoped3A_5, %mul3A_2] : memref<16x106496xi32, #tpu.memory_space<hbm>> -> memref<1x3328xi32, #tpu.memory_space<hbm>>
      %dma_wait3A_800 = tpu.memref_squeeze %dma_wait3A_799 : memref<1x3328xi32, #tpu.memory_space<hbm>> -> memref<3328xi32, #tpu.memory_space<hbm>>
      tpu.wait_dma2 semaphore(%run_scoped3A_784 : memref<!tpu.dma_semaphore, #tpu.memory_space<semaphore_mem>>) src(%dma_wait3A_800 : memref<3328xi32, #tpu.memory_space<hbm>>) dst(%dma_wait3A_798 : memref<3328xi32, #tpu.memory_space<vmem>>)
      tpu.yield
    }) : () -> ()
    %run_scoped3A_6 = arith.constant 4 : i32
    "tpu.region"() ({
      %run_scoped3A_784 = tpu.sem_alloc : memref<!tpu.dma_semaphore, #tpu.memory_space<semaphore_mem>>
      %dma_start3A_785 = arith.constant 13312 : i32
      %dma_start3A_786 = tpu.memref_slice %arg5[%dma_start3A_785] : memref<53248xi32, #tpu.memory_space<vmem>> -> memref<3328xi32, #tpu.memory_space<vmem>>
      %dma_start3A_787 = tpu.memref_slice %arg2[%run_scoped3A_6, %mul3A_2] : memref<16x106496xi32, #tpu.memory_space<hbm>> -> memref<1x3328xi32, #tpu.memory_space<hbm>>
      %dma_start3A_788 = tpu.memref_squeeze %dma_start3A_787 : memref<1x3328xi32, #tpu.memory_space<hbm>> -> memref<3328xi32, #tpu.memory_space<hbm>>
      %dma_start3A_789 = arith.constant 13312 : i32
      %dma_start3A_790 = tpu.memref_slice %arg5[%dma_start3A_789] : memref<53248xi32, #tpu.memory_space<vmem>> -> memref<3328xi32, #tpu.memory_space<vmem>>
      %dma_start3A_791 = tpu.memref_slice %arg2[%run_scoped3A_6, %mul3A_2] : memref<16x106496xi32, #tpu.memory_space<hbm>> -> memref<1x3328xi32, #tpu.memory_space<hbm>>
      %dma_start3A_792 = tpu.memref_squeeze %dma_start3A_791 : memref<1x3328xi32, #tpu.memory_space<hbm>> -> memref<3328xi32, #tpu.memory_space<hbm>>
      tpu.enqueue_dma source(%dma_start3A_792 : memref<3328xi32, #tpu.memory_space<hbm>>) target(%dma_start3A_790 : memref<3328xi32, #tpu.memory_space<vmem>>) target_semaphore(%run_scoped3A_784 : memref<!tpu.dma_semaphore, #tpu.memory_space<semaphore_mem>>)
      %dma_wait3A_793 = arith.constant 13312 : i32
      %dma_wait3A_794 = tpu.memref_slice %arg5[%dma_wait3A_793] : memref<53248xi32, #tpu.memory_space<vmem>> -> memref<3328xi32, #tpu.memory_space<vmem>>
      %dma_wait3A_795 = tpu.memref_slice %arg2[%run_scoped3A_6, %mul3A_2] : memref<16x106496xi32, #tpu.memory_space<hbm>> -> memref<1x3328xi32, #tpu.memory_space<hbm>>
      %dma_wait3A_796 = tpu.memref_squeeze %dma_wait3A_795 : memref<1x3328xi32, #tpu.memory_space<hbm>> -> memref<3328xi32, #tpu.memory_space<hbm>>
      %dma_wait3A_797 = arith.constant 13312 : i32
      %dma_wait3A_798 = tpu.memref_slice %arg5[%dma_wait3A_797] : memref<53248xi32, #tpu.memory_space<vmem>> -> memref<3328xi32, #tpu.memory_space<vmem>>
      %dma_wait3A_799 = tpu.memref_slice %arg2[%run_scoped3A_6, %mul3A_2] : memref<16x106496xi32, #tpu.memory_space<hbm>> -> memref<1x3328xi32, #tpu.memory_space<hbm>>
      %dma_wait3A_800 = tpu.memref_squeeze %dma_wait3A_799 : memref<1x3328xi32, #tpu.memory_space<hbm>> -> memref<3328xi32, #tpu.memory_space<hbm>>
      tpu.wait_dma2 semaphore(%run_scoped3A_784 : memref<!tpu.dma_semaphore, #tpu.memory_space<semaphore_mem>>) src(%dma_wait3A_800 : memref<3328xi32, #tpu.memory_space<hbm>>) dst(%dma_wait3A_798 : memref<3328xi32, #tpu.memory_space<vmem>>)
      tpu.yield
    }) : () -> ()
    %run_scoped3A_7 = arith.constant 5 : i32
    "tpu.region"() ({
      %run_scoped3A_784 = tpu.sem_alloc : memref<!tpu.dma_semaphore, #tpu.memory_space<semaphore_mem>>
      %dma_start3A_785 = arith.constant 16640 : i32
      %dma_start3A_786 = tpu.memref_slice %arg5[%dma_start3A_785] : memref<53248xi32, #tpu.memory_space<vmem>> -> memref<3328xi32, #tpu.memory_space<vmem>>
      %dma_start3A_787 = tpu.memref_slice %arg2[%run_scoped3A_7, %mul3A_2] : memref<16x106496xi32, #tpu.memory_space<hbm>> -> memref<1x3328xi32, #tpu.memory_space<hbm>>
      %dma_start3A_788 = tpu.memref_squeeze %dma_start3A_787 : memref<1x3328xi32, #tpu.memory_space<hbm>> -> memref<3328xi32, #tpu.memory_space<hbm>>
      %dma_start3A_789 = arith.constant 16640 : i32
      %dma_start3A_790 = tpu.memref_slice %arg5[%dma_start3A_789] : memref<53248xi32, #tpu.memory_space<vmem>> -> memref<3328xi32, #tpu.memory_space<vmem>>
      %dma_start3A_791 = tpu.memref_slice %arg2[%run_scoped3A_7, %mul3A_2] : memref<16x106496xi32, #tpu.memory_space<hbm>> -> memref<1x3328xi32, #tpu.memory_space<hbm>>
      %dma_start3A_792 = tpu.memref_squeeze %dma_start3A_791 : memref<1x3328xi32, #tpu.memory_space<hbm>> -> memref<3328xi32, #tpu.memory_space<hbm>>
      tpu.enqueue_dma source(%dma_start3A_792 : memref<3328xi32, #tpu.memory_space<hbm>>) target(%dma_start3A_790 : memref<3328xi32, #tpu.memory_space<vmem>>) target_semaphore(%run_scoped3A_784 : memref<!tpu.dma_semaphore, #tpu.memory_space<semaphore_mem>>)
      %dma_wait3A_793 = arith.constant 16640 : i32
      %dma_wait3A_794 = tpu.memref_slice %arg5[%dma_wait3A_793] : memref<53248xi32, #tpu.memory_space<vmem>> -> memref<3328xi32, #tpu.memory_space<vmem>>
      %dma_wait3A_795 = tpu.memref_slice %arg2[%run_scoped3A_7, %mul3A_2] : memref<16x106496xi32, #tpu.memory_space<hbm>> -> memref<1x3328xi32, #tpu.memory_space<hbm>>
      %dma_wait3A_796 = tpu.memref_squeeze %dma_wait3A_795 : memref<1x3328xi32, #tpu.memory_space<hbm>> -> memref<3328xi32, #tpu.memory_space<hbm>>
      %dma_wait3A_797 = arith.constant 16640 : i32
      %dma_wait3A_798 = tpu.memref_slice %arg5[%dma_wait3A_797] : memref<53248xi32, #tpu.memory_space<vmem>> -> memref<3328xi32, #tpu.memory_space<vmem>>
      %dma_wait3A_799 = tpu.memref_slice %arg2[%run_scoped3A_7, %mul3A_2] : memref<16x106496xi32, #tpu.memory_space<hbm>> -> memref<1x3328xi32, #tpu.memory_space<hbm>>
      %dma_wait3A_800 = tpu.memref_squeeze %dma_wait3A_799 : memref<1x3328xi32, #tpu.memory_space<hbm>> -> memref<3328xi32, #tpu.memory_space<hbm>>
      tpu.wait_dma2 semaphore(%run_scoped3A_784 : memref<!tpu.dma_semaphore, #tpu.memory_space<semaphore_mem>>) src(%dma_wait3A_800 : memref<3328xi32, #tpu.memory_space<hbm>>) dst(%dma_wait3A_798 : memref<3328xi32, #tpu.memory_space<vmem>>)
      tpu.yield
    }) : () -> ()
    %run_scoped3A_8 = arith.constant 6 : i32
    "tpu.region"() ({
      %run_scoped3A_784 = tpu.sem_alloc : memref<!tpu.dma_semaphore, #tpu.memory_space<semaphore_mem>>
      %dma_start3A_785 = arith.constant 19968 : i32
      %dma_start3A_786 = tpu.memref_slice %arg5[%dma_start3A_785] : memref<53248xi32, #tpu.memory_space<vmem>> -> memref<3328xi32, #tpu.memory_space<vmem>>
      %dma_start3A_787 = tpu.memref_slice %arg2[%run_scoped3A_8, %mul3A_2] : memref<16x106496xi32, #tpu.memory_space<hbm>> -> memref<1x3328xi32, #tpu.memory_space<hbm>>
      %dma_start3A_788 = tpu.memref_squeeze %dma_start3A_787 : memref<1x3328xi32, #tpu.memory_space<hbm>> -> memref<3328xi32, #tpu.memory_space<hbm>>
      %dma_start3A_789 = arith.constant 19968 : i32
      %dma_start3A_790 = tpu.memref_slice %arg5[%dma_start3A_789] : memref<53248xi32, #tpu.memory_space<vmem>> -> memref<3328xi32, #tpu.memory_space<vmem>>
      %dma_start3A_791 = tpu.memref_slice %arg2[%run_scoped3A_8, %mul3A_2] : memref<16x106496xi32, #tpu.memory_space<hbm>> -> memref<1x3328xi32, #tpu.memory_space<hbm>>
      %dma_start3A_792 = tpu.memref_squeeze %dma_start3A_791 : memref<1x3328xi32, #tpu.memory_space<hbm>> -> memref<3328xi32, #tpu.memory_space<hbm>>
      tpu.enqueue_dma source(%dma_start3A_792 : memref<3328xi32, #tpu.memory_space<hbm>>) target(%dma_start3A_790 : memref<3328xi32, #tpu.memory_space<vmem>>) target_semaphore(%run_scoped3A_784 : memref<!tpu.dma_semaphore, #tpu.memory_space<semaphore_mem>>)
      %dma_wait3A_793 = arith.constant 19968 : i32
      %dma_wait3A_794 = tpu.memref_slice %arg5[%dma_wait3A_793] : memref<53248xi32, #tpu.memory_space<vmem>> -> memref<3328xi32, #tpu.memory_space<vmem>>
      %dma_wait3A_795 = tpu.memref_slice %arg2[%run_scoped3A_8, %mul3A_2] : memref<16x106496xi32, #tpu.memory_space<hbm>> -> memref<1x3328xi32, #tpu.memory_space<hbm>>
      %dma_wait3A_796 = tpu.memref_squeeze %dma_wait3A_795 : memref<1x3328xi32, #tpu.memory_space<hbm>> -> memref<3328xi32, #tpu.memory_space<hbm>>
      %dma_wait3A_797 = arith.constant 19968 : i32
      %dma_wait3A_798 = tpu.memref_slice %arg5[%dma_wait3A_797] : memref<53248xi32, #tpu.memory_space<vmem>> -> memref<3328xi32, #tpu.memory_space<vmem>>
      %dma_wait3A_799 = tpu.memref_slice %arg2[%run_scoped3A_8, %mul3A_2] : memref<16x106496xi32, #tpu.memory_space<hbm>> -> memref<1x3328xi32, #tpu.memory_space<hbm>>
      %dma_wait3A_800 = tpu.memref_squeeze %dma_wait3A_799 : memref<1x3328xi32, #tpu.memory_space<hbm>> -> memref<3328xi32, #tpu.memory_space<hbm>>
      tpu.wait_dma2 semaphore(%run_scoped3A_784 : memref<!tpu.dma_semaphore, #tpu.memory_space<semaphore_mem>>) src(%dma_wait3A_800 : memref<3328xi32, #tpu.memory_space<hbm>>) dst(%dma_wait3A_798 : memref<3328xi32, #tpu.memory_space<vmem>>)
      tpu.yield
    }) : () -> ()
    %run_scoped3A_9 = arith.constant 7 : i32
    "tpu.region"() ({
      %run_scoped3A_784 = tpu.sem_alloc : memref<!tpu.dma_semaphore, #tpu.memory_space<semaphore_mem>>
      %dma_start3A_785 = arith.constant 23296 : i32
      %dma_start3A_786 = tpu.memref_slice %arg5[%dma_start3A_785] : memref<53248xi32, #tpu.memory_space<vmem>> -> memref<3328xi32, #tpu.memory_space<vmem>>
      %dma_start3A_787 = tpu.memref_slice %arg2[%run_scoped3A_9, %mul3A_2] : memref<16x106496xi32, #tpu.memory_space<hbm>> -> memref<1x3328xi32, #tpu.memory_space<hbm>>
      %dma_start3A_788 = tpu.memref_squeeze %dma_start3A_787 : memref<1x3328xi32, #tpu.memory_space<hbm>> -> memref<3328xi32, #tpu.memory_space<hbm>>
      %dma_start3A_789 = arith.constant 23296 : i32
      %dma_start3A_790 = tpu.memref_slice %arg5[%dma_start3A_789] : memref<53248xi32, #tpu.memory_space<vmem>> -> memref<3328xi32, #tpu.memory_space<vmem>>
      %dma_start3A_791 = tpu.memref_slice %arg2[%run_scoped3A_9, %mul3A_2] : memref<16x106496xi32, #tpu.memory_space<hbm>> -> memref<1x3328xi32, #tpu.memory_space<hbm>>
      %dma_start3A_792 = tpu.memref_squeeze %dma_start3A_791 : memref<1x3328xi32, #tpu.memory_space<hbm>> -> memref<3328xi32, #tpu.memory_space<hbm>>
      tpu.enqueue_dma source(%dma_start3A_792 : memref<3328xi32, #tpu.memory_space<hbm>>) target(%dma_start3A_790 : memref<3328xi32, #tpu.memory_space<vmem>>) target_semaphore(%run_scoped3A_784 : memref<!tpu.dma_semaphore, #tpu.memory_space<semaphore_mem>>)
      %dma_wait3A_793 = arith.constant 23296 : i32
      %dma_wait3A_794 = tpu.memref_slice %arg5[%dma_wait3A_793] : memref<53248xi32, #tpu.memory_space<vmem>> -> memref<3328xi32, #tpu.memory_space<vmem>>
      %dma_wait3A_795 = tpu.memref_slice %arg2[%run_scoped3A_9, %mul3A_2] : memref<16x106496xi32, #tpu.memory_space<hbm>> -> memref<1x3328xi32, #tpu.memory_space<hbm>>
      %dma_wait3A_796 = tpu.memref_squeeze %dma_wait3A_795 : memref<1x3328xi32, #tpu.memory_space<hbm>> -> memref<3328xi32, #tpu.memory_space<hbm>>
      %dma_wait3A_797 = arith.constant 23296 : i32
      %dma_wait3A_798 = tpu.memref_slice %arg5[%dma_wait3A_797] : memref<53248xi32, #tpu.memory_space<vmem>> -> memref<3328xi32, #tpu.memory_space<vmem>>
      %dma_wait3A_799 = tpu.memref_slice %arg2[%run_scoped3A_9, %mul3A_2] : memref<16x106496xi32, #tpu.memory_space<hbm>> -> memref<1x3328xi32, #tpu.memory_space<hbm>>
      %dma_wait3A_800 = tpu.memref_squeeze %dma_wait3A_799 : memref<1x3328xi32, #tpu.memory_space<hbm>> -> memref<3328xi32, #tpu.memory_space<hbm>>
      tpu.wait_dma2 semaphore(%run_scoped3A_784 : memref<!tpu.dma_semaphore, #tpu.memory_space<semaphore_mem>>) src(%dma_wait3A_800 : memref<3328xi32, #tpu.memory_space<hbm>>) dst(%dma_wait3A_798 : memref<3328xi32, #tpu.memory_space<vmem>>)
      tpu.yield
    }) : () -> ()
    %run_scoped3A_10 = arith.constant 8 : i32
    "tpu.region"() ({
      %run_scoped3A_784 = tpu.sem_alloc : memref<!tpu.dma_semaphore, #tpu.memory_space<semaphore_mem>>
      %dma_start3A_785 = arith.constant 26624 : i32
      %dma_start3A_786 = tpu.memref_slice %arg5[%dma_start3A_785] : memref<53248xi32, #tpu.memory_space<vmem>> -> memref<3328xi32, #tpu.memory_space<vmem>>
      %dma_start3A_787 = tpu.memref_slice %arg2[%run_scoped3A_10, %mul3A_2] : memref<16x106496xi32, #tpu.memory_space<hbm>> -> memref<1x3328xi32, #tpu.memory_space<hbm>>
      %dma_start3A_788 = tpu.memref_squeeze %dma_start3A_787 : memref<1x3328xi32, #tpu.memory_space<hbm>> -> memref<3328xi32, #tpu.memory_space<hbm>>
      %dma_start3A_789 = arith.constant 26624 : i32
      %dma_start3A_790 = tpu.memref_slice %arg5[%dma_start3A_789] : memref<53248xi32, #tpu.memory_space<vmem>> -> memref<3328xi32, #tpu.memory_space<vmem>>
      %dma_start3A_791 = tpu.memref_slice %arg2[%run_scoped3A_10, %mul3A_2] : memref<16x106496xi32, #tpu.memory_space<hbm>> -> memref<1x3328xi32, #tpu.memory_space<hbm>>
      %dma_start3A_792 = tpu.memref_squeeze %dma_start3A_791 : memref<1x3328xi32, #tpu.memory_space<hbm>> -> memref<3328xi32, #tpu.memory_space<hbm>>
      tpu.enqueue_dma source(%dma_start3A_792 : memref<3328xi32, #tpu.memory_space<hbm>>) target(%dma_start3A_790 : memref<3328xi32, #tpu.memory_space<vmem>>) target_semaphore(%run_scoped3A_784 : memref<!tpu.dma_semaphore, #tpu.memory_space<semaphore_mem>>)
      %dma_wait3A_793 = arith.constant 26624 : i32
      %dma_wait3A_794 = tpu.memref_slice %arg5[%dma_wait3A_793] : memref<53248xi32, #tpu.memory_space<vmem>> -> memref<3328xi32, #tpu.memory_space<vmem>>
      %dma_wait3A_795 = tpu.memref_slice %arg2[%run_scoped3A_10, %mul3A_2] : memref<16x106496xi32, #tpu.memory_space<hbm>> -> memref<1x3328xi32, #tpu.memory_space<hbm>>
      %dma_wait3A_796 = tpu.memref_squeeze %dma_wait3A_795 : memref<1x3328xi32, #tpu.memory_space<hbm>> -> memref<3328xi32, #tpu.memory_space<hbm>>
      %dma_wait3A_797 = arith.constant 26624 : i32
      %dma_wait3A_798 = tpu.memref_slice %arg5[%dma_wait3A_797] : memref<53248xi32, #tpu.memory_space<vmem>> -> memref<3328xi32, #tpu.memory_space<vmem>>
      %dma_wait3A_799 = tpu.memref_slice %arg2[%run_scoped3A_10, %mul3A_2] : memref<16x106496xi32, #tpu.memory_space<hbm>> -> memref<1x3328xi32, #tpu.memory_space<hbm>>
      %dma_wait3A_800 = tpu.memref_squeeze %dma_wait3A_799 : memref<1x3328xi32, #tpu.memory_space<hbm>> -> memref<3328xi32, #tpu.memory_space<hbm>>
      tpu.wait_dma2 semaphore(%run_scoped3A_784 : memref<!tpu.dma_semaphore, #tpu.memory_space<semaphore_mem>>) src(%dma_wait3A_800 : memref<3328xi32, #tpu.memory_space<hbm>>) dst(%dma_wait3A_798 : memref<3328xi32, #tpu.memory_space<vmem>>)
      tpu.yield
    }) : () -> ()
    %run_scoped3A_11 = arith.constant 9 : i32
    "tpu.region"() ({
      %run_scoped3A_784 = tpu.sem_alloc : memref<!tpu.dma_semaphore, #tpu.memory_space<semaphore_mem>>
      %dma_start3A_785 = arith.constant 29952 : i32
      %dma_start3A_786 = tpu.memref_slice %arg5[%dma_start3A_785] : memref<53248xi32, #tpu.memory_space<vmem>> -> memref<3328xi32, #tpu.memory_space<vmem>>
      %dma_start3A_787 = tpu.memref_slice %arg2[%run_scoped3A_11, %mul3A_2] : memref<16x106496xi32, #tpu.memory_space<hbm>> -> memref<1x3328xi32, #tpu.memory_space<hbm>>
      %dma_start3A_788 = tpu.memref_squeeze %dma_start3A_787 : memref<1x3328xi32, #tpu.memory_space<hbm>> -> memref<3328xi32, #tpu.memory_space<hbm>>
      %dma_start3A_789 = arith.constant 29952 : i32
      %dma_start3A_790 = tpu.memref_slice %arg5[%dma_start3A_789] : memref<53248xi32, #tpu.memory_space<vmem>> -> memref<3328xi32, #tpu.memory_space<vmem>>
      %dma_start3A_791 = tpu.memref_slice %arg2[%run_scoped3A_11, %mul3A_2] : memref<16x106496xi32, #tpu.memory_space<hbm>> -> memref<1x3328xi32, #tpu.memory_space<hbm>>
      %dma_start3A_792 = tpu.memref_squeeze %dma_start3A_791 : memref<1x3328xi32, #tpu.memory_space<hbm>> -> memref<3328xi32, #tpu.memory_space<hbm>>
      tpu.enqueue_dma source(%dma_start3A_792 : memref<3328xi32, #tpu.memory_space<hbm>>) target(%dma_start3A_790 : memref<3328xi32, #tpu.memory_space<vmem>>) target_semaphore(%run_scoped3A_784 : memref<!tpu.dma_semaphore, #tpu.memory_space<semaphore_mem>>)
      %dma_wait3A_793 = arith.constant 29952 : i32
      %dma_wait3A_794 = tpu.memref_slice %arg5[%dma_wait3A_793] : memref<53248xi32, #tpu.memory_space<vmem>> -> memref<3328xi32, #tpu.memory_space<vmem>>
      %dma_wait3A_795 = tpu.memref_slice %arg2[%run_scoped3A_11, %mul3A_2] : memref<16x106496xi32, #tpu.memory_space<hbm>> -> memref<1x3328xi32, #tpu.memory_space<hbm>>
      %dma_wait3A_796 = tpu.memref_squeeze %dma_wait3A_795 : memref<1x3328xi32, #tpu.memory_space<hbm>> -> memref<3328xi32, #tpu.memory_space<hbm>>
      %dma_wait3A_797 = arith.constant 29952 : i32
      %dma_wait3A_798 = tpu.memref_slice %arg5[%dma_wait3A_797] : memref<53248xi32, #tpu.memory_space<vmem>> -> memref<3328xi32, #tpu.memory_space<vmem>>
      %dma_wait3A_799 = tpu.memref_slice %arg2[%run_scoped3A_11, %mul3A_2] : memref<16x106496xi32, #tpu.memory_space<hbm>> -> memref<1x3328xi32, #tpu.memory_space<hbm>>
      %dma_wait3A_800 = tpu.memref_squeeze %dma_wait3A_799 : memref<1x3328xi32, #tpu.memory_space<hbm>> -> memref<3328xi32, #tpu.memory_space<hbm>>
      tpu.wait_dma2 semaphore(%run_scoped3A_784 : memref<!tpu.dma_semaphore, #tpu.memory_space<semaphore_mem>>) src(%dma_wait3A_800 : memref<3328xi32, #tpu.memory_space<hbm>>) dst(%dma_wait3A_798 : memref<3328xi32, #tpu.memory_space<vmem>>)
      tpu.yield
    }) : () -> ()
    %run_scoped3A_12 = arith.constant 10 : i32
    "tpu.region"() ({
      %run_scoped3A_784 = tpu.sem_alloc : memref<!tpu.dma_semaphore, #tpu.memory_space<semaphore_mem>>
      %dma_start3A_785 = arith.constant 33280 : i32
      %dma_start3A_786 = tpu.memref_slice %arg5[%dma_start3A_785] : memref<53248xi32, #tpu.memory_space<vmem>> -> memref<3328xi32, #tpu.memory_space<vmem>>
      %dma_start3A_787 = tpu.memref_slice %arg2[%run_scoped3A_12, %mul3A_2] : memref<16x106496xi32, #tpu.memory_space<hbm>> -> memref<1x3328xi32, #tpu.memory_space<hbm>>
      %dma_start3A_788 = tpu.memref_squeeze %dma_start3A_787 : memref<1x3328xi32, #tpu.memory_space<hbm>> -> memref<3328xi32, #tpu.memory_space<hbm>>
      %dma_start3A_789 = arith.constant 33280 : i32
      %dma_start3A_790 = tpu.memref_slice %arg5[%dma_start3A_789] : memref<53248xi32, #tpu.memory_space<vmem>> -> memref<3328xi32, #tpu.memory_space<vmem>>
      %dma_start3A_791 = tpu.memref_slice %arg2[%run_scoped3A_12, %mul3A_2] : memref<16x106496xi32, #tpu.memory_space<hbm>> -> memref<1x3328xi32, #tpu.memory_space<hbm>>
      %dma_start3A_792 = tpu.memref_squeeze %dma_start3A_791 : memref<1x3328xi32, #tpu.memory_space<hbm>> -> memref<3328xi32, #tpu.memory_space<hbm>>
      tpu.enqueue_dma source(%dma_start3A_792 : memref<3328xi32, #tpu.memory_space<hbm>>) target(%dma_start3A_790 : memref<3328xi32, #tpu.memory_space<vmem>>) target_semaphore(%run_scoped3A_784 : memref<!tpu.dma_semaphore, #tpu.memory_space<semaphore_mem>>)
      %dma_wait3A_793 = arith.constant 33280 : i32
      %dma_wait3A_794 = tpu.memref_slice %arg5[%dma_wait3A_793] : memref<53248xi32, #tpu.memory_space<vmem>> -> memref<3328xi32, #tpu.memory_space<vmem>>
      %dma_wait3A_795 = tpu.memref_slice %arg2[%run_scoped3A_12, %mul3A_2] : memref<16x106496xi32, #tpu.memory_space<hbm>> -> memref<1x3328xi32, #tpu.memory_space<hbm>>
      %dma_wait3A_796 = tpu.memref_squeeze %dma_wait3A_795 : memref<1x3328xi32, #tpu.memory_space<hbm>> -> memref<3328xi32, #tpu.memory_space<hbm>>
      %dma_wait3A_797 = arith.constant 33280 : i32
      %dma_wait3A_798 = tpu.memref_slice %arg5[%dma_wait3A_797] : memref<53248xi32, #tpu.memory_space<vmem>> -> memref<3328xi32, #tpu.memory_space<vmem>>
      %dma_wait3A_799 = tpu.memref_slice %arg2[%run_scoped3A_12, %mul3A_2] : memref<16x106496xi32, #tpu.memory_space<hbm>> -> memref<1x3328xi32, #tpu.memory_space<hbm>>
      %dma_wait3A_800 = tpu.memref_squeeze %dma_wait3A_799 : memref<1x3328xi32, #tpu.memory_space<hbm>> -> memref<3328xi32, #tpu.memory_space<hbm>>
      tpu.wait_dma2 semaphore(%run_scoped3A_784 : memref<!tpu.dma_semaphore, #tpu.memory_space<semaphore_mem>>) src(%dma_wait3A_800 : memref<3328xi32, #tpu.memory_space<hbm>>) dst(%dma_wait3A_798 : memref<3328xi32, #tpu.memory_space<vmem>>)
      tpu.yield
    }) : () -> ()
    %run_scoped3A_13 = arith.constant 11 : i32
    "tpu.region"() ({
      %run_scoped3A_784 = tpu.sem_alloc : memref<!tpu.dma_semaphore, #tpu.memory_space<semaphore_mem>>
      %dma_start3A_785 = arith.constant 36608 : i32
      %dma_start3A_786 = tpu.memref_slice %arg5[%dma_start3A_785] : memref<53248xi32, #tpu.memory_space<vmem>> -> memref<3328xi32, #tpu.memory_space<vmem>>
      %dma_start3A_787 = tpu.memref_slice %arg2[%run_scoped3A_13, %mul3A_2] : memref<16x106496xi32, #tpu.memory_space<hbm>> -> memref<1x3328xi32, #tpu.memory_space<hbm>>
      %dma_start3A_788 = tpu.memref_squeeze %dma_start3A_787 : memref<1x3328xi32, #tpu.memory_space<hbm>> -> memref<3328xi32, #tpu.memory_space<hbm>>
      %dma_start3A_789 = arith.constant 36608 : i32
      %dma_start3A_790 = tpu.memref_slice %arg5[%dma_start3A_789] : memref<53248xi32, #tpu.memory_space<vmem>> -> memref<3328xi32, #tpu.memory_space<vmem>>
      %dma_start3A_791 = tpu.memref_slice %arg2[%run_scoped3A_13, %mul3A_2] : memref<16x106496xi32, #tpu.memory_space<hbm>> -> memref<1x3328xi32, #tpu.memory_space<hbm>>
      %dma_start3A_792 = tpu.memref_squeeze %dma_start3A_791 : memref<1x3328xi32, #tpu.memory_space<hbm>> -> memref<3328xi32, #tpu.memory_space<hbm>>
      tpu.enqueue_dma source(%dma_start3A_792 : memref<3328xi32, #tpu.memory_space<hbm>>) target(%dma_start3A_790 : memref<3328xi32, #tpu.memory_space<vmem>>) target_semaphore(%run_scoped3A_784 : memref<!tpu.dma_semaphore, #tpu.memory_space<semaphore_mem>>)
      %dma_wait3A_793 = arith.constant 36608 : i32
      %dma_wait3A_794 = tpu.memref_slice %arg5[%dma_wait3A_793] : memref<53248xi32, #tpu.memory_space<vmem>> -> memref<3328xi32, #tpu.memory_space<vmem>>
      %dma_wait3A_795 = tpu.memref_slice %arg2[%run_scoped3A_13, %mul3A_2] : memref<16x106496xi32, #tpu.memory_space<hbm>> -> memref<1x3328xi32, #tpu.memory_space<hbm>>
      %dma_wait3A_796 = tpu.memref_squeeze %dma_wait3A_795 : memref<1x3328xi32, #tpu.memory_space<hbm>> -> memref<3328xi32, #tpu.memory_space<hbm>>
      %dma_wait3A_797 = arith.constant 36608 : i32
      %dma_wait3A_798 = tpu.memref_slice %arg5[%dma_wait3A_797] : memref<53248xi32, #tpu.memory_space<vmem>> -> memref<3328xi32, #tpu.memory_space<vmem>>
      %dma_wait3A_799 = tpu.memref_slice %arg2[%run_scoped3A_13, %mul3A_2] : memref<16x106496xi32, #tpu.memory_space<hbm>> -> memref<1x3328xi32, #tpu.memory_space<hbm>>
      %dma_wait3A_800 = tpu.memref_squeeze %dma_wait3A_799 : memref<1x3328xi32, #tpu.memory_space<hbm>> -> memref<3328xi32, #tpu.memory_space<hbm>>
      tpu.wait_dma2 semaphore(%run_scoped3A_784 : memref<!tpu.dma_semaphore, #tpu.memory_space<semaphore_mem>>) src(%dma_wait3A_800 : memref<3328xi32, #tpu.memory_space<hbm>>) dst(%dma_wait3A_798 : memref<3328xi32, #tpu.memory_space<vmem>>)
      tpu.yield
    }) : () -> ()
    %run_scoped3A_14 = arith.constant 12 : i32
    "tpu.region"() ({
      %run_scoped3A_784 = tpu.sem_alloc : memref<!tpu.dma_semaphore, #tpu.memory_space<semaphore_mem>>
      %dma_start3A_785 = arith.constant 39936 : i32
      %dma_start3A_786 = tpu.memref_slice %arg5[%dma_start3A_785] : memref<53248xi32, #tpu.memory_space<vmem>> -> memref<3328xi32, #tpu.memory_space<vmem>>
      %dma_start3A_787 = tpu.memref_slice %arg2[%run_scoped3A_14, %mul3A_2] : memref<16x106496xi32, #tpu.memory_space<hbm>> -> memref<1x3328xi32, #tpu.memory_space<hbm>>
      %dma_start3A_788 = tpu.memref_squeeze %dma_start3A_787 : memref<1x3328xi32, #tpu.memory_space<hbm>> -> memref<3328xi32, #tpu.memory_space<hbm>>
      %dma_start3A_789 = arith.constant 39936 : i32
      %dma_start3A_790 = tpu.memref_slice %arg5[%dma_start3A_789] : memref<53248xi32, #tpu.memory_space<vmem>> -> memref<3328xi32, #tpu.memory_space<vmem>>
      %dma_start3A_791 = tpu.memref_slice %arg2[%run_scoped3A_14, %mul3A_2] : memref<16x106496xi32, #tpu.memory_space<hbm>> -> memref<1x3328xi32, #tpu.memory_space<hbm>>
      %dma_start3A_792 = tpu.memref_squeeze %dma_start3A_791 : memref<1x3328xi32, #tpu.memory_space<hbm>> -> memref<3328xi32, #tpu.memory_space<hbm>>
      tpu.enqueue_dma source(%dma_start3A_792 : memref<3328xi32, #tpu.memory_space<hbm>>) target(%dma_start3A_790 : memref<3328xi32, #tpu.memory_space<vmem>>) target_semaphore(%run_scoped3A_784 : memref<!tpu.dma_semaphore, #tpu.memory_space<semaphore_mem>>)
      %dma_wait3A_793 = arith.constant 39936 : i32
      %dma_wait3A_794 = tpu.memref_slice %arg5[%dma_wait3A_793] : memref<53248xi32, #tpu.memory_space<vmem>> -> memref<3328xi32, #tpu.memory_space<vmem>>
      %dma_wait3A_795 = tpu.memref_slice %arg2[%run_scoped3A_14, %mul3A_2] : memref<16x106496xi32, #tpu.memory_space<hbm>> -> memref<1x3328xi32, #tpu.memory_space<hbm>>
      %dma_wait3A_796 = tpu.memref_squeeze %dma_wait3A_795 : memref<1x3328xi32, #tpu.memory_space<hbm>> -> memref<3328xi32, #tpu.memory_space<hbm>>
      %dma_wait3A_797 = arith.constant 39936 : i32
      %dma_wait3A_798 = tpu.memref_slice %arg5[%dma_wait3A_797] : memref<53248xi32, #tpu.memory_space<vmem>> -> memref<3328xi32, #tpu.memory_space<vmem>>
      %dma_wait3A_799 = tpu.memref_slice %arg2[%run_scoped3A_14, %mul3A_2] : memref<16x106496xi32, #tpu.memory_space<hbm>> -> memref<1x3328xi32, #tpu.memory_space<hbm>>
      %dma_wait3A_800 = tpu.memref_squeeze %dma_wait3A_799 : memref<1x3328xi32, #tpu.memory_space<hbm>> -> memref<3328xi32, #tpu.memory_space<hbm>>
      tpu.wait_dma2 semaphore(%run_scoped3A_784 : memref<!tpu.dma_semaphore, #tpu.memory_space<semaphore_mem>>) src(%dma_wait3A_800 : memref<3328xi32, #tpu.memory_space<hbm>>) dst(%dma_wait3A_798 : memref<3328xi32, #tpu.memory_space<vmem>>)
      tpu.yield
    }) : () -> ()
    %run_scoped3A_15 = arith.constant 13 : i32
    "tpu.region"() ({
      %run_scoped3A_784 = tpu.sem_alloc : memref<!tpu.dma_semaphore, #tpu.memory_space<semaphore_mem>>
      %dma_start3A_785 = arith.constant 43264 : i32
      %dma_start3A_786 = tpu.memref_slice %arg5[%dma_start3A_785] : memref<53248xi32, #tpu.memory_space<vmem>> -> memref<3328xi32, #tpu.memory_space<vmem>>
      %dma_start3A_787 = tpu.memref_slice %arg2[%run_scoped3A_15, %mul3A_2] : memref<16x106496xi32, #tpu.memory_space<hbm>> -> memref<1x3328xi32, #tpu.memory_space<hbm>>
      %dma_start3A_788 = tpu.memref_squeeze %dma_start3A_787 : memref<1x3328xi32, #tpu.memory_space<hbm>> -> memref<3328xi32, #tpu.memory_space<hbm>>
      %dma_start3A_789 = arith.constant 43264 : i32
      %dma_start3A_790 = tpu.memref_slice %arg5[%dma_start3A_789] : memref<53248xi32, #tpu.memory_space<vmem>> -> memref<3328xi32, #tpu.memory_space<vmem>>
      %dma_start3A_791 = tpu.memref_slice %arg2[%run_scoped3A_15, %mul3A_2] : memref<16x106496xi32, #tpu.memory_space<hbm>> -> memref<1x3328xi32, #tpu.memory_space<hbm>>
      %dma_start3A_792 = tpu.memref_squeeze %dma_start3A_791 : memref<1x3328xi32, #tpu.memory_space<hbm>> -> memref<3328xi32, #tpu.memory_space<hbm>>
      tpu.enqueue_dma source(%dma_start3A_792 : memref<3328xi32, #tpu.memory_space<hbm>>) target(%dma_start3A_790 : memref<3328xi32, #tpu.memory_space<vmem>>) target_semaphore(%run_scoped3A_784 : memref<!tpu.dma_semaphore, #tpu.memory_space<semaphore_mem>>)
      %dma_wait3A_793 = arith.constant 43264 : i32
      %dma_wait3A_794 = tpu.memref_slice %arg5[%dma_wait3A_793] : memref<53248xi32, #tpu.memory_space<vmem>> -> memref<3328xi32, #tpu.memory_space<vmem>>
      %dma_wait3A_795 = tpu.memref_slice %arg2[%run_scoped3A_15, %mul3A_2] : memref<16x106496xi32, #tpu.memory_space<hbm>> -> memref<1x3328xi32, #tpu.memory_space<hbm>>
      %dma_wait3A_796 = tpu.memref_squeeze %dma_wait3A_795 : memref<1x3328xi32, #tpu.memory_space<hbm>> -> memref<3328xi32, #tpu.memory_space<hbm>>
      %dma_wait3A_797 = arith.constant 43264 : i32
      %dma_wait3A_798 = tpu.memref_slice %arg5[%dma_wait3A_797] : memref<53248xi32, #tpu.memory_space<vmem>> -> memref<3328xi32, #tpu.memory_space<vmem>>
      %dma_wait3A_799 = tpu.memref_slice %arg2[%run_scoped3A_15, %mul3A_2] : memref<16x106496xi32, #tpu.memory_space<hbm>> -> memref<1x3328xi32, #tpu.memory_space<hbm>>
      %dma_wait3A_800 = tpu.memref_squeeze %dma_wait3A_799 : memref<1x3328xi32, #tpu.memory_space<hbm>> -> memref<3328xi32, #tpu.memory_space<hbm>>
      tpu.wait_dma2 semaphore(%run_scoped3A_784 : memref<!tpu.dma_semaphore, #tpu.memory_space<semaphore_mem>>) src(%dma_wait3A_800 : memref<3328xi32, #tpu.memory_space<hbm>>) dst(%dma_wait3A_798 : memref<3328xi32, #tpu.memory_space<vmem>>)
      tpu.yield
    }) : () -> ()
    %run_scoped3A_16 = arith.constant 14 : i32
    "tpu.region"() ({
      %run_scoped3A_784 = tpu.sem_alloc : memref<!tpu.dma_semaphore, #tpu.memory_space<semaphore_mem>>
      %dma_start3A_785 = arith.constant 46592 : i32
      %dma_start3A_786 = tpu.memref_slice %arg5[%dma_start3A_785] : memref<53248xi32, #tpu.memory_space<vmem>> -> memref<3328xi32, #tpu.memory_space<vmem>>
      %dma_start3A_787 = tpu.memref_slice %arg2[%run_scoped3A_16, %mul3A_2] : memref<16x106496xi32, #tpu.memory_space<hbm>> -> memref<1x3328xi32, #tpu.memory_space<hbm>>
      %dma_start3A_788 = tpu.memref_squeeze %dma_start3A_787 : memref<1x3328xi32, #tpu.memory_space<hbm>> -> memref<3328xi32, #tpu.memory_space<hbm>>
      %dma_start3A_789 = arith.constant 46592 : i32
      %dma_start3A_790 = tpu.memref_slice %arg5[%dma_start3A_789] : memref<53248xi32, #tpu.memory_space<vmem>> -> memref<3328xi32, #tpu.memory_space<vmem>>
      %dma_start3A_791 = tpu.memref_slice %arg2[%run_scoped3A_16, %mul3A_2] : memref<16x106496xi32, #tpu.memory_space<hbm>> -> memref<1x3328xi32, #tpu.memory_space<hbm>>
      %dma_start3A_792 = tpu.memref_squeeze %dma_start3A_791 : memref<1x3328xi32, #tpu.memory_space<hbm>> -> memref<3328xi32, #tpu.memory_space<hbm>>
      tpu.enqueue_dma source(%dma_start3A_792 : memref<3328xi32, #tpu.memory_space<hbm>>) target(%dma_start3A_790 : memref<3328xi32, #tpu.memory_space<vmem>>) target_semaphore(%run_scoped3A_784 : memref<!tpu.dma_semaphore, #tpu.memory_space<semaphore_mem>>)
      %dma_wait3A_793 = arith.constant 46592 : i32
      %dma_wait3A_794 = tpu.memref_slice %arg5[%dma_wait3A_793] : memref<53248xi32, #tpu.memory_space<vmem>> -> memref<3328xi32, #tpu.memory_space<vmem>>
      %dma_wait3A_795 = tpu.memref_slice %arg2[%run_scoped3A_16, %mul3A_2] : memref<16x106496xi32, #tpu.memory_space<hbm>> -> memref<1x3328xi32, #tpu.memory_space<hbm>>
      %dma_wait3A_796 = tpu.memref_squeeze %dma_wait3A_795 : memref<1x3328xi32, #tpu.memory_space<hbm>> -> memref<3328xi32, #tpu.memory_space<hbm>>
      %dma_wait3A_797 = arith.constant 46592 : i32
      %dma_wait3A_798 = tpu.memref_slice %arg5[%dma_wait3A_797] : memref<53248xi32, #tpu.memory_space<vmem>> -> memref<3328xi32, #tpu.memory_space<vmem>>
      %dma_wait3A_799 = tpu.memref_slice %arg2[%run_scoped3A_16, %mul3A_2] : memref<16x106496xi32, #tpu.memory_space<hbm>> -> memref<1x3328xi32, #tpu.memory_space<hbm>>
      %dma_wait3A_800 = tpu.memref_squeeze %dma_wait3A_799 : memref<1x3328xi32, #tpu.memory_space<hbm>> -> memref<3328xi32, #tpu.memory_space<hbm>>
      tpu.wait_dma2 semaphore(%run_scoped3A_784 : memref<!tpu.dma_semaphore, #tpu.memory_space<semaphore_mem>>) src(%dma_wait3A_800 : memref<3328xi32, #tpu.memory_space<hbm>>) dst(%dma_wait3A_798 : memref<3328xi32, #tpu.memory_space<vmem>>)
      tpu.yield
    }) : () -> ()
    %run_scoped3A_17 = arith.constant 15 : i32
    "tpu.region"() ({
      %run_scoped3A_784 = tpu.sem_alloc : memref<!tpu.dma_semaphore, #tpu.memory_space<semaphore_mem>>
      %dma_start3A_785 = arith.constant 49920 : i32
      %dma_start3A_786 = tpu.memref_slice %arg5[%dma_start3A_785] : memref<53248xi32, #tpu.memory_space<vmem>> -> memref<3328xi32, #tpu.memory_space<vmem>>
      %dma_start3A_787 = tpu.memref_slice %arg2[%run_scoped3A_17, %mul3A_2] : memref<16x106496xi32, #tpu.memory_space<hbm>> -> memref<1x3328xi32, #tpu.memory_space<hbm>>
      %dma_start3A_788 = tpu.memref_squeeze %dma_start3A_787 : memref<1x3328xi32, #tpu.memory_space<hbm>> -> memref<3328xi32, #tpu.memory_space<hbm>>
      %dma_start3A_789 = arith.constant 49920 : i32
      %dma_start3A_790 = tpu.memref_slice %arg5[%dma_start3A_789] : memref<53248xi32, #tpu.memory_space<vmem>> -> memref<3328xi32, #tpu.memory_space<vmem>>
      %dma_start3A_791 = tpu.memref_slice %arg2[%run_scoped3A_17, %mul3A_2] : memref<16x106496xi32, #tpu.memory_space<hbm>> -> memref<1x3328xi32, #tpu.memory_space<hbm>>
      %dma_start3A_792 = tpu.memref_squeeze %dma_start3A_791 : memref<1x3328xi32, #tpu.memory_space<hbm>> -> memref<3328xi32, #tpu.memory_space<hbm>>
      tpu.enqueue_dma source(%dma_start3A_792 : memref<3328xi32, #tpu.memory_space<hbm>>) target(%dma_start3A_790 : memref<3328xi32, #tpu.memory_space<vmem>>) target_semaphore(%run_scoped3A_784 : memref<!tpu.dma_semaphore, #tpu.memory_space<semaphore_mem>>)
      %dma_wait3A_793 = arith.constant 49920 : i32
      %dma_wait3A_794 = tpu.memref_slice %arg5[%dma_wait3A_793] : memref<53248xi32, #tpu.memory_space<vmem>> -> memref<3328xi32, #tpu.memory_space<vmem>>
      %dma_wait3A_795 = tpu.memref_slice %arg2[%run_scoped3A_17, %mul3A_2] : memref<16x106496xi32, #tpu.memory_space<hbm>> -> memref<1x3328xi32, #tpu.memory_space<hbm>>
      %dma_wait3A_796 = tpu.memref_squeeze %dma_wait3A_795 : memref<1x3328xi32, #tpu.memory_space<hbm>> -> memref<3328xi32, #tpu.memory_space<hbm>>
      %dma_wait3A_797 = arith.constant 49920 : i32
      %dma_wait3A_798 = tpu.memref_slice %arg5[%dma_wait3A_797] : memref<53248xi32, #tpu.memory_space<vmem>> -> memref<3328xi32, #tpu.memory_space<vmem>>
      %dma_wait3A_799 = tpu.memref_slice %arg2[%run_scoped3A_17, %mul3A_2] : memref<16x106496xi32, #tpu.memory_space<hbm>> -> memref<1x3328xi32, #tpu.memory_space<hbm>>
      %dma_wait3A_800 = tpu.memref_squeeze %dma_wait3A_799 : memref<1x3328xi32, #tpu.memory_space<hbm>> -> memref<3328xi32, #tpu.memory_space<hbm>>
      tpu.wait_dma2 semaphore(%run_scoped3A_784 : memref<!tpu.dma_semaphore, #tpu.memory_space<semaphore_mem>>) src(%dma_wait3A_800 : memref<3328xi32, #tpu.memory_space<hbm>>) dst(%dma_wait3A_798 : memref<3328xi32, #tpu.memory_space<vmem>>)
      tpu.yield
    }) : () -> ()
    %dma_start3A = arith.constant 0 : i32
    %dma_start3A_18 = arith.constant 0 : i32
    %dma_start3A_19 = arith.constant 0 : i32
    %dma_start3A_20 = tpu.memref_slice %arg6[%dma_start3A_19] : memref<53248xf32, #tpu.memory_space<vmem>> -> memref<3328xf32, #tpu.memory_space<vmem>>
    %dma_start3A_21 = arith.constant 0 : i32
    %dma_start3A_22 = tpu.memref_slice %arg5[%dma_start3A_21] : memref<53248xi32, #tpu.memory_space<vmem>> -> memref<3328xi32, #tpu.memory_space<vmem>>
    %dma_start3A_23 = arith.constant 0 : i32
    %dma_start3A_24 = arith.constant 0 : i32
    %dma_start3A_25 = tpu.memref_slice %arg3[%dma_start3A, %dma_start3A_23, %dma_start3A_24] : memref<26x16x100000xf32, #tpu.memory_space<hbm>> -> memref<1x16x100000xf32, #tpu.memory_space<hbm>>
    %dma_start3A_26 = tpu.memref_squeeze %dma_start3A_25 : memref<1x16x100000xf32, #tpu.memory_space<hbm>> -> memref<16x100000xf32, #tpu.memory_space<hbm>>
    %dma_start3A_27 = arith.constant 0 : i32
    %dma_start3A_28 = tpu.memref_slice %dma_start3A_26[%dma_start3A_18, %dma_start3A_27] : memref<16x100000xf32, #tpu.memory_space<hbm>> -> memref<1x100000xf32, #tpu.memory_space<hbm>>
    %dma_start3A_29 = tpu.memref_squeeze %dma_start3A_28 : memref<1x100000xf32, #tpu.memory_space<hbm>> -> memref<100000xf32, #tpu.memory_space<hbm>>
    %dma_start3A_30 = arith.constant 0 : i32
    %dma_start3A_31 = tpu.memref_slice %dma_start3A_29[%dma_start3A_30] : memref<100000xf32, #tpu.memory_space<hbm>> -> memref<100000xf32, #tpu.memory_space<hbm>>
    tpu.enqueue_indirect_dma source(%dma_start3A_31 : memref<100000xf32, #tpu.memory_space<hbm>>) target(%dma_start3A_20 : memref<3328xf32, #tpu.memory_space<vmem>>) offsets(%dma_start3A_22 : memref<3328xi32, #tpu.memory_space<vmem>>) semaphore(%arg7 : memref<!tpu.dma_semaphore, #tpu.memory_space<semaphore_mem>>)
    %dma_start3A_32 = arith.constant 0 : i32
    %dma_start3A_33 = arith.constant 0 : i32
    %dma_start3A_34 = arith.constant 3328 : i32
    %dma_start3A_35 = tpu.memref_slice %arg6[%dma_start3A_34] : memref<53248xf32, #tpu.memory_space<vmem>> -> memref<3328xf32, #tpu.memory_space<vmem>>
    %dma_start3A_36 = arith.constant 3328 : i32
    %dma_start3A_37 = tpu.memref_slice %arg5[%dma_start3A_36] : memref<53248xi32, #tpu.memory_space<vmem>> -> memref<3328xi32, #tpu.memory_space<vmem>>
    %dma_start3A_38 = arith.constant 0 : i32
    %dma_start3A_39 = arith.constant 0 : i32
    %dma_start3A_40 = tpu.memref_slice %arg3[%dma_start3A_32, %dma_start3A_38, %dma_start3A_39] : memref<26x16x100000xf32, #tpu.memory_space<hbm>> -> memref<1x16x100000xf32, #tpu.memory_space<hbm>>
    %dma_start3A_41 = tpu.memref_squeeze %dma_start3A_40 : memref<1x16x100000xf32, #tpu.memory_space<hbm>> -> memref<16x100000xf32, #tpu.memory_space<hbm>>
    %dma_start3A_42 = arith.constant 0 : i32
    %dma_start3A_43 = tpu.memref_slice %dma_start3A_41[%dma_start3A_33, %dma_start3A_42] : memref<16x100000xf32, #tpu.memory_space<hbm>> -> memref<1x100000xf32, #tpu.memory_space<hbm>>
    %dma_start3A_44 = tpu.memref_squeeze %dma_start3A_43 : memref<1x100000xf32, #tpu.memory_space<hbm>> -> memref<100000xf32, #tpu.memory_space<hbm>>
    %dma_start3A_45 = arith.constant 0 : i32
    %dma_start3A_46 = tpu.memref_slice %dma_start3A_44[%dma_start3A_45] : memref<100000xf32, #tpu.memory_space<hbm>> -> memref<100000xf32, #tpu.memory_space<hbm>>
    tpu.enqueue_indirect_dma source(%dma_start3A_46 : memref<100000xf32, #tpu.memory_space<hbm>>) target(%dma_start3A_35 : memref<3328xf32, #tpu.memory_space<vmem>>) offsets(%dma_start3A_37 : memref<3328xi32, #tpu.memory_space<vmem>>) semaphore(%arg7 : memref<!tpu.dma_semaphore, #tpu.memory_space<semaphore_mem>>)
    %dma_start3A_47 = arith.constant 0 : i32
    %dma_start3A_48 = arith.constant 0 : i32
    %dma_start3A_49 = arith.constant 6656 : i32
    %dma_start3A_50 = tpu.memref_slice %arg6[%dma_start3A_49] : memref<53248xf32, #tpu.memory_space<vmem>> -> memref<3328xf32, #tpu.memory_space<vmem>>
    %dma_start3A_51 = arith.constant 6656 : i32
    %dma_start3A_52 = tpu.memref_slice %arg5[%dma_start3A_51] : memref<53248xi32, #tpu.memory_space<vmem>> -> memref<3328xi32, #tpu.memory_space<vmem>>
    %dma_start3A_53 = arith.constant 0 : i32
    %dma_start3A_54 = arith.constant 0 : i32
    %dma_start3A_55 = tpu.memref_slice %arg3[%dma_start3A_47, %dma_start3A_53, %dma_start3A_54] : memref<26x16x100000xf32, #tpu.memory_space<hbm>> -> memref<1x16x100000xf32, #tpu.memory_space<hbm>>
    %dma_start3A_56 = tpu.memref_squeeze %dma_start3A_55 : memref<1x16x100000xf32, #tpu.memory_space<hbm>> -> memref<16x100000xf32, #tpu.memory_space<hbm>>
    %dma_start3A_57 = arith.constant 0 : i32
    %dma_start3A_58 = tpu.memref_slice %dma_start3A_56[%dma_start3A_48, %dma_start3A_57] : memref<16x100000xf32, #tpu.memory_space<hbm>> -> memref<1x100000xf32, #tpu.memory_space<hbm>>
    %dma_start3A_59 = tpu.memref_squeeze %dma_start3A_58 : memref<1x100000xf32, #tpu.memory_space<hbm>> -> memref<100000xf32, #tpu.memory_space<hbm>>
    %dma_start3A_60 = arith.constant 0 : i32
    %dma_start3A_61 = tpu.memref_slice %dma_start3A_59[%dma_start3A_60] : memref<100000xf32, #tpu.memory_space<hbm>> -> memref<100000xf32, #tpu.memory_space<hbm>>
    tpu.enqueue_indirect_dma source(%dma_start3A_61 : memref<100000xf32, #tpu.memory_space<hbm>>) target(%dma_start3A_50 : memref<3328xf32, #tpu.memory_space<vmem>>) offsets(%dma_start3A_52 : memref<3328xi32, #tpu.memory_space<vmem>>) semaphore(%arg7 : memref<!tpu.dma_semaphore, #tpu.memory_space<semaphore_mem>>)
    %dma_start3A_62 = arith.constant 0 : i32
    %dma_start3A_63 = arith.constant 0 : i32
    %dma_start3A_64 = arith.constant 9984 : i32
    %dma_start3A_65 = tpu.memref_slice %arg6[%dma_start3A_64] : memref<53248xf32, #tpu.memory_space<vmem>> -> memref<3328xf32, #tpu.memory_space<vmem>>
    %dma_start3A_66 = arith.constant 9984 : i32
    %dma_start3A_67 = tpu.memref_slice %arg5[%dma_start3A_66] : memref<53248xi32, #tpu.memory_space<vmem>> -> memref<3328xi32, #tpu.memory_space<vmem>>
    %dma_start3A_68 = arith.constant 0 : i32
    %dma_start3A_69 = arith.constant 0 : i32
    %dma_start3A_70 = tpu.memref_slice %arg3[%dma_start3A_62, %dma_start3A_68, %dma_start3A_69] : memref<26x16x100000xf32, #tpu.memory_space<hbm>> -> memref<1x16x100000xf32, #tpu.memory_space<hbm>>
    %dma_start3A_71 = tpu.memref_squeeze %dma_start3A_70 : memref<1x16x100000xf32, #tpu.memory_space<hbm>> -> memref<16x100000xf32, #tpu.memory_space<hbm>>
    %dma_start3A_72 = arith.constant 0 : i32
    %dma_start3A_73 = tpu.memref_slice %dma_start3A_71[%dma_start3A_63, %dma_start3A_72] : memref<16x100000xf32, #tpu.memory_space<hbm>> -> memref<1x100000xf32, #tpu.memory_space<hbm>>
    %dma_start3A_74 = tpu.memref_squeeze %dma_start3A_73 : memref<1x100000xf32, #tpu.memory_space<hbm>> -> memref<100000xf32, #tpu.memory_space<hbm>>
    %dma_start3A_75 = arith.constant 0 : i32
    %dma_start3A_76 = tpu.memref_slice %dma_start3A_74[%dma_start3A_75] : memref<100000xf32, #tpu.memory_space<hbm>> -> memref<100000xf32, #tpu.memory_space<hbm>>
    tpu.enqueue_indirect_dma source(%dma_start3A_76 : memref<100000xf32, #tpu.memory_space<hbm>>) target(%dma_start3A_65 : memref<3328xf32, #tpu.memory_space<vmem>>) offsets(%dma_start3A_67 : memref<3328xi32, #tpu.memory_space<vmem>>) semaphore(%arg7 : memref<!tpu.dma_semaphore, #tpu.memory_space<semaphore_mem>>)
    %dma_start3A_77 = arith.constant 0 : i32
    %dma_start3A_78 = arith.constant 0 : i32
    %dma_start3A_79 = arith.constant 13312 : i32
    %dma_start3A_80 = tpu.memref_slice %arg6[%dma_start3A_79] : memref<53248xf32, #tpu.memory_space<vmem>> -> memref<3328xf32, #tpu.memory_space<vmem>>
    %dma_start3A_81 = arith.constant 13312 : i32
    %dma_start3A_82 = tpu.memref_slice %arg5[%dma_start3A_81] : memref<53248xi32, #tpu.memory_space<vmem>> -> memref<3328xi32, #tpu.memory_space<vmem>>
    %dma_start3A_83 = arith.constant 0 : i32
    %dma_start3A_84 = arith.constant 0 : i32
    %dma_start3A_85 = tpu.memref_slice %arg3[%dma_start3A_77, %dma_start3A_83, %dma_start3A_84] : memref<26x16x100000xf32, #tpu.memory_space<hbm>> -> memref<1x16x100000xf32, #tpu.memory_space<hbm>>
    %dma_start3A_86 = tpu.memref_squeeze %dma_start3A_85 : memref<1x16x100000xf32, #tpu.memory_space<hbm>> -> memref<16x100000xf32, #tpu.memory_space<hbm>>
    %dma_start3A_87 = arith.constant 0 : i32
    %dma_start3A_88 = tpu.memref_slice %dma_start3A_86[%dma_start3A_78, %dma_start3A_87] : memref<16x100000xf32, #tpu.memory_space<hbm>> -> memref<1x100000xf32, #tpu.memory_space<hbm>>
    %dma_start3A_89 = tpu.memref_squeeze %dma_start3A_88 : memref<1x100000xf32, #tpu.memory_space<hbm>> -> memref<100000xf32, #tpu.memory_space<hbm>>
    %dma_start3A_90 = arith.constant 0 : i32
    %dma_start3A_91 = tpu.memref_slice %dma_start3A_89[%dma_start3A_90] : memref<100000xf32, #tpu.memory_space<hbm>> -> memref<100000xf32, #tpu.memory_space<hbm>>
    tpu.enqueue_indirect_dma source(%dma_start3A_91 : memref<100000xf32, #tpu.memory_space<hbm>>) target(%dma_start3A_80 : memref<3328xf32, #tpu.memory_space<vmem>>) offsets(%dma_start3A_82 : memref<3328xi32, #tpu.memory_space<vmem>>) semaphore(%arg7 : memref<!tpu.dma_semaphore, #tpu.memory_space<semaphore_mem>>)
    %dma_start3A_92 = arith.constant 0 : i32
    %dma_start3A_93 = arith.constant 0 : i32
    %dma_start3A_94 = arith.constant 16640 : i32
    %dma_start3A_95 = tpu.memref_slice %arg6[%dma_start3A_94] : memref<53248xf32, #tpu.memory_space<vmem>> -> memref<3328xf32, #tpu.memory_space<vmem>>
    %dma_start3A_96 = arith.constant 16640 : i32
    %dma_start3A_97 = tpu.memref_slice %arg5[%dma_start3A_96] : memref<53248xi32, #tpu.memory_space<vmem>> -> memref<3328xi32, #tpu.memory_space<vmem>>
    %dma_start3A_98 = arith.constant 0 : i32
    %dma_start3A_99 = arith.constant 0 : i32
    %dma_start3A_100 = tpu.memref_slice %arg3[%dma_start3A_92, %dma_start3A_98, %dma_start3A_99] : memref<26x16x100000xf32, #tpu.memory_space<hbm>> -> memref<1x16x100000xf32, #tpu.memory_space<hbm>>
    %dma_start3A_101 = tpu.memref_squeeze %dma_start3A_100 : memref<1x16x100000xf32, #tpu.memory_space<hbm>> -> memref<16x100000xf32, #tpu.memory_space<hbm>>
    %dma_start3A_102 = arith.constant 0 : i32
    %dma_start3A_103 = tpu.memref_slice %dma_start3A_101[%dma_start3A_93, %dma_start3A_102] : memref<16x100000xf32, #tpu.memory_space<hbm>> -> memref<1x100000xf32, #tpu.memory_space<hbm>>
    %dma_start3A_104 = tpu.memref_squeeze %dma_start3A_103 : memref<1x100000xf32, #tpu.memory_space<hbm>> -> memref<100000xf32, #tpu.memory_space<hbm>>
    %dma_start3A_105 = arith.constant 0 : i32
    %dma_start3A_106 = tpu.memref_slice %dma_start3A_104[%dma_start3A_105] : memref<100000xf32, #tpu.memory_space<hbm>> -> memref<100000xf32, #tpu.memory_space<hbm>>
    tpu.enqueue_indirect_dma source(%dma_start3A_106 : memref<100000xf32, #tpu.memory_space<hbm>>) target(%dma_start3A_95 : memref<3328xf32, #tpu.memory_space<vmem>>) offsets(%dma_start3A_97 : memref<3328xi32, #tpu.memory_space<vmem>>) semaphore(%arg7 : memref<!tpu.dma_semaphore, #tpu.memory_space<semaphore_mem>>)
    %dma_start3A_107 = arith.constant 0 : i32
    %dma_start3A_108 = arith.constant 0 : i32
    %dma_start3A_109 = arith.constant 19968 : i32
    %dma_start3A_110 = tpu.memref_slice %arg6[%dma_start3A_109] : memref<53248xf32, #tpu.memory_space<vmem>> -> memref<3328xf32, #tpu.memory_space<vmem>>
    %dma_start3A_111 = arith.constant 19968 : i32
    %dma_start3A_112 = tpu.memref_slice %arg5[%dma_start3A_111] : memref<53248xi32, #tpu.memory_space<vmem>> -> memref<3328xi32, #tpu.memory_space<vmem>>
    %dma_start3A_113 = arith.constant 0 : i32
    %dma_start3A_114 = arith.constant 0 : i32
    %dma_start3A_115 = tpu.memref_slice %arg3[%dma_start3A_107, %dma_start3A_113, %dma_start3A_114] : memref<26x16x100000xf32, #tpu.memory_space<hbm>> -> memref<1x16x100000xf32, #tpu.memory_space<hbm>>
    %dma_start3A_116 = tpu.memref_squeeze %dma_start3A_115 : memref<1x16x100000xf32, #tpu.memory_space<hbm>> -> memref<16x100000xf32, #tpu.memory_space<hbm>>
    %dma_start3A_117 = arith.constant 0 : i32
    %dma_start3A_118 = tpu.memref_slice %dma_start3A_116[%dma_start3A_108, %dma_start3A_117] : memref<16x100000xf32, #tpu.memory_space<hbm>> -> memref<1x100000xf32, #tpu.memory_space<hbm>>
    %dma_start3A_119 = tpu.memref_squeeze %dma_start3A_118 : memref<1x100000xf32, #tpu.memory_space<hbm>> -> memref<100000xf32, #tpu.memory_space<hbm>>
    %dma_start3A_120 = arith.constant 0 : i32
    %dma_start3A_121 = tpu.memref_slice %dma_start3A_119[%dma_start3A_120] : memref<100000xf32, #tpu.memory_space<hbm>> -> memref<100000xf32, #tpu.memory_space<hbm>>
    tpu.enqueue_indirect_dma source(%dma_start3A_121 : memref<100000xf32, #tpu.memory_space<hbm>>) target(%dma_start3A_110 : memref<3328xf32, #tpu.memory_space<vmem>>) offsets(%dma_start3A_112 : memref<3328xi32, #tpu.memory_space<vmem>>) semaphore(%arg7 : memref<!tpu.dma_semaphore, #tpu.memory_space<semaphore_mem>>)
    %dma_start3A_122 = arith.constant 0 : i32
    %dma_start3A_123 = arith.constant 0 : i32
    %dma_start3A_124 = arith.constant 23296 : i32
    %dma_start3A_125 = tpu.memref_slice %arg6[%dma_start3A_124] : memref<53248xf32, #tpu.memory_space<vmem>> -> memref<3328xf32, #tpu.memory_space<vmem>>
    %dma_start3A_126 = arith.constant 23296 : i32
    %dma_start3A_127 = tpu.memref_slice %arg5[%dma_start3A_126] : memref<53248xi32, #tpu.memory_space<vmem>> -> memref<3328xi32, #tpu.memory_space<vmem>>
    %dma_start3A_128 = arith.constant 0 : i32
    %dma_start3A_129 = arith.constant 0 : i32
    %dma_start3A_130 = tpu.memref_slice %arg3[%dma_start3A_122, %dma_start3A_128, %dma_start3A_129] : memref<26x16x100000xf32, #tpu.memory_space<hbm>> -> memref<1x16x100000xf32, #tpu.memory_space<hbm>>
    %dma_start3A_131 = tpu.memref_squeeze %dma_start3A_130 : memref<1x16x100000xf32, #tpu.memory_space<hbm>> -> memref<16x100000xf32, #tpu.memory_space<hbm>>
    %dma_start3A_132 = arith.constant 0 : i32
    %dma_start3A_133 = tpu.memref_slice %dma_start3A_131[%dma_start3A_123, %dma_start3A_132] : memref<16x100000xf32, #tpu.memory_space<hbm>> -> memref<1x100000xf32, #tpu.memory_space<hbm>>
    %dma_start3A_134 = tpu.memref_squeeze %dma_start3A_133 : memref<1x100000xf32, #tpu.memory_space<hbm>> -> memref<100000xf32, #tpu.memory_space<hbm>>
    %dma_start3A_135 = arith.constant 0 : i32
    %dma_start3A_136 = tpu.memref_slice %dma_start3A_134[%dma_start3A_135] : memref<100000xf32, #tpu.memory_space<hbm>> -> memref<100000xf32, #tpu.memory_space<hbm>>
    tpu.enqueue_indirect_dma source(%dma_start3A_136 : memref<100000xf32, #tpu.memory_space<hbm>>) target(%dma_start3A_125 : memref<3328xf32, #tpu.memory_space<vmem>>) offsets(%dma_start3A_127 : memref<3328xi32, #tpu.memory_space<vmem>>) semaphore(%arg7 : memref<!tpu.dma_semaphore, #tpu.memory_space<semaphore_mem>>)
    %dma_start3A_137 = arith.constant 0 : i32
    %dma_start3A_138 = arith.constant 0 : i32
    %dma_start3A_139 = arith.constant 26624 : i32
    %dma_start3A_140 = tpu.memref_slice %arg6[%dma_start3A_139] : memref<53248xf32, #tpu.memory_space<vmem>> -> memref<3328xf32, #tpu.memory_space<vmem>>
    %dma_start3A_141 = arith.constant 26624 : i32
    %dma_start3A_142 = tpu.memref_slice %arg5[%dma_start3A_141] : memref<53248xi32, #tpu.memory_space<vmem>> -> memref<3328xi32, #tpu.memory_space<vmem>>
    %dma_start3A_143 = arith.constant 0 : i32
    %dma_start3A_144 = arith.constant 0 : i32
    %dma_start3A_145 = tpu.memref_slice %arg3[%dma_start3A_137, %dma_start3A_143, %dma_start3A_144] : memref<26x16x100000xf32, #tpu.memory_space<hbm>> -> memref<1x16x100000xf32, #tpu.memory_space<hbm>>
    %dma_start3A_146 = tpu.memref_squeeze %dma_start3A_145 : memref<1x16x100000xf32, #tpu.memory_space<hbm>> -> memref<16x100000xf32, #tpu.memory_space<hbm>>
    %dma_start3A_147 = arith.constant 0 : i32
    %dma_start3A_148 = tpu.memref_slice %dma_start3A_146[%dma_start3A_138, %dma_start3A_147] : memref<16x100000xf32, #tpu.memory_space<hbm>> -> memref<1x100000xf32, #tpu.memory_space<hbm>>
    %dma_start3A_149 = tpu.memref_squeeze %dma_start3A_148 : memref<1x100000xf32, #tpu.memory_space<hbm>> -> memref<100000xf32, #tpu.memory_space<hbm>>
    %dma_start3A_150 = arith.constant 0 : i32
    %dma_start3A_151 = tpu.memref_slice %dma_start3A_149[%dma_start3A_150] : memref<100000xf32, #tpu.memory_space<hbm>> -> memref<100000xf32, #tpu.memory_space<hbm>>
    tpu.enqueue_indirect_dma source(%dma_start3A_151 : memref<100000xf32, #tpu.memory_space<hbm>>) target(%dma_start3A_140 : memref<3328xf32, #tpu.memory_space<vmem>>) offsets(%dma_start3A_142 : memref<3328xi32, #tpu.memory_space<vmem>>) semaphore(%arg7 : memref<!tpu.dma_semaphore, #tpu.memory_space<semaphore_mem>>)
    %dma_start3A_152 = arith.constant 0 : i32
    %dma_start3A_153 = arith.constant 0 : i32
    %dma_start3A_154 = arith.constant 29952 : i32
    %dma_start3A_155 = tpu.memref_slice %arg6[%dma_start3A_154] : memref<53248xf32, #tpu.memory_space<vmem>> -> memref<3328xf32, #tpu.memory_space<vmem>>
    %dma_start3A_156 = arith.constant 29952 : i32
    %dma_start3A_157 = tpu.memref_slice %arg5[%dma_start3A_156] : memref<53248xi32, #tpu.memory_space<vmem>> -> memref<3328xi32, #tpu.memory_space<vmem>>
    %dma_start3A_158 = arith.constant 0 : i32
    %dma_start3A_159 = arith.constant 0 : i32
    %dma_start3A_160 = tpu.memref_slice %arg3[%dma_start3A_152, %dma_start3A_158, %dma_start3A_159] : memref<26x16x100000xf32, #tpu.memory_space<hbm>> -> memref<1x16x100000xf32, #tpu.memory_space<hbm>>
    %dma_start3A_161 = tpu.memref_squeeze %dma_start3A_160 : memref<1x16x100000xf32, #tpu.memory_space<hbm>> -> memref<16x100000xf32, #tpu.memory_space<hbm>>
    %dma_start3A_162 = arith.constant 0 : i32
    %dma_start3A_163 = tpu.memref_slice %dma_start3A_161[%dma_start3A_153, %dma_start3A_162] : memref<16x100000xf32, #tpu.memory_space<hbm>> -> memref<1x100000xf32, #tpu.memory_space<hbm>>
    %dma_start3A_164 = tpu.memref_squeeze %dma_start3A_163 : memref<1x100000xf32, #tpu.memory_space<hbm>> -> memref<100000xf32, #tpu.memory_space<hbm>>
    %dma_start3A_165 = arith.constant 0 : i32
    %dma_start3A_166 = tpu.memref_slice %dma_start3A_164[%dma_start3A_165] : memref<100000xf32, #tpu.memory_space<hbm>> -> memref<100000xf32, #tpu.memory_space<hbm>>
    tpu.enqueue_indirect_dma source(%dma_start3A_166 : memref<100000xf32, #tpu.memory_space<hbm>>) target(%dma_start3A_155 : memref<3328xf32, #tpu.memory_space<vmem>>) offsets(%dma_start3A_157 : memref<3328xi32, #tpu.memory_space<vmem>>) semaphore(%arg7 : memref<!tpu.dma_semaphore, #tpu.memory_space<semaphore_mem>>)
    %dma_start3A_167 = arith.constant 0 : i32
    %dma_start3A_168 = arith.constant 0 : i32
    %dma_start3A_169 = arith.constant 33280 : i32
    %dma_start3A_170 = tpu.memref_slice %arg6[%dma_start3A_169] : memref<53248xf32, #tpu.memory_space<vmem>> -> memref<3328xf32, #tpu.memory_space<vmem>>
    %dma_start3A_171 = arith.constant 33280 : i32
    %dma_start3A_172 = tpu.memref_slice %arg5[%dma_start3A_171] : memref<53248xi32, #tpu.memory_space<vmem>> -> memref<3328xi32, #tpu.memory_space<vmem>>
    %dma_start3A_173 = arith.constant 0 : i32
    %dma_start3A_174 = arith.constant 0 : i32
    %dma_start3A_175 = tpu.memref_slice %arg3[%dma_start3A_167, %dma_start3A_173, %dma_start3A_174] : memref<26x16x100000xf32, #tpu.memory_space<hbm>> -> memref<1x16x100000xf32, #tpu.memory_space<hbm>>
    %dma_start3A_176 = tpu.memref_squeeze %dma_start3A_175 : memref<1x16x100000xf32, #tpu.memory_space<hbm>> -> memref<16x100000xf32, #tpu.memory_space<hbm>>
    %dma_start3A_177 = arith.constant 0 : i32
    %dma_start3A_178 = tpu.memref_slice %dma_start3A_176[%dma_start3A_168, %dma_start3A_177] : memref<16x100000xf32, #tpu.memory_space<hbm>> -> memref<1x100000xf32, #tpu.memory_space<hbm>>
    %dma_start3A_179 = tpu.memref_squeeze %dma_start3A_178 : memref<1x100000xf32, #tpu.memory_space<hbm>> -> memref<100000xf32, #tpu.memory_space<hbm>>
    %dma_start3A_180 = arith.constant 0 : i32
    %dma_start3A_181 = tpu.memref_slice %dma_start3A_179[%dma_start3A_180] : memref<100000xf32, #tpu.memory_space<hbm>> -> memref<100000xf32, #tpu.memory_space<hbm>>
    tpu.enqueue_indirect_dma source(%dma_start3A_181 : memref<100000xf32, #tpu.memory_space<hbm>>) target(%dma_start3A_170 : memref<3328xf32, #tpu.memory_space<vmem>>) offsets(%dma_start3A_172 : memref<3328xi32, #tpu.memory_space<vmem>>) semaphore(%arg7 : memref<!tpu.dma_semaphore, #tpu.memory_space<semaphore_mem>>)
    %dma_start3A_182 = arith.constant 0 : i32
    %dma_start3A_183 = arith.constant 0 : i32
    %dma_start3A_184 = arith.constant 36608 : i32
    %dma_start3A_185 = tpu.memref_slice %arg6[%dma_start3A_184] : memref<53248xf32, #tpu.memory_space<vmem>> -> memref<3328xf32, #tpu.memory_space<vmem>>
    %dma_start3A_186 = arith.constant 36608 : i32
    %dma_start3A_187 = tpu.memref_slice %arg5[%dma_start3A_186] : memref<53248xi32, #tpu.memory_space<vmem>> -> memref<3328xi32, #tpu.memory_space<vmem>>
    %dma_start3A_188 = arith.constant 0 : i32
    %dma_start3A_189 = arith.constant 0 : i32
    %dma_start3A_190 = tpu.memref_slice %arg3[%dma_start3A_182, %dma_start3A_188, %dma_start3A_189] : memref<26x16x100000xf32, #tpu.memory_space<hbm>> -> memref<1x16x100000xf32, #tpu.memory_space<hbm>>
    %dma_start3A_191 = tpu.memref_squeeze %dma_start3A_190 : memref<1x16x100000xf32, #tpu.memory_space<hbm>> -> memref<16x100000xf32, #tpu.memory_space<hbm>>
    %dma_start3A_192 = arith.constant 0 : i32
    %dma_start3A_193 = tpu.memref_slice %dma_start3A_191[%dma_start3A_183, %dma_start3A_192] : memref<16x100000xf32, #tpu.memory_space<hbm>> -> memref<1x100000xf32, #tpu.memory_space<hbm>>
    %dma_start3A_194 = tpu.memref_squeeze %dma_start3A_193 : memref<1x100000xf32, #tpu.memory_space<hbm>> -> memref<100000xf32, #tpu.memory_space<hbm>>
    %dma_start3A_195 = arith.constant 0 : i32
    %dma_start3A_196 = tpu.memref_slice %dma_start3A_194[%dma_start3A_195] : memref<100000xf32, #tpu.memory_space<hbm>> -> memref<100000xf32, #tpu.memory_space<hbm>>
    tpu.enqueue_indirect_dma source(%dma_start3A_196 : memref<100000xf32, #tpu.memory_space<hbm>>) target(%dma_start3A_185 : memref<3328xf32, #tpu.memory_space<vmem>>) offsets(%dma_start3A_187 : memref<3328xi32, #tpu.memory_space<vmem>>) semaphore(%arg7 : memref<!tpu.dma_semaphore, #tpu.memory_space<semaphore_mem>>)
    %dma_start3A_197 = arith.constant 0 : i32
    %dma_start3A_198 = arith.constant 0 : i32
    %dma_start3A_199 = arith.constant 39936 : i32
    %dma_start3A_200 = tpu.memref_slice %arg6[%dma_start3A_199] : memref<53248xf32, #tpu.memory_space<vmem>> -> memref<3328xf32, #tpu.memory_space<vmem>>
    %dma_start3A_201 = arith.constant 39936 : i32
    %dma_start3A_202 = tpu.memref_slice %arg5[%dma_start3A_201] : memref<53248xi32, #tpu.memory_space<vmem>> -> memref<3328xi32, #tpu.memory_space<vmem>>
    %dma_start3A_203 = arith.constant 0 : i32
    %dma_start3A_204 = arith.constant 0 : i32
    %dma_start3A_205 = tpu.memref_slice %arg3[%dma_start3A_197, %dma_start3A_203, %dma_start3A_204] : memref<26x16x100000xf32, #tpu.memory_space<hbm>> -> memref<1x16x100000xf32, #tpu.memory_space<hbm>>
    %dma_start3A_206 = tpu.memref_squeeze %dma_start3A_205 : memref<1x16x100000xf32, #tpu.memory_space<hbm>> -> memref<16x100000xf32, #tpu.memory_space<hbm>>
    %dma_start3A_207 = arith.constant 0 : i32
    %dma_start3A_208 = tpu.memref_slice %dma_start3A_206[%dma_start3A_198, %dma_start3A_207] : memref<16x100000xf32, #tpu.memory_space<hbm>> -> memref<1x100000xf32, #tpu.memory_space<hbm>>
    %dma_start3A_209 = tpu.memref_squeeze %dma_start3A_208 : memref<1x100000xf32, #tpu.memory_space<hbm>> -> memref<100000xf32, #tpu.memory_space<hbm>>
    %dma_start3A_210 = arith.constant 0 : i32
    %dma_start3A_211 = tpu.memref_slice %dma_start3A_209[%dma_start3A_210] : memref<100000xf32, #tpu.memory_space<hbm>> -> memref<100000xf32, #tpu.memory_space<hbm>>
    tpu.enqueue_indirect_dma source(%dma_start3A_211 : memref<100000xf32, #tpu.memory_space<hbm>>) target(%dma_start3A_200 : memref<3328xf32, #tpu.memory_space<vmem>>) offsets(%dma_start3A_202 : memref<3328xi32, #tpu.memory_space<vmem>>) semaphore(%arg7 : memref<!tpu.dma_semaphore, #tpu.memory_space<semaphore_mem>>)
    %dma_start3A_212 = arith.constant 0 : i32
    %dma_start3A_213 = arith.constant 0 : i32
    %dma_start3A_214 = arith.constant 43264 : i32
    %dma_start3A_215 = tpu.memref_slice %arg6[%dma_start3A_214] : memref<53248xf32, #tpu.memory_space<vmem>> -> memref<3328xf32, #tpu.memory_space<vmem>>
    %dma_start3A_216 = arith.constant 43264 : i32
    %dma_start3A_217 = tpu.memref_slice %arg5[%dma_start3A_216] : memref<53248xi32, #tpu.memory_space<vmem>> -> memref<3328xi32, #tpu.memory_space<vmem>>
    %dma_start3A_218 = arith.constant 0 : i32
    %dma_start3A_219 = arith.constant 0 : i32
    %dma_start3A_220 = tpu.memref_slice %arg3[%dma_start3A_212, %dma_start3A_218, %dma_start3A_219] : memref<26x16x100000xf32, #tpu.memory_space<hbm>> -> memref<1x16x100000xf32, #tpu.memory_space<hbm>>
    %dma_start3A_221 = tpu.memref_squeeze %dma_start3A_220 : memref<1x16x100000xf32, #tpu.memory_space<hbm>> -> memref<16x100000xf32, #tpu.memory_space<hbm>>
    %dma_start3A_222 = arith.constant 0 : i32
    %dma_start3A_223 = tpu.memref_slice %dma_start3A_221[%dma_start3A_213, %dma_start3A_222] : memref<16x100000xf32, #tpu.memory_space<hbm>> -> memref<1x100000xf32, #tpu.memory_space<hbm>>
    %dma_start3A_224 = tpu.memref_squeeze %dma_start3A_223 : memref<1x100000xf32, #tpu.memory_space<hbm>> -> memref<100000xf32, #tpu.memory_space<hbm>>
    %dma_start3A_225 = arith.constant 0 : i32
    %dma_start3A_226 = tpu.memref_slice %dma_start3A_224[%dma_start3A_225] : memref<100000xf32, #tpu.memory_space<hbm>> -> memref<100000xf32, #tpu.memory_space<hbm>>
    tpu.enqueue_indirect_dma source(%dma_start3A_226 : memref<100000xf32, #tpu.memory_space<hbm>>) target(%dma_start3A_215 : memref<3328xf32, #tpu.memory_space<vmem>>) offsets(%dma_start3A_217 : memref<3328xi32, #tpu.memory_space<vmem>>) semaphore(%arg7 : memref<!tpu.dma_semaphore, #tpu.memory_space<semaphore_mem>>)
    %dma_start3A_227 = arith.constant 0 : i32
    %dma_start3A_228 = arith.constant 0 : i32
    %dma_start3A_229 = arith.constant 46592 : i32
    %dma_start3A_230 = tpu.memref_slice %arg6[%dma_start3A_229] : memref<53248xf32, #tpu.memory_space<vmem>> -> memref<3328xf32, #tpu.memory_space<vmem>>
    %dma_start3A_231 = arith.constant 46592 : i32
    %dma_start3A_232 = tpu.memref_slice %arg5[%dma_start3A_231] : memref<53248xi32, #tpu.memory_space<vmem>> -> memref<3328xi32, #tpu.memory_space<vmem>>
    %dma_start3A_233 = arith.constant 0 : i32
    %dma_start3A_234 = arith.constant 0 : i32
    %dma_start3A_235 = tpu.memref_slice %arg3[%dma_start3A_227, %dma_start3A_233, %dma_start3A_234] : memref<26x16x100000xf32, #tpu.memory_space<hbm>> -> memref<1x16x100000xf32, #tpu.memory_space<hbm>>
    %dma_start3A_236 = tpu.memref_squeeze %dma_start3A_235 : memref<1x16x100000xf32, #tpu.memory_space<hbm>> -> memref<16x100000xf32, #tpu.memory_space<hbm>>
    %dma_start3A_237 = arith.constant 0 : i32
    %dma_start3A_238 = tpu.memref_slice %dma_start3A_236[%dma_start3A_228, %dma_start3A_237] : memref<16x100000xf32, #tpu.memory_space<hbm>> -> memref<1x100000xf32, #tpu.memory_space<hbm>>
    %dma_start3A_239 = tpu.memref_squeeze %dma_start3A_238 : memref<1x100000xf32, #tpu.memory_space<hbm>> -> memref<100000xf32, #tpu.memory_space<hbm>>
    %dma_start3A_240 = arith.constant 0 : i32
    %dma_start3A_241 = tpu.memref_slice %dma_start3A_239[%dma_start3A_240] : memref<100000xf32, #tpu.memory_space<hbm>> -> memref<100000xf32, #tpu.memory_space<hbm>>
    tpu.enqueue_indirect_dma source(%dma_start3A_241 : memref<100000xf32, #tpu.memory_space<hbm>>) target(%dma_start3A_230 : memref<3328xf32, #tpu.memory_space<vmem>>) offsets(%dma_start3A_232 : memref<3328xi32, #tpu.memory_space<vmem>>) semaphore(%arg7 : memref<!tpu.dma_semaphore, #tpu.memory_space<semaphore_mem>>)
    %dma_start3A_242 = arith.constant 0 : i32
    %dma_start3A_243 = arith.constant 0 : i32
    %dma_start3A_244 = arith.constant 49920 : i32
    %dma_start3A_245 = tpu.memref_slice %arg6[%dma_start3A_244] : memref<53248xf32, #tpu.memory_space<vmem>> -> memref<3328xf32, #tpu.memory_space<vmem>>
    %dma_start3A_246 = arith.constant 49920 : i32
    %dma_start3A_247 = tpu.memref_slice %arg5[%dma_start3A_246] : memref<53248xi32, #tpu.memory_space<vmem>> -> memref<3328xi32, #tpu.memory_space<vmem>>
    %dma_start3A_248 = arith.constant 0 : i32
    %dma_start3A_249 = arith.constant 0 : i32
    %dma_start3A_250 = tpu.memref_slice %arg3[%dma_start3A_242, %dma_start3A_248, %dma_start3A_249] : memref<26x16x100000xf32, #tpu.memory_space<hbm>> -> memref<1x16x100000xf32, #tpu.memory_space<hbm>>
    %dma_start3A_251 = tpu.memref_squeeze %dma_start3A_250 : memref<1x16x100000xf32, #tpu.memory_space<hbm>> -> memref<16x100000xf32, #tpu.memory_space<hbm>>
    %dma_start3A_252 = arith.constant 0 : i32
    %dma_start3A_253 = tpu.memref_slice %dma_start3A_251[%dma_start3A_243, %dma_start3A_252] : memref<16x100000xf32, #tpu.memory_space<hbm>> -> memref<1x100000xf32, #tpu.memory_space<hbm>>
    %dma_start3A_254 = tpu.memref_squeeze %dma_start3A_253 : memref<1x100000xf32, #tpu.memory_space<hbm>> -> memref<100000xf32, #tpu.memory_space<hbm>>
    %dma_start3A_255 = arith.constant 0 : i32
    %dma_start3A_256 = tpu.memref_slice %dma_start3A_254[%dma_start3A_255] : memref<100000xf32, #tpu.memory_space<hbm>> -> memref<100000xf32, #tpu.memory_space<hbm>>
    tpu.enqueue_indirect_dma source(%dma_start3A_256 : memref<100000xf32, #tpu.memory_space<hbm>>) target(%dma_start3A_245 : memref<3328xf32, #tpu.memory_space<vmem>>) offsets(%dma_start3A_247 : memref<3328xi32, #tpu.memory_space<vmem>>) semaphore(%arg7 : memref<!tpu.dma_semaphore, #tpu.memory_space<semaphore_mem>>)
    %dma_wait3A = arith.constant 0 : i32
    %dma_wait3A_257 = arith.constant 0 : i32
    %dma_wait3A_258 = arith.constant 0 : i32
    %dma_wait3A_259 = tpu.memref_slice %arg6[%dma_wait3A_258] : memref<53248xf32, #tpu.memory_space<vmem>> -> memref<3328xf32, #tpu.memory_space<vmem>>
    %dma_wait3A_260 = arith.constant 0 : i32
    %dma_wait3A_261 = tpu.memref_slice %arg5[%dma_wait3A_260] : memref<53248xi32, #tpu.memory_space<vmem>> -> memref<3328xi32, #tpu.memory_space<vmem>>
    %dma_wait3A_262 = arith.constant 0 : i32
    %dma_wait3A_263 = arith.constant 0 : i32
    %dma_wait3A_264 = tpu.memref_slice %arg3[%dma_wait3A, %dma_wait3A_262, %dma_wait3A_263] : memref<26x16x100000xf32, #tpu.memory_space<hbm>> -> memref<1x16x100000xf32, #tpu.memory_space<hbm>>
    %dma_wait3A_265 = tpu.memref_squeeze %dma_wait3A_264 : memref<1x16x100000xf32, #tpu.memory_space<hbm>> -> memref<16x100000xf32, #tpu.memory_space<hbm>>
    %dma_wait3A_266 = arith.constant 0 : i32
    %dma_wait3A_267 = tpu.memref_slice %dma_wait3A_265[%dma_wait3A_257, %dma_wait3A_266] : memref<16x100000xf32, #tpu.memory_space<hbm>> -> memref<1x100000xf32, #tpu.memory_space<hbm>>
    %dma_wait3A_268 = tpu.memref_squeeze %dma_wait3A_267 : memref<1x100000xf32, #tpu.memory_space<hbm>> -> memref<100000xf32, #tpu.memory_space<hbm>>
    %dma_wait3A_269 = arith.constant 0 : i32
    %dma_wait3A_270 = tpu.memref_slice %dma_wait3A_268[%dma_wait3A_269] : memref<100000xf32, #tpu.memory_space<hbm>> -> memref<100000xf32, #tpu.memory_space<hbm>>
    tpu.wait_indirect_dma semaphore(%arg7 : memref<!tpu.dma_semaphore, #tpu.memory_space<semaphore_mem>>) src(%dma_wait3A_270 : memref<100000xf32, #tpu.memory_space<hbm>>) dst(%dma_wait3A_259 : memref<3328xf32, #tpu.memory_space<vmem>>)
    %dma_start3A_271 = arith.constant 0 : i32
    %dma_start3A_272 = arith.constant 0 : i32
    %dma_start3A_273 = tpu.memref_slice %arg6[%dma_start3A_272] : memref<53248xf32, #tpu.memory_space<vmem>> -> memref<3328xf32, #tpu.memory_space<vmem>>
    %dma_start3A_274 = tpu.memref_slice %arg4[%dma_start3A_271, %mul3A_2] : memref<16x106496xf32, #tpu.memory_space<hbm>> -> memref<1x3328xf32, #tpu.memory_space<hbm>>
    %dma_start3A_275 = tpu.memref_squeeze %dma_start3A_274 : memref<1x3328xf32, #tpu.memory_space<hbm>> -> memref<3328xf32, #tpu.memory_space<hbm>>
    %dma_start3A_276 = tpu.memref_slice %arg4[%dma_start3A_271, %mul3A_2] : memref<16x106496xf32, #tpu.memory_space<hbm>> -> memref<1x3328xf32, #tpu.memory_space<hbm>>
    %dma_start3A_277 = tpu.memref_squeeze %dma_start3A_276 : memref<1x3328xf32, #tpu.memory_space<hbm>> -> memref<3328xf32, #tpu.memory_space<hbm>>
    %dma_start3A_278 = arith.constant 0 : i32
    %dma_start3A_279 = tpu.memref_slice %arg6[%dma_start3A_278] : memref<53248xf32, #tpu.memory_space<vmem>> -> memref<3328xf32, #tpu.memory_space<vmem>>
    tpu.enqueue_dma source(%dma_start3A_279 : memref<3328xf32, #tpu.memory_space<vmem>>) target(%dma_start3A_277 : memref<3328xf32, #tpu.memory_space<hbm>>) target_semaphore(%arg8 : memref<!tpu.dma_semaphore, #tpu.memory_space<semaphore_mem>>)
    %dma_wait3A_280 = arith.constant 0 : i32
    %dma_wait3A_281 = arith.constant 0 : i32
    %dma_wait3A_282 = arith.constant 3328 : i32
    %dma_wait3A_283 = tpu.memref_slice %arg6[%dma_wait3A_282] : memref<53248xf32, #tpu.memory_space<vmem>> -> memref<3328xf32, #tpu.memory_space<vmem>>
    %dma_wait3A_284 = arith.constant 3328 : i32
    %dma_wait3A_285 = tpu.memref_slice %arg5[%dma_wait3A_284] : memref<53248xi32, #tpu.memory_space<vmem>> -> memref<3328xi32, #tpu.memory_space<vmem>>
    %dma_wait3A_286 = arith.constant 0 : i32
    %dma_wait3A_287 = arith.constant 0 : i32
    %dma_wait3A_288 = tpu.memref_slice %arg3[%dma_wait3A_280, %dma_wait3A_286, %dma_wait3A_287] : memref<26x16x100000xf32, #tpu.memory_space<hbm>> -> memref<1x16x100000xf32, #tpu.memory_space<hbm>>
    %dma_wait3A_289 = tpu.memref_squeeze %dma_wait3A_288 : memref<1x16x100000xf32, #tpu.memory_space<hbm>> -> memref<16x100000xf32, #tpu.memory_space<hbm>>
    %dma_wait3A_290 = arith.constant 0 : i32
    %dma_wait3A_291 = tpu.memref_slice %dma_wait3A_289[%dma_wait3A_281, %dma_wait3A_290] : memref<16x100000xf32, #tpu.memory_space<hbm>> -> memref<1x100000xf32, #tpu.memory_space<hbm>>
    %dma_wait3A_292 = tpu.memref_squeeze %dma_wait3A_291 : memref<1x100000xf32, #tpu.memory_space<hbm>> -> memref<100000xf32, #tpu.memory_space<hbm>>
    %dma_wait3A_293 = arith.constant 0 : i32
    %dma_wait3A_294 = tpu.memref_slice %dma_wait3A_292[%dma_wait3A_293] : memref<100000xf32, #tpu.memory_space<hbm>> -> memref<100000xf32, #tpu.memory_space<hbm>>
    tpu.wait_indirect_dma semaphore(%arg7 : memref<!tpu.dma_semaphore, #tpu.memory_space<semaphore_mem>>) src(%dma_wait3A_294 : memref<100000xf32, #tpu.memory_space<hbm>>) dst(%dma_wait3A_283 : memref<3328xf32, #tpu.memory_space<vmem>>)
    %dma_start3A_295 = arith.constant 1 : i32
    %dma_start3A_296 = arith.constant 3328 : i32
    %dma_start3A_297 = tpu.memref_slice %arg6[%dma_start3A_296] : memref<53248xf32, #tpu.memory_space<vmem>> -> memref<3328xf32, #tpu.memory_space<vmem>>
    %dma_start3A_298 = tpu.memref_slice %arg4[%dma_start3A_295, %mul3A_2] : memref<16x106496xf32, #tpu.memory_space<hbm>> -> memref<1x3328xf32, #tpu.memory_space<hbm>>
    %dma_start3A_299 = tpu.memref_squeeze %dma_start3A_298 : memref<1x3328xf32, #tpu.memory_space<hbm>> -> memref<3328xf32, #tpu.memory_space<hbm>>
    %dma_start3A_300 = tpu.memref_slice %arg4[%dma_start3A_295, %mul3A_2] : memref<16x106496xf32, #tpu.memory_space<hbm>> -> memref<1x3328xf32, #tpu.memory_space<hbm>>
    %dma_start3A_301 = tpu.memref_squeeze %dma_start3A_300 : memref<1x3328xf32, #tpu.memory_space<hbm>> -> memref<3328xf32, #tpu.memory_space<hbm>>
    %dma_start3A_302 = arith.constant 3328 : i32
    %dma_start3A_303 = tpu.memref_slice %arg6[%dma_start3A_302] : memref<53248xf32, #tpu.memory_space<vmem>> -> memref<3328xf32, #tpu.memory_space<vmem>>
    tpu.enqueue_dma source(%dma_start3A_303 : memref<3328xf32, #tpu.memory_space<vmem>>) target(%dma_start3A_301 : memref<3328xf32, #tpu.memory_space<hbm>>) target_semaphore(%arg8 : memref<!tpu.dma_semaphore, #tpu.memory_space<semaphore_mem>>)
    %dma_wait3A_304 = arith.constant 0 : i32
    %dma_wait3A_305 = arith.constant 0 : i32
    %dma_wait3A_306 = arith.constant 6656 : i32
    %dma_wait3A_307 = tpu.memref_slice %arg6[%dma_wait3A_306] : memref<53248xf32, #tpu.memory_space<vmem>> -> memref<3328xf32, #tpu.memory_space<vmem>>
    %dma_wait3A_308 = arith.constant 6656 : i32
    %dma_wait3A_309 = tpu.memref_slice %arg5[%dma_wait3A_308] : memref<53248xi32, #tpu.memory_space<vmem>> -> memref<3328xi32, #tpu.memory_space<vmem>>
    %dma_wait3A_310 = arith.constant 0 : i32
    %dma_wait3A_311 = arith.constant 0 : i32
    %dma_wait3A_312 = tpu.memref_slice %arg3[%dma_wait3A_304, %dma_wait3A_310, %dma_wait3A_311] : memref<26x16x100000xf32, #tpu.memory_space<hbm>> -> memref<1x16x100000xf32, #tpu.memory_space<hbm>>
    %dma_wait3A_313 = tpu.memref_squeeze %dma_wait3A_312 : memref<1x16x100000xf32, #tpu.memory_space<hbm>> -> memref<16x100000xf32, #tpu.memory_space<hbm>>
    %dma_wait3A_314 = arith.constant 0 : i32
    %dma_wait3A_315 = tpu.memref_slice %dma_wait3A_313[%dma_wait3A_305, %dma_wait3A_314] : memref<16x100000xf32, #tpu.memory_space<hbm>> -> memref<1x100000xf32, #tpu.memory_space<hbm>>
    %dma_wait3A_316 = tpu.memref_squeeze %dma_wait3A_315 : memref<1x100000xf32, #tpu.memory_space<hbm>> -> memref<100000xf32, #tpu.memory_space<hbm>>
    %dma_wait3A_317 = arith.constant 0 : i32
    %dma_wait3A_318 = tpu.memref_slice %dma_wait3A_316[%dma_wait3A_317] : memref<100000xf32, #tpu.memory_space<hbm>> -> memref<100000xf32, #tpu.memory_space<hbm>>
    tpu.wait_indirect_dma semaphore(%arg7 : memref<!tpu.dma_semaphore, #tpu.memory_space<semaphore_mem>>) src(%dma_wait3A_318 : memref<100000xf32, #tpu.memory_space<hbm>>) dst(%dma_wait3A_307 : memref<3328xf32, #tpu.memory_space<vmem>>)
    %dma_start3A_319 = arith.constant 2 : i32
    %dma_start3A_320 = arith.constant 6656 : i32
    %dma_start3A_321 = tpu.memref_slice %arg6[%dma_start3A_320] : memref<53248xf32, #tpu.memory_space<vmem>> -> memref<3328xf32, #tpu.memory_space<vmem>>
    %dma_start3A_322 = tpu.memref_slice %arg4[%dma_start3A_319, %mul3A_2] : memref<16x106496xf32, #tpu.memory_space<hbm>> -> memref<1x3328xf32, #tpu.memory_space<hbm>>
    %dma_start3A_323 = tpu.memref_squeeze %dma_start3A_322 : memref<1x3328xf32, #tpu.memory_space<hbm>> -> memref<3328xf32, #tpu.memory_space<hbm>>
    %dma_start3A_324 = tpu.memref_slice %arg4[%dma_start3A_319, %mul3A_2] : memref<16x106496xf32, #tpu.memory_space<hbm>> -> memref<1x3328xf32, #tpu.memory_space<hbm>>
    %dma_start3A_325 = tpu.memref_squeeze %dma_start3A_324 : memref<1x3328xf32, #tpu.memory_space<hbm>> -> memref<3328xf32, #tpu.memory_space<hbm>>
    %dma_start3A_326 = arith.constant 6656 : i32
    %dma_start3A_327 = tpu.memref_slice %arg6[%dma_start3A_326] : memref<53248xf32, #tpu.memory_space<vmem>> -> memref<3328xf32, #tpu.memory_space<vmem>>
    tpu.enqueue_dma source(%dma_start3A_327 : memref<3328xf32, #tpu.memory_space<vmem>>) target(%dma_start3A_325 : memref<3328xf32, #tpu.memory_space<hbm>>) target_semaphore(%arg8 : memref<!tpu.dma_semaphore, #tpu.memory_space<semaphore_mem>>)
    %dma_wait3A_328 = arith.constant 0 : i32
    %dma_wait3A_329 = arith.constant 0 : i32
    %dma_wait3A_330 = arith.constant 9984 : i32
    %dma_wait3A_331 = tpu.memref_slice %arg6[%dma_wait3A_330] : memref<53248xf32, #tpu.memory_space<vmem>> -> memref<3328xf32, #tpu.memory_space<vmem>>
    %dma_wait3A_332 = arith.constant 9984 : i32
    %dma_wait3A_333 = tpu.memref_slice %arg5[%dma_wait3A_332] : memref<53248xi32, #tpu.memory_space<vmem>> -> memref<3328xi32, #tpu.memory_space<vmem>>
    %dma_wait3A_334 = arith.constant 0 : i32
    %dma_wait3A_335 = arith.constant 0 : i32
    %dma_wait3A_336 = tpu.memref_slice %arg3[%dma_wait3A_328, %dma_wait3A_334, %dma_wait3A_335] : memref<26x16x100000xf32, #tpu.memory_space<hbm>> -> memref<1x16x100000xf32, #tpu.memory_space<hbm>>
    %dma_wait3A_337 = tpu.memref_squeeze %dma_wait3A_336 : memref<1x16x100000xf32, #tpu.memory_space<hbm>> -> memref<16x100000xf32, #tpu.memory_space<hbm>>
    %dma_wait3A_338 = arith.constant 0 : i32
    %dma_wait3A_339 = tpu.memref_slice %dma_wait3A_337[%dma_wait3A_329, %dma_wait3A_338] : memref<16x100000xf32, #tpu.memory_space<hbm>> -> memref<1x100000xf32, #tpu.memory_space<hbm>>
    %dma_wait3A_340 = tpu.memref_squeeze %dma_wait3A_339 : memref<1x100000xf32, #tpu.memory_space<hbm>> -> memref<100000xf32, #tpu.memory_space<hbm>>
    %dma_wait3A_341 = arith.constant 0 : i32
    %dma_wait3A_342 = tpu.memref_slice %dma_wait3A_340[%dma_wait3A_341] : memref<100000xf32, #tpu.memory_space<hbm>> -> memref<100000xf32, #tpu.memory_space<hbm>>
    tpu.wait_indirect_dma semaphore(%arg7 : memref<!tpu.dma_semaphore, #tpu.memory_space<semaphore_mem>>) src(%dma_wait3A_342 : memref<100000xf32, #tpu.memory_space<hbm>>) dst(%dma_wait3A_331 : memref<3328xf32, #tpu.memory_space<vmem>>)
    %dma_start3A_343 = arith.constant 3 : i32
    %dma_start3A_344 = arith.constant 9984 : i32
    %dma_start3A_345 = tpu.memref_slice %arg6[%dma_start3A_344] : memref<53248xf32, #tpu.memory_space<vmem>> -> memref<3328xf32, #tpu.memory_space<vmem>>
    %dma_start3A_346 = tpu.memref_slice %arg4[%dma_start3A_343, %mul3A_2] : memref<16x106496xf32, #tpu.memory_space<hbm>> -> memref<1x3328xf32, #tpu.memory_space<hbm>>
    %dma_start3A_347 = tpu.memref_squeeze %dma_start3A_346 : memref<1x3328xf32, #tpu.memory_space<hbm>> -> memref<3328xf32, #tpu.memory_space<hbm>>
    %dma_start3A_348 = tpu.memref_slice %arg4[%dma_start3A_343, %mul3A_2] : memref<16x106496xf32, #tpu.memory_space<hbm>> -> memref<1x3328xf32, #tpu.memory_space<hbm>>
    %dma_start3A_349 = tpu.memref_squeeze %dma_start3A_348 : memref<1x3328xf32, #tpu.memory_space<hbm>> -> memref<3328xf32, #tpu.memory_space<hbm>>
    %dma_start3A_350 = arith.constant 9984 : i32
    %dma_start3A_351 = tpu.memref_slice %arg6[%dma_start3A_350] : memref<53248xf32, #tpu.memory_space<vmem>> -> memref<3328xf32, #tpu.memory_space<vmem>>
    tpu.enqueue_dma source(%dma_start3A_351 : memref<3328xf32, #tpu.memory_space<vmem>>) target(%dma_start3A_349 : memref<3328xf32, #tpu.memory_space<hbm>>) target_semaphore(%arg8 : memref<!tpu.dma_semaphore, #tpu.memory_space<semaphore_mem>>)
    %dma_wait3A_352 = arith.constant 0 : i32
    %dma_wait3A_353 = arith.constant 0 : i32
    %dma_wait3A_354 = arith.constant 13312 : i32
    %dma_wait3A_355 = tpu.memref_slice %arg6[%dma_wait3A_354] : memref<53248xf32, #tpu.memory_space<vmem>> -> memref<3328xf32, #tpu.memory_space<vmem>>
    %dma_wait3A_356 = arith.constant 13312 : i32
    %dma_wait3A_357 = tpu.memref_slice %arg5[%dma_wait3A_356] : memref<53248xi32, #tpu.memory_space<vmem>> -> memref<3328xi32, #tpu.memory_space<vmem>>
    %dma_wait3A_358 = arith.constant 0 : i32
    %dma_wait3A_359 = arith.constant 0 : i32
    %dma_wait3A_360 = tpu.memref_slice %arg3[%dma_wait3A_352, %dma_wait3A_358, %dma_wait3A_359] : memref<26x16x100000xf32, #tpu.memory_space<hbm>> -> memref<1x16x100000xf32, #tpu.memory_space<hbm>>
    %dma_wait3A_361 = tpu.memref_squeeze %dma_wait3A_360 : memref<1x16x100000xf32, #tpu.memory_space<hbm>> -> memref<16x100000xf32, #tpu.memory_space<hbm>>
    %dma_wait3A_362 = arith.constant 0 : i32
    %dma_wait3A_363 = tpu.memref_slice %dma_wait3A_361[%dma_wait3A_353, %dma_wait3A_362] : memref<16x100000xf32, #tpu.memory_space<hbm>> -> memref<1x100000xf32, #tpu.memory_space<hbm>>
    %dma_wait3A_364 = tpu.memref_squeeze %dma_wait3A_363 : memref<1x100000xf32, #tpu.memory_space<hbm>> -> memref<100000xf32, #tpu.memory_space<hbm>>
    %dma_wait3A_365 = arith.constant 0 : i32
    %dma_wait3A_366 = tpu.memref_slice %dma_wait3A_364[%dma_wait3A_365] : memref<100000xf32, #tpu.memory_space<hbm>> -> memref<100000xf32, #tpu.memory_space<hbm>>
    tpu.wait_indirect_dma semaphore(%arg7 : memref<!tpu.dma_semaphore, #tpu.memory_space<semaphore_mem>>) src(%dma_wait3A_366 : memref<100000xf32, #tpu.memory_space<hbm>>) dst(%dma_wait3A_355 : memref<3328xf32, #tpu.memory_space<vmem>>)
    %dma_start3A_367 = arith.constant 4 : i32
    %dma_start3A_368 = arith.constant 13312 : i32
    %dma_start3A_369 = tpu.memref_slice %arg6[%dma_start3A_368] : memref<53248xf32, #tpu.memory_space<vmem>> -> memref<3328xf32, #tpu.memory_space<vmem>>
    %dma_start3A_370 = tpu.memref_slice %arg4[%dma_start3A_367, %mul3A_2] : memref<16x106496xf32, #tpu.memory_space<hbm>> -> memref<1x3328xf32, #tpu.memory_space<hbm>>
    %dma_start3A_371 = tpu.memref_squeeze %dma_start3A_370 : memref<1x3328xf32, #tpu.memory_space<hbm>> -> memref<3328xf32, #tpu.memory_space<hbm>>
    %dma_start3A_372 = tpu.memref_slice %arg4[%dma_start3A_367, %mul3A_2] : memref<16x106496xf32, #tpu.memory_space<hbm>> -> memref<1x3328xf32, #tpu.memory_space<hbm>>
    %dma_start3A_373 = tpu.memref_squeeze %dma_start3A_372 : memref<1x3328xf32, #tpu.memory_space<hbm>> -> memref<3328xf32, #tpu.memory_space<hbm>>
    %dma_start3A_374 = arith.constant 13312 : i32
    %dma_start3A_375 = tpu.memref_slice %arg6[%dma_start3A_374] : memref<53248xf32, #tpu.memory_space<vmem>> -> memref<3328xf32, #tpu.memory_space<vmem>>
    tpu.enqueue_dma source(%dma_start3A_375 : memref<3328xf32, #tpu.memory_space<vmem>>) target(%dma_start3A_373 : memref<3328xf32, #tpu.memory_space<hbm>>) target_semaphore(%arg8 : memref<!tpu.dma_semaphore, #tpu.memory_space<semaphore_mem>>)
    %dma_wait3A_376 = arith.constant 0 : i32
    %dma_wait3A_377 = arith.constant 0 : i32
    %dma_wait3A_378 = arith.constant 16640 : i32
    %dma_wait3A_379 = tpu.memref_slice %arg6[%dma_wait3A_378] : memref<53248xf32, #tpu.memory_space<vmem>> -> memref<3328xf32, #tpu.memory_space<vmem>>
    %dma_wait3A_380 = arith.constant 16640 : i32
    %dma_wait3A_381 = tpu.memref_slice %arg5[%dma_wait3A_380] : memref<53248xi32, #tpu.memory_space<vmem>> -> memref<3328xi32, #tpu.memory_space<vmem>>
    %dma_wait3A_382 = arith.constant 0 : i32
    %dma_wait3A_383 = arith.constant 0 : i32
    %dma_wait3A_384 = tpu.memref_slice %arg3[%dma_wait3A_376, %dma_wait3A_382, %dma_wait3A_383] : memref<26x16x100000xf32, #tpu.memory_space<hbm>> -> memref<1x16x100000xf32, #tpu.memory_space<hbm>>
    %dma_wait3A_385 = tpu.memref_squeeze %dma_wait3A_384 : memref<1x16x100000xf32, #tpu.memory_space<hbm>> -> memref<16x100000xf32, #tpu.memory_space<hbm>>
    %dma_wait3A_386 = arith.constant 0 : i32
    %dma_wait3A_387 = tpu.memref_slice %dma_wait3A_385[%dma_wait3A_377, %dma_wait3A_386] : memref<16x100000xf32, #tpu.memory_space<hbm>> -> memref<1x100000xf32, #tpu.memory_space<hbm>>
    %dma_wait3A_388 = tpu.memref_squeeze %dma_wait3A_387 : memref<1x100000xf32, #tpu.memory_space<hbm>> -> memref<100000xf32, #tpu.memory_space<hbm>>
    %dma_wait3A_389 = arith.constant 0 : i32
    %dma_wait3A_390 = tpu.memref_slice %dma_wait3A_388[%dma_wait3A_389] : memref<100000xf32, #tpu.memory_space<hbm>> -> memref<100000xf32, #tpu.memory_space<hbm>>
    tpu.wait_indirect_dma semaphore(%arg7 : memref<!tpu.dma_semaphore, #tpu.memory_space<semaphore_mem>>) src(%dma_wait3A_390 : memref<100000xf32, #tpu.memory_space<hbm>>) dst(%dma_wait3A_379 : memref<3328xf32, #tpu.memory_space<vmem>>)
    %dma_start3A_391 = arith.constant 5 : i32
    %dma_start3A_392 = arith.constant 16640 : i32
    %dma_start3A_393 = tpu.memref_slice %arg6[%dma_start3A_392] : memref<53248xf32, #tpu.memory_space<vmem>> -> memref<3328xf32, #tpu.memory_space<vmem>>
    %dma_start3A_394 = tpu.memref_slice %arg4[%dma_start3A_391, %mul3A_2] : memref<16x106496xf32, #tpu.memory_space<hbm>> -> memref<1x3328xf32, #tpu.memory_space<hbm>>
    %dma_start3A_395 = tpu.memref_squeeze %dma_start3A_394 : memref<1x3328xf32, #tpu.memory_space<hbm>> -> memref<3328xf32, #tpu.memory_space<hbm>>
    %dma_start3A_396 = tpu.memref_slice %arg4[%dma_start3A_391, %mul3A_2] : memref<16x106496xf32, #tpu.memory_space<hbm>> -> memref<1x3328xf32, #tpu.memory_space<hbm>>
    %dma_start3A_397 = tpu.memref_squeeze %dma_start3A_396 : memref<1x3328xf32, #tpu.memory_space<hbm>> -> memref<3328xf32, #tpu.memory_space<hbm>>
    %dma_start3A_398 = arith.constant 16640 : i32
    %dma_start3A_399 = tpu.memref_slice %arg6[%dma_start3A_398] : memref<53248xf32, #tpu.memory_space<vmem>> -> memref<3328xf32, #tpu.memory_space<vmem>>
    tpu.enqueue_dma source(%dma_start3A_399 : memref<3328xf32, #tpu.memory_space<vmem>>) target(%dma_start3A_397 : memref<3328xf32, #tpu.memory_space<hbm>>) target_semaphore(%arg8 : memref<!tpu.dma_semaphore, #tpu.memory_space<semaphore_mem>>)
    %dma_wait3A_400 = arith.constant 0 : i32
    %dma_wait3A_401 = arith.constant 0 : i32
    %dma_wait3A_402 = arith.constant 19968 : i32
    %dma_wait3A_403 = tpu.memref_slice %arg6[%dma_wait3A_402] : memref<53248xf32, #tpu.memory_space<vmem>> -> memref<3328xf32, #tpu.memory_space<vmem>>
    %dma_wait3A_404 = arith.constant 19968 : i32
    %dma_wait3A_405 = tpu.memref_slice %arg5[%dma_wait3A_404] : memref<53248xi32, #tpu.memory_space<vmem>> -> memref<3328xi32, #tpu.memory_space<vmem>>
    %dma_wait3A_406 = arith.constant 0 : i32
    %dma_wait3A_407 = arith.constant 0 : i32
    %dma_wait3A_408 = tpu.memref_slice %arg3[%dma_wait3A_400, %dma_wait3A_406, %dma_wait3A_407] : memref<26x16x100000xf32, #tpu.memory_space<hbm>> -> memref<1x16x100000xf32, #tpu.memory_space<hbm>>
    %dma_wait3A_409 = tpu.memref_squeeze %dma_wait3A_408 : memref<1x16x100000xf32, #tpu.memory_space<hbm>> -> memref<16x100000xf32, #tpu.memory_space<hbm>>
    %dma_wait3A_410 = arith.constant 0 : i32
    %dma_wait3A_411 = tpu.memref_slice %dma_wait3A_409[%dma_wait3A_401, %dma_wait3A_410] : memref<16x100000xf32, #tpu.memory_space<hbm>> -> memref<1x100000xf32, #tpu.memory_space<hbm>>
    %dma_wait3A_412 = tpu.memref_squeeze %dma_wait3A_411 : memref<1x100000xf32, #tpu.memory_space<hbm>> -> memref<100000xf32, #tpu.memory_space<hbm>>
    %dma_wait3A_413 = arith.constant 0 : i32
    %dma_wait3A_414 = tpu.memref_slice %dma_wait3A_412[%dma_wait3A_413] : memref<100000xf32, #tpu.memory_space<hbm>> -> memref<100000xf32, #tpu.memory_space<hbm>>
    tpu.wait_indirect_dma semaphore(%arg7 : memref<!tpu.dma_semaphore, #tpu.memory_space<semaphore_mem>>) src(%dma_wait3A_414 : memref<100000xf32, #tpu.memory_space<hbm>>) dst(%dma_wait3A_403 : memref<3328xf32, #tpu.memory_space<vmem>>)
    %dma_start3A_415 = arith.constant 6 : i32
    %dma_start3A_416 = arith.constant 19968 : i32
    %dma_start3A_417 = tpu.memref_slice %arg6[%dma_start3A_416] : memref<53248xf32, #tpu.memory_space<vmem>> -> memref<3328xf32, #tpu.memory_space<vmem>>
    %dma_start3A_418 = tpu.memref_slice %arg4[%dma_start3A_415, %mul3A_2] : memref<16x106496xf32, #tpu.memory_space<hbm>> -> memref<1x3328xf32, #tpu.memory_space<hbm>>
    %dma_start3A_419 = tpu.memref_squeeze %dma_start3A_418 : memref<1x3328xf32, #tpu.memory_space<hbm>> -> memref<3328xf32, #tpu.memory_space<hbm>>
    %dma_start3A_420 = tpu.memref_slice %arg4[%dma_start3A_415, %mul3A_2] : memref<16x106496xf32, #tpu.memory_space<hbm>> -> memref<1x3328xf32, #tpu.memory_space<hbm>>
    %dma_start3A_421 = tpu.memref_squeeze %dma_start3A_420 : memref<1x3328xf32, #tpu.memory_space<hbm>> -> memref<3328xf32, #tpu.memory_space<hbm>>
    %dma_start3A_422 = arith.constant 19968 : i32
    %dma_start3A_423 = tpu.memref_slice %arg6[%dma_start3A_422] : memref<53248xf32, #tpu.memory_space<vmem>> -> memref<3328xf32, #tpu.memory_space<vmem>>
    tpu.enqueue_dma source(%dma_start3A_423 : memref<3328xf32, #tpu.memory_space<vmem>>) target(%dma_start3A_421 : memref<3328xf32, #tpu.memory_space<hbm>>) target_semaphore(%arg8 : memref<!tpu.dma_semaphore, #tpu.memory_space<semaphore_mem>>)
    %dma_wait3A_424 = arith.constant 0 : i32
    %dma_wait3A_425 = arith.constant 0 : i32
    %dma_wait3A_426 = arith.constant 23296 : i32
    %dma_wait3A_427 = tpu.memref_slice %arg6[%dma_wait3A_426] : memref<53248xf32, #tpu.memory_space<vmem>> -> memref<3328xf32, #tpu.memory_space<vmem>>
    %dma_wait3A_428 = arith.constant 23296 : i32
    %dma_wait3A_429 = tpu.memref_slice %arg5[%dma_wait3A_428] : memref<53248xi32, #tpu.memory_space<vmem>> -> memref<3328xi32, #tpu.memory_space<vmem>>
    %dma_wait3A_430 = arith.constant 0 : i32
    %dma_wait3A_431 = arith.constant 0 : i32
    %dma_wait3A_432 = tpu.memref_slice %arg3[%dma_wait3A_424, %dma_wait3A_430, %dma_wait3A_431] : memref<26x16x100000xf32, #tpu.memory_space<hbm>> -> memref<1x16x100000xf32, #tpu.memory_space<hbm>>
    %dma_wait3A_433 = tpu.memref_squeeze %dma_wait3A_432 : memref<1x16x100000xf32, #tpu.memory_space<hbm>> -> memref<16x100000xf32, #tpu.memory_space<hbm>>
    %dma_wait3A_434 = arith.constant 0 : i32
    %dma_wait3A_435 = tpu.memref_slice %dma_wait3A_433[%dma_wait3A_425, %dma_wait3A_434] : memref<16x100000xf32, #tpu.memory_space<hbm>> -> memref<1x100000xf32, #tpu.memory_space<hbm>>
    %dma_wait3A_436 = tpu.memref_squeeze %dma_wait3A_435 : memref<1x100000xf32, #tpu.memory_space<hbm>> -> memref<100000xf32, #tpu.memory_space<hbm>>
    %dma_wait3A_437 = arith.constant 0 : i32
    %dma_wait3A_438 = tpu.memref_slice %dma_wait3A_436[%dma_wait3A_437] : memref<100000xf32, #tpu.memory_space<hbm>> -> memref<100000xf32, #tpu.memory_space<hbm>>
    tpu.wait_indirect_dma semaphore(%arg7 : memref<!tpu.dma_semaphore, #tpu.memory_space<semaphore_mem>>) src(%dma_wait3A_438 : memref<100000xf32, #tpu.memory_space<hbm>>) dst(%dma_wait3A_427 : memref<3328xf32, #tpu.memory_space<vmem>>)
    %dma_start3A_439 = arith.constant 7 : i32
    %dma_start3A_440 = arith.constant 23296 : i32
    %dma_start3A_441 = tpu.memref_slice %arg6[%dma_start3A_440] : memref<53248xf32, #tpu.memory_space<vmem>> -> memref<3328xf32, #tpu.memory_space<vmem>>
    %dma_start3A_442 = tpu.memref_slice %arg4[%dma_start3A_439, %mul3A_2] : memref<16x106496xf32, #tpu.memory_space<hbm>> -> memref<1x3328xf32, #tpu.memory_space<hbm>>
    %dma_start3A_443 = tpu.memref_squeeze %dma_start3A_442 : memref<1x3328xf32, #tpu.memory_space<hbm>> -> memref<3328xf32, #tpu.memory_space<hbm>>
    %dma_start3A_444 = tpu.memref_slice %arg4[%dma_start3A_439, %mul3A_2] : memref<16x106496xf32, #tpu.memory_space<hbm>> -> memref<1x3328xf32, #tpu.memory_space<hbm>>
    %dma_start3A_445 = tpu.memref_squeeze %dma_start3A_444 : memref<1x3328xf32, #tpu.memory_space<hbm>> -> memref<3328xf32, #tpu.memory_space<hbm>>
    %dma_start3A_446 = arith.constant 23296 : i32
    %dma_start3A_447 = tpu.memref_slice %arg6[%dma_start3A_446] : memref<53248xf32, #tpu.memory_space<vmem>> -> memref<3328xf32, #tpu.memory_space<vmem>>
    tpu.enqueue_dma source(%dma_start3A_447 : memref<3328xf32, #tpu.memory_space<vmem>>) target(%dma_start3A_445 : memref<3328xf32, #tpu.memory_space<hbm>>) target_semaphore(%arg8 : memref<!tpu.dma_semaphore, #tpu.memory_space<semaphore_mem>>)
    %dma_wait3A_448 = arith.constant 0 : i32
    %dma_wait3A_449 = arith.constant 0 : i32
    %dma_wait3A_450 = arith.constant 26624 : i32
    %dma_wait3A_451 = tpu.memref_slice %arg6[%dma_wait3A_450] : memref<53248xf32, #tpu.memory_space<vmem>> -> memref<3328xf32, #tpu.memory_space<vmem>>
    %dma_wait3A_452 = arith.constant 26624 : i32
    %dma_wait3A_453 = tpu.memref_slice %arg5[%dma_wait3A_452] : memref<53248xi32, #tpu.memory_space<vmem>> -> memref<3328xi32, #tpu.memory_space<vmem>>
    %dma_wait3A_454 = arith.constant 0 : i32
    %dma_wait3A_455 = arith.constant 0 : i32
    %dma_wait3A_456 = tpu.memref_slice %arg3[%dma_wait3A_448, %dma_wait3A_454, %dma_wait3A_455] : memref<26x16x100000xf32, #tpu.memory_space<hbm>> -> memref<1x16x100000xf32, #tpu.memory_space<hbm>>
    %dma_wait3A_457 = tpu.memref_squeeze %dma_wait3A_456 : memref<1x16x100000xf32, #tpu.memory_space<hbm>> -> memref<16x100000xf32, #tpu.memory_space<hbm>>
    %dma_wait3A_458 = arith.constant 0 : i32
    %dma_wait3A_459 = tpu.memref_slice %dma_wait3A_457[%dma_wait3A_449, %dma_wait3A_458] : memref<16x100000xf32, #tpu.memory_space<hbm>> -> memref<1x100000xf32, #tpu.memory_space<hbm>>
    %dma_wait3A_460 = tpu.memref_squeeze %dma_wait3A_459 : memref<1x100000xf32, #tpu.memory_space<hbm>> -> memref<100000xf32, #tpu.memory_space<hbm>>
    %dma_wait3A_461 = arith.constant 0 : i32
    %dma_wait3A_462 = tpu.memref_slice %dma_wait3A_460[%dma_wait3A_461] : memref<100000xf32, #tpu.memory_space<hbm>> -> memref<100000xf32, #tpu.memory_space<hbm>>
    tpu.wait_indirect_dma semaphore(%arg7 : memref<!tpu.dma_semaphore, #tpu.memory_space<semaphore_mem>>) src(%dma_wait3A_462 : memref<100000xf32, #tpu.memory_space<hbm>>) dst(%dma_wait3A_451 : memref<3328xf32, #tpu.memory_space<vmem>>)
    %dma_start3A_463 = arith.constant 8 : i32
    %dma_start3A_464 = arith.constant 26624 : i32
    %dma_start3A_465 = tpu.memref_slice %arg6[%dma_start3A_464] : memref<53248xf32, #tpu.memory_space<vmem>> -> memref<3328xf32, #tpu.memory_space<vmem>>
    %dma_start3A_466 = tpu.memref_slice %arg4[%dma_start3A_463, %mul3A_2] : memref<16x106496xf32, #tpu.memory_space<hbm>> -> memref<1x3328xf32, #tpu.memory_space<hbm>>
    %dma_start3A_467 = tpu.memref_squeeze %dma_start3A_466 : memref<1x3328xf32, #tpu.memory_space<hbm>> -> memref<3328xf32, #tpu.memory_space<hbm>>
    %dma_start3A_468 = tpu.memref_slice %arg4[%dma_start3A_463, %mul3A_2] : memref<16x106496xf32, #tpu.memory_space<hbm>> -> memref<1x3328xf32, #tpu.memory_space<hbm>>
    %dma_start3A_469 = tpu.memref_squeeze %dma_start3A_468 : memref<1x3328xf32, #tpu.memory_space<hbm>> -> memref<3328xf32, #tpu.memory_space<hbm>>
    %dma_start3A_470 = arith.constant 26624 : i32
    %dma_start3A_471 = tpu.memref_slice %arg6[%dma_start3A_470] : memref<53248xf32, #tpu.memory_space<vmem>> -> memref<3328xf32, #tpu.memory_space<vmem>>
    tpu.enqueue_dma source(%dma_start3A_471 : memref<3328xf32, #tpu.memory_space<vmem>>) target(%dma_start3A_469 : memref<3328xf32, #tpu.memory_space<hbm>>) target_semaphore(%arg8 : memref<!tpu.dma_semaphore, #tpu.memory_space<semaphore_mem>>)
    %dma_wait3A_472 = arith.constant 0 : i32
    %dma_wait3A_473 = arith.constant 0 : i32
    %dma_wait3A_474 = arith.constant 29952 : i32
    %dma_wait3A_475 = tpu.memref_slice %arg6[%dma_wait3A_474] : memref<53248xf32, #tpu.memory_space<vmem>> -> memref<3328xf32, #tpu.memory_space<vmem>>
    %dma_wait3A_476 = arith.constant 29952 : i32
    %dma_wait3A_477 = tpu.memref_slice %arg5[%dma_wait3A_476] : memref<53248xi32, #tpu.memory_space<vmem>> -> memref<3328xi32, #tpu.memory_space<vmem>>
    %dma_wait3A_478 = arith.constant 0 : i32
    %dma_wait3A_479 = arith.constant 0 : i32
    %dma_wait3A_480 = tpu.memref_slice %arg3[%dma_wait3A_472, %dma_wait3A_478, %dma_wait3A_479] : memref<26x16x100000xf32, #tpu.memory_space<hbm>> -> memref<1x16x100000xf32, #tpu.memory_space<hbm>>
    %dma_wait3A_481 = tpu.memref_squeeze %dma_wait3A_480 : memref<1x16x100000xf32, #tpu.memory_space<hbm>> -> memref<16x100000xf32, #tpu.memory_space<hbm>>
    %dma_wait3A_482 = arith.constant 0 : i32
    %dma_wait3A_483 = tpu.memref_slice %dma_wait3A_481[%dma_wait3A_473, %dma_wait3A_482] : memref<16x100000xf32, #tpu.memory_space<hbm>> -> memref<1x100000xf32, #tpu.memory_space<hbm>>
    %dma_wait3A_484 = tpu.memref_squeeze %dma_wait3A_483 : memref<1x100000xf32, #tpu.memory_space<hbm>> -> memref<100000xf32, #tpu.memory_space<hbm>>
    %dma_wait3A_485 = arith.constant 0 : i32
    %dma_wait3A_486 = tpu.memref_slice %dma_wait3A_484[%dma_wait3A_485] : memref<100000xf32, #tpu.memory_space<hbm>> -> memref<100000xf32, #tpu.memory_space<hbm>>
    tpu.wait_indirect_dma semaphore(%arg7 : memref<!tpu.dma_semaphore, #tpu.memory_space<semaphore_mem>>) src(%dma_wait3A_486 : memref<100000xf32, #tpu.memory_space<hbm>>) dst(%dma_wait3A_475 : memref<3328xf32, #tpu.memory_space<vmem>>)
    %dma_start3A_487 = arith.constant 9 : i32
    %dma_start3A_488 = arith.constant 29952 : i32
    %dma_start3A_489 = tpu.memref_slice %arg6[%dma_start3A_488] : memref<53248xf32, #tpu.memory_space<vmem>> -> memref<3328xf32, #tpu.memory_space<vmem>>
    %dma_start3A_490 = tpu.memref_slice %arg4[%dma_start3A_487, %mul3A_2] : memref<16x106496xf32, #tpu.memory_space<hbm>> -> memref<1x3328xf32, #tpu.memory_space<hbm>>
    %dma_start3A_491 = tpu.memref_squeeze %dma_start3A_490 : memref<1x3328xf32, #tpu.memory_space<hbm>> -> memref<3328xf32, #tpu.memory_space<hbm>>
    %dma_start3A_492 = tpu.memref_slice %arg4[%dma_start3A_487, %mul3A_2] : memref<16x106496xf32, #tpu.memory_space<hbm>> -> memref<1x3328xf32, #tpu.memory_space<hbm>>
    %dma_start3A_493 = tpu.memref_squeeze %dma_start3A_492 : memref<1x3328xf32, #tpu.memory_space<hbm>> -> memref<3328xf32, #tpu.memory_space<hbm>>
    %dma_start3A_494 = arith.constant 29952 : i32
    %dma_start3A_495 = tpu.memref_slice %arg6[%dma_start3A_494] : memref<53248xf32, #tpu.memory_space<vmem>> -> memref<3328xf32, #tpu.memory_space<vmem>>
    tpu.enqueue_dma source(%dma_start3A_495 : memref<3328xf32, #tpu.memory_space<vmem>>) target(%dma_start3A_493 : memref<3328xf32, #tpu.memory_space<hbm>>) target_semaphore(%arg8 : memref<!tpu.dma_semaphore, #tpu.memory_space<semaphore_mem>>)
    %dma_wait3A_496 = arith.constant 0 : i32
    %dma_wait3A_497 = arith.constant 0 : i32
    %dma_wait3A_498 = arith.constant 33280 : i32
    %dma_wait3A_499 = tpu.memref_slice %arg6[%dma_wait3A_498] : memref<53248xf32, #tpu.memory_space<vmem>> -> memref<3328xf32, #tpu.memory_space<vmem>>
    %dma_wait3A_500 = arith.constant 33280 : i32
    %dma_wait3A_501 = tpu.memref_slice %arg5[%dma_wait3A_500] : memref<53248xi32, #tpu.memory_space<vmem>> -> memref<3328xi32, #tpu.memory_space<vmem>>
    %dma_wait3A_502 = arith.constant 0 : i32
    %dma_wait3A_503 = arith.constant 0 : i32
    %dma_wait3A_504 = tpu.memref_slice %arg3[%dma_wait3A_496, %dma_wait3A_502, %dma_wait3A_503] : memref<26x16x100000xf32, #tpu.memory_space<hbm>> -> memref<1x16x100000xf32, #tpu.memory_space<hbm>>
    %dma_wait3A_505 = tpu.memref_squeeze %dma_wait3A_504 : memref<1x16x100000xf32, #tpu.memory_space<hbm>> -> memref<16x100000xf32, #tpu.memory_space<hbm>>
    %dma_wait3A_506 = arith.constant 0 : i32
    %dma_wait3A_507 = tpu.memref_slice %dma_wait3A_505[%dma_wait3A_497, %dma_wait3A_506] : memref<16x100000xf32, #tpu.memory_space<hbm>> -> memref<1x100000xf32, #tpu.memory_space<hbm>>
    %dma_wait3A_508 = tpu.memref_squeeze %dma_wait3A_507 : memref<1x100000xf32, #tpu.memory_space<hbm>> -> memref<100000xf32, #tpu.memory_space<hbm>>
    %dma_wait3A_509 = arith.constant 0 : i32
    %dma_wait3A_510 = tpu.memref_slice %dma_wait3A_508[%dma_wait3A_509] : memref<100000xf32, #tpu.memory_space<hbm>> -> memref<100000xf32, #tpu.memory_space<hbm>>
    tpu.wait_indirect_dma semaphore(%arg7 : memref<!tpu.dma_semaphore, #tpu.memory_space<semaphore_mem>>) src(%dma_wait3A_510 : memref<100000xf32, #tpu.memory_space<hbm>>) dst(%dma_wait3A_499 : memref<3328xf32, #tpu.memory_space<vmem>>)
    %dma_start3A_511 = arith.constant 10 : i32
    %dma_start3A_512 = arith.constant 33280 : i32
    %dma_start3A_513 = tpu.memref_slice %arg6[%dma_start3A_512] : memref<53248xf32, #tpu.memory_space<vmem>> -> memref<3328xf32, #tpu.memory_space<vmem>>
    %dma_start3A_514 = tpu.memref_slice %arg4[%dma_start3A_511, %mul3A_2] : memref<16x106496xf32, #tpu.memory_space<hbm>> -> memref<1x3328xf32, #tpu.memory_space<hbm>>
    %dma_start3A_515 = tpu.memref_squeeze %dma_start3A_514 : memref<1x3328xf32, #tpu.memory_space<hbm>> -> memref<3328xf32, #tpu.memory_space<hbm>>
    %dma_start3A_516 = tpu.memref_slice %arg4[%dma_start3A_511, %mul3A_2] : memref<16x106496xf32, #tpu.memory_space<hbm>> -> memref<1x3328xf32, #tpu.memory_space<hbm>>
    %dma_start3A_517 = tpu.memref_squeeze %dma_start3A_516 : memref<1x3328xf32, #tpu.memory_space<hbm>> -> memref<3328xf32, #tpu.memory_space<hbm>>
    %dma_start3A_518 = arith.constant 33280 : i32
    %dma_start3A_519 = tpu.memref_slice %arg6[%dma_start3A_518] : memref<53248xf32, #tpu.memory_space<vmem>> -> memref<3328xf32, #tpu.memory_space<vmem>>
    tpu.enqueue_dma source(%dma_start3A_519 : memref<3328xf32, #tpu.memory_space<vmem>>) target(%dma_start3A_517 : memref<3328xf32, #tpu.memory_space<hbm>>) target_semaphore(%arg8 : memref<!tpu.dma_semaphore, #tpu.memory_space<semaphore_mem>>)
    %dma_wait3A_520 = arith.constant 0 : i32
    %dma_wait3A_521 = arith.constant 0 : i32
    %dma_wait3A_522 = arith.constant 36608 : i32
    %dma_wait3A_523 = tpu.memref_slice %arg6[%dma_wait3A_522] : memref<53248xf32, #tpu.memory_space<vmem>> -> memref<3328xf32, #tpu.memory_space<vmem>>
    %dma_wait3A_524 = arith.constant 36608 : i32
    %dma_wait3A_525 = tpu.memref_slice %arg5[%dma_wait3A_524] : memref<53248xi32, #tpu.memory_space<vmem>> -> memref<3328xi32, #tpu.memory_space<vmem>>
    %dma_wait3A_526 = arith.constant 0 : i32
    %dma_wait3A_527 = arith.constant 0 : i32
    %dma_wait3A_528 = tpu.memref_slice %arg3[%dma_wait3A_520, %dma_wait3A_526, %dma_wait3A_527] : memref<26x16x100000xf32, #tpu.memory_space<hbm>> -> memref<1x16x100000xf32, #tpu.memory_space<hbm>>
    %dma_wait3A_529 = tpu.memref_squeeze %dma_wait3A_528 : memref<1x16x100000xf32, #tpu.memory_space<hbm>> -> memref<16x100000xf32, #tpu.memory_space<hbm>>
    %dma_wait3A_530 = arith.constant 0 : i32
    %dma_wait3A_531 = tpu.memref_slice %dma_wait3A_529[%dma_wait3A_521, %dma_wait3A_530] : memref<16x100000xf32, #tpu.memory_space<hbm>> -> memref<1x100000xf32, #tpu.memory_space<hbm>>
    %dma_wait3A_532 = tpu.memref_squeeze %dma_wait3A_531 : memref<1x100000xf32, #tpu.memory_space<hbm>> -> memref<100000xf32, #tpu.memory_space<hbm>>
    %dma_wait3A_533 = arith.constant 0 : i32
    %dma_wait3A_534 = tpu.memref_slice %dma_wait3A_532[%dma_wait3A_533] : memref<100000xf32, #tpu.memory_space<hbm>> -> memref<100000xf32, #tpu.memory_space<hbm>>
    tpu.wait_indirect_dma semaphore(%arg7 : memref<!tpu.dma_semaphore, #tpu.memory_space<semaphore_mem>>) src(%dma_wait3A_534 : memref<100000xf32, #tpu.memory_space<hbm>>) dst(%dma_wait3A_523 : memref<3328xf32, #tpu.memory_space<vmem>>)
    %dma_start3A_535 = arith.constant 11 : i32
    %dma_start3A_536 = arith.constant 36608 : i32
    %dma_start3A_537 = tpu.memref_slice %arg6[%dma_start3A_536] : memref<53248xf32, #tpu.memory_space<vmem>> -> memref<3328xf32, #tpu.memory_space<vmem>>
    %dma_start3A_538 = tpu.memref_slice %arg4[%dma_start3A_535, %mul3A_2] : memref<16x106496xf32, #tpu.memory_space<hbm>> -> memref<1x3328xf32, #tpu.memory_space<hbm>>
    %dma_start3A_539 = tpu.memref_squeeze %dma_start3A_538 : memref<1x3328xf32, #tpu.memory_space<hbm>> -> memref<3328xf32, #tpu.memory_space<hbm>>
    %dma_start3A_540 = tpu.memref_slice %arg4[%dma_start3A_535, %mul3A_2] : memref<16x106496xf32, #tpu.memory_space<hbm>> -> memref<1x3328xf32, #tpu.memory_space<hbm>>
    %dma_start3A_541 = tpu.memref_squeeze %dma_start3A_540 : memref<1x3328xf32, #tpu.memory_space<hbm>> -> memref<3328xf32, #tpu.memory_space<hbm>>
    %dma_start3A_542 = arith.constant 36608 : i32
    %dma_start3A_543 = tpu.memref_slice %arg6[%dma_start3A_542] : memref<53248xf32, #tpu.memory_space<vmem>> -> memref<3328xf32, #tpu.memory_space<vmem>>
    tpu.enqueue_dma source(%dma_start3A_543 : memref<3328xf32, #tpu.memory_space<vmem>>) target(%dma_start3A_541 : memref<3328xf32, #tpu.memory_space<hbm>>) target_semaphore(%arg8 : memref<!tpu.dma_semaphore, #tpu.memory_space<semaphore_mem>>)
    %dma_wait3A_544 = arith.constant 0 : i32
    %dma_wait3A_545 = arith.constant 0 : i32
    %dma_wait3A_546 = arith.constant 39936 : i32
    %dma_wait3A_547 = tpu.memref_slice %arg6[%dma_wait3A_546] : memref<53248xf32, #tpu.memory_space<vmem>> -> memref<3328xf32, #tpu.memory_space<vmem>>
    %dma_wait3A_548 = arith.constant 39936 : i32
    %dma_wait3A_549 = tpu.memref_slice %arg5[%dma_wait3A_548] : memref<53248xi32, #tpu.memory_space<vmem>> -> memref<3328xi32, #tpu.memory_space<vmem>>
    %dma_wait3A_550 = arith.constant 0 : i32
    %dma_wait3A_551 = arith.constant 0 : i32
    %dma_wait3A_552 = tpu.memref_slice %arg3[%dma_wait3A_544, %dma_wait3A_550, %dma_wait3A_551] : memref<26x16x100000xf32, #tpu.memory_space<hbm>> -> memref<1x16x100000xf32, #tpu.memory_space<hbm>>
    %dma_wait3A_553 = tpu.memref_squeeze %dma_wait3A_552 : memref<1x16x100000xf32, #tpu.memory_space<hbm>> -> memref<16x100000xf32, #tpu.memory_space<hbm>>
    %dma_wait3A_554 = arith.constant 0 : i32
    %dma_wait3A_555 = tpu.memref_slice %dma_wait3A_553[%dma_wait3A_545, %dma_wait3A_554] : memref<16x100000xf32, #tpu.memory_space<hbm>> -> memref<1x100000xf32, #tpu.memory_space<hbm>>
    %dma_wait3A_556 = tpu.memref_squeeze %dma_wait3A_555 : memref<1x100000xf32, #tpu.memory_space<hbm>> -> memref<100000xf32, #tpu.memory_space<hbm>>
    %dma_wait3A_557 = arith.constant 0 : i32
    %dma_wait3A_558 = tpu.memref_slice %dma_wait3A_556[%dma_wait3A_557] : memref<100000xf32, #tpu.memory_space<hbm>> -> memref<100000xf32, #tpu.memory_space<hbm>>
    tpu.wait_indirect_dma semaphore(%arg7 : memref<!tpu.dma_semaphore, #tpu.memory_space<semaphore_mem>>) src(%dma_wait3A_558 : memref<100000xf32, #tpu.memory_space<hbm>>) dst(%dma_wait3A_547 : memref<3328xf32, #tpu.memory_space<vmem>>)
    %dma_start3A_559 = arith.constant 12 : i32
    %dma_start3A_560 = arith.constant 39936 : i32
    %dma_start3A_561 = tpu.memref_slice %arg6[%dma_start3A_560] : memref<53248xf32, #tpu.memory_space<vmem>> -> memref<3328xf32, #tpu.memory_space<vmem>>
    %dma_start3A_562 = tpu.memref_slice %arg4[%dma_start3A_559, %mul3A_2] : memref<16x106496xf32, #tpu.memory_space<hbm>> -> memref<1x3328xf32, #tpu.memory_space<hbm>>
    %dma_start3A_563 = tpu.memref_squeeze %dma_start3A_562 : memref<1x3328xf32, #tpu.memory_space<hbm>> -> memref<3328xf32, #tpu.memory_space<hbm>>
    %dma_start3A_564 = tpu.memref_slice %arg4[%dma_start3A_559, %mul3A_2] : memref<16x106496xf32, #tpu.memory_space<hbm>> -> memref<1x3328xf32, #tpu.memory_space<hbm>>
    %dma_start3A_565 = tpu.memref_squeeze %dma_start3A_564 : memref<1x3328xf32, #tpu.memory_space<hbm>> -> memref<3328xf32, #tpu.memory_space<hbm>>
    %dma_start3A_566 = arith.constant 39936 : i32
    %dma_start3A_567 = tpu.memref_slice %arg6[%dma_start3A_566] : memref<53248xf32, #tpu.memory_space<vmem>> -> memref<3328xf32, #tpu.memory_space<vmem>>
    tpu.enqueue_dma source(%dma_start3A_567 : memref<3328xf32, #tpu.memory_space<vmem>>) target(%dma_start3A_565 : memref<3328xf32, #tpu.memory_space<hbm>>) target_semaphore(%arg8 : memref<!tpu.dma_semaphore, #tpu.memory_space<semaphore_mem>>)
    %dma_wait3A_568 = arith.constant 0 : i32
    %dma_wait3A_569 = arith.constant 0 : i32
    %dma_wait3A_570 = arith.constant 43264 : i32
    %dma_wait3A_571 = tpu.memref_slice %arg6[%dma_wait3A_570] : memref<53248xf32, #tpu.memory_space<vmem>> -> memref<3328xf32, #tpu.memory_space<vmem>>
    %dma_wait3A_572 = arith.constant 43264 : i32
    %dma_wait3A_573 = tpu.memref_slice %arg5[%dma_wait3A_572] : memref<53248xi32, #tpu.memory_space<vmem>> -> memref<3328xi32, #tpu.memory_space<vmem>>
    %dma_wait3A_574 = arith.constant 0 : i32
    %dma_wait3A_575 = arith.constant 0 : i32
    %dma_wait3A_576 = tpu.memref_slice %arg3[%dma_wait3A_568, %dma_wait3A_574, %dma_wait3A_575] : memref<26x16x100000xf32, #tpu.memory_space<hbm>> -> memref<1x16x100000xf32, #tpu.memory_space<hbm>>
    %dma_wait3A_577 = tpu.memref_squeeze %dma_wait3A_576 : memref<1x16x100000xf32, #tpu.memory_space<hbm>> -> memref<16x100000xf32, #tpu.memory_space<hbm>>
    %dma_wait3A_578 = arith.constant 0 : i32
    %dma_wait3A_579 = tpu.memref_slice %dma_wait3A_577[%dma_wait3A_569, %dma_wait3A_578] : memref<16x100000xf32, #tpu.memory_space<hbm>> -> memref<1x100000xf32, #tpu.memory_space<hbm>>
    %dma_wait3A_580 = tpu.memref_squeeze %dma_wait3A_579 : memref<1x100000xf32, #tpu.memory_space<hbm>> -> memref<100000xf32, #tpu.memory_space<hbm>>
    %dma_wait3A_581 = arith.constant 0 : i32
    %dma_wait3A_582 = tpu.memref_slice %dma_wait3A_580[%dma_wait3A_581] : memref<100000xf32, #tpu.memory_space<hbm>> -> memref<100000xf32, #tpu.memory_space<hbm>>
    tpu.wait_indirect_dma semaphore(%arg7 : memref<!tpu.dma_semaphore, #tpu.memory_space<semaphore_mem>>) src(%dma_wait3A_582 : memref<100000xf32, #tpu.memory_space<hbm>>) dst(%dma_wait3A_571 : memref<3328xf32, #tpu.memory_space<vmem>>)
    %dma_start3A_583 = arith.constant 13 : i32
    %dma_start3A_584 = arith.constant 43264 : i32
    %dma_start3A_585 = tpu.memref_slice %arg6[%dma_start3A_584] : memref<53248xf32, #tpu.memory_space<vmem>> -> memref<3328xf32, #tpu.memory_space<vmem>>
    %dma_start3A_586 = tpu.memref_slice %arg4[%dma_start3A_583, %mul3A_2] : memref<16x106496xf32, #tpu.memory_space<hbm>> -> memref<1x3328xf32, #tpu.memory_space<hbm>>
    %dma_start3A_587 = tpu.memref_squeeze %dma_start3A_586 : memref<1x3328xf32, #tpu.memory_space<hbm>> -> memref<3328xf32, #tpu.memory_space<hbm>>
    %dma_start3A_588 = tpu.memref_slice %arg4[%dma_start3A_583, %mul3A_2] : memref<16x106496xf32, #tpu.memory_space<hbm>> -> memref<1x3328xf32, #tpu.memory_space<hbm>>
    %dma_start3A_589 = tpu.memref_squeeze %dma_start3A_588 : memref<1x3328xf32, #tpu.memory_space<hbm>> -> memref<3328xf32, #tpu.memory_space<hbm>>
    %dma_start3A_590 = arith.constant 43264 : i32
    %dma_start3A_591 = tpu.memref_slice %arg6[%dma_start3A_590] : memref<53248xf32, #tpu.memory_space<vmem>> -> memref<3328xf32, #tpu.memory_space<vmem>>
    tpu.enqueue_dma source(%dma_start3A_591 : memref<3328xf32, #tpu.memory_space<vmem>>) target(%dma_start3A_589 : memref<3328xf32, #tpu.memory_space<hbm>>) target_semaphore(%arg8 : memref<!tpu.dma_semaphore, #tpu.memory_space<semaphore_mem>>)
    %dma_wait3A_592 = arith.constant 0 : i32
    %dma_wait3A_593 = arith.constant 0 : i32
    %dma_wait3A_594 = arith.constant 46592 : i32
    %dma_wait3A_595 = tpu.memref_slice %arg6[%dma_wait3A_594] : memref<53248xf32, #tpu.memory_space<vmem>> -> memref<3328xf32, #tpu.memory_space<vmem>>
    %dma_wait3A_596 = arith.constant 46592 : i32
    %dma_wait3A_597 = tpu.memref_slice %arg5[%dma_wait3A_596] : memref<53248xi32, #tpu.memory_space<vmem>> -> memref<3328xi32, #tpu.memory_space<vmem>>
    %dma_wait3A_598 = arith.constant 0 : i32
    %dma_wait3A_599 = arith.constant 0 : i32
    %dma_wait3A_600 = tpu.memref_slice %arg3[%dma_wait3A_592, %dma_wait3A_598, %dma_wait3A_599] : memref<26x16x100000xf32, #tpu.memory_space<hbm>> -> memref<1x16x100000xf32, #tpu.memory_space<hbm>>
    %dma_wait3A_601 = tpu.memref_squeeze %dma_wait3A_600 : memref<1x16x100000xf32, #tpu.memory_space<hbm>> -> memref<16x100000xf32, #tpu.memory_space<hbm>>
    %dma_wait3A_602 = arith.constant 0 : i32
    %dma_wait3A_603 = tpu.memref_slice %dma_wait3A_601[%dma_wait3A_593, %dma_wait3A_602] : memref<16x100000xf32, #tpu.memory_space<hbm>> -> memref<1x100000xf32, #tpu.memory_space<hbm>>
    %dma_wait3A_604 = tpu.memref_squeeze %dma_wait3A_603 : memref<1x100000xf32, #tpu.memory_space<hbm>> -> memref<100000xf32, #tpu.memory_space<hbm>>
    %dma_wait3A_605 = arith.constant 0 : i32
    %dma_wait3A_606 = tpu.memref_slice %dma_wait3A_604[%dma_wait3A_605] : memref<100000xf32, #tpu.memory_space<hbm>> -> memref<100000xf32, #tpu.memory_space<hbm>>
    tpu.wait_indirect_dma semaphore(%arg7 : memref<!tpu.dma_semaphore, #tpu.memory_space<semaphore_mem>>) src(%dma_wait3A_606 : memref<100000xf32, #tpu.memory_space<hbm>>) dst(%dma_wait3A_595 : memref<3328xf32, #tpu.memory_space<vmem>>)
    %dma_start3A_607 = arith.constant 14 : i32
    %dma_start3A_608 = arith.constant 46592 : i32
    %dma_start3A_609 = tpu.memref_slice %arg6[%dma_start3A_608] : memref<53248xf32, #tpu.memory_space<vmem>> -> memref<3328xf32, #tpu.memory_space<vmem>>
    %dma_start3A_610 = tpu.memref_slice %arg4[%dma_start3A_607, %mul3A_2] : memref<16x106496xf32, #tpu.memory_space<hbm>> -> memref<1x3328xf32, #tpu.memory_space<hbm>>
    %dma_start3A_611 = tpu.memref_squeeze %dma_start3A_610 : memref<1x3328xf32, #tpu.memory_space<hbm>> -> memref<3328xf32, #tpu.memory_space<hbm>>
    %dma_start3A_612 = tpu.memref_slice %arg4[%dma_start3A_607, %mul3A_2] : memref<16x106496xf32, #tpu.memory_space<hbm>> -> memref<1x3328xf32, #tpu.memory_space<hbm>>
    %dma_start3A_613 = tpu.memref_squeeze %dma_start3A_612 : memref<1x3328xf32, #tpu.memory_space<hbm>> -> memref<3328xf32, #tpu.memory_space<hbm>>
    %dma_start3A_614 = arith.constant 46592 : i32
    %dma_start3A_615 = tpu.memref_slice %arg6[%dma_start3A_614] : memref<53248xf32, #tpu.memory_space<vmem>> -> memref<3328xf32, #tpu.memory_space<vmem>>
    tpu.enqueue_dma source(%dma_start3A_615 : memref<3328xf32, #tpu.memory_space<vmem>>) target(%dma_start3A_613 : memref<3328xf32, #tpu.memory_space<hbm>>) target_semaphore(%arg8 : memref<!tpu.dma_semaphore, #tpu.memory_space<semaphore_mem>>)
    %dma_wait3A_616 = arith.constant 0 : i32
    %dma_wait3A_617 = arith.constant 0 : i32
    %dma_wait3A_618 = arith.constant 49920 : i32
    %dma_wait3A_619 = tpu.memref_slice %arg6[%dma_wait3A_618] : memref<53248xf32, #tpu.memory_space<vmem>> -> memref<3328xf32, #tpu.memory_space<vmem>>
    %dma_wait3A_620 = arith.constant 49920 : i32
    %dma_wait3A_621 = tpu.memref_slice %arg5[%dma_wait3A_620] : memref<53248xi32, #tpu.memory_space<vmem>> -> memref<3328xi32, #tpu.memory_space<vmem>>
    %dma_wait3A_622 = arith.constant 0 : i32
    %dma_wait3A_623 = arith.constant 0 : i32
    %dma_wait3A_624 = tpu.memref_slice %arg3[%dma_wait3A_616, %dma_wait3A_622, %dma_wait3A_623] : memref<26x16x100000xf32, #tpu.memory_space<hbm>> -> memref<1x16x100000xf32, #tpu.memory_space<hbm>>
    %dma_wait3A_625 = tpu.memref_squeeze %dma_wait3A_624 : memref<1x16x100000xf32, #tpu.memory_space<hbm>> -> memref<16x100000xf32, #tpu.memory_space<hbm>>
    %dma_wait3A_626 = arith.constant 0 : i32
    %dma_wait3A_627 = tpu.memref_slice %dma_wait3A_625[%dma_wait3A_617, %dma_wait3A_626] : memref<16x100000xf32, #tpu.memory_space<hbm>> -> memref<1x100000xf32, #tpu.memory_space<hbm>>
    %dma_wait3A_628 = tpu.memref_squeeze %dma_wait3A_627 : memref<1x100000xf32, #tpu.memory_space<hbm>> -> memref<100000xf32, #tpu.memory_space<hbm>>
    %dma_wait3A_629 = arith.constant 0 : i32
    %dma_wait3A_630 = tpu.memref_slice %dma_wait3A_628[%dma_wait3A_629] : memref<100000xf32, #tpu.memory_space<hbm>> -> memref<100000xf32, #tpu.memory_space<hbm>>
    tpu.wait_indirect_dma semaphore(%arg7 : memref<!tpu.dma_semaphore, #tpu.memory_space<semaphore_mem>>) src(%dma_wait3A_630 : memref<100000xf32, #tpu.memory_space<hbm>>) dst(%dma_wait3A_619 : memref<3328xf32, #tpu.memory_space<vmem>>)
    %dma_start3A_631 = arith.constant 15 : i32
    %dma_start3A_632 = arith.constant 49920 : i32
    %dma_start3A_633 = tpu.memref_slice %arg6[%dma_start3A_632] : memref<53248xf32, #tpu.memory_space<vmem>> -> memref<3328xf32, #tpu.memory_space<vmem>>
    %dma_start3A_634 = tpu.memref_slice %arg4[%dma_start3A_631, %mul3A_2] : memref<16x106496xf32, #tpu.memory_space<hbm>> -> memref<1x3328xf32, #tpu.memory_space<hbm>>
    %dma_start3A_635 = tpu.memref_squeeze %dma_start3A_634 : memref<1x3328xf32, #tpu.memory_space<hbm>> -> memref<3328xf32, #tpu.memory_space<hbm>>
    %dma_start3A_636 = tpu.memref_slice %arg4[%dma_start3A_631, %mul3A_2] : memref<16x106496xf32, #tpu.memory_space<hbm>> -> memref<1x3328xf32, #tpu.memory_space<hbm>>
    %dma_start3A_637 = tpu.memref_squeeze %dma_start3A_636 : memref<1x3328xf32, #tpu.memory_space<hbm>> -> memref<3328xf32, #tpu.memory_space<hbm>>
    %dma_start3A_638 = arith.constant 49920 : i32
    %dma_start3A_639 = tpu.memref_slice %arg6[%dma_start3A_638] : memref<53248xf32, #tpu.memory_space<vmem>> -> memref<3328xf32, #tpu.memory_space<vmem>>
    tpu.enqueue_dma source(%dma_start3A_639 : memref<3328xf32, #tpu.memory_space<vmem>>) target(%dma_start3A_637 : memref<3328xf32, #tpu.memory_space<hbm>>) target_semaphore(%arg8 : memref<!tpu.dma_semaphore, #tpu.memory_space<semaphore_mem>>)
    %dma_wait3A_640 = arith.constant 0 : i32
    %dma_wait3A_641 = arith.constant 0 : i32
    %dma_wait3A_642 = tpu.memref_slice %arg6[%dma_wait3A_641] : memref<53248xf32, #tpu.memory_space<vmem>> -> memref<3328xf32, #tpu.memory_space<vmem>>
    %dma_wait3A_643 = tpu.memref_slice %arg4[%dma_wait3A_640, %mul3A_2] : memref<16x106496xf32, #tpu.memory_space<hbm>> -> memref<1x3328xf32, #tpu.memory_space<hbm>>
    %dma_wait3A_644 = tpu.memref_squeeze %dma_wait3A_643 : memref<1x3328xf32, #tpu.memory_space<hbm>> -> memref<3328xf32, #tpu.memory_space<hbm>>
    %dma_wait3A_645 = tpu.memref_slice %arg4[%dma_wait3A_640, %mul3A_2] : memref<16x106496xf32, #tpu.memory_space<hbm>> -> memref<1x3328xf32, #tpu.memory_space<hbm>>
    %dma_wait3A_646 = tpu.memref_squeeze %dma_wait3A_645 : memref<1x3328xf32, #tpu.memory_space<hbm>> -> memref<3328xf32, #tpu.memory_space<hbm>>
    %dma_wait3A_647 = arith.constant 0 : i32
    %dma_wait3A_648 = tpu.memref_slice %arg6[%dma_wait3A_647] : memref<53248xf32, #tpu.memory_space<vmem>> -> memref<3328xf32, #tpu.memory_space<vmem>>
    tpu.wait_dma2 semaphore(%arg8 : memref<!tpu.dma_semaphore, #tpu.memory_space<semaphore_mem>>) src(%dma_wait3A_648 : memref<3328xf32, #tpu.memory_space<vmem>>) dst(%dma_wait3A_646 : memref<3328xf32, #tpu.memory_space<hbm>>)
    %dma_wait3A_649 = arith.constant 1 : i32
    %dma_wait3A_650 = arith.constant 3328 : i32
    %dma_wait3A_651 = tpu.memref_slice %arg6[%dma_wait3A_650] : memref<53248xf32, #tpu.memory_space<vmem>> -> memref<3328xf32, #tpu.memory_space<vmem>>
    %dma_wait3A_652 = tpu.memref_slice %arg4[%dma_wait3A_649, %mul3A_2] : memref<16x106496xf32, #tpu.memory_space<hbm>> -> memref<1x3328xf32, #tpu.memory_space<hbm>>
    %dma_wait3A_653 = tpu.memref_squeeze %dma_wait3A_652 : memref<1x3328xf32, #tpu.memory_space<hbm>> -> memref<3328xf32, #tpu.memory_space<hbm>>
    %dma_wait3A_654 = tpu.memref_slice %arg4[%dma_wait3A_649, %mul3A_2] : memref<16x106496xf32, #tpu.memory_space<hbm>> -> memref<1x3328xf32, #tpu.memory_space<hbm>>
    %dma_wait3A_655 = tpu.memref_squeeze %dma_wait3A_654 : memref<1x3328xf32, #tpu.memory_space<hbm>> -> memref<3328xf32, #tpu.memory_space<hbm>>
    %dma_wait3A_656 = arith.constant 3328 : i32
    %dma_wait3A_657 = tpu.memref_slice %arg6[%dma_wait3A_656] : memref<53248xf32, #tpu.memory_space<vmem>> -> memref<3328xf32, #tpu.memory_space<vmem>>
    tpu.wait_dma2 semaphore(%arg8 : memref<!tpu.dma_semaphore, #tpu.memory_space<semaphore_mem>>) src(%dma_wait3A_657 : memref<3328xf32, #tpu.memory_space<vmem>>) dst(%dma_wait3A_655 : memref<3328xf32, #tpu.memory_space<hbm>>)
    %dma_wait3A_658 = arith.constant 2 : i32
    %dma_wait3A_659 = arith.constant 6656 : i32
    %dma_wait3A_660 = tpu.memref_slice %arg6[%dma_wait3A_659] : memref<53248xf32, #tpu.memory_space<vmem>> -> memref<3328xf32, #tpu.memory_space<vmem>>
    %dma_wait3A_661 = tpu.memref_slice %arg4[%dma_wait3A_658, %mul3A_2] : memref<16x106496xf32, #tpu.memory_space<hbm>> -> memref<1x3328xf32, #tpu.memory_space<hbm>>
    %dma_wait3A_662 = tpu.memref_squeeze %dma_wait3A_661 : memref<1x3328xf32, #tpu.memory_space<hbm>> -> memref<3328xf32, #tpu.memory_space<hbm>>
    %dma_wait3A_663 = tpu.memref_slice %arg4[%dma_wait3A_658, %mul3A_2] : memref<16x106496xf32, #tpu.memory_space<hbm>> -> memref<1x3328xf32, #tpu.memory_space<hbm>>
    %dma_wait3A_664 = tpu.memref_squeeze %dma_wait3A_663 : memref<1x3328xf32, #tpu.memory_space<hbm>> -> memref<3328xf32, #tpu.memory_space<hbm>>
    %dma_wait3A_665 = arith.constant 6656 : i32
    %dma_wait3A_666 = tpu.memref_slice %arg6[%dma_wait3A_665] : memref<53248xf32, #tpu.memory_space<vmem>> -> memref<3328xf32, #tpu.memory_space<vmem>>
    tpu.wait_dma2 semaphore(%arg8 : memref<!tpu.dma_semaphore, #tpu.memory_space<semaphore_mem>>) src(%dma_wait3A_666 : memref<3328xf32, #tpu.memory_space<vmem>>) dst(%dma_wait3A_664 : memref<3328xf32, #tpu.memory_space<hbm>>)
    %dma_wait3A_667 = arith.constant 3 : i32
    %dma_wait3A_668 = arith.constant 9984 : i32
    %dma_wait3A_669 = tpu.memref_slice %arg6[%dma_wait3A_668] : memref<53248xf32, #tpu.memory_space<vmem>> -> memref<3328xf32, #tpu.memory_space<vmem>>
    %dma_wait3A_670 = tpu.memref_slice %arg4[%dma_wait3A_667, %mul3A_2] : memref<16x106496xf32, #tpu.memory_space<hbm>> -> memref<1x3328xf32, #tpu.memory_space<hbm>>
    %dma_wait3A_671 = tpu.memref_squeeze %dma_wait3A_670 : memref<1x3328xf32, #tpu.memory_space<hbm>> -> memref<3328xf32, #tpu.memory_space<hbm>>
    %dma_wait3A_672 = tpu.memref_slice %arg4[%dma_wait3A_667, %mul3A_2] : memref<16x106496xf32, #tpu.memory_space<hbm>> -> memref<1x3328xf32, #tpu.memory_space<hbm>>
    %dma_wait3A_673 = tpu.memref_squeeze %dma_wait3A_672 : memref<1x3328xf32, #tpu.memory_space<hbm>> -> memref<3328xf32, #tpu.memory_space<hbm>>
    %dma_wait3A_674 = arith.constant 9984 : i32
    %dma_wait3A_675 = tpu.memref_slice %arg6[%dma_wait3A_674] : memref<53248xf32, #tpu.memory_space<vmem>> -> memref<3328xf32, #tpu.memory_space<vmem>>
    tpu.wait_dma2 semaphore(%arg8 : memref<!tpu.dma_semaphore, #tpu.memory_space<semaphore_mem>>) src(%dma_wait3A_675 : memref<3328xf32, #tpu.memory_space<vmem>>) dst(%dma_wait3A_673 : memref<3328xf32, #tpu.memory_space<hbm>>)
    %dma_wait3A_676 = arith.constant 4 : i32
    %dma_wait3A_677 = arith.constant 13312 : i32
    %dma_wait3A_678 = tpu.memref_slice %arg6[%dma_wait3A_677] : memref<53248xf32, #tpu.memory_space<vmem>> -> memref<3328xf32, #tpu.memory_space<vmem>>
    %dma_wait3A_679 = tpu.memref_slice %arg4[%dma_wait3A_676, %mul3A_2] : memref<16x106496xf32, #tpu.memory_space<hbm>> -> memref<1x3328xf32, #tpu.memory_space<hbm>>
    %dma_wait3A_680 = tpu.memref_squeeze %dma_wait3A_679 : memref<1x3328xf32, #tpu.memory_space<hbm>> -> memref<3328xf32, #tpu.memory_space<hbm>>
    %dma_wait3A_681 = tpu.memref_slice %arg4[%dma_wait3A_676, %mul3A_2] : memref<16x106496xf32, #tpu.memory_space<hbm>> -> memref<1x3328xf32, #tpu.memory_space<hbm>>
    %dma_wait3A_682 = tpu.memref_squeeze %dma_wait3A_681 : memref<1x3328xf32, #tpu.memory_space<hbm>> -> memref<3328xf32, #tpu.memory_space<hbm>>
    %dma_wait3A_683 = arith.constant 13312 : i32
    %dma_wait3A_684 = tpu.memref_slice %arg6[%dma_wait3A_683] : memref<53248xf32, #tpu.memory_space<vmem>> -> memref<3328xf32, #tpu.memory_space<vmem>>
    tpu.wait_dma2 semaphore(%arg8 : memref<!tpu.dma_semaphore, #tpu.memory_space<semaphore_mem>>) src(%dma_wait3A_684 : memref<3328xf32, #tpu.memory_space<vmem>>) dst(%dma_wait3A_682 : memref<3328xf32, #tpu.memory_space<hbm>>)
    %dma_wait3A_685 = arith.constant 5 : i32
    %dma_wait3A_686 = arith.constant 16640 : i32
    %dma_wait3A_687 = tpu.memref_slice %arg6[%dma_wait3A_686] : memref<53248xf32, #tpu.memory_space<vmem>> -> memref<3328xf32, #tpu.memory_space<vmem>>
    %dma_wait3A_688 = tpu.memref_slice %arg4[%dma_wait3A_685, %mul3A_2] : memref<16x106496xf32, #tpu.memory_space<hbm>> -> memref<1x3328xf32, #tpu.memory_space<hbm>>
    %dma_wait3A_689 = tpu.memref_squeeze %dma_wait3A_688 : memref<1x3328xf32, #tpu.memory_space<hbm>> -> memref<3328xf32, #tpu.memory_space<hbm>>
    %dma_wait3A_690 = tpu.memref_slice %arg4[%dma_wait3A_685, %mul3A_2] : memref<16x106496xf32, #tpu.memory_space<hbm>> -> memref<1x3328xf32, #tpu.memory_space<hbm>>
    %dma_wait3A_691 = tpu.memref_squeeze %dma_wait3A_690 : memref<1x3328xf32, #tpu.memory_space<hbm>> -> memref<3328xf32, #tpu.memory_space<hbm>>
    %dma_wait3A_692 = arith.constant 16640 : i32
    %dma_wait3A_693 = tpu.memref_slice %arg6[%dma_wait3A_692] : memref<53248xf32, #tpu.memory_space<vmem>> -> memref<3328xf32, #tpu.memory_space<vmem>>
    tpu.wait_dma2 semaphore(%arg8 : memref<!tpu.dma_semaphore, #tpu.memory_space<semaphore_mem>>) src(%dma_wait3A_693 : memref<3328xf32, #tpu.memory_space<vmem>>) dst(%dma_wait3A_691 : memref<3328xf32, #tpu.memory_space<hbm>>)
    %dma_wait3A_694 = arith.constant 6 : i32
    %dma_wait3A_695 = arith.constant 19968 : i32
    %dma_wait3A_696 = tpu.memref_slice %arg6[%dma_wait3A_695] : memref<53248xf32, #tpu.memory_space<vmem>> -> memref<3328xf32, #tpu.memory_space<vmem>>
    %dma_wait3A_697 = tpu.memref_slice %arg4[%dma_wait3A_694, %mul3A_2] : memref<16x106496xf32, #tpu.memory_space<hbm>> -> memref<1x3328xf32, #tpu.memory_space<hbm>>
    %dma_wait3A_698 = tpu.memref_squeeze %dma_wait3A_697 : memref<1x3328xf32, #tpu.memory_space<hbm>> -> memref<3328xf32, #tpu.memory_space<hbm>>
    %dma_wait3A_699 = tpu.memref_slice %arg4[%dma_wait3A_694, %mul3A_2] : memref<16x106496xf32, #tpu.memory_space<hbm>> -> memref<1x3328xf32, #tpu.memory_space<hbm>>
    %dma_wait3A_700 = tpu.memref_squeeze %dma_wait3A_699 : memref<1x3328xf32, #tpu.memory_space<hbm>> -> memref<3328xf32, #tpu.memory_space<hbm>>
    %dma_wait3A_701 = arith.constant 19968 : i32
    %dma_wait3A_702 = tpu.memref_slice %arg6[%dma_wait3A_701] : memref<53248xf32, #tpu.memory_space<vmem>> -> memref<3328xf32, #tpu.memory_space<vmem>>
    tpu.wait_dma2 semaphore(%arg8 : memref<!tpu.dma_semaphore, #tpu.memory_space<semaphore_mem>>) src(%dma_wait3A_702 : memref<3328xf32, #tpu.memory_space<vmem>>) dst(%dma_wait3A_700 : memref<3328xf32, #tpu.memory_space<hbm>>)
    %dma_wait3A_703 = arith.constant 7 : i32
    %dma_wait3A_704 = arith.constant 23296 : i32
    %dma_wait3A_705 = tpu.memref_slice %arg6[%dma_wait3A_704] : memref<53248xf32, #tpu.memory_space<vmem>> -> memref<3328xf32, #tpu.memory_space<vmem>>
    %dma_wait3A_706 = tpu.memref_slice %arg4[%dma_wait3A_703, %mul3A_2] : memref<16x106496xf32, #tpu.memory_space<hbm>> -> memref<1x3328xf32, #tpu.memory_space<hbm>>
    %dma_wait3A_707 = tpu.memref_squeeze %dma_wait3A_706 : memref<1x3328xf32, #tpu.memory_space<hbm>> -> memref<3328xf32, #tpu.memory_space<hbm>>
    %dma_wait3A_708 = tpu.memref_slice %arg4[%dma_wait3A_703, %mul3A_2] : memref<16x106496xf32, #tpu.memory_space<hbm>> -> memref<1x3328xf32, #tpu.memory_space<hbm>>
    %dma_wait3A_709 = tpu.memref_squeeze %dma_wait3A_708 : memref<1x3328xf32, #tpu.memory_space<hbm>> -> memref<3328xf32, #tpu.memory_space<hbm>>
    %dma_wait3A_710 = arith.constant 23296 : i32
    %dma_wait3A_711 = tpu.memref_slice %arg6[%dma_wait3A_710] : memref<53248xf32, #tpu.memory_space<vmem>> -> memref<3328xf32, #tpu.memory_space<vmem>>
    tpu.wait_dma2 semaphore(%arg8 : memref<!tpu.dma_semaphore, #tpu.memory_space<semaphore_mem>>) src(%dma_wait3A_711 : memref<3328xf32, #tpu.memory_space<vmem>>) dst(%dma_wait3A_709 : memref<3328xf32, #tpu.memory_space<hbm>>)
    %dma_wait3A_712 = arith.constant 8 : i32
    %dma_wait3A_713 = arith.constant 26624 : i32
    %dma_wait3A_714 = tpu.memref_slice %arg6[%dma_wait3A_713] : memref<53248xf32, #tpu.memory_space<vmem>> -> memref<3328xf32, #tpu.memory_space<vmem>>
    %dma_wait3A_715 = tpu.memref_slice %arg4[%dma_wait3A_712, %mul3A_2] : memref<16x106496xf32, #tpu.memory_space<hbm>> -> memref<1x3328xf32, #tpu.memory_space<hbm>>
    %dma_wait3A_716 = tpu.memref_squeeze %dma_wait3A_715 : memref<1x3328xf32, #tpu.memory_space<hbm>> -> memref<3328xf32, #tpu.memory_space<hbm>>
    %dma_wait3A_717 = tpu.memref_slice %arg4[%dma_wait3A_712, %mul3A_2] : memref<16x106496xf32, #tpu.memory_space<hbm>> -> memref<1x3328xf32, #tpu.memory_space<hbm>>
    %dma_wait3A_718 = tpu.memref_squeeze %dma_wait3A_717 : memref<1x3328xf32, #tpu.memory_space<hbm>> -> memref<3328xf32, #tpu.memory_space<hbm>>
    %dma_wait3A_719 = arith.constant 26624 : i32
    %dma_wait3A_720 = tpu.memref_slice %arg6[%dma_wait3A_719] : memref<53248xf32, #tpu.memory_space<vmem>> -> memref<3328xf32, #tpu.memory_space<vmem>>
    tpu.wait_dma2 semaphore(%arg8 : memref<!tpu.dma_semaphore, #tpu.memory_space<semaphore_mem>>) src(%dma_wait3A_720 : memref<3328xf32, #tpu.memory_space<vmem>>) dst(%dma_wait3A_718 : memref<3328xf32, #tpu.memory_space<hbm>>)
    %dma_wait3A_721 = arith.constant 9 : i32
    %dma_wait3A_722 = arith.constant 29952 : i32
    %dma_wait3A_723 = tpu.memref_slice %arg6[%dma_wait3A_722] : memref<53248xf32, #tpu.memory_space<vmem>> -> memref<3328xf32, #tpu.memory_space<vmem>>
    %dma_wait3A_724 = tpu.memref_slice %arg4[%dma_wait3A_721, %mul3A_2] : memref<16x106496xf32, #tpu.memory_space<hbm>> -> memref<1x3328xf32, #tpu.memory_space<hbm>>
    %dma_wait3A_725 = tpu.memref_squeeze %dma_wait3A_724 : memref<1x3328xf32, #tpu.memory_space<hbm>> -> memref<3328xf32, #tpu.memory_space<hbm>>
    %dma_wait3A_726 = tpu.memref_slice %arg4[%dma_wait3A_721, %mul3A_2] : memref<16x106496xf32, #tpu.memory_space<hbm>> -> memref<1x3328xf32, #tpu.memory_space<hbm>>
    %dma_wait3A_727 = tpu.memref_squeeze %dma_wait3A_726 : memref<1x3328xf32, #tpu.memory_space<hbm>> -> memref<3328xf32, #tpu.memory_space<hbm>>
    %dma_wait3A_728 = arith.constant 29952 : i32
    %dma_wait3A_729 = tpu.memref_slice %arg6[%dma_wait3A_728] : memref<53248xf32, #tpu.memory_space<vmem>> -> memref<3328xf32, #tpu.memory_space<vmem>>
    tpu.wait_dma2 semaphore(%arg8 : memref<!tpu.dma_semaphore, #tpu.memory_space<semaphore_mem>>) src(%dma_wait3A_729 : memref<3328xf32, #tpu.memory_space<vmem>>) dst(%dma_wait3A_727 : memref<3328xf32, #tpu.memory_space<hbm>>)
    %dma_wait3A_730 = arith.constant 10 : i32
    %dma_wait3A_731 = arith.constant 33280 : i32
    %dma_wait3A_732 = tpu.memref_slice %arg6[%dma_wait3A_731] : memref<53248xf32, #tpu.memory_space<vmem>> -> memref<3328xf32, #tpu.memory_space<vmem>>
    %dma_wait3A_733 = tpu.memref_slice %arg4[%dma_wait3A_730, %mul3A_2] : memref<16x106496xf32, #tpu.memory_space<hbm>> -> memref<1x3328xf32, #tpu.memory_space<hbm>>
    %dma_wait3A_734 = tpu.memref_squeeze %dma_wait3A_733 : memref<1x3328xf32, #tpu.memory_space<hbm>> -> memref<3328xf32, #tpu.memory_space<hbm>>
    %dma_wait3A_735 = tpu.memref_slice %arg4[%dma_wait3A_730, %mul3A_2] : memref<16x106496xf32, #tpu.memory_space<hbm>> -> memref<1x3328xf32, #tpu.memory_space<hbm>>
    %dma_wait3A_736 = tpu.memref_squeeze %dma_wait3A_735 : memref<1x3328xf32, #tpu.memory_space<hbm>> -> memref<3328xf32, #tpu.memory_space<hbm>>
    %dma_wait3A_737 = arith.constant 33280 : i32
    %dma_wait3A_738 = tpu.memref_slice %arg6[%dma_wait3A_737] : memref<53248xf32, #tpu.memory_space<vmem>> -> memref<3328xf32, #tpu.memory_space<vmem>>
    tpu.wait_dma2 semaphore(%arg8 : memref<!tpu.dma_semaphore, #tpu.memory_space<semaphore_mem>>) src(%dma_wait3A_738 : memref<3328xf32, #tpu.memory_space<vmem>>) dst(%dma_wait3A_736 : memref<3328xf32, #tpu.memory_space<hbm>>)
    %dma_wait3A_739 = arith.constant 11 : i32
    %dma_wait3A_740 = arith.constant 36608 : i32
    %dma_wait3A_741 = tpu.memref_slice %arg6[%dma_wait3A_740] : memref<53248xf32, #tpu.memory_space<vmem>> -> memref<3328xf32, #tpu.memory_space<vmem>>
    %dma_wait3A_742 = tpu.memref_slice %arg4[%dma_wait3A_739, %mul3A_2] : memref<16x106496xf32, #tpu.memory_space<hbm>> -> memref<1x3328xf32, #tpu.memory_space<hbm>>
    %dma_wait3A_743 = tpu.memref_squeeze %dma_wait3A_742 : memref<1x3328xf32, #tpu.memory_space<hbm>> -> memref<3328xf32, #tpu.memory_space<hbm>>
    %dma_wait3A_744 = tpu.memref_slice %arg4[%dma_wait3A_739, %mul3A_2] : memref<16x106496xf32, #tpu.memory_space<hbm>> -> memref<1x3328xf32, #tpu.memory_space<hbm>>
    %dma_wait3A_745 = tpu.memref_squeeze %dma_wait3A_744 : memref<1x3328xf32, #tpu.memory_space<hbm>> -> memref<3328xf32, #tpu.memory_space<hbm>>
    %dma_wait3A_746 = arith.constant 36608 : i32
    %dma_wait3A_747 = tpu.memref_slice %arg6[%dma_wait3A_746] : memref<53248xf32, #tpu.memory_space<vmem>> -> memref<3328xf32, #tpu.memory_space<vmem>>
    tpu.wait_dma2 semaphore(%arg8 : memref<!tpu.dma_semaphore, #tpu.memory_space<semaphore_mem>>) src(%dma_wait3A_747 : memref<3328xf32, #tpu.memory_space<vmem>>) dst(%dma_wait3A_745 : memref<3328xf32, #tpu.memory_space<hbm>>)
    %dma_wait3A_748 = arith.constant 12 : i32
    %dma_wait3A_749 = arith.constant 39936 : i32
    %dma_wait3A_750 = tpu.memref_slice %arg6[%dma_wait3A_749] : memref<53248xf32, #tpu.memory_space<vmem>> -> memref<3328xf32, #tpu.memory_space<vmem>>
    %dma_wait3A_751 = tpu.memref_slice %arg4[%dma_wait3A_748, %mul3A_2] : memref<16x106496xf32, #tpu.memory_space<hbm>> -> memref<1x3328xf32, #tpu.memory_space<hbm>>
    %dma_wait3A_752 = tpu.memref_squeeze %dma_wait3A_751 : memref<1x3328xf32, #tpu.memory_space<hbm>> -> memref<3328xf32, #tpu.memory_space<hbm>>
    %dma_wait3A_753 = tpu.memref_slice %arg4[%dma_wait3A_748, %mul3A_2] : memref<16x106496xf32, #tpu.memory_space<hbm>> -> memref<1x3328xf32, #tpu.memory_space<hbm>>
    %dma_wait3A_754 = tpu.memref_squeeze %dma_wait3A_753 : memref<1x3328xf32, #tpu.memory_space<hbm>> -> memref<3328xf32, #tpu.memory_space<hbm>>
    %dma_wait3A_755 = arith.constant 39936 : i32
    %dma_wait3A_756 = tpu.memref_slice %arg6[%dma_wait3A_755] : memref<53248xf32, #tpu.memory_space<vmem>> -> memref<3328xf32, #tpu.memory_space<vmem>>
    tpu.wait_dma2 semaphore(%arg8 : memref<!tpu.dma_semaphore, #tpu.memory_space<semaphore_mem>>) src(%dma_wait3A_756 : memref<3328xf32, #tpu.memory_space<vmem>>) dst(%dma_wait3A_754 : memref<3328xf32, #tpu.memory_space<hbm>>)
    %dma_wait3A_757 = arith.constant 13 : i32
    %dma_wait3A_758 = arith.constant 43264 : i32
    %dma_wait3A_759 = tpu.memref_slice %arg6[%dma_wait3A_758] : memref<53248xf32, #tpu.memory_space<vmem>> -> memref<3328xf32, #tpu.memory_space<vmem>>
    %dma_wait3A_760 = tpu.memref_slice %arg4[%dma_wait3A_757, %mul3A_2] : memref<16x106496xf32, #tpu.memory_space<hbm>> -> memref<1x3328xf32, #tpu.memory_space<hbm>>
    %dma_wait3A_761 = tpu.memref_squeeze %dma_wait3A_760 : memref<1x3328xf32, #tpu.memory_space<hbm>> -> memref<3328xf32, #tpu.memory_space<hbm>>
    %dma_wait3A_762 = tpu.memref_slice %arg4[%dma_wait3A_757, %mul3A_2] : memref<16x106496xf32, #tpu.memory_space<hbm>> -> memref<1x3328xf32, #tpu.memory_space<hbm>>
    %dma_wait3A_763 = tpu.memref_squeeze %dma_wait3A_762 : memref<1x3328xf32, #tpu.memory_space<hbm>> -> memref<3328xf32, #tpu.memory_space<hbm>>
    %dma_wait3A_764 = arith.constant 43264 : i32
    %dma_wait3A_765 = tpu.memref_slice %arg6[%dma_wait3A_764] : memref<53248xf32, #tpu.memory_space<vmem>> -> memref<3328xf32, #tpu.memory_space<vmem>>
    tpu.wait_dma2 semaphore(%arg8 : memref<!tpu.dma_semaphore, #tpu.memory_space<semaphore_mem>>) src(%dma_wait3A_765 : memref<3328xf32, #tpu.memory_space<vmem>>) dst(%dma_wait3A_763 : memref<3328xf32, #tpu.memory_space<hbm>>)
    %dma_wait3A_766 = arith.constant 14 : i32
    %dma_wait3A_767 = arith.constant 46592 : i32
    %dma_wait3A_768 = tpu.memref_slice %arg6[%dma_wait3A_767] : memref<53248xf32, #tpu.memory_space<vmem>> -> memref<3328xf32, #tpu.memory_space<vmem>>
    %dma_wait3A_769 = tpu.memref_slice %arg4[%dma_wait3A_766, %mul3A_2] : memref<16x106496xf32, #tpu.memory_space<hbm>> -> memref<1x3328xf32, #tpu.memory_space<hbm>>
    %dma_wait3A_770 = tpu.memref_squeeze %dma_wait3A_769 : memref<1x3328xf32, #tpu.memory_space<hbm>> -> memref<3328xf32, #tpu.memory_space<hbm>>
    %dma_wait3A_771 = tpu.memref_slice %arg4[%dma_wait3A_766, %mul3A_2] : memref<16x106496xf32, #tpu.memory_space<hbm>> -> memref<1x3328xf32, #tpu.memory_space<hbm>>
    %dma_wait3A_772 = tpu.memref_squeeze %dma_wait3A_771 : memref<1x3328xf32, #tpu.memory_space<hbm>> -> memref<3328xf32, #tpu.memory_space<hbm>>
    %dma_wait3A_773 = arith.constant 46592 : i32
    %dma_wait3A_774 = tpu.memref_slice %arg6[%dma_wait3A_773] : memref<53248xf32, #tpu.memory_space<vmem>> -> memref<3328xf32, #tpu.memory_space<vmem>>
    tpu.wait_dma2 semaphore(%arg8 : memref<!tpu.dma_semaphore, #tpu.memory_space<semaphore_mem>>) src(%dma_wait3A_774 : memref<3328xf32, #tpu.memory_space<vmem>>) dst(%dma_wait3A_772 : memref<3328xf32, #tpu.memory_space<hbm>>)
    %dma_wait3A_775 = arith.constant 15 : i32
    %dma_wait3A_776 = arith.constant 49920 : i32
    %dma_wait3A_777 = tpu.memref_slice %arg6[%dma_wait3A_776] : memref<53248xf32, #tpu.memory_space<vmem>> -> memref<3328xf32, #tpu.memory_space<vmem>>
    %dma_wait3A_778 = tpu.memref_slice %arg4[%dma_wait3A_775, %mul3A_2] : memref<16x106496xf32, #tpu.memory_space<hbm>> -> memref<1x3328xf32, #tpu.memory_space<hbm>>
    %dma_wait3A_779 = tpu.memref_squeeze %dma_wait3A_778 : memref<1x3328xf32, #tpu.memory_space<hbm>> -> memref<3328xf32, #tpu.memory_space<hbm>>
    %dma_wait3A_780 = tpu.memref_slice %arg4[%dma_wait3A_775, %mul3A_2] : memref<16x106496xf32, #tpu.memory_space<hbm>> -> memref<1x3328xf32, #tpu.memory_space<hbm>>
    %dma_wait3A_781 = tpu.memref_squeeze %dma_wait3A_780 : memref<1x3328xf32, #tpu.memory_space<hbm>> -> memref<3328xf32, #tpu.memory_space<hbm>>
    %dma_wait3A_782 = arith.constant 49920 : i32
    %dma_wait3A_783 = tpu.memref_slice %arg6[%dma_wait3A_782] : memref<53248xf32, #tpu.memory_space<vmem>> -> memref<3328xf32, #tpu.memory_space<vmem>>
    tpu.wait_dma2 semaphore(%arg8 : memref<!tpu.dma_semaphore, #tpu.memory_space<semaphore_mem>>) src(%dma_wait3A_783 : memref<3328xf32, #tpu.memory_space<vmem>>) dst(%dma_wait3A_781 : memref<3328xf32, #tpu.memory_space<hbm>>)
    return
  }
}

module attributes {stable_mosaic.version = 14 : i64} {
  func.func @_tc_body(%arg0: i32, %arg1: memref<512x13xf32, #tpu.memory_space<vmem>>, %arg2: memref<16x13312xf32, #tpu.memory_space<vmem>>, %arg3: memref<512x32xf32, #tpu.memory_space<vmem>>, %arg4: memref<512x1xf32, #tpu.memory_space<vmem>>, %arg5: memref<13x200xf32, #tpu.memory_space<vmem>>, %arg6: memref<16x26x200xf32, #tpu.memory_space<vmem>>, %arg7: memref<32x200xf32, #tpu.memory_space<vmem>>, %arg8: memref<1x200xf32, #tpu.memory_space<vmem>>, %arg9: memref<200x200xf32, #tpu.memory_space<vmem>>, %arg10: memref<1x200xf32, #tpu.memory_space<vmem>>, %arg11: memref<200x200xf32, #tpu.memory_space<vmem>>, %arg12: memref<1x200xf32, #tpu.memory_space<vmem>>, %arg13: memref<200x1xf32, #tpu.memory_space<vmem>>, %arg14: memref<1x1xf32, #tpu.memory_space<vmem>>, %arg15: memref<13x1xf32, #tpu.memory_space<vmem>>, %arg16: memref<1x1xf32, #tpu.memory_space<vmem>>, %arg17: memref<1x1xf32, #tpu.memory_space<vmem>>, %arg18: memref<1x1xf32, #tpu.memory_space<vmem>>, %arg19: memref<1x1xf32, #tpu.memory_space<vmem>>, %arg20: memref<1x1xf32, #tpu.memory_space<vmem>>, %arg21: memref<26x1xf32, #tpu.memory_space<vmem>>, %arg22: memref<512x1xf32, #tpu.memory_space<vmem>>, %arg23: memref<512x1xf32, #tpu.memory_space<vmem>>) attributes {dimension_semantics = [#tpu.dimension_semantics<arbitrary>], iteration_bounds = array<i64: 8>, scalar_prefetch = 0 : i64, scratch_operands = 0 : i64, tpu.core_type = #tpu.core_type<tc>, window_params = [{transform_indices = @transform_0, window_bounds = array<i64: 512, 13>}, {transform_indices = @transform_1, window_bounds = array<i64: 16, 13312>}, {transform_indices = @transform_2, window_bounds = array<i64: 512, 32>}, {transform_indices = @transform_3, window_bounds = array<i64: 512, 1>}, {pipeline_mode = #tpu.pipeline_mode<synchronous>, transform_indices = @transform_4, window_bounds = array<i64: 13, 200>}, {pipeline_mode = #tpu.pipeline_mode<synchronous>, transform_indices = @transform_5, window_bounds = array<i64: 16, 26, 200>}, {pipeline_mode = #tpu.pipeline_mode<synchronous>, transform_indices = @transform_6, window_bounds = array<i64: 32, 200>}, {pipeline_mode = #tpu.pipeline_mode<synchronous>, transform_indices = @transform_7, window_bounds = array<i64: 1, 200>}, {pipeline_mode = #tpu.pipeline_mode<synchronous>, transform_indices = @transform_8, window_bounds = array<i64: 200, 200>}, {pipeline_mode = #tpu.pipeline_mode<synchronous>, transform_indices = @transform_9, window_bounds = array<i64: 1, 200>}, {pipeline_mode = #tpu.pipeline_mode<synchronous>, transform_indices = @transform_10, window_bounds = array<i64: 200, 200>}, {pipeline_mode = #tpu.pipeline_mode<synchronous>, transform_indices = @transform_11, window_bounds = array<i64: 1, 200>}, {pipeline_mode = #tpu.pipeline_mode<synchronous>, transform_indices = @transform_12, window_bounds = array<i64: 200, 1>}, {pipeline_mode = #tpu.pipeline_mode<synchronous>, transform_indices = @transform_13, window_bounds = array<i64: 1, 1>}, {pipeline_mode = #tpu.pipeline_mode<synchronous>, transform_indices = @transform_14, window_bounds = array<i64: 13, 1>}, {pipeline_mode = #tpu.pipeline_mode<synchronous>, transform_indices = @transform_15, window_bounds = array<i64: 1, 1>}, {pipeline_mode = #tpu.pipeline_mode<synchronous>, transform_indices = @transform_16, window_bounds = array<i64: 1, 1>}, {pipeline_mode = #tpu.pipeline_mode<synchronous>, transform_indices = @transform_17, window_bounds = array<i64: 1, 1>}, {pipeline_mode = #tpu.pipeline_mode<synchronous>, transform_indices = @transform_18, window_bounds = array<i64: 1, 1>}, {pipeline_mode = #tpu.pipeline_mode<synchronous>, transform_indices = @transform_19, window_bounds = array<i64: 1, 1>}, {pipeline_mode = #tpu.pipeline_mode<synchronous>, transform_indices = @transform_20, window_bounds = array<i64: 26, 1>}, {transform_indices = @transform_21, window_bounds = array<i64: 512, 1>}, {transform_indices = @transform_22, window_bounds = array<i64: 512, 1>}]} {
    %get3A = arith.constant 0 : index
    %get3A_0 = arith.constant 0 : index
    %get3A_1 = vector.load %arg1[%get3A, %get3A_0] : memref<512x13xf32, #tpu.memory_space<vmem>>, vector<512x13xf32>
    %get3A_2 = arith.constant 0 : index
    %get3A_3 = arith.constant 0 : index
    %get3A_4 = vector.load %arg3[%get3A_2, %get3A_3] : memref<512x32xf32, #tpu.memory_space<vmem>>, vector<512x32xf32>
    %get3A_5 = arith.constant 0 : index
    %get3A_6 = arith.constant 0 : index
    %get3A_7 = vector.load %arg5[%get3A_5, %get3A_6] : memref<13x200xf32, #tpu.memory_space<vmem>>, vector<13x200xf32>
    %dot_general3A = arith.constant dense<0.000000e+00> : vector<512x200xf32>
    %dot_general3A_8 = tpu.matmul %get3A_1, %get3A_7, %dot_general3A {dimension_numbers = #tpu.dot_dimension_numbers<[1], [0], [0], [1], [0, 0, 1, 1], [], []>, transpose_lhs_hint = false} : vector<512x13xf32>, vector<13x200xf32>, vector<512x200xf32> -> vector<512x200xf32>
    %get3A_9 = arith.constant 0 : index
    %get3A_10 = arith.constant 0 : index
    %get3A_11 = vector.load %arg7[%get3A_9, %get3A_10] : memref<32x200xf32, #tpu.memory_space<vmem>>, vector<32x200xf32>
    %dot_general3A_12 = arith.constant dense<0.000000e+00> : vector<512x200xf32>
    %dot_general3A_13 = tpu.matmul %get3A_4, %get3A_11, %dot_general3A_12 {dimension_numbers = #tpu.dot_dimension_numbers<[1], [0], [0], [1], [0, 0, 1, 1], [], []>, transpose_lhs_hint = false} : vector<512x32xf32>, vector<32x200xf32>, vector<512x200xf32> -> vector<512x200xf32>
    %add3A = arith.addf %dot_general3A_8, %dot_general3A_13 : vector<512x200xf32>
    %get3A_14 = arith.constant 0 : index
    %get3A_15 = arith.constant 0 : index
    %get3A_16 = vector.load %arg8[%get3A_14, %get3A_15] : memref<1x200xf32, #tpu.memory_space<vmem>>, vector<1x200xf32>
    %add3A_17 = vector.broadcast %get3A_16 : vector<1x200xf32> to vector<512x200xf32>
    %add3A_18 = arith.addf %add3A, %add3A_17 : vector<512x200xf32>
    %get3A_19 = arith.constant 0 : index
    %get3A_20 = arith.constant 0 : index
    %get3A_21 = vector.load %arg2[%get3A_19, %get3A_20] : memref<16x13312xf32, #tpu.memory_space<vmem>>, vector<16x13312xf32>
    %reshape3A = vector.shape_cast %get3A_21 : vector<16x13312xf32> to vector<16x512x26xf32>
    %broadcast_in_dim3A = arith.constant 0.000000e+00 : f32
    %broadcast_in_dim3A_22 = vector.broadcast %broadcast_in_dim3A : f32 to vector<512x1xf32>
    %broadcast_in_dim3A_23 = arith.constant 0.000000e+00 : f32
    %broadcast_in_dim3A_24 = vector.broadcast %broadcast_in_dim3A_23 : f32 to vector<512x1xf32>
    %slice3A = vector.extract_strided_slice %reshape3A {offsets = [0, 0, 0], sizes = [1, 512, 26], strides = [1, 1, 1]} : vector<16x512x26xf32> to vector<1x512x26xf32>
    %squeeze3A = vector.shape_cast %slice3A : vector<1x512x26xf32> to vector<512x26xf32>
    %get3A_25 = arith.constant 0 : index
    %get3A_26 = arith.constant 0 : index
    %get3A_27 = arith.constant 0 : index
    %get3A_28 = vector.load %arg6[%get3A_25, %get3A_26, %get3A_27] : memref<16x26x200xf32, #tpu.memory_space<vmem>>, vector<1x26x200xf32>
    %get3A_29 = vector.shape_cast %get3A_28 : vector<1x26x200xf32> to vector<26x200xf32>
    %dot_general3A_30 = arith.constant dense<0.000000e+00> : vector<512x200xf32>
    %dot_general3A_31 = tpu.matmul %squeeze3A, %get3A_29, %dot_general3A_30 {dimension_numbers = #tpu.dot_dimension_numbers<[1], [0], [0], [1], [0, 0, 1, 1], [], []>, transpose_lhs_hint = false} : vector<512x26xf32>, vector<26x200xf32>, vector<512x200xf32> -> vector<512x200xf32>
    %add3A_32 = arith.addf %add3A_18, %dot_general3A_31 : vector<512x200xf32>
    %reduce_sum3A = arith.constant dense<0.000000e+00> : vector<512xf32>
    %reduce_sum3A_33 = vector.multi_reduction <add>, %squeeze3A, %reduce_sum3A [1] : vector<512x26xf32> to vector<512xf32>
    %broadcast_in_dim3A_34 = vector.shape_cast %reduce_sum3A_33 : vector<512xf32> to vector<512x1xf32>
    %slice3A_35 = vector.extract_strided_slice %get3A_4 {offsets = [0, 0], sizes = [512, 1], strides = [1, 1]} : vector<512x32xf32> to vector<512x1xf32>
    %add3A_36 = arith.addf %broadcast_in_dim3A_34, %slice3A_35 : vector<512x1xf32>
    %slice3A_37 = vector.extract_strided_slice %get3A_4 {offsets = [0, 16], sizes = [512, 1], strides = [1, 1]} : vector<512x32xf32> to vector<512x1xf32>
    %add3A_38 = arith.addf %add3A_36, %slice3A_37 : vector<512x1xf32>
    %mul3A = arith.mulf %add3A_38, %add3A_38 : vector<512x1xf32>
    %add3A_39 = arith.addf %broadcast_in_dim3A_22, %mul3A : vector<512x1xf32>
    %mul3A_40 = arith.mulf %squeeze3A, %squeeze3A : vector<512x26xf32>
    %reduce_sum3A_41 = arith.constant dense<0.000000e+00> : vector<512xf32>
    %reduce_sum3A_42 = vector.multi_reduction <add>, %mul3A_40, %reduce_sum3A_41 [1] : vector<512x26xf32> to vector<512xf32>
    %broadcast_in_dim3A_43 = vector.shape_cast %reduce_sum3A_42 : vector<512xf32> to vector<512x1xf32>
    %add3A_44 = arith.addf %broadcast_in_dim3A_24, %broadcast_in_dim3A_43 : vector<512x1xf32>
    %slice3A_45 = vector.extract_strided_slice %reshape3A {offsets = [1, 0, 0], sizes = [1, 512, 26], strides = [1, 1, 1]} : vector<16x512x26xf32> to vector<1x512x26xf32>
    %squeeze3A_46 = vector.shape_cast %slice3A_45 : vector<1x512x26xf32> to vector<512x26xf32>
    %get3A_47 = arith.constant 1 : index
    %get3A_48 = arith.constant 0 : index
    %get3A_49 = arith.constant 0 : index
    %get3A_50 = vector.load %arg6[%get3A_47, %get3A_48, %get3A_49] : memref<16x26x200xf32, #tpu.memory_space<vmem>>, vector<1x26x200xf32>
    %get3A_51 = vector.shape_cast %get3A_50 : vector<1x26x200xf32> to vector<26x200xf32>
    %dot_general3A_52 = arith.constant dense<0.000000e+00> : vector<512x200xf32>
    %dot_general3A_53 = tpu.matmul %squeeze3A_46, %get3A_51, %dot_general3A_52 {dimension_numbers = #tpu.dot_dimension_numbers<[1], [0], [0], [1], [0, 0, 1, 1], [], []>, transpose_lhs_hint = false} : vector<512x26xf32>, vector<26x200xf32>, vector<512x200xf32> -> vector<512x200xf32>
    %add3A_54 = arith.addf %add3A_32, %dot_general3A_53 : vector<512x200xf32>
    %reduce_sum3A_55 = arith.constant dense<0.000000e+00> : vector<512xf32>
    %reduce_sum3A_56 = vector.multi_reduction <add>, %squeeze3A_46, %reduce_sum3A_55 [1] : vector<512x26xf32> to vector<512xf32>
    %broadcast_in_dim3A_57 = vector.shape_cast %reduce_sum3A_56 : vector<512xf32> to vector<512x1xf32>
    %slice3A_58 = vector.extract_strided_slice %get3A_4 {offsets = [0, 1], sizes = [512, 1], strides = [1, 1]} : vector<512x32xf32> to vector<512x1xf32>
    %add3A_59 = arith.addf %broadcast_in_dim3A_57, %slice3A_58 : vector<512x1xf32>
    %slice3A_60 = vector.extract_strided_slice %get3A_4 {offsets = [0, 17], sizes = [512, 1], strides = [1, 1]} : vector<512x32xf32> to vector<512x1xf32>
    %add3A_61 = arith.addf %add3A_59, %slice3A_60 : vector<512x1xf32>
    %mul3A_62 = arith.mulf %add3A_61, %add3A_61 : vector<512x1xf32>
    %add3A_63 = arith.addf %add3A_39, %mul3A_62 : vector<512x1xf32>
    %mul3A_64 = arith.mulf %squeeze3A_46, %squeeze3A_46 : vector<512x26xf32>
    %reduce_sum3A_65 = arith.constant dense<0.000000e+00> : vector<512xf32>
    %reduce_sum3A_66 = vector.multi_reduction <add>, %mul3A_64, %reduce_sum3A_65 [1] : vector<512x26xf32> to vector<512xf32>
    %broadcast_in_dim3A_67 = vector.shape_cast %reduce_sum3A_66 : vector<512xf32> to vector<512x1xf32>
    %add3A_68 = arith.addf %add3A_44, %broadcast_in_dim3A_67 : vector<512x1xf32>
    %slice3A_69 = vector.extract_strided_slice %reshape3A {offsets = [2, 0, 0], sizes = [1, 512, 26], strides = [1, 1, 1]} : vector<16x512x26xf32> to vector<1x512x26xf32>
    %squeeze3A_70 = vector.shape_cast %slice3A_69 : vector<1x512x26xf32> to vector<512x26xf32>
    %get3A_71 = arith.constant 2 : index
    %get3A_72 = arith.constant 0 : index
    %get3A_73 = arith.constant 0 : index
    %get3A_74 = vector.load %arg6[%get3A_71, %get3A_72, %get3A_73] : memref<16x26x200xf32, #tpu.memory_space<vmem>>, vector<1x26x200xf32>
    %get3A_75 = vector.shape_cast %get3A_74 : vector<1x26x200xf32> to vector<26x200xf32>
    %dot_general3A_76 = arith.constant dense<0.000000e+00> : vector<512x200xf32>
    %dot_general3A_77 = tpu.matmul %squeeze3A_70, %get3A_75, %dot_general3A_76 {dimension_numbers = #tpu.dot_dimension_numbers<[1], [0], [0], [1], [0, 0, 1, 1], [], []>, transpose_lhs_hint = false} : vector<512x26xf32>, vector<26x200xf32>, vector<512x200xf32> -> vector<512x200xf32>
    %add3A_78 = arith.addf %add3A_54, %dot_general3A_77 : vector<512x200xf32>
    %reduce_sum3A_79 = arith.constant dense<0.000000e+00> : vector<512xf32>
    %reduce_sum3A_80 = vector.multi_reduction <add>, %squeeze3A_70, %reduce_sum3A_79 [1] : vector<512x26xf32> to vector<512xf32>
    %broadcast_in_dim3A_81 = vector.shape_cast %reduce_sum3A_80 : vector<512xf32> to vector<512x1xf32>
    %slice3A_82 = vector.extract_strided_slice %get3A_4 {offsets = [0, 2], sizes = [512, 1], strides = [1, 1]} : vector<512x32xf32> to vector<512x1xf32>
    %add3A_83 = arith.addf %broadcast_in_dim3A_81, %slice3A_82 : vector<512x1xf32>
    %slice3A_84 = vector.extract_strided_slice %get3A_4 {offsets = [0, 18], sizes = [512, 1], strides = [1, 1]} : vector<512x32xf32> to vector<512x1xf32>
    %add3A_85 = arith.addf %add3A_83, %slice3A_84 : vector<512x1xf32>
    %mul3A_86 = arith.mulf %add3A_85, %add3A_85 : vector<512x1xf32>
    %add3A_87 = arith.addf %add3A_63, %mul3A_86 : vector<512x1xf32>
    %mul3A_88 = arith.mulf %squeeze3A_70, %squeeze3A_70 : vector<512x26xf32>
    %reduce_sum3A_89 = arith.constant dense<0.000000e+00> : vector<512xf32>
    %reduce_sum3A_90 = vector.multi_reduction <add>, %mul3A_88, %reduce_sum3A_89 [1] : vector<512x26xf32> to vector<512xf32>
    %broadcast_in_dim3A_91 = vector.shape_cast %reduce_sum3A_90 : vector<512xf32> to vector<512x1xf32>
    %add3A_92 = arith.addf %add3A_68, %broadcast_in_dim3A_91 : vector<512x1xf32>
    %slice3A_93 = vector.extract_strided_slice %reshape3A {offsets = [3, 0, 0], sizes = [1, 512, 26], strides = [1, 1, 1]} : vector<16x512x26xf32> to vector<1x512x26xf32>
    %squeeze3A_94 = vector.shape_cast %slice3A_93 : vector<1x512x26xf32> to vector<512x26xf32>
    %get3A_95 = arith.constant 3 : index
    %get3A_96 = arith.constant 0 : index
    %get3A_97 = arith.constant 0 : index
    %get3A_98 = vector.load %arg6[%get3A_95, %get3A_96, %get3A_97] : memref<16x26x200xf32, #tpu.memory_space<vmem>>, vector<1x26x200xf32>
    %get3A_99 = vector.shape_cast %get3A_98 : vector<1x26x200xf32> to vector<26x200xf32>
    %dot_general3A_100 = arith.constant dense<0.000000e+00> : vector<512x200xf32>
    %dot_general3A_101 = tpu.matmul %squeeze3A_94, %get3A_99, %dot_general3A_100 {dimension_numbers = #tpu.dot_dimension_numbers<[1], [0], [0], [1], [0, 0, 1, 1], [], []>, transpose_lhs_hint = false} : vector<512x26xf32>, vector<26x200xf32>, vector<512x200xf32> -> vector<512x200xf32>
    %add3A_102 = arith.addf %add3A_78, %dot_general3A_101 : vector<512x200xf32>
    %reduce_sum3A_103 = arith.constant dense<0.000000e+00> : vector<512xf32>
    %reduce_sum3A_104 = vector.multi_reduction <add>, %squeeze3A_94, %reduce_sum3A_103 [1] : vector<512x26xf32> to vector<512xf32>
    %broadcast_in_dim3A_105 = vector.shape_cast %reduce_sum3A_104 : vector<512xf32> to vector<512x1xf32>
    %slice3A_106 = vector.extract_strided_slice %get3A_4 {offsets = [0, 3], sizes = [512, 1], strides = [1, 1]} : vector<512x32xf32> to vector<512x1xf32>
    %add3A_107 = arith.addf %broadcast_in_dim3A_105, %slice3A_106 : vector<512x1xf32>
    %slice3A_108 = vector.extract_strided_slice %get3A_4 {offsets = [0, 19], sizes = [512, 1], strides = [1, 1]} : vector<512x32xf32> to vector<512x1xf32>
    %add3A_109 = arith.addf %add3A_107, %slice3A_108 : vector<512x1xf32>
    %mul3A_110 = arith.mulf %add3A_109, %add3A_109 : vector<512x1xf32>
    %add3A_111 = arith.addf %add3A_87, %mul3A_110 : vector<512x1xf32>
    %mul3A_112 = arith.mulf %squeeze3A_94, %squeeze3A_94 : vector<512x26xf32>
    %reduce_sum3A_113 = arith.constant dense<0.000000e+00> : vector<512xf32>
    %reduce_sum3A_114 = vector.multi_reduction <add>, %mul3A_112, %reduce_sum3A_113 [1] : vector<512x26xf32> to vector<512xf32>
    %broadcast_in_dim3A_115 = vector.shape_cast %reduce_sum3A_114 : vector<512xf32> to vector<512x1xf32>
    %add3A_116 = arith.addf %add3A_92, %broadcast_in_dim3A_115 : vector<512x1xf32>
    %slice3A_117 = vector.extract_strided_slice %reshape3A {offsets = [4, 0, 0], sizes = [1, 512, 26], strides = [1, 1, 1]} : vector<16x512x26xf32> to vector<1x512x26xf32>
    %squeeze3A_118 = vector.shape_cast %slice3A_117 : vector<1x512x26xf32> to vector<512x26xf32>
    %get3A_119 = arith.constant 4 : index
    %get3A_120 = arith.constant 0 : index
    %get3A_121 = arith.constant 0 : index
    %get3A_122 = vector.load %arg6[%get3A_119, %get3A_120, %get3A_121] : memref<16x26x200xf32, #tpu.memory_space<vmem>>, vector<1x26x200xf32>
    %get3A_123 = vector.shape_cast %get3A_122 : vector<1x26x200xf32> to vector<26x200xf32>
    %dot_general3A_124 = arith.constant dense<0.000000e+00> : vector<512x200xf32>
    %dot_general3A_125 = tpu.matmul %squeeze3A_118, %get3A_123, %dot_general3A_124 {dimension_numbers = #tpu.dot_dimension_numbers<[1], [0], [0], [1], [0, 0, 1, 1], [], []>, transpose_lhs_hint = false} : vector<512x26xf32>, vector<26x200xf32>, vector<512x200xf32> -> vector<512x200xf32>
    %add3A_126 = arith.addf %add3A_102, %dot_general3A_125 : vector<512x200xf32>
    %reduce_sum3A_127 = arith.constant dense<0.000000e+00> : vector<512xf32>
    %reduce_sum3A_128 = vector.multi_reduction <add>, %squeeze3A_118, %reduce_sum3A_127 [1] : vector<512x26xf32> to vector<512xf32>
    %broadcast_in_dim3A_129 = vector.shape_cast %reduce_sum3A_128 : vector<512xf32> to vector<512x1xf32>
    %slice3A_130 = vector.extract_strided_slice %get3A_4 {offsets = [0, 4], sizes = [512, 1], strides = [1, 1]} : vector<512x32xf32> to vector<512x1xf32>
    %add3A_131 = arith.addf %broadcast_in_dim3A_129, %slice3A_130 : vector<512x1xf32>
    %slice3A_132 = vector.extract_strided_slice %get3A_4 {offsets = [0, 20], sizes = [512, 1], strides = [1, 1]} : vector<512x32xf32> to vector<512x1xf32>
    %add3A_133 = arith.addf %add3A_131, %slice3A_132 : vector<512x1xf32>
    %mul3A_134 = arith.mulf %add3A_133, %add3A_133 : vector<512x1xf32>
    %add3A_135 = arith.addf %add3A_111, %mul3A_134 : vector<512x1xf32>
    %mul3A_136 = arith.mulf %squeeze3A_118, %squeeze3A_118 : vector<512x26xf32>
    %reduce_sum3A_137 = arith.constant dense<0.000000e+00> : vector<512xf32>
    %reduce_sum3A_138 = vector.multi_reduction <add>, %mul3A_136, %reduce_sum3A_137 [1] : vector<512x26xf32> to vector<512xf32>
    %broadcast_in_dim3A_139 = vector.shape_cast %reduce_sum3A_138 : vector<512xf32> to vector<512x1xf32>
    %add3A_140 = arith.addf %add3A_116, %broadcast_in_dim3A_139 : vector<512x1xf32>
    %slice3A_141 = vector.extract_strided_slice %reshape3A {offsets = [5, 0, 0], sizes = [1, 512, 26], strides = [1, 1, 1]} : vector<16x512x26xf32> to vector<1x512x26xf32>
    %squeeze3A_142 = vector.shape_cast %slice3A_141 : vector<1x512x26xf32> to vector<512x26xf32>
    %get3A_143 = arith.constant 5 : index
    %get3A_144 = arith.constant 0 : index
    %get3A_145 = arith.constant 0 : index
    %get3A_146 = vector.load %arg6[%get3A_143, %get3A_144, %get3A_145] : memref<16x26x200xf32, #tpu.memory_space<vmem>>, vector<1x26x200xf32>
    %get3A_147 = vector.shape_cast %get3A_146 : vector<1x26x200xf32> to vector<26x200xf32>
    %dot_general3A_148 = arith.constant dense<0.000000e+00> : vector<512x200xf32>
    %dot_general3A_149 = tpu.matmul %squeeze3A_142, %get3A_147, %dot_general3A_148 {dimension_numbers = #tpu.dot_dimension_numbers<[1], [0], [0], [1], [0, 0, 1, 1], [], []>, transpose_lhs_hint = false} : vector<512x26xf32>, vector<26x200xf32>, vector<512x200xf32> -> vector<512x200xf32>
    %add3A_150 = arith.addf %add3A_126, %dot_general3A_149 : vector<512x200xf32>
    %reduce_sum3A_151 = arith.constant dense<0.000000e+00> : vector<512xf32>
    %reduce_sum3A_152 = vector.multi_reduction <add>, %squeeze3A_142, %reduce_sum3A_151 [1] : vector<512x26xf32> to vector<512xf32>
    %broadcast_in_dim3A_153 = vector.shape_cast %reduce_sum3A_152 : vector<512xf32> to vector<512x1xf32>
    %slice3A_154 = vector.extract_strided_slice %get3A_4 {offsets = [0, 5], sizes = [512, 1], strides = [1, 1]} : vector<512x32xf32> to vector<512x1xf32>
    %add3A_155 = arith.addf %broadcast_in_dim3A_153, %slice3A_154 : vector<512x1xf32>
    %slice3A_156 = vector.extract_strided_slice %get3A_4 {offsets = [0, 21], sizes = [512, 1], strides = [1, 1]} : vector<512x32xf32> to vector<512x1xf32>
    %add3A_157 = arith.addf %add3A_155, %slice3A_156 : vector<512x1xf32>
    %mul3A_158 = arith.mulf %add3A_157, %add3A_157 : vector<512x1xf32>
    %add3A_159 = arith.addf %add3A_135, %mul3A_158 : vector<512x1xf32>
    %mul3A_160 = arith.mulf %squeeze3A_142, %squeeze3A_142 : vector<512x26xf32>
    %reduce_sum3A_161 = arith.constant dense<0.000000e+00> : vector<512xf32>
    %reduce_sum3A_162 = vector.multi_reduction <add>, %mul3A_160, %reduce_sum3A_161 [1] : vector<512x26xf32> to vector<512xf32>
    %broadcast_in_dim3A_163 = vector.shape_cast %reduce_sum3A_162 : vector<512xf32> to vector<512x1xf32>
    %add3A_164 = arith.addf %add3A_140, %broadcast_in_dim3A_163 : vector<512x1xf32>
    %slice3A_165 = vector.extract_strided_slice %reshape3A {offsets = [6, 0, 0], sizes = [1, 512, 26], strides = [1, 1, 1]} : vector<16x512x26xf32> to vector<1x512x26xf32>
    %squeeze3A_166 = vector.shape_cast %slice3A_165 : vector<1x512x26xf32> to vector<512x26xf32>
    %get3A_167 = arith.constant 6 : index
    %get3A_168 = arith.constant 0 : index
    %get3A_169 = arith.constant 0 : index
    %get3A_170 = vector.load %arg6[%get3A_167, %get3A_168, %get3A_169] : memref<16x26x200xf32, #tpu.memory_space<vmem>>, vector<1x26x200xf32>
    %get3A_171 = vector.shape_cast %get3A_170 : vector<1x26x200xf32> to vector<26x200xf32>
    %dot_general3A_172 = arith.constant dense<0.000000e+00> : vector<512x200xf32>
    %dot_general3A_173 = tpu.matmul %squeeze3A_166, %get3A_171, %dot_general3A_172 {dimension_numbers = #tpu.dot_dimension_numbers<[1], [0], [0], [1], [0, 0, 1, 1], [], []>, transpose_lhs_hint = false} : vector<512x26xf32>, vector<26x200xf32>, vector<512x200xf32> -> vector<512x200xf32>
    %add3A_174 = arith.addf %add3A_150, %dot_general3A_173 : vector<512x200xf32>
    %reduce_sum3A_175 = arith.constant dense<0.000000e+00> : vector<512xf32>
    %reduce_sum3A_176 = vector.multi_reduction <add>, %squeeze3A_166, %reduce_sum3A_175 [1] : vector<512x26xf32> to vector<512xf32>
    %broadcast_in_dim3A_177 = vector.shape_cast %reduce_sum3A_176 : vector<512xf32> to vector<512x1xf32>
    %slice3A_178 = vector.extract_strided_slice %get3A_4 {offsets = [0, 6], sizes = [512, 1], strides = [1, 1]} : vector<512x32xf32> to vector<512x1xf32>
    %add3A_179 = arith.addf %broadcast_in_dim3A_177, %slice3A_178 : vector<512x1xf32>
    %slice3A_180 = vector.extract_strided_slice %get3A_4 {offsets = [0, 22], sizes = [512, 1], strides = [1, 1]} : vector<512x32xf32> to vector<512x1xf32>
    %add3A_181 = arith.addf %add3A_179, %slice3A_180 : vector<512x1xf32>
    %mul3A_182 = arith.mulf %add3A_181, %add3A_181 : vector<512x1xf32>
    %add3A_183 = arith.addf %add3A_159, %mul3A_182 : vector<512x1xf32>
    %mul3A_184 = arith.mulf %squeeze3A_166, %squeeze3A_166 : vector<512x26xf32>
    %reduce_sum3A_185 = arith.constant dense<0.000000e+00> : vector<512xf32>
    %reduce_sum3A_186 = vector.multi_reduction <add>, %mul3A_184, %reduce_sum3A_185 [1] : vector<512x26xf32> to vector<512xf32>
    %broadcast_in_dim3A_187 = vector.shape_cast %reduce_sum3A_186 : vector<512xf32> to vector<512x1xf32>
    %add3A_188 = arith.addf %add3A_164, %broadcast_in_dim3A_187 : vector<512x1xf32>
    %slice3A_189 = vector.extract_strided_slice %reshape3A {offsets = [7, 0, 0], sizes = [1, 512, 26], strides = [1, 1, 1]} : vector<16x512x26xf32> to vector<1x512x26xf32>
    %squeeze3A_190 = vector.shape_cast %slice3A_189 : vector<1x512x26xf32> to vector<512x26xf32>
    %get3A_191 = arith.constant 7 : index
    %get3A_192 = arith.constant 0 : index
    %get3A_193 = arith.constant 0 : index
    %get3A_194 = vector.load %arg6[%get3A_191, %get3A_192, %get3A_193] : memref<16x26x200xf32, #tpu.memory_space<vmem>>, vector<1x26x200xf32>
    %get3A_195 = vector.shape_cast %get3A_194 : vector<1x26x200xf32> to vector<26x200xf32>
    %dot_general3A_196 = arith.constant dense<0.000000e+00> : vector<512x200xf32>
    %dot_general3A_197 = tpu.matmul %squeeze3A_190, %get3A_195, %dot_general3A_196 {dimension_numbers = #tpu.dot_dimension_numbers<[1], [0], [0], [1], [0, 0, 1, 1], [], []>, transpose_lhs_hint = false} : vector<512x26xf32>, vector<26x200xf32>, vector<512x200xf32> -> vector<512x200xf32>
    %add3A_198 = arith.addf %add3A_174, %dot_general3A_197 : vector<512x200xf32>
    %reduce_sum3A_199 = arith.constant dense<0.000000e+00> : vector<512xf32>
    %reduce_sum3A_200 = vector.multi_reduction <add>, %squeeze3A_190, %reduce_sum3A_199 [1] : vector<512x26xf32> to vector<512xf32>
    %broadcast_in_dim3A_201 = vector.shape_cast %reduce_sum3A_200 : vector<512xf32> to vector<512x1xf32>
    %slice3A_202 = vector.extract_strided_slice %get3A_4 {offsets = [0, 7], sizes = [512, 1], strides = [1, 1]} : vector<512x32xf32> to vector<512x1xf32>
    %add3A_203 = arith.addf %broadcast_in_dim3A_201, %slice3A_202 : vector<512x1xf32>
    %slice3A_204 = vector.extract_strided_slice %get3A_4 {offsets = [0, 23], sizes = [512, 1], strides = [1, 1]} : vector<512x32xf32> to vector<512x1xf32>
    %add3A_205 = arith.addf %add3A_203, %slice3A_204 : vector<512x1xf32>
    %mul3A_206 = arith.mulf %add3A_205, %add3A_205 : vector<512x1xf32>
    %add3A_207 = arith.addf %add3A_183, %mul3A_206 : vector<512x1xf32>
    %mul3A_208 = arith.mulf %squeeze3A_190, %squeeze3A_190 : vector<512x26xf32>
    %reduce_sum3A_209 = arith.constant dense<0.000000e+00> : vector<512xf32>
    %reduce_sum3A_210 = vector.multi_reduction <add>, %mul3A_208, %reduce_sum3A_209 [1] : vector<512x26xf32> to vector<512xf32>
    %broadcast_in_dim3A_211 = vector.shape_cast %reduce_sum3A_210 : vector<512xf32> to vector<512x1xf32>
    %add3A_212 = arith.addf %add3A_188, %broadcast_in_dim3A_211 : vector<512x1xf32>
    %slice3A_213 = vector.extract_strided_slice %reshape3A {offsets = [8, 0, 0], sizes = [1, 512, 26], strides = [1, 1, 1]} : vector<16x512x26xf32> to vector<1x512x26xf32>
    %squeeze3A_214 = vector.shape_cast %slice3A_213 : vector<1x512x26xf32> to vector<512x26xf32>
    %get3A_215 = arith.constant 8 : index
    %get3A_216 = arith.constant 0 : index
    %get3A_217 = arith.constant 0 : index
    %get3A_218 = vector.load %arg6[%get3A_215, %get3A_216, %get3A_217] : memref<16x26x200xf32, #tpu.memory_space<vmem>>, vector<1x26x200xf32>
    %get3A_219 = vector.shape_cast %get3A_218 : vector<1x26x200xf32> to vector<26x200xf32>
    %dot_general3A_220 = arith.constant dense<0.000000e+00> : vector<512x200xf32>
    %dot_general3A_221 = tpu.matmul %squeeze3A_214, %get3A_219, %dot_general3A_220 {dimension_numbers = #tpu.dot_dimension_numbers<[1], [0], [0], [1], [0, 0, 1, 1], [], []>, transpose_lhs_hint = false} : vector<512x26xf32>, vector<26x200xf32>, vector<512x200xf32> -> vector<512x200xf32>
    %add3A_222 = arith.addf %add3A_198, %dot_general3A_221 : vector<512x200xf32>
    %reduce_sum3A_223 = arith.constant dense<0.000000e+00> : vector<512xf32>
    %reduce_sum3A_224 = vector.multi_reduction <add>, %squeeze3A_214, %reduce_sum3A_223 [1] : vector<512x26xf32> to vector<512xf32>
    %broadcast_in_dim3A_225 = vector.shape_cast %reduce_sum3A_224 : vector<512xf32> to vector<512x1xf32>
    %slice3A_226 = vector.extract_strided_slice %get3A_4 {offsets = [0, 8], sizes = [512, 1], strides = [1, 1]} : vector<512x32xf32> to vector<512x1xf32>
    %add3A_227 = arith.addf %broadcast_in_dim3A_225, %slice3A_226 : vector<512x1xf32>
    %slice3A_228 = vector.extract_strided_slice %get3A_4 {offsets = [0, 24], sizes = [512, 1], strides = [1, 1]} : vector<512x32xf32> to vector<512x1xf32>
    %add3A_229 = arith.addf %add3A_227, %slice3A_228 : vector<512x1xf32>
    %mul3A_230 = arith.mulf %add3A_229, %add3A_229 : vector<512x1xf32>
    %add3A_231 = arith.addf %add3A_207, %mul3A_230 : vector<512x1xf32>
    %mul3A_232 = arith.mulf %squeeze3A_214, %squeeze3A_214 : vector<512x26xf32>
    %reduce_sum3A_233 = arith.constant dense<0.000000e+00> : vector<512xf32>
    %reduce_sum3A_234 = vector.multi_reduction <add>, %mul3A_232, %reduce_sum3A_233 [1] : vector<512x26xf32> to vector<512xf32>
    %broadcast_in_dim3A_235 = vector.shape_cast %reduce_sum3A_234 : vector<512xf32> to vector<512x1xf32>
    %add3A_236 = arith.addf %add3A_212, %broadcast_in_dim3A_235 : vector<512x1xf32>
    %slice3A_237 = vector.extract_strided_slice %reshape3A {offsets = [9, 0, 0], sizes = [1, 512, 26], strides = [1, 1, 1]} : vector<16x512x26xf32> to vector<1x512x26xf32>
    %squeeze3A_238 = vector.shape_cast %slice3A_237 : vector<1x512x26xf32> to vector<512x26xf32>
    %get3A_239 = arith.constant 9 : index
    %get3A_240 = arith.constant 0 : index
    %get3A_241 = arith.constant 0 : index
    %get3A_242 = vector.load %arg6[%get3A_239, %get3A_240, %get3A_241] : memref<16x26x200xf32, #tpu.memory_space<vmem>>, vector<1x26x200xf32>
    %get3A_243 = vector.shape_cast %get3A_242 : vector<1x26x200xf32> to vector<26x200xf32>
    %dot_general3A_244 = arith.constant dense<0.000000e+00> : vector<512x200xf32>
    %dot_general3A_245 = tpu.matmul %squeeze3A_238, %get3A_243, %dot_general3A_244 {dimension_numbers = #tpu.dot_dimension_numbers<[1], [0], [0], [1], [0, 0, 1, 1], [], []>, transpose_lhs_hint = false} : vector<512x26xf32>, vector<26x200xf32>, vector<512x200xf32> -> vector<512x200xf32>
    %add3A_246 = arith.addf %add3A_222, %dot_general3A_245 : vector<512x200xf32>
    %reduce_sum3A_247 = arith.constant dense<0.000000e+00> : vector<512xf32>
    %reduce_sum3A_248 = vector.multi_reduction <add>, %squeeze3A_238, %reduce_sum3A_247 [1] : vector<512x26xf32> to vector<512xf32>
    %broadcast_in_dim3A_249 = vector.shape_cast %reduce_sum3A_248 : vector<512xf32> to vector<512x1xf32>
    %slice3A_250 = vector.extract_strided_slice %get3A_4 {offsets = [0, 9], sizes = [512, 1], strides = [1, 1]} : vector<512x32xf32> to vector<512x1xf32>
    %add3A_251 = arith.addf %broadcast_in_dim3A_249, %slice3A_250 : vector<512x1xf32>
    %slice3A_252 = vector.extract_strided_slice %get3A_4 {offsets = [0, 25], sizes = [512, 1], strides = [1, 1]} : vector<512x32xf32> to vector<512x1xf32>
    %add3A_253 = arith.addf %add3A_251, %slice3A_252 : vector<512x1xf32>
    %mul3A_254 = arith.mulf %add3A_253, %add3A_253 : vector<512x1xf32>
    %add3A_255 = arith.addf %add3A_231, %mul3A_254 : vector<512x1xf32>
    %mul3A_256 = arith.mulf %squeeze3A_238, %squeeze3A_238 : vector<512x26xf32>
    %reduce_sum3A_257 = arith.constant dense<0.000000e+00> : vector<512xf32>
    %reduce_sum3A_258 = vector.multi_reduction <add>, %mul3A_256, %reduce_sum3A_257 [1] : vector<512x26xf32> to vector<512xf32>
    %broadcast_in_dim3A_259 = vector.shape_cast %reduce_sum3A_258 : vector<512xf32> to vector<512x1xf32>
    %add3A_260 = arith.addf %add3A_236, %broadcast_in_dim3A_259 : vector<512x1xf32>
    %slice3A_261 = vector.extract_strided_slice %reshape3A {offsets = [10, 0, 0], sizes = [1, 512, 26], strides = [1, 1, 1]} : vector<16x512x26xf32> to vector<1x512x26xf32>
    %squeeze3A_262 = vector.shape_cast %slice3A_261 : vector<1x512x26xf32> to vector<512x26xf32>
    %get3A_263 = arith.constant 10 : index
    %get3A_264 = arith.constant 0 : index
    %get3A_265 = arith.constant 0 : index
    %get3A_266 = vector.load %arg6[%get3A_263, %get3A_264, %get3A_265] : memref<16x26x200xf32, #tpu.memory_space<vmem>>, vector<1x26x200xf32>
    %get3A_267 = vector.shape_cast %get3A_266 : vector<1x26x200xf32> to vector<26x200xf32>
    %dot_general3A_268 = arith.constant dense<0.000000e+00> : vector<512x200xf32>
    %dot_general3A_269 = tpu.matmul %squeeze3A_262, %get3A_267, %dot_general3A_268 {dimension_numbers = #tpu.dot_dimension_numbers<[1], [0], [0], [1], [0, 0, 1, 1], [], []>, transpose_lhs_hint = false} : vector<512x26xf32>, vector<26x200xf32>, vector<512x200xf32> -> vector<512x200xf32>
    %add3A_270 = arith.addf %add3A_246, %dot_general3A_269 : vector<512x200xf32>
    %reduce_sum3A_271 = arith.constant dense<0.000000e+00> : vector<512xf32>
    %reduce_sum3A_272 = vector.multi_reduction <add>, %squeeze3A_262, %reduce_sum3A_271 [1] : vector<512x26xf32> to vector<512xf32>
    %broadcast_in_dim3A_273 = vector.shape_cast %reduce_sum3A_272 : vector<512xf32> to vector<512x1xf32>
    %slice3A_274 = vector.extract_strided_slice %get3A_4 {offsets = [0, 10], sizes = [512, 1], strides = [1, 1]} : vector<512x32xf32> to vector<512x1xf32>
    %add3A_275 = arith.addf %broadcast_in_dim3A_273, %slice3A_274 : vector<512x1xf32>
    %slice3A_276 = vector.extract_strided_slice %get3A_4 {offsets = [0, 26], sizes = [512, 1], strides = [1, 1]} : vector<512x32xf32> to vector<512x1xf32>
    %add3A_277 = arith.addf %add3A_275, %slice3A_276 : vector<512x1xf32>
    %mul3A_278 = arith.mulf %add3A_277, %add3A_277 : vector<512x1xf32>
    %add3A_279 = arith.addf %add3A_255, %mul3A_278 : vector<512x1xf32>
    %mul3A_280 = arith.mulf %squeeze3A_262, %squeeze3A_262 : vector<512x26xf32>
    %reduce_sum3A_281 = arith.constant dense<0.000000e+00> : vector<512xf32>
    %reduce_sum3A_282 = vector.multi_reduction <add>, %mul3A_280, %reduce_sum3A_281 [1] : vector<512x26xf32> to vector<512xf32>
    %broadcast_in_dim3A_283 = vector.shape_cast %reduce_sum3A_282 : vector<512xf32> to vector<512x1xf32>
    %add3A_284 = arith.addf %add3A_260, %broadcast_in_dim3A_283 : vector<512x1xf32>
    %slice3A_285 = vector.extract_strided_slice %reshape3A {offsets = [11, 0, 0], sizes = [1, 512, 26], strides = [1, 1, 1]} : vector<16x512x26xf32> to vector<1x512x26xf32>
    %squeeze3A_286 = vector.shape_cast %slice3A_285 : vector<1x512x26xf32> to vector<512x26xf32>
    %get3A_287 = arith.constant 11 : index
    %get3A_288 = arith.constant 0 : index
    %get3A_289 = arith.constant 0 : index
    %get3A_290 = vector.load %arg6[%get3A_287, %get3A_288, %get3A_289] : memref<16x26x200xf32, #tpu.memory_space<vmem>>, vector<1x26x200xf32>
    %get3A_291 = vector.shape_cast %get3A_290 : vector<1x26x200xf32> to vector<26x200xf32>
    %dot_general3A_292 = arith.constant dense<0.000000e+00> : vector<512x200xf32>
    %dot_general3A_293 = tpu.matmul %squeeze3A_286, %get3A_291, %dot_general3A_292 {dimension_numbers = #tpu.dot_dimension_numbers<[1], [0], [0], [1], [0, 0, 1, 1], [], []>, transpose_lhs_hint = false} : vector<512x26xf32>, vector<26x200xf32>, vector<512x200xf32> -> vector<512x200xf32>
    %add3A_294 = arith.addf %add3A_270, %dot_general3A_293 : vector<512x200xf32>
    %reduce_sum3A_295 = arith.constant dense<0.000000e+00> : vector<512xf32>
    %reduce_sum3A_296 = vector.multi_reduction <add>, %squeeze3A_286, %reduce_sum3A_295 [1] : vector<512x26xf32> to vector<512xf32>
    %broadcast_in_dim3A_297 = vector.shape_cast %reduce_sum3A_296 : vector<512xf32> to vector<512x1xf32>
    %slice3A_298 = vector.extract_strided_slice %get3A_4 {offsets = [0, 11], sizes = [512, 1], strides = [1, 1]} : vector<512x32xf32> to vector<512x1xf32>
    %add3A_299 = arith.addf %broadcast_in_dim3A_297, %slice3A_298 : vector<512x1xf32>
    %slice3A_300 = vector.extract_strided_slice %get3A_4 {offsets = [0, 27], sizes = [512, 1], strides = [1, 1]} : vector<512x32xf32> to vector<512x1xf32>
    %add3A_301 = arith.addf %add3A_299, %slice3A_300 : vector<512x1xf32>
    %mul3A_302 = arith.mulf %add3A_301, %add3A_301 : vector<512x1xf32>
    %add3A_303 = arith.addf %add3A_279, %mul3A_302 : vector<512x1xf32>
    %mul3A_304 = arith.mulf %squeeze3A_286, %squeeze3A_286 : vector<512x26xf32>
    %reduce_sum3A_305 = arith.constant dense<0.000000e+00> : vector<512xf32>
    %reduce_sum3A_306 = vector.multi_reduction <add>, %mul3A_304, %reduce_sum3A_305 [1] : vector<512x26xf32> to vector<512xf32>
    %broadcast_in_dim3A_307 = vector.shape_cast %reduce_sum3A_306 : vector<512xf32> to vector<512x1xf32>
    %add3A_308 = arith.addf %add3A_284, %broadcast_in_dim3A_307 : vector<512x1xf32>
    %slice3A_309 = vector.extract_strided_slice %reshape3A {offsets = [12, 0, 0], sizes = [1, 512, 26], strides = [1, 1, 1]} : vector<16x512x26xf32> to vector<1x512x26xf32>
    %squeeze3A_310 = vector.shape_cast %slice3A_309 : vector<1x512x26xf32> to vector<512x26xf32>
    %get3A_311 = arith.constant 12 : index
    %get3A_312 = arith.constant 0 : index
    %get3A_313 = arith.constant 0 : index
    %get3A_314 = vector.load %arg6[%get3A_311, %get3A_312, %get3A_313] : memref<16x26x200xf32, #tpu.memory_space<vmem>>, vector<1x26x200xf32>
    %get3A_315 = vector.shape_cast %get3A_314 : vector<1x26x200xf32> to vector<26x200xf32>
    %dot_general3A_316 = arith.constant dense<0.000000e+00> : vector<512x200xf32>
    %dot_general3A_317 = tpu.matmul %squeeze3A_310, %get3A_315, %dot_general3A_316 {dimension_numbers = #tpu.dot_dimension_numbers<[1], [0], [0], [1], [0, 0, 1, 1], [], []>, transpose_lhs_hint = false} : vector<512x26xf32>, vector<26x200xf32>, vector<512x200xf32> -> vector<512x200xf32>
    %add3A_318 = arith.addf %add3A_294, %dot_general3A_317 : vector<512x200xf32>
    %reduce_sum3A_319 = arith.constant dense<0.000000e+00> : vector<512xf32>
    %reduce_sum3A_320 = vector.multi_reduction <add>, %squeeze3A_310, %reduce_sum3A_319 [1] : vector<512x26xf32> to vector<512xf32>
    %broadcast_in_dim3A_321 = vector.shape_cast %reduce_sum3A_320 : vector<512xf32> to vector<512x1xf32>
    %slice3A_322 = vector.extract_strided_slice %get3A_4 {offsets = [0, 12], sizes = [512, 1], strides = [1, 1]} : vector<512x32xf32> to vector<512x1xf32>
    %add3A_323 = arith.addf %broadcast_in_dim3A_321, %slice3A_322 : vector<512x1xf32>
    %slice3A_324 = vector.extract_strided_slice %get3A_4 {offsets = [0, 28], sizes = [512, 1], strides = [1, 1]} : vector<512x32xf32> to vector<512x1xf32>
    %add3A_325 = arith.addf %add3A_323, %slice3A_324 : vector<512x1xf32>
    %mul3A_326 = arith.mulf %add3A_325, %add3A_325 : vector<512x1xf32>
    %add3A_327 = arith.addf %add3A_303, %mul3A_326 : vector<512x1xf32>
    %mul3A_328 = arith.mulf %squeeze3A_310, %squeeze3A_310 : vector<512x26xf32>
    %reduce_sum3A_329 = arith.constant dense<0.000000e+00> : vector<512xf32>
    %reduce_sum3A_330 = vector.multi_reduction <add>, %mul3A_328, %reduce_sum3A_329 [1] : vector<512x26xf32> to vector<512xf32>
    %broadcast_in_dim3A_331 = vector.shape_cast %reduce_sum3A_330 : vector<512xf32> to vector<512x1xf32>
    %add3A_332 = arith.addf %add3A_308, %broadcast_in_dim3A_331 : vector<512x1xf32>
    %slice3A_333 = vector.extract_strided_slice %reshape3A {offsets = [13, 0, 0], sizes = [1, 512, 26], strides = [1, 1, 1]} : vector<16x512x26xf32> to vector<1x512x26xf32>
    %squeeze3A_334 = vector.shape_cast %slice3A_333 : vector<1x512x26xf32> to vector<512x26xf32>
    %get3A_335 = arith.constant 13 : index
    %get3A_336 = arith.constant 0 : index
    %get3A_337 = arith.constant 0 : index
    %get3A_338 = vector.load %arg6[%get3A_335, %get3A_336, %get3A_337] : memref<16x26x200xf32, #tpu.memory_space<vmem>>, vector<1x26x200xf32>
    %get3A_339 = vector.shape_cast %get3A_338 : vector<1x26x200xf32> to vector<26x200xf32>
    %dot_general3A_340 = arith.constant dense<0.000000e+00> : vector<512x200xf32>
    %dot_general3A_341 = tpu.matmul %squeeze3A_334, %get3A_339, %dot_general3A_340 {dimension_numbers = #tpu.dot_dimension_numbers<[1], [0], [0], [1], [0, 0, 1, 1], [], []>, transpose_lhs_hint = false} : vector<512x26xf32>, vector<26x200xf32>, vector<512x200xf32> -> vector<512x200xf32>
    %add3A_342 = arith.addf %add3A_318, %dot_general3A_341 : vector<512x200xf32>
    %reduce_sum3A_343 = arith.constant dense<0.000000e+00> : vector<512xf32>
    %reduce_sum3A_344 = vector.multi_reduction <add>, %squeeze3A_334, %reduce_sum3A_343 [1] : vector<512x26xf32> to vector<512xf32>
    %broadcast_in_dim3A_345 = vector.shape_cast %reduce_sum3A_344 : vector<512xf32> to vector<512x1xf32>
    %slice3A_346 = vector.extract_strided_slice %get3A_4 {offsets = [0, 13], sizes = [512, 1], strides = [1, 1]} : vector<512x32xf32> to vector<512x1xf32>
    %add3A_347 = arith.addf %broadcast_in_dim3A_345, %slice3A_346 : vector<512x1xf32>
    %slice3A_348 = vector.extract_strided_slice %get3A_4 {offsets = [0, 29], sizes = [512, 1], strides = [1, 1]} : vector<512x32xf32> to vector<512x1xf32>
    %add3A_349 = arith.addf %add3A_347, %slice3A_348 : vector<512x1xf32>
    %mul3A_350 = arith.mulf %add3A_349, %add3A_349 : vector<512x1xf32>
    %add3A_351 = arith.addf %add3A_327, %mul3A_350 : vector<512x1xf32>
    %mul3A_352 = arith.mulf %squeeze3A_334, %squeeze3A_334 : vector<512x26xf32>
    %reduce_sum3A_353 = arith.constant dense<0.000000e+00> : vector<512xf32>
    %reduce_sum3A_354 = vector.multi_reduction <add>, %mul3A_352, %reduce_sum3A_353 [1] : vector<512x26xf32> to vector<512xf32>
    %broadcast_in_dim3A_355 = vector.shape_cast %reduce_sum3A_354 : vector<512xf32> to vector<512x1xf32>
    %add3A_356 = arith.addf %add3A_332, %broadcast_in_dim3A_355 : vector<512x1xf32>
    %slice3A_357 = vector.extract_strided_slice %reshape3A {offsets = [14, 0, 0], sizes = [1, 512, 26], strides = [1, 1, 1]} : vector<16x512x26xf32> to vector<1x512x26xf32>
    %squeeze3A_358 = vector.shape_cast %slice3A_357 : vector<1x512x26xf32> to vector<512x26xf32>
    %get3A_359 = arith.constant 14 : index
    %get3A_360 = arith.constant 0 : index
    %get3A_361 = arith.constant 0 : index
    %get3A_362 = vector.load %arg6[%get3A_359, %get3A_360, %get3A_361] : memref<16x26x200xf32, #tpu.memory_space<vmem>>, vector<1x26x200xf32>
    %get3A_363 = vector.shape_cast %get3A_362 : vector<1x26x200xf32> to vector<26x200xf32>
    %dot_general3A_364 = arith.constant dense<0.000000e+00> : vector<512x200xf32>
    %dot_general3A_365 = tpu.matmul %squeeze3A_358, %get3A_363, %dot_general3A_364 {dimension_numbers = #tpu.dot_dimension_numbers<[1], [0], [0], [1], [0, 0, 1, 1], [], []>, transpose_lhs_hint = false} : vector<512x26xf32>, vector<26x200xf32>, vector<512x200xf32> -> vector<512x200xf32>
    %add3A_366 = arith.addf %add3A_342, %dot_general3A_365 : vector<512x200xf32>
    %reduce_sum3A_367 = arith.constant dense<0.000000e+00> : vector<512xf32>
    %reduce_sum3A_368 = vector.multi_reduction <add>, %squeeze3A_358, %reduce_sum3A_367 [1] : vector<512x26xf32> to vector<512xf32>
    %broadcast_in_dim3A_369 = vector.shape_cast %reduce_sum3A_368 : vector<512xf32> to vector<512x1xf32>
    %slice3A_370 = vector.extract_strided_slice %get3A_4 {offsets = [0, 14], sizes = [512, 1], strides = [1, 1]} : vector<512x32xf32> to vector<512x1xf32>
    %add3A_371 = arith.addf %broadcast_in_dim3A_369, %slice3A_370 : vector<512x1xf32>
    %slice3A_372 = vector.extract_strided_slice %get3A_4 {offsets = [0, 30], sizes = [512, 1], strides = [1, 1]} : vector<512x32xf32> to vector<512x1xf32>
    %add3A_373 = arith.addf %add3A_371, %slice3A_372 : vector<512x1xf32>
    %mul3A_374 = arith.mulf %add3A_373, %add3A_373 : vector<512x1xf32>
    %add3A_375 = arith.addf %add3A_351, %mul3A_374 : vector<512x1xf32>
    %mul3A_376 = arith.mulf %squeeze3A_358, %squeeze3A_358 : vector<512x26xf32>
    %reduce_sum3A_377 = arith.constant dense<0.000000e+00> : vector<512xf32>
    %reduce_sum3A_378 = vector.multi_reduction <add>, %mul3A_376, %reduce_sum3A_377 [1] : vector<512x26xf32> to vector<512xf32>
    %broadcast_in_dim3A_379 = vector.shape_cast %reduce_sum3A_378 : vector<512xf32> to vector<512x1xf32>
    %add3A_380 = arith.addf %add3A_356, %broadcast_in_dim3A_379 : vector<512x1xf32>
    %slice3A_381 = vector.extract_strided_slice %reshape3A {offsets = [15, 0, 0], sizes = [1, 512, 26], strides = [1, 1, 1]} : vector<16x512x26xf32> to vector<1x512x26xf32>
    %squeeze3A_382 = vector.shape_cast %slice3A_381 : vector<1x512x26xf32> to vector<512x26xf32>
    %get3A_383 = arith.constant 15 : index
    %get3A_384 = arith.constant 0 : index
    %get3A_385 = arith.constant 0 : index
    %get3A_386 = vector.load %arg6[%get3A_383, %get3A_384, %get3A_385] : memref<16x26x200xf32, #tpu.memory_space<vmem>>, vector<1x26x200xf32>
    %get3A_387 = vector.shape_cast %get3A_386 : vector<1x26x200xf32> to vector<26x200xf32>
    %dot_general3A_388 = arith.constant dense<0.000000e+00> : vector<512x200xf32>
    %dot_general3A_389 = tpu.matmul %squeeze3A_382, %get3A_387, %dot_general3A_388 {dimension_numbers = #tpu.dot_dimension_numbers<[1], [0], [0], [1], [0, 0, 1, 1], [], []>, transpose_lhs_hint = false} : vector<512x26xf32>, vector<26x200xf32>, vector<512x200xf32> -> vector<512x200xf32>
    %add3A_390 = arith.addf %add3A_366, %dot_general3A_389 : vector<512x200xf32>
    %reduce_sum3A_391 = arith.constant dense<0.000000e+00> : vector<512xf32>
    %reduce_sum3A_392 = vector.multi_reduction <add>, %squeeze3A_382, %reduce_sum3A_391 [1] : vector<512x26xf32> to vector<512xf32>
    %broadcast_in_dim3A_393 = vector.shape_cast %reduce_sum3A_392 : vector<512xf32> to vector<512x1xf32>
    %slice3A_394 = vector.extract_strided_slice %get3A_4 {offsets = [0, 15], sizes = [512, 1], strides = [1, 1]} : vector<512x32xf32> to vector<512x1xf32>
    %add3A_395 = arith.addf %broadcast_in_dim3A_393, %slice3A_394 : vector<512x1xf32>
    %slice3A_396 = vector.extract_strided_slice %get3A_4 {offsets = [0, 31], sizes = [512, 1], strides = [1, 1]} : vector<512x32xf32> to vector<512x1xf32>
    %add3A_397 = arith.addf %add3A_395, %slice3A_396 : vector<512x1xf32>
    %mul3A_398 = arith.mulf %add3A_397, %add3A_397 : vector<512x1xf32>
    %add3A_399 = arith.addf %add3A_375, %mul3A_398 : vector<512x1xf32>
    %mul3A_400 = arith.mulf %squeeze3A_382, %squeeze3A_382 : vector<512x26xf32>
    %reduce_sum3A_401 = arith.constant dense<0.000000e+00> : vector<512xf32>
    %reduce_sum3A_402 = vector.multi_reduction <add>, %mul3A_400, %reduce_sum3A_401 [1] : vector<512x26xf32> to vector<512xf32>
    %broadcast_in_dim3A_403 = vector.shape_cast %reduce_sum3A_402 : vector<512xf32> to vector<512x1xf32>
    %add3A_404 = arith.addf %add3A_380, %broadcast_in_dim3A_403 : vector<512x1xf32>
    %max3A = arith.constant 0.000000e+00 : f32
    %max3A_405 = vector.broadcast %max3A : f32 to vector<512x200xf32>
    %max3A_406 = arith.maximumf %add3A_390, %max3A_405 : vector<512x200xf32>
    %get3A_407 = arith.constant 0 : index
    %get3A_408 = arith.constant 0 : index
    %get3A_409 = vector.load %arg9[%get3A_407, %get3A_408] : memref<200x200xf32, #tpu.memory_space<vmem>>, vector<200x200xf32>
    %dot_general3A_410 = arith.constant dense<0.000000e+00> : vector<512x200xf32>
    %dot_general3A_411 = tpu.matmul %max3A_406, %get3A_409, %dot_general3A_410 {dimension_numbers = #tpu.dot_dimension_numbers<[1], [0], [0], [1], [0, 0, 1, 1], [], []>, transpose_lhs_hint = false} : vector<512x200xf32>, vector<200x200xf32>, vector<512x200xf32> -> vector<512x200xf32>
    %get3A_412 = arith.constant 0 : index
    %get3A_413 = arith.constant 0 : index
    %get3A_414 = vector.load %arg10[%get3A_412, %get3A_413] : memref<1x200xf32, #tpu.memory_space<vmem>>, vector<1x200xf32>
    %add3A_415 = vector.broadcast %get3A_414 : vector<1x200xf32> to vector<512x200xf32>
    %add3A_416 = arith.addf %dot_general3A_411, %add3A_415 : vector<512x200xf32>
    %max3A_417 = arith.constant 0.000000e+00 : f32
    %max3A_418 = vector.broadcast %max3A_417 : f32 to vector<512x200xf32>
    %max3A_419 = arith.maximumf %add3A_416, %max3A_418 : vector<512x200xf32>
    %get3A_420 = arith.constant 0 : index
    %get3A_421 = arith.constant 0 : index
    %get3A_422 = vector.load %arg11[%get3A_420, %get3A_421] : memref<200x200xf32, #tpu.memory_space<vmem>>, vector<200x200xf32>
    %dot_general3A_423 = arith.constant dense<0.000000e+00> : vector<512x200xf32>
    %dot_general3A_424 = tpu.matmul %max3A_419, %get3A_422, %dot_general3A_423 {dimension_numbers = #tpu.dot_dimension_numbers<[1], [0], [0], [1], [0, 0, 1, 1], [], []>, transpose_lhs_hint = false} : vector<512x200xf32>, vector<200x200xf32>, vector<512x200xf32> -> vector<512x200xf32>
    %get3A_425 = arith.constant 0 : index
    %get3A_426 = arith.constant 0 : index
    %get3A_427 = vector.load %arg12[%get3A_425, %get3A_426] : memref<1x200xf32, #tpu.memory_space<vmem>>, vector<1x200xf32>
    %add3A_428 = vector.broadcast %get3A_427 : vector<1x200xf32> to vector<512x200xf32>
    %add3A_429 = arith.addf %dot_general3A_424, %add3A_428 : vector<512x200xf32>
    %max3A_430 = arith.constant 0.000000e+00 : f32
    %max3A_431 = vector.broadcast %max3A_430 : f32 to vector<512x200xf32>
    %max3A_432 = arith.maximumf %add3A_429, %max3A_431 : vector<512x200xf32>
    %get3A_433 = arith.constant 0 : index
    %get3A_434 = arith.constant 0 : index
    %get3A_435 = vector.load %arg13[%get3A_433, %get3A_434] : memref<200x1xf32, #tpu.memory_space<vmem>>, vector<200x1xf32>
    %dot_general3A_436 = arith.constant dense<0.000000e+00> : vector<512x1xf32>
    %dot_general3A_437 = tpu.matmul %max3A_432, %get3A_435, %dot_general3A_436 {dimension_numbers = #tpu.dot_dimension_numbers<[1], [0], [0], [1], [0, 0, 1, 1], [], []>, transpose_lhs_hint = false} : vector<512x200xf32>, vector<200x1xf32>, vector<512x1xf32> -> vector<512x1xf32>
    %get3A_438 = arith.constant 0 : index
    %get3A_439 = arith.constant 0 : index
    %get3A_440 = vector.load %arg14[%get3A_438, %get3A_439] : memref<1x1xf32, #tpu.memory_space<vmem>>, vector<1x1xf32>
    %add3A_441 = vector.broadcast %get3A_440 : vector<1x1xf32> to vector<512x1xf32>
    %add3A_442 = arith.addf %dot_general3A_437, %add3A_441 : vector<512x1xf32>
    %sub3A = arith.subf %add3A_399, %add3A_404 : vector<512x1xf32>
    %mul3A_443 = arith.constant 5.000000e-01 : f32
    %mul3A_444 = vector.broadcast %mul3A_443 : f32 to vector<512x1xf32>
    %mul3A_445 = arith.mulf %mul3A_444, %sub3A : vector<512x1xf32>
    %get3A_446 = arith.constant 0 : index
    %get3A_447 = arith.constant 0 : index
    %get3A_448 = vector.load %arg15[%get3A_446, %get3A_447] : memref<13x1xf32, #tpu.memory_space<vmem>>, vector<13x1xf32>
    %dot_general3A_449 = arith.constant dense<0.000000e+00> : vector<512x1xf32>
    %dot_general3A_450 = tpu.matmul %get3A_1, %get3A_448, %dot_general3A_449 {dimension_numbers = #tpu.dot_dimension_numbers<[1], [0], [0], [1], [0, 0, 1, 1], [], []>, transpose_lhs_hint = false} : vector<512x13xf32>, vector<13x1xf32>, vector<512x1xf32> -> vector<512x1xf32>
    %get3A_451 = arith.constant 0 : index
    %get3A_452 = arith.constant 0 : index
    %get3A_453 = vector.load %arg16[%get3A_451, %get3A_452] : memref<1x1xf32, #tpu.memory_space<vmem>>, vector<1x1xf32>
    %add3A_454 = vector.broadcast %get3A_453 : vector<1x1xf32> to vector<512x1xf32>
    %add3A_455 = arith.addf %dot_general3A_450, %add3A_454 : vector<512x1xf32>
    %get3A_456 = arith.constant 0 : index
    %get3A_457 = arith.constant 0 : index
    %get3A_458 = vector.load %arg4[%get3A_456, %get3A_457] : memref<512x1xf32, #tpu.memory_space<vmem>>, vector<512x1xf32>
    %add3A_459 = arith.addf %add3A_455, %get3A_458 : vector<512x1xf32>
    %add3A_460 = arith.addf %add3A_459, %mul3A_445 : vector<512x1xf32>
    %add3A_461 = arith.addf %add3A_460, %add3A_442 : vector<512x1xf32>
    %get3A_462 = arith.constant 0 : index
    %get3A_463 = arith.constant 0 : index
    %get3A_464 = vector.load %arg17[%get3A_462, %get3A_463] : memref<1x1xf32, #tpu.memory_space<vmem>>, vector<1x1xf32>
    %get3A_465 = vector.extract %get3A_464[0, 0] : f32 from vector<1x1xf32>
    %mul3A_466 = vector.broadcast %get3A_465 : f32 to vector<512x1xf32>
    %mul3A_467 = arith.mulf %add3A_461, %mul3A_466 : vector<512x1xf32>
    %get3A_468 = arith.constant 0 : index
    %get3A_469 = arith.constant 0 : index
    %get3A_470 = vector.load %arg18[%get3A_468, %get3A_469] : memref<1x1xf32, #tpu.memory_space<vmem>>, vector<1x1xf32>
    %get3A_471 = vector.extract %get3A_470[0, 0] : f32 from vector<1x1xf32>
    %add3A_472 = vector.broadcast %get3A_471 : f32 to vector<512x1xf32>
    %add3A_473 = arith.addf %mul3A_467, %add3A_472 : vector<512x1xf32>
    %logistic3A = arith.negf %add3A_473 : vector<512x1xf32>
    %logistic3A_474 = math.exp %logistic3A : vector<512x1xf32>
    %logistic3A_475 = arith.constant 1.000000e+00 : f32
    %logistic3A_476 = vector.broadcast %logistic3A_475 : f32 to vector<512x1xf32>
    %logistic3A_477 = arith.addf %logistic3A_476, %logistic3A_474 : vector<512x1xf32>
    %logistic3A_478 = arith.divf %logistic3A_476, %logistic3A_477 : vector<512x1xf32>
    %swap3A = arith.constant 0 : index
    %swap3A_479 = arith.constant 0 : index
    %swap3A_480 = vector.load %arg22[%swap3A, %swap3A_479] : memref<512x1xf32, #tpu.memory_space<vmem>>, vector<512x1xf32>
    tpu.vector_store %arg22[%swap3A, %swap3A_479], %logistic3A_478 {strides = array<i32>} : memref<512x1xf32, #tpu.memory_space<vmem>>, vector<512x1xf32>,
    %get3A_481 = arith.constant 0 : index
    %get3A_482 = arith.constant 0 : index
    %get3A_483 = vector.load %arg19[%get3A_481, %get3A_482] : memref<1x1xf32, #tpu.memory_space<vmem>>, vector<1x1xf32>
    %get3A_484 = vector.extract %get3A_483[0, 0] : f32 from vector<1x1xf32>
    %mul3A_485 = vector.broadcast %get3A_484 : f32 to vector<512x1xf32>
    %mul3A_486 = arith.mulf %add3A_461, %mul3A_485 : vector<512x1xf32>
    %get3A_487 = arith.constant 0 : index
    %get3A_488 = arith.constant 0 : index
    %get3A_489 = vector.load %arg20[%get3A_487, %get3A_488] : memref<1x1xf32, #tpu.memory_space<vmem>>, vector<1x1xf32>
    %get3A_490 = vector.extract %get3A_489[0, 0] : f32 from vector<1x1xf32>
    %add3A_491 = vector.broadcast %get3A_490 : f32 to vector<512x1xf32>
    %add3A_492 = arith.addf %mul3A_486, %add3A_491 : vector<512x1xf32>
    %logistic3A_493 = arith.negf %add3A_492 : vector<512x1xf32>
    %logistic3A_494 = math.exp %logistic3A_493 : vector<512x1xf32>
    %logistic3A_495 = arith.constant 1.000000e+00 : f32
    %logistic3A_496 = vector.broadcast %logistic3A_495 : f32 to vector<512x1xf32>
    %logistic3A_497 = arith.addf %logistic3A_496, %logistic3A_494 : vector<512x1xf32>
    %logistic3A_498 = arith.divf %logistic3A_496, %logistic3A_497 : vector<512x1xf32>
    %swap3A_499 = arith.constant 0 : index
    %swap3A_500 = arith.constant 0 : index
    %swap3A_501 = vector.load %arg23[%swap3A_499, %swap3A_500] : memref<512x1xf32, #tpu.memory_space<vmem>>, vector<512x1xf32>
    tpu.vector_store %arg23[%swap3A_499, %swap3A_500], %logistic3A_498 {strides = array<i32>} : memref<512x1xf32, #tpu.memory_space<vmem>>, vector<512x1xf32>,
    return
  }
  func.func @transform_0(%arg0: i32) -> (i32, i32) {
    %c0_i32 = arith.constant 0 : i32
    %c0_i32_0 = arith.constant 0 : i32
    return %arg0, %c0_i32 : i32, i32
  }
  func.func @transform_1(%arg0: i32) -> (i32, i32) {
    %c0_i32 = arith.constant 0 : i32
    %c0_i32_0 = arith.constant 0 : i32
    return %c0_i32, %arg0 : i32, i32
  }
  func.func @transform_2(%arg0: i32) -> (i32, i32) {
    %c0_i32 = arith.constant 0 : i32
    %c0_i32_0 = arith.constant 0 : i32
    return %arg0, %c0_i32 : i32, i32
  }
  func.func @transform_3(%arg0: i32) -> (i32, i32) {
    %c0_i32 = arith.constant 0 : i32
    %c0_i32_0 = arith.constant 0 : i32
    return %arg0, %c0_i32 : i32, i32
  }
  func.func @transform_4(%arg0: i32) -> (i32, i32) {
    %c0_i32 = arith.constant 0 : i32
    %c0_i32_0 = arith.constant 0 : i32
    %c0_i32_1 = arith.constant 0 : i32
    return %c0_i32, %c0_i32_0 : i32, i32
  }
  func.func @transform_5(%arg0: i32) -> (i32, i32, i32) {
    %c0_i32 = arith.constant 0 : i32
    %c0_i32_0 = arith.constant 0 : i32
    %c0_i32_1 = arith.constant 0 : i32
    %c0_i32_2 = arith.constant 0 : i32
    return %c0_i32, %c0_i32_0, %c0_i32_1 : i32, i32, i32
  }
  func.func @transform_6(%arg0: i32) -> (i32, i32) {
    %c0_i32 = arith.constant 0 : i32
    %c0_i32_0 = arith.constant 0 : i32
    %c0_i32_1 = arith.constant 0 : i32
    return %c0_i32, %c0_i32_0 : i32, i32
  }
  func.func @transform_7(%arg0: i32) -> (i32, i32) {
    %c0_i32 = arith.constant 0 : i32
    %c0_i32_0 = arith.constant 0 : i32
    %c0_i32_1 = arith.constant 0 : i32
    return %c0_i32, %c0_i32_0 : i32, i32
  }
  func.func @transform_8(%arg0: i32) -> (i32, i32) {
    %c0_i32 = arith.constant 0 : i32
    %c0_i32_0 = arith.constant 0 : i32
    %c0_i32_1 = arith.constant 0 : i32
    return %c0_i32, %c0_i32_0 : i32, i32
  }
  func.func @transform_9(%arg0: i32) -> (i32, i32) {
    %c0_i32 = arith.constant 0 : i32
    %c0_i32_0 = arith.constant 0 : i32
    %c0_i32_1 = arith.constant 0 : i32
    return %c0_i32, %c0_i32_0 : i32, i32
  }
  func.func @transform_10(%arg0: i32) -> (i32, i32) {
    %c0_i32 = arith.constant 0 : i32
    %c0_i32_0 = arith.constant 0 : i32
    %c0_i32_1 = arith.constant 0 : i32
    return %c0_i32, %c0_i32_0 : i32, i32
  }
  func.func @transform_11(%arg0: i32) -> (i32, i32) {
    %c0_i32 = arith.constant 0 : i32
    %c0_i32_0 = arith.constant 0 : i32
    %c0_i32_1 = arith.constant 0 : i32
    return %c0_i32, %c0_i32_0 : i32, i32
  }
  func.func @transform_12(%arg0: i32) -> (i32, i32) {
    %c0_i32 = arith.constant 0 : i32
    %c0_i32_0 = arith.constant 0 : i32
    %c0_i32_1 = arith.constant 0 : i32
    return %c0_i32, %c0_i32_0 : i32, i32
  }
  func.func @transform_13(%arg0: i32) -> (i32, i32) {
    %c0_i32 = arith.constant 0 : i32
    %c0_i32_0 = arith.constant 0 : i32
    %c0_i32_1 = arith.constant 0 : i32
    return %c0_i32, %c0_i32_0 : i32, i32
  }
  func.func @transform_14(%arg0: i32) -> (i32, i32) {
    %c0_i32 = arith.constant 0 : i32
    %c0_i32_0 = arith.constant 0 : i32
    %c0_i32_1 = arith.constant 0 : i32
    return %c0_i32, %c0_i32_0 : i32, i32
  }
  func.func @transform_15(%arg0: i32) -> (i32, i32) {
    %c0_i32 = arith.constant 0 : i32
    %c0_i32_0 = arith.constant 0 : i32
    %c0_i32_1 = arith.constant 0 : i32
    return %c0_i32, %c0_i32_0 : i32, i32
  }
  func.func @transform_16(%arg0: i32) -> (i32, i32) {
    %c0_i32 = arith.constant 0 : i32
    %c0_i32_0 = arith.constant 0 : i32
    %c0_i32_1 = arith.constant 0 : i32
    return %c0_i32, %c0_i32_0 : i32, i32
  }
  func.func @transform_17(%arg0: i32) -> (i32, i32) {
    %c0_i32 = arith.constant 0 : i32
    %c0_i32_0 = arith.constant 0 : i32
    %c0_i32_1 = arith.constant 0 : i32
    return %c0_i32, %c0_i32_0 : i32, i32
  }
  func.func @transform_18(%arg0: i32) -> (i32, i32) {
    %c0_i32 = arith.constant 0 : i32
    %c0_i32_0 = arith.constant 0 : i32
    %c0_i32_1 = arith.constant 0 : i32
    return %c0_i32, %c0_i32_0 : i32, i32
  }
  func.func @transform_19(%arg0: i32) -> (i32, i32) {
    %c0_i32 = arith.constant 0 : i32
    %c0_i32_0 = arith.constant 0 : i32
    %c0_i32_1 = arith.constant 0 : i32
    return %c0_i32, %c0_i32_0 : i32, i32
  }
  func.func @transform_20(%arg0: i32) -> (i32, i32) {
    %c0_i32 = arith.constant 0 : i32
    %c0_i32_0 = arith.constant 0 : i32
    %c0_i32_1 = arith.constant 0 : i32
    return %c0_i32, %c0_i32_0 : i32, i32
  }
  func.func @transform_21(%arg0: i32) -> (i32, i32) {
    %c0_i32 = arith.constant 0 : i32
    %c0_i32_0 = arith.constant 0 : i32
    return %arg0, %c0_i32 : i32, i32
  }
  func.func @transform_22(%arg0: i32) -> (i32, i32) {
    %c0_i32 = arith.constant 0 : i32
    %c0_i32_0 = arith.constant 0 : i32
    return %arg0, %c0_i32 : i32, i32
  }
}

</mosaic_0001>

<sc_bundles>
// kernel: kernel.5.cloned.1.call-start
scs
__scs_entry_jumppad:
0x0: {  	(pc) =	sbr.rel $0x88, $3  }
0x1: {  	(tag) =	ssettag $0x0;
	lr =	simm.s32 $0x1  }
0x2: {  	[smem:$0x3F8C] =	sst lr;
	_ =	strace $0xD0000000  }
0x3: {  	_ = 	snop  }
0x4: {  	_ = 	snop  }
0x5: {  	_ = 	snop  }
0x6: {  	_ = 	snop  }
0x7: {  	_ = 	snop  }
__scs_overlays_trampoline_lowered:
0x8: {  	[smem:$0x3F9B] =	sst s0  }
0x9: {  	[smem:$0x3F9C] =	sst s1  }
0xa: {  	[smem:$0x3F9D] =	sst s2  }
0xb: {  	[smem:$0x3F9E] =	sst s3  }
0xc: {  	[smem:$0x3F9F] =	sst s4  }
0xd: {  	[smem:$0x3FA0] =	sst s5  }
0xe: {  	[smem:$0x3FA1] =	sst s6  }
0xf: {  	[smem:$0x3FA2] =	sst s7  }
0x10: {  	[smem:$0x3FA3] =	sst s8  }
0x11: {  	[smem:$0x3FA4] =	sst s9;
	s0 =	simm.s32 @!p0 $0x0  }
0x12: {  	s1 =	sld [smem:$0x3F8A];
	s0 =	simm.s32 @p0 $0x1  }
0x13: {  	[smem:$0x3FA5] =	sst s0;
	s0 =	simm.s32 @!p1 $0x0  }
0x14: {  	s2 =	sld [smem:$0x3F89];
	s0 =	simm.s32 @p1 $0x1  }
0x15: {  	[smem:$0x3FA6] =	sst s0;
	s0 =	simm.s32 @!p2 $0x0  }
0x16: {  	s3 =	sld [smem:$0x3FDB];
	s0 =	simm.s32 @p2 $0x1  }
0x17: {  	s4 =	simm.s32 $0x1BF5;
	[smem:$0x3FA8] =	sst s0  }
0x18: {  	s0 =	sld [smem:$0x3F8B];
	_ =	swait.ge [sflag:s4], $0x0  }
0x19: {  	s7 =	sld [smem:$0x3F8C]  }
0x1a: {  	s8 =	sadd.s32 $0xFFFFE003, lr  }
0x1b: {  	s9 =	sadd.s32 $0xFFFFFEF7, lr;
	s5 =	simm.s32 $0xFFFFFFFF;
	p2 =	slt.u32 s8, $0xFFFFF086  }
0x1c: {  	p1 =	slt.u32 s9, $0xF7A;
	s5 =	simm.s32 @!p2 $0x0  }
0x1d: {  	s5 =	simm.s32 @p1 $0x1;
	p0 =	seq.s32 s7, s2  }
0x1e: {  	s7 =	smul.u32 @!p0 $0xF7A, s2;
	p2 =	seq.s32 @!p0 s5, $0x0  }
0x1f: {  	s9 =	smul.u32 $0xF7A, s1;
	s8 =	simm.s32 @!p0 $0x1BF5;
	p2 =	por !p2, p0  }
0x20: {  	[sflag:s8] =	ssyncset.s32 @!p0 $0xFFFFF086;
	s6 =	sadd.s32 @!p0 s3, s7;
	s7 =	simm.s32 @!p0 $0x108  }
0x21: {  	s3 =	sadd.s32 s3, s9;
	s6 =	sadd.s32 @!p0 $0x88, s6;
	s7 =	simm.s32 @p2 $0x1082  }
0x22: {  	[simem:s7], [sflag:s8] =	dma.local @!p0 [hbm:s6], $0xF7A  }
0x23: {  	s9 =	sor.u32 $0xD0000000, s2;
	s6 =	simm.s32 $0x108;
	_ =	swait.ge @!p0 [sflag:s8], $0x0  }
0x24: {  	s3 =	sadd.s32 $0x88, s3;
	s6 =	simm.s32 @!p1 $0x1082;
	[sflag:s4] =	ssyncset.s32 $0xFFFFF086  }
0x25: {  	[simem:s6], [sflag:s4] =	dma.local [hbm:s3], $0xF7A  }
0x26: {  	[smem:$0x3F8C] =	sst s1;
	(tag) =	ssettag s2;
	_ =	strace s9  }
0x27: {  	s1 =	sld [smem:$0x3F9C]  }
0x28: {  	s2 =	sld [smem:$0x3F9D]  }
0x29: {  	s4 =	sld [smem:$0x3F9F]  }
0x2a: {  	p0 =	seq.s32 s5, $0x0;
	s5 =	sld [smem:$0x3FA0]  }
0x2b: {  	s6 =	sld [smem:$0x3FA1]  }
0x2c: {  	s7 =	sld [smem:$0x3FA2]  }
0x2d: {  	s3 =	simm.s32 $0x108;
	s8 =	sld [smem:$0x3FA3]  }
0x2e: {  	s3 =	simm.s32 @!p0 $0x1082;
	s9 =	sld [smem:$0x3FA4]  }
0x2f: {  	lr =	sadd.s32 s0, s3;
	s0 =	sld [smem:$0x3F9B]  }
0x30: {  	s3 =	sld [smem:$0x3F9E]  }
0x31: {  	[smem:$0x3FA7] =	sst s10  }
0x32: {  	s10 =	sld [smem:$0x3FA5];
	_ =	sdelay $0x3  }
0x33: {  	p0 =	seq.s32 s10, $0x1;
	s10 =	sld [smem:$0x3FA7];
	_ =	sdelay $0x3  }
0x34: {  	[smem:$0x3FA7] =	sst s10  }
0x35: {  	s10 =	sld [smem:$0x3FA6];
	_ =	sdelay $0x3  }
0x36: {  	p1 =	seq.s32 s10, $0x1;
	s10 =	sld [smem:$0x3FA7];
	_ =	sdelay $0x3  }
0x37: {  	[smem:$0x3FA7] =	sst s10  }
0x38: {  	s10 =	sld [smem:$0x3FA8]  }
0x39: {  	_ = 	snop;
	(pc) =	sbr.ind lr, $3  }
0x3a: {  	_ = 	snop  }
0x3b: {  	_ = 	snop  }
0x3c: {  	p2 =	seq.s32 s10, $0x1;
	s10 =	sld [smem:$0x3FA7]  }
0x3d: {  	_ =	shalt  }
0x3e: {  	_ =	shalt  }
0x3f: {  	_ =	shalt  }
0x40: {  	_ =	shalt  }
0x41: {  	_ =	shalt  }
0x42: {  	_ =	shalt  }
0x43: {  	_ =	shalt  }
0x44: {  	_ =	shalt  }
0x45: {  	_ =	shalt  }
0x46: {  	_ =	shalt  }
0x47: {  	_ =	shalt  }
0x48: {  	_ =	shalt  }
0x49: {  	_ =	shalt  }
0x4a: {  	_ =	shalt  }
0x4b: {  	_ =	shalt  }
0x4c: {  	_ =	shalt  }
0x4d: {  	_ =	shalt  }
0x4e: {  	_ =	shalt  }
0x4f: {  	_ =	shalt  }
0x50: {  	_ =	shalt  }
0x51: {  	_ =	shalt  }
0x52: {  	_ =	shalt  }
0x53: {  	_ =	shalt  }
0x54: {  	_ =	shalt  }
0x55: {  	_ =	shalt  }
0x56: {  	_ =	shalt  }
0x57: {  	_ =	shalt  }
0x58: {  	_ =	shalt  }
0x59: {  	_ =	shalt  }
0x5a: {  	_ =	shalt  }
0x5b: {  	_ =	shalt  }
0x5c: {  	_ =	shalt  }
0x5d: {  	_ =	shalt  }
0x5e: {  	_ =	shalt  }
0x5f: {  	_ =	shalt  }
0x60: {  	_ =	shalt  }
0x61: {  	_ =	shalt  }
0x62: {  	_ =	shalt  }
0x63: {  	_ =	shalt  }
0x64: {  	_ =	shalt  }
0x65: {  	_ =	shalt  }
0x66: {  	_ =	shalt  }
0x67: {  	_ =	shalt  }
0x68: {  	_ =	shalt  }
0x69: {  	_ =	shalt  }
0x6a: {  	_ =	shalt  }
0x6b: {  	_ =	shalt  }
0x6c: {  	_ =	shalt  }
0x6d: {  	_ =	shalt  }
0x6e: {  	_ =	shalt  }
0x6f: {  	_ =	shalt  }
0x70: {  	_ =	shalt  }
0x71: {  	_ =	shalt  }
0x72: {  	_ =	shalt  }
0x73: {  	_ =	shalt  }
0x74: {  	_ =	shalt  }
0x75: {  	_ =	shalt  }
0x76: {  	_ =	shalt  }
0x77: {  	_ =	shalt  }
0x78: {  	_ =	shalt  }
0x79: {  	_ =	shalt  }
0x7a: {  	_ =	shalt  }
0x7b: {  	_ =	shalt  }
0x7c: {  	_ =	shalt  }
0x7d: {  	_ =	shalt  }
0x7e: {  	_ =	shalt  }
0x7f: {  	_ =	shalt  }
0x80: {  	_ =	shalt  }
0x81: {  	_ =	shalt  }
0x82: {  	_ =	shalt  }
0x83: {  	_ =	shalt  }
0x84: {  	_ =	shalt  }
0x85: {  	_ =	shalt  }
0x86: {  	_ =	shalt  }
0x87: {  	_ =	shalt  }
.Lfunc_end0:
.L_simem_size_0:
called_computation_lowered:
.L_overlay_start_0:
0x88: {  	s2 =	sld [smem:$0x3FD9]  }
0x89: {  	s3 =	sld [smem:$0x3FFE];
	_ =	sdelay $0x1  }
0x8a: {  	s1 =	srdreg.scid  }
0x8b: {  	s0 =	sand.u32 $0x1, s1  }
0x8c: {  	s16 =	sshll.u32 s0, $0xA;
	s2 =	sadd.s32 s3, s2  }
0x8d: {  	s2 =	sadd.s32 s2, s16  }
0x8e: {  	[smem:$0x3FB3] =	sst s2  }
0x8f: {  	_ = 	snop  }
0x90: {  	(tm) =	ssettm $0x1  }
0x91: {  	s17 =	sld [smem:$0x3FFB];
	_ =	sdelay $0x3  }
0x92: {  	_ =	strace s17  }
0x93: {  	s2 =	sld [smem:$0x3FFC];
	_ =	sdelay $0x3  }
0x94: {  	_ =	strace s2  }
0x95: {  	s2 =	sld [smem:$0x3FFD];
	_ =	sdelay $0x3  }
0x96: {  	_ =	strace s2  }
0x97: {  	_ =	strace $0x8FFFFFFF  }
0x98: {  	s18 =	sld [smem:$0x3FDB];
	_ =	sdelay $0x1  }
0x99: {  	s19 =	simm.s32 $_scs_section_size  }
0x9a: {  	s4 =	simm.s32 $_size__tile_overlayer_lowered;
	s5 =	simm.s32 $_tile_overlayer_lowered  }
0x9b: {  	s22 =	simm.s32 $0x1BFF;
	s21 =	sshll.u32 s5, $0x1;
	s2 =	sadd.s32 s19, s18  }
0x9c: {  	s6 =	simm.s32 $0x0;
	s20 =	sshll.u32 s4, $0x1;
	s4 =	sadd.s32 s21, s2  }
0x9d: {  	[timem:s6], [sflag:s22] =	dma.local [hbm:s4], s20  }
0x9e: {  	_ =	swait.ge [sflag:s22], s20  }
0x9f: {  	s3 =	ssub.s32 $0x0, s20;
	[sflag:s22] =	ssyncset.done $0x0  }
0xa0: {  	[sflag:s22] =	ssyncadd.s32 s3;
	_ =	sdelay $0x1  }
0xa1: {  	s23 =	simm.s32 $0x1B8B  }
0xa2: {  	_ =	swait.ge [sflag:s23], $0x1  }
0xa3: {  	[sflag:s23] =	ssyncset.done $0x0  }
0xa4: {  	s25 =	simm.s32 $0x1B8E;
	s24 =	sld [smem:$0x3FFE];
	[sflag:s23] =	ssyncadd.s32 $0xFFFFFFFF  }
0xa5: {  	s26 =	simm.s32 $execute0_lowered;
	[smem:$0x3FD2] =	sst s25  }
0xa6: {  	s4 =	sshll.u32 s26, $0x1;
	_ =	strace $0x80000046;
	[dreg:$0x1] =	wrdreg $0xFFFFFFFF  }
0xa7: {  	s28 =	simm.s32 $_size_execute0_lowered;
	s2 =	sadd.s32 s2, s4;
	[dreg:$0x0] =	wrdreg $0x0  }
0xa8: {  	s4 =	sshll.u32 s28, $0x1;
	[dreg:$0x2] =	wrdreg s2  }
0xa9: {  	[dreg:$0x3] =	wrdreg s4  }
0xaa: {  	[dreg:$0x4] =	wrdreg $0xC0  }
0xab: {  	_ =	task [dreg:s6], $0x5FFFF  }
0xac: {  	[dreg:$0x1] =	wrdreg $0xFFFFFFFF  }
0xad: {  	[dreg:$0x0] =	wrdreg $0x60  }
0xae: {  	[dreg:$0x2] =	wrdreg s24  }
0xaf: {  	[dreg:$0x3] =	wrdreg $0x9  }
0xb0: {  	_ =	task.clear_ibuf [dreg:s6], $0x4FFFF;
	_ =	strace $0x90000046  }
0xb1: {  	s29 =	simm.s32 $0x9;
	_ =	strace $0x80000048  }
0xb2: {  	_ =	swait.ge [sflag:s29], $0x1  }
0xb3: {  	[sflag:s29] =	ssyncadd.s32 $0xFFFFFFFF  }
0xb4: {  	_ =	strace $0x90000048  }
0xb5: {  	_ =	sfence  }
0xb6: {  	s30 =	sld [smem:$0x0];
	_ =	sdelay $0x2  }
0xb7: {  	s31 =	sshll.u32 s1, $0xD;
	s1 =	sshrl.u32 s1, $0x2  }
0xb8: {  	s3 =	sand.u32 $0x4000, s31;
	s1 =	sadd.s32 s1, s30  }
0xb9: {  	s0 =	sor.u32 s3, s0;
	s1 =	sshll.u32 s1, $0x11  }
0xba: {  	s0 =	sor.u32 s1, s0  }
0xbb: {  	s0 =	sadd.s32 $0x8F2B, s0  }
0xbc: {  	[sflag:s0] =	ssyncadd.remote.s32 $0x1  }
0xbd: {  	_ =	sfence.sel $0xFFFF  }
0xbe: {  	[dreg:$0x0] =	wrdreg $0xFFFFFFFF;
	(pc) =	sbr.abs _section_cstart, $3  }
0xbf: {  	[dreg:$0x1] =	wrdreg $0xFFFFFFFF  }
0xc0: {  	_ =	task.clear_ibuf [dreg:s6], $0x2FFFF;
	_ =	strace $0x9FFFFFFF  }
0xc1: {  	(tm) =	ssettm $0x7FFFFFFF  }
tec
execute0_lowered:
.L_overlay_start_1:
0x0: {  	(tag) =	ssettag $0x1  }
0x1: {  	s0 =	srdreg.scid;
	s2 =	stileid.u32  }
0x2: {  	s1 =	sand.u32 $0x1, s0;
	s13 =	sshll.u32 s2, $0x1  }
0x3: {  	s2 =	sor.u32 s1, s13  }
0x4: {  	s3 =	smul.u32 $0xD00, s2  }
0x5: {  	s0 =	rddreg [dreg:$0x0];
	s2 =	simm.s32 $0x0  }
0x6: {  	s4 =	sadd.s32 $0x6C00, s0;
	[smem:$0x7FF] =	sst s2;
	s3 =	sshrl.u32 s3, $0x3  }
0x7: {  	_ =	strace $0x80000047;
	s5 =	sadd.s32 s4, s3;
	s6 =	sadd.s32 $0x3400, s3  }
0x8: {  	s7 =	sadd.s32 $0x6800, s3;
	[dreg:$0x2] =	wrdreg s5;
	s14 =	sadd.s32 s4, s6  }
0x9: {  	s8 =	sadd.s32 $0x9C00, s3;
	s15 =	sadd.s32 s4, s7;
	[dreg:$0x3] =	wrdreg s14  }
0xa: {  	s9 =	sadd.s32 $0xD000, s3;
	s16 =	sadd.s32 s4, s8;
	[dreg:$0x4] =	wrdreg s15  }
0xb: {  	s10 =	sadd.s32 $0x10400, s3;
	s17 =	sadd.s32 s4, s9;
	[dreg:$0x5] =	wrdreg s16  }
0xc: {  	s11 =	sadd.s32 $0x13800, s3;
	s18 =	sadd.s32 s4, s10;
	[dreg:$0x6] =	wrdreg s17  }
0xd: {  	s12 =	sadd.s32 $0x16C00, s3;
	s19 =	sadd.s32 s4, s11;
	[dreg:$0x7] =	wrdreg s18  }
0xe: {  	s13 =	sadd.s32 $0x1A000, s3;
	s20 =	sadd.s32 s4, s12;
	[dreg:$0x8] =	wrdreg s19  }
0xf: {  	s21 =	sadd.s32 s4, s13;
	[dreg:$0x9] =	wrdreg s20;
	s14 =	sadd.s32 $0x1D400, s3  }
0x10: {  	[dreg:$0xa] =	wrdreg s21;
	s15 =	sadd.s32 $0x20800, s3;
	s22 =	sadd.s32 s4, s14  }
0x11: {  	s16 =	sadd.s32 $0x23C00, s3;
	s23 =	sadd.s32 s4, s15;
	[dreg:$0xb] =	wrdreg s22  }
0x12: {  	s17 =	sadd.s32 $0x27000, s3;
	s24 =	sadd.s32 s4, s16;
	[dreg:$0xc] =	wrdreg s23  }
0x13: {  	s18 =	sadd.s32 $0x2A400, s3;
	s25 =	sadd.s32 s4, s17;
	[dreg:$0xd] =	wrdreg s24  }
0x14: {  	s19 =	sadd.s32 $0x2D800, s3;
	s26 =	sadd.s32 s4, s18;
	[dreg:$0xe] =	wrdreg s25  }
0x15: {  	s20 =	sadd.s32 $0x30C00, s3;
	s31 =	sadd.s32 s4, s19;
	[dreg:$0xf] =	wrdreg s26  }
0x16: {  	s21 =	sadd.s32 $0x530600, s0;
	s4 =	sadd.s32 s4, s20;
	[dreg:$0x10] =	wrdreg s31  }
0x17: {  	s3 =	sadd.s32 s21, s3;
	[dreg:$0x11] =	wrdreg s4  }
0x18: {  	s6 =	sadd.s32 s21, s6;
	[dreg:$0x12] =	wrdreg s3  }
0x19: {  	s7 =	sadd.s32 s21, s7;
	[dreg:$0x13] =	wrdreg s6  }
0x1a: {  	s8 =	sadd.s32 s21, s8;
	[dreg:$0x14] =	wrdreg s7  }
0x1b: {  	s9 =	sadd.s32 s21, s9;
	[dreg:$0x15] =	wrdreg s8  }
0x1c: {  	s10 =	sadd.s32 s21, s10;
	[dreg:$0x16] =	wrdreg s9  }
0x1d: {  	s11 =	sadd.s32 s21, s11;
	[dreg:$0x17] =	wrdreg s10  }
0x1e: {  	s28 =	simm.s32 $0x9C00;
	s12 =	sadd.s32 s21, s12;
	[dreg:$0x18] =	wrdreg s11  }
0x1f: {  	s29 =	simm.s32 $0xA900;
	s13 =	sadd.s32 s21, s13;
	[dreg:$0x19] =	wrdreg s12  }
0x20: {  	s30 =	simm.s32 $0xB600;
	s14 =	sadd.s32 s21, s14;
	[dreg:$0x1a] =	wrdreg s13  }
0x21: {  	p0 =	por $0x0, $0x0;
	s15 =	sadd.s32 s21, s15;
	[dreg:$0x1b] =	wrdreg s14  }
0x22: {  	s1 =	ssub.s32 $0x2, s1;
	s16 =	sadd.s32 s21, s16;
	[dreg:$0x1c] =	wrdreg s15  }
0x23: {  	s5 =	simm.s32 $0x1;
	s17 =	sadd.s32 s21, s17;
	[dreg:$0x1d] =	wrdreg s16  }
0x24: {  	[dreg:$0x1e] =	wrdreg s17;
	s22 =	sadd.s32 s21, s18;
	s24 =	sshrl.u32 s1, $0x1  }
0x25: {  	s23 =	sadd.s32 s21, s19;
	s25 =	sadd.s32 s21, s20;
	s26 =	ssub.s32 s1, s24  }
0x26: {  	s17 =	sadd.s32 $0x3AC00, s0;
	s9 =	simm.s32 $0x3;
	s31 =	smax.u32 s26, $0x1  }
0x27: {  	s19 =	simm.s32 $0xD00;
	s4 =	simm.s32 $0xC300;
	p1 =	sne.s32 s31, $0x1  }
.Ltmp0:
0x28: {  	s20 =	simm.s32 $0x14500;
	s11 =	rddreg [dreg:$0x2];
	(pc) =	sbr.rel @!p1 .LBB2_4-.Ltmp0, $4  }
0x29: {  	s16 =	simm.s32 $0x15F00;
	s14 =	simm.s32 $0x17900;
	[dreg:$0x1f] =	wrdreg s22  }
0x2a: {  	s13 =	simm.s32 $0x18600;
	s12 =	simm.s32 $0x19300;
	[smem:$0x7FC] =	sst s23  }
0x2b: {  	s3 =	simm.s32 $0x2;
	[smem:$0x7FD] =	sst s25;
	s25 =	simm.s32 $0x8200  }
0x2c: {  	s22 =	simm.s32 $0x12B00;
	s26 =	simm.s32 $0x8F00;
	s0 =	sadd.s32 $0xFFFFFFFF, s31  }
0x2d: {  	[tilespmem:s2], [sflag:$0x3] =	stream.linear.gather [hbm4b:s11+s2], $0xD00, $0x38;
	[tilespmem:$0x1A000] =	vst v63  }
0x2e: {  	_ =	swait.ge [sflag:s9], $0xD00  }
0x2f: {  	[sflag:s9] =	ssyncset.done $0x0  }
0x30: {  	s1 =	rddreg [dreg:$0x3];
	[sflag:s9] =	ssyncadd.s32 $0xFFFFF300  }
0x31: {  	[tilespmem:s19], [sflag:$0x3] =	stream.linear.gather [hbm4b:s1+s2], $0xD00, $0x38;
	[tilespmem:$0x1A000] =	vst v63  }
0x32: {  	_ =	swait.ge [sflag:s9], $0xD00  }
0x33: {  	[sflag:s9] =	ssyncset.done $0x0  }
0x34: {  	s7 =	simm.s32 $0x1A00;
	s6 =	rddreg [dreg:$0x4];
	[sflag:s9] =	ssyncadd.s32 $0xFFFFF300  }
0x35: {  	[tilespmem:s7], [sflag:$0x3] =	stream.linear.gather [hbm4b:s6+s2], $0xD00, $0x38;
	[tilespmem:$0x1A000] =	vst v63  }
0x36: {  	_ =	swait.ge [sflag:s9], $0xD00  }
0x37: {  	[sflag:s9] =	ssyncset.done $0x0  }
0x38: {  	s23 =	simm.s32 $0x2700;
	s8 =	rddreg [dreg:$0x5];
	[sflag:s9] =	ssyncadd.s32 $0xFFFFF300  }
0x39: {  	[tilespmem:s23], [sflag:$0x3] =	stream.linear.gather [hbm4b:s8+s2], $0xD00, $0x38;
	[tilespmem:$0x1A000] =	vst v63  }
0x3a: {  	_ =	swait.ge [sflag:s9], $0xD00  }
0x3b: {  	[sflag:s9] =	ssyncset.done $0x0  }
0x3c: {  	s31 =	simm.s32 $0x3400;
	s10 =	rddreg [dreg:$0x6];
	[sflag:s9] =	ssyncadd.s32 $0xFFFFF300  }
0x3d: {  	[tilespmem:s31], [sflag:$0x3] =	stream.linear.gather [hbm4b:s10+s2], $0xD00, $0x38;
	[tilespmem:$0x1A000] =	vst v63  }
0x3e: {  	_ =	swait.ge [sflag:s9], $0xD00  }
0x3f: {  	[sflag:s9] =	ssyncset.done $0x0  }
0x40: {  	s6 =	simm.s32 $0x4100;
	s15 =	rddreg [dreg:$0x7];
	[sflag:s9] =	ssyncadd.s32 $0xFFFFF300  }
0x41: {  	[tilespmem:s6], [sflag:$0x3] =	stream.linear.gather [hbm4b:s15+s2], $0xD00, $0x38;
	[tilespmem:$0x1A000] =	vst v63  }
0x42: {  	_ =	swait.ge [sflag:s9], $0xD00  }
0x43: {  	[sflag:s9] =	ssyncset.done $0x0  }
0x44: {  	s8 =	simm.s32 $0x4E00;
	s18 =	rddreg [dreg:$0x8];
	[sflag:s9] =	ssyncadd.s32 $0xFFFFF300  }
0x45: {  	[tilespmem:s8], [sflag:$0x3] =	stream.linear.gather [hbm4b:s18+s2], $0xD00, $0x38;
	[tilespmem:$0x1A000] =	vst v63  }
0x46: {  	_ =	swait.ge [sflag:s9], $0xD00  }
0x47: {  	[sflag:s9] =	ssyncset.done $0x0  }
0x48: {  	s24 =	simm.s32 $0x5B00;
	s21 =	rddreg [dreg:$0x9];
	[sflag:s9] =	ssyncadd.s32 $0xFFFFF300  }
0x49: {  	[tilespmem:s24], [sflag:$0x3] =	stream.linear.gather [hbm4b:s21+s2], $0xD00, $0x38;
	[tilespmem:$0x1A000] =	vst v63  }
0x4a: {  	_ =	swait.ge [sflag:s9], $0xD00  }
0x4b: {  	s1 =	rddreg [dreg:$0xa];
	[sflag:s9] =	ssyncset.done $0x0  }
0x4c: {  	[smem:$0x7FB] =	sst s0;
	s0 =	simm.s32 $0x6800;
	[sflag:s9] =	ssyncadd.s32 $0xFFFFF300  }
0x4d: {  	[tilespmem:s0], [sflag:$0x3] =	stream.linear.gather [hbm4b:s1+s2], $0xD00, $0x38;
	[tilespmem:$0x1A000] =	vst v63  }
0x4e: {  	_ =	swait.ge [sflag:s9], $0xD00  }
0x4f: {  	[sflag:s9] =	ssyncset.done $0x0  }
0x50: {  	s15 =	simm.s32 $0x7500;
	s10 =	rddreg [dreg:$0xb];
	[sflag:s9] =	ssyncadd.s32 $0xFFFFF300  }
0x51: {  	[tilespmem:s15], [sflag:$0x3] =	stream.linear.gather [hbm4b:s10+s2], $0xD00, $0x38;
	[tilespmem:$0x1A000] =	vst v63  }
0x52: {  	_ =	swait.ge [sflag:s9], $0xD00  }
0x53: {  	[sflag:s9] =	ssyncset.done $0x0  }
0x54: {  	s18 =	rddreg [dreg:$0xc];
	[sflag:s9] =	ssyncadd.s32 $0xFFFFF300  }
0x55: {  	[tilespmem:s25], [sflag:$0x3] =	stream.linear.gather [hbm4b:s18+s2], $0xD00, $0x38;
	[tilespmem:$0x1A000] =	vst v63  }
0x56: {  	_ =	swait.ge [sflag:s9], $0xD00  }
0x57: {  	[sflag:s9] =	ssyncset.done $0x0  }
0x58: {  	s21 =	rddreg [dreg:$0xd];
	[sflag:s9] =	ssyncadd.s32 $0xFFFFF300  }
0x59: {  	[tilespmem:s26], [sflag:$0x3] =	stream.linear.gather [hbm4b:s21+s2], $0xD00, $0x38;
	[tilespmem:$0x1A000] =	vst v63  }
0x5a: {  	_ =	swait.ge [sflag:s9], $0xD00  }
0x5b: {  	[sflag:s9] =	ssyncset.done $0x0  }
0x5c: {  	s1 =	rddreg [dreg:$0xe];
	[sflag:s9] =	ssyncadd.s32 $0xFFFFF300  }
0x5d: {  	[tilespmem:s28], [sflag:$0x3] =	stream.linear.gather [hbm4b:s1+s2], $0xD00, $0x38;
	[tilespmem:$0x1A000] =	vst v63  }
0x5e: {  	_ =	swait.ge [sflag:s9], $0xD00  }
0x5f: {  	[sflag:s9] =	ssyncset.done $0x0  }
0x60: {  	s10 =	rddreg [dreg:$0xf];
	[sflag:s9] =	ssyncadd.s32 $0xFFFFF300  }
0x61: {  	[tilespmem:s29], [sflag:$0x3] =	stream.linear.gather [hbm4b:s10+s2], $0xD00, $0x38;
	[tilespmem:$0x1A000] =	vst v63  }
0x62: {  	_ =	swait.ge [sflag:s9], $0xD00  }
0x63: {  	[sflag:s9] =	ssyncset.done $0x0  }
0x64: {  	s18 =	rddreg [dreg:$0x10];
	[sflag:s9] =	ssyncadd.s32 $0xFFFFF300  }
0x65: {  	[tilespmem:s30], [sflag:$0x3] =	stream.linear.gather [hbm4b:s18+s2], $0xD00, $0x38;
	[tilespmem:$0x1A000] =	vst v63  }
0x66: {  	_ =	swait.ge [sflag:s9], $0xD00  }
0x67: {  	[sflag:s9] =	ssyncset.done $0x0  }
0x68: {  	s21 =	rddreg [dreg:$0x11];
	[sflag:s9] =	ssyncadd.s32 $0xFFFFF300  }
0x69: {  	[tilespmem:s4], [sflag:$0x3] =	stream.linear.gather [hbm4b:s21+s2], $0xD00, $0x38;
	[tilespmem:$0x1A000] =	vst v63  }
0x6a: {  	_ =	swait.ge [sflag:s9], $0xD00  }
0x6b: {  	[sflag:s9] =	ssyncset.done $0x0  }
0x6c: {  	s10 =	simm.s32 $0xD000;
	[sflag:s9] =	ssyncadd.s32 $0xFFFFF300  }
0x6d: {  	[tilespmem:s10], [sflag:$0x1] =	stream.indirect.gather [hbm4b:s17+s19], $0x1, s2, s19, $0xb8;
	[tilespmem:$0x1A000] =	vst v63  }
0x6e: {  	s18 =	simm.s32 $0xDD00  }
0x6f: {  	[tilespmem:s18], [sflag:$0x1] =	stream.indirect.gather [hbm4b:s17+s19], $0x1, s19, s19, $0xb8;
	[tilespmem:$0x1A000] =	vst v63  }
0x70: {  	s1 =	simm.s32 $0xEA00  }
0x71: {  	[tilespmem:s1], [sflag:$0x1] =	stream.indirect.gather [hbm4b:s17+s19], $0x1, s7, s19, $0xb8;
	[tilespmem:$0x1A000] =	vst v63  }
0x72: {  	s7 =	simm.s32 $0xF700  }
0x73: {  	[tilespmem:s7], [sflag:$0x1] =	stream.indirect.gather [hbm4b:s17+s19], $0x1, s23, s19, $0xb8;
	[tilespmem:$0x1A000] =	vst v63  }
0x74: {  	s21 =	simm.s32 $0x10400  }
0x75: {  	[tilespmem:s21], [sflag:$0x1] =	stream.indirect.gather [hbm4b:s17+s19], $0x1, s31, s19, $0xb8;
	[tilespmem:$0x1A000] =	vst v63  }
0x76: {  	s23 =	simm.s32 $0x11100  }
0x77: {  	[tilespmem:s23], [sflag:$0x1] =	stream.indirect.gather [hbm4b:s17+s19], $0x1, s6, s19, $0xb8;
	[tilespmem:$0x1A000] =	vst v63  }
0x78: {  	s6 =	simm.s32 $0x11E00  }
0x79: {  	[tilespmem:s6], [sflag:$0x1] =	stream.indirect.gather [hbm4b:s17+s19], $0x1, s8, s19, $0xb8;
	[tilespmem:$0x1A000] =	vst v63  }
0x7a: {  	_ = 	snop  }
0x7b: {  	[tilespmem:s22], [sflag:$0x1] =	stream.indirect.gather [hbm4b:s17+s19], $0x1, s24, s19, $0xb8;
	[tilespmem:$0x1A000] =	vst v63  }
0x7c: {  	s8 =	simm.s32 $0x13800  }
0x7d: {  	[tilespmem:s8], [sflag:$0x1] =	stream.indirect.gather [hbm4b:s17+s19], $0x1, s0, s19, $0xb8;
	[tilespmem:$0x1A000] =	vst v63  }
0x7e: {  	_ = 	snop  }
0x7f: {  	[tilespmem:s20], [sflag:$0x1] =	stream.indirect.gather [hbm4b:s17+s19], $0x1, s15, s19, $0xb8;
	[tilespmem:$0x1A000] =	vst v63  }
0x80: {  	s0 =	simm.s32 $0x15200  }
0x81: {  	[tilespmem:s0], [sflag:$0x1] =	stream.indirect.gather [hbm4b:s17+s19], $0x1, s25, s19, $0xb8;
	[tilespmem:$0x1A000] =	vst v63  }
0x82: {  	_ = 	snop  }
0x83: {  	[tilespmem:s16], [sflag:$0x1] =	stream.indirect.gather [hbm4b:s17+s19], $0x1, s26, s19, $0xb8;
	[tilespmem:$0x1A000] =	vst v63  }
0x84: {  	s15 =	simm.s32 $0x16C00  }
0x85: {  	[tilespmem:s15], [sflag:$0x1] =	stream.indirect.gather [hbm4b:s17+s19], $0x1, s28, s19, $0xb8;
	[tilespmem:$0x1A000] =	vst v63  }
0x86: {  	_ = 	snop  }
0x87: {  	[tilespmem:s14], [sflag:$0x1] =	stream.indirect.gather [hbm4b:s17+s19], $0x1, s29, s19, $0xb8;
	[tilespmem:$0x1A000] =	vst v63  }
0x88: {  	_ = 	snop  }
0x89: {  	[tilespmem:s13], [sflag:$0x1] =	stream.indirect.gather [hbm4b:s17+s19], $0x1, s30, s19, $0xb8;
	[tilespmem:$0x1A000] =	vst v63  }
0x8a: {  	_ = 	snop  }
0x8b: {  	[tilespmem:s12], [sflag:$0x1] =	stream.indirect.gather [hbm4b:s17+s19], $0x1, s4, s19, $0xb8;
	[tilespmem:$0x1A000] =	vst v63  }
0x8c: {  	_ =	swait.ge [sflag:s5], $0xD00  }
0x8d: {  	[sflag:s5] =	ssyncset.done $0x0  }
0x8e: {  	s31 =	rddreg [dreg:$0x12];
	[sflag:s5] =	ssyncadd.s32 $0xFFFFF300  }
0x8f: {  	[hbm4b:s31+s2] =	stream.linear.scatter [tilespmem:s10], [sflag:$0x2], $0xD00, $0x38;
	[tilespmem:$0x1A000] =	vst v63  }
0x90: {  	_ =	swait.ge [sflag:s5], $0xD00  }
0x91: {  	[sflag:s5] =	ssyncset.done $0x0  }
0x92: {  	s24 =	rddreg [dreg:$0x13];
	[sflag:s5] =	ssyncadd.s32 $0xFFFFF300  }
0x93: {  	[hbm4b:s24+s2] =	stream.linear.scatter [tilespmem:s18], [sflag:$0x2], $0xD00, $0x38;
	[tilespmem:$0x1A000] =	vst v63  }
0x94: {  	_ =	swait.ge [sflag:s5], $0xD00  }
0x95: {  	[sflag:s5] =	ssyncset.done $0x0  }
0x96: {  	s31 =	rddreg [dreg:$0x14];
	[sflag:s5] =	ssyncadd.s32 $0xFFFFF300  }
0x97: {  	[hbm4b:s31+s2] =	stream.linear.scatter [tilespmem:s1], [sflag:$0x2], $0xD00, $0x38;
	[tilespmem:$0x1A000] =	vst v63  }
0x98: {  	_ =	swait.ge [sflag:s5], $0xD00  }
0x99: {  	[sflag:s5] =	ssyncset.done $0x0  }
0x9a: {  	s10 =	rddreg [dreg:$0x15];
	[sflag:s5] =	ssyncadd.s32 $0xFFFFF300  }
0x9b: {  	[hbm4b:s10+s2] =	stream.linear.scatter [tilespmem:s7], [sflag:$0x2], $0xD00, $0x38;
	[tilespmem:$0x1A000] =	vst v63  }
0x9c: {  	_ =	swait.ge [sflag:s5], $0xD00  }
0x9d: {  	[sflag:s5] =	ssyncset.done $0x0  }
0x9e: {  	s18 =	rddreg [dreg:$0x16];
	[sflag:s5] =	ssyncadd.s32 $0xFFFFF300  }
0x9f: {  	[hbm4b:s18+s2] =	stream.linear.scatter [tilespmem:s21], [sflag:$0x2], $0xD00, $0x38;
	[tilespmem:$0x1A000] =	vst v63  }
0xa0: {  	_ =	swait.ge [sflag:s5], $0xD00  }
0xa1: {  	[sflag:s5] =	ssyncset.done $0x0  }
0xa2: {  	s24 =	rddreg [dreg:$0x17];
	[sflag:s5] =	ssyncadd.s32 $0xFFFFF300  }
0xa3: {  	[hbm4b:s24+s2] =	stream.linear.scatter [tilespmem:s23], [sflag:$0x2], $0xD00, $0x38;
	[tilespmem:$0x1A000] =	vst v63  }
0xa4: {  	_ =	swait.ge [sflag:s5], $0xD00  }
0xa5: {  	[sflag:s5] =	ssyncset.done $0x0  }
0xa6: {  	s31 =	rddreg [dreg:$0x18];
	[sflag:s5] =	ssyncadd.s32 $0xFFFFF300  }
0xa7: {  	[hbm4b:s31+s2] =	stream.linear.scatter [tilespmem:s6], [sflag:$0x2], $0xD00, $0x38;
	[tilespmem:$0x1A000] =	vst v63  }
0xa8: {  	_ =	swait.ge [sflag:s5], $0xD00  }
0xa9: {  	[sflag:s5] =	ssyncset.done $0x0  }
0xaa: {  	s1 =	rddreg [dreg:$0x19];
	[sflag:s5] =	ssyncadd.s32 $0xFFFFF300  }
0xab: {  	[hbm4b:s1+s2] =	stream.linear.scatter [tilespmem:s22], [sflag:$0x2], $0xD00, $0x38;
	[tilespmem:$0x1A000] =	vst v63  }
0xac: {  	_ =	swait.ge [sflag:s5], $0xD00  }
0xad: {  	[sflag:s5] =	ssyncset.done $0x0  }
0xae: {  	s6 =	rddreg [dreg:$0x1a];
	[sflag:s5] =	ssyncadd.s32 $0xFFFFF300  }
0xaf: {  	[hbm4b:s6+s2] =	stream.linear.scatter [tilespmem:s8], [sflag:$0x2], $0xD00, $0x38;
	[tilespmem:$0x1A000] =	vst v63  }
0xb0: {  	_ =	swait.ge [sflag:s5], $0xD00  }
0xb1: {  	[sflag:s5] =	ssyncset.done $0x0  }
0xb2: {  	s7 =	rddreg [dreg:$0x1b];
	[sflag:s5] =	ssyncadd.s32 $0xFFFFF300  }
0xb3: {  	[hbm4b:s7+s2] =	stream.linear.scatter [tilespmem:s20], [sflag:$0x2], $0xD00, $0x38;
	[tilespmem:$0x1A000] =	vst v63  }
0xb4: {  	_ =	swait.ge [sflag:s5], $0xD00  }
0xb5: {  	[sflag:s5] =	ssyncset.done $0x0  }
0xb6: {  	s8 =	rddreg [dreg:$0x1c];
	[sflag:s5] =	ssyncadd.s32 $0xFFFFF300  }
0xb7: {  	[hbm4b:s8+s2] =	stream.linear.scatter [tilespmem:s0], [sflag:$0x2], $0xD00, $0x38;
	[tilespmem:$0x1A000] =	vst v63  }
0xb8: {  	_ =	swait.ge [sflag:s5], $0xD00  }
0xb9: {  	[sflag:s5] =	ssyncset.done $0x0  }
0xba: {  	s10 =	rddreg [dreg:$0x1d];
	[sflag:s5] =	ssyncadd.s32 $0xFFFFF300  }
0xbb: {  	[hbm4b:s10+s2] =	stream.linear.scatter [tilespmem:s16], [sflag:$0x2], $0xD00, $0x38;
	[tilespmem:$0x1A000] =	vst v63  }
0xbc: {  	_ =	swait.ge [sflag:s5], $0xD00  }
0xbd: {  	[sflag:s5] =	ssyncset.done $0x0  }
0xbe: {  	s18 =	rddreg [dreg:$0x1e];
	[sflag:s5] =	ssyncadd.s32 $0xFFFFF300  }
0xbf: {  	[hbm4b:s18+s2] =	stream.linear.scatter [tilespmem:s15], [sflag:$0x2], $0xD00, $0x38;
	[tilespmem:$0x1A000] =	vst v63  }
0xc0: {  	_ =	swait.ge [sflag:s5], $0xD00  }
0xc1: {  	[sflag:s5] =	ssyncset.done $0x0  }
0xc2: {  	s21 =	rddreg [dreg:$0x1f];
	[sflag:s5] =	ssyncadd.s32 $0xFFFFF300  }
0xc3: {  	[hbm4b:s21+s2] =	stream.linear.scatter [tilespmem:s14], [sflag:$0x2], $0xD00, $0x38;
	[tilespmem:$0x1A000] =	vst v63  }
0xc4: {  	_ =	swait.ge [sflag:s5], $0xD00  }
0xc5: {  	s23 =	sld [smem:$0x7FC]  }
0xc6: {  	[sflag:s5] =	ssyncset.done $0x0  }
0xc7: {  	[sflag:s5] =	ssyncadd.s32 $0xFFFFF300  }
0xc8: {  	[hbm4b:s23+s2] =	stream.linear.scatter [tilespmem:s13], [sflag:$0x2], $0xD00, $0x38;
	[tilespmem:$0x1A000] =	vst v63  }
0xc9: {  	_ =	swait.ge [sflag:s5], $0xD00  }
0xca: {  	s24 =	sld [smem:$0x7FD]  }
0xcb: {  	[sflag:s5] =	ssyncset.done $0x0  }
0xcc: {  	[sflag:s5] =	ssyncadd.s32 $0xFFFFF300  }
0xcd: {  	[hbm4b:s24+s2] =	stream.linear.scatter [tilespmem:s12], [sflag:$0x2], $0xD00, $0x38;
	[tilespmem:$0x1A000] =	vst v63  }
0xce: {  	_ =	swait.ge [sflag:s3], $0xD00  }
0xcf: {  	[sflag:s3] =	ssyncset.done $0x0  }
0xd0: {  	[sflag:s3] =	ssyncadd.s32 $0xFFFFF300  }
0xd1: {  	_ =	swait.ge [sflag:s3], $0xD00  }
0xd2: {  	[sflag:s3] =	ssyncset.done $0x0  }
0xd3: {  	[sflag:s3] =	ssyncadd.s32 $0xFFFFF300  }
0xd4: {  	_ =	swait.ge [sflag:s3], $0xD00  }
0xd5: {  	[sflag:s3] =	ssyncset.done $0x0  }
0xd6: {  	[sflag:s3] =	ssyncadd.s32 $0xFFFFF300  }
0xd7: {  	_ =	swait.ge [sflag:s3], $0xD00  }
0xd8: {  	[sflag:s3] =	ssyncset.done $0x0  }
0xd9: {  	[sflag:s3] =	ssyncadd.s32 $0xFFFFF300  }
0xda: {  	_ =	swait.ge [sflag:s3], $0xD00  }
0xdb: {  	[sflag:s3] =	ssyncset.done $0x0  }
0xdc: {  	[sflag:s3] =	ssyncadd.s32 $0xFFFFF300  }
0xdd: {  	_ =	swait.ge [sflag:s3], $0xD00  }
0xde: {  	[sflag:s3] =	ssyncset.done $0x0  }
0xdf: {  	[sflag:s3] =	ssyncadd.s32 $0xFFFFF300  }
0xe0: {  	_ =	swait.ge [sflag:s3], $0xD00  }
0xe1: {  	[sflag:s3] =	ssyncset.done $0x0  }
0xe2: {  	[sflag:s3] =	ssyncadd.s32 $0xFFFFF300  }
0xe3: {  	_ =	swait.ge [sflag:s3], $0xD00  }
0xe4: {  	[sflag:s3] =	ssyncset.done $0x0  }
0xe5: {  	[sflag:s3] =	ssyncadd.s32 $0xFFFFF300  }
0xe6: {  	_ =	swait.ge [sflag:s3], $0xD00  }
0xe7: {  	[sflag:s3] =	ssyncset.done $0x0  }
0xe8: {  	[sflag:s3] =	ssyncadd.s32 $0xFFFFF300  }
0xe9: {  	_ =	swait.ge [sflag:s3], $0xD00  }
0xea: {  	[sflag:s3] =	ssyncset.done $0x0  }
0xeb: {  	[sflag:s3] =	ssyncadd.s32 $0xFFFFF300  }
0xec: {  	_ =	swait.ge [sflag:s3], $0xD00  }
0xed: {  	[sflag:s3] =	ssyncset.done $0x0  }
0xee: {  	[sflag:s3] =	ssyncadd.s32 $0xFFFFF300  }
0xef: {  	_ =	swait.ge [sflag:s3], $0xD00  }
0xf0: {  	[sflag:s3] =	ssyncset.done $0x0  }
0xf1: {  	[sflag:s3] =	ssyncadd.s32 $0xFFFFF300  }
0xf2: {  	_ =	swait.ge [sflag:s3], $0xD00  }
0xf3: {  	[sflag:s3] =	ssyncset.done $0x0  }
0xf4: {  	[sflag:s3] =	ssyncadd.s32 $0xFFFFF300  }
0xf5: {  	_ =	swait.ge [sflag:s3], $0xD00  }
0xf6: {  	[sflag:s3] =	ssyncset.done $0x0  }
0xf7: {  	[sflag:s3] =	ssyncadd.s32 $0xFFFFF300  }
0xf8: {  	_ =	swait.ge [sflag:s3], $0xD00  }
0xf9: {  	s31 =	sld [smem:$0x7FB];
	_ =	sdelay $0x2  }
0xfa: {  	p1 =	sne.s32 s31, $0x1  }
.Ltmp1:
0xfb: {  	_ = 	snop;
	(pc) =	sbr.rel @!p1 .LBB2_4-.Ltmp1, $4  }
0xfc: {  	[sflag:s3] =	ssyncset.done $0x0  }
0xfd: {  	[sflag:s3] =	ssyncadd.s32 $0xFFFFF300  }
0xfe: {  	p0 =	por $0x1, $0x1;
	_ =	swait.ge [sflag:s3], $0xD00  }
0xff: {  	s10 =	sadd.s32 $0xFFFFFFFF, s31;
	s11 =	rddreg [dreg:$0x2];
	[sflag:s3] =	ssyncset.done $0x0  }
0x100: {  	s24 =	simm.s32 $0x5B00  }
0x101: {  	s18 =	simm.s32 $0xD000;
	s21 =	simm.s32 $0xDD00;
	s1 =	simm.s32 $0xEA00  }
.LBB2_3:
0x102: {  	[sflag:s3] =	ssyncadd.s32 $0xFFFFF300  }
0x103: {  	[tilespmem:s2], [sflag:$0x3] =	stream.linear.gather [hbm4b:s11+s2], $0xD00, $0x38;
	[tilespmem:$0x1A000] =	vst v63  }
0x104: {  	_ =	swait.ge [sflag:s9], $0xD00  }
0x105: {  	[sflag:s9] =	ssyncset.done $0x0  }
0x106: {  	s23 =	rddreg [dreg:$0x3];
	[sflag:s9] =	ssyncadd.s32 $0xFFFFF300  }
0x107: {  	[tilespmem:s19], [sflag:$0x3] =	stream.linear.gather [hbm4b:s23+s2], $0xD00, $0x38;
	[tilespmem:$0x1A000] =	vst v63  }
0x108: {  	_ =	swait.ge [sflag:s9], $0xD00  }
0x109: {  	[sflag:s9] =	ssyncset.done $0x0  }
0x10a: {  	s7 =	simm.s32 $0x1A00;
	s31 =	rddreg [dreg:$0x4];
	[sflag:s9] =	ssyncadd.s32 $0xFFFFF300  }
0x10b: {  	[tilespmem:s7], [sflag:$0x3] =	stream.linear.gather [hbm4b:s31+s2], $0xD00, $0x38;
	[tilespmem:$0x1A000] =	vst v63  }
0x10c: {  	_ =	swait.ge [sflag:s9], $0xD00  }
0x10d: {  	[sflag:s9] =	ssyncset.done $0x0  }
0x10e: {  	s23 =	simm.s32 $0x2700;
	s0 =	rddreg [dreg:$0x5];
	[sflag:s9] =	ssyncadd.s32 $0xFFFFF300  }
0x10f: {  	[tilespmem:s23], [sflag:$0x3] =	stream.linear.gather [hbm4b:s0+s2], $0xD00, $0x38;
	[tilespmem:$0x1A000] =	vst v63  }
0x110: {  	_ =	swait.ge [sflag:s9], $0xD00  }
0x111: {  	[sflag:s9] =	ssyncset.done $0x0  }
0x112: {  	s31 =	simm.s32 $0x3400;
	s6 =	rddreg [dreg:$0x6];
	[sflag:s9] =	ssyncadd.s32 $0xFFFFF300  }
0x113: {  	[tilespmem:s31], [sflag:$0x3] =	stream.linear.gather [hbm4b:s6+s2], $0xD00, $0x38;
	[tilespmem:$0x1A000] =	vst v63  }
0x114: {  	_ =	swait.ge [sflag:s9], $0xD00  }
0x115: {  	[sflag:s9] =	ssyncset.done $0x0  }
0x116: {  	s6 =	simm.s32 $0x4100;
	s8 =	rddreg [dreg:$0x7];
	[sflag:s9] =	ssyncadd.s32 $0xFFFFF300  }
0x117: {  	[tilespmem:s6], [sflag:$0x3] =	stream.linear.gather [hbm4b:s8+s2], $0xD00, $0x38;
	[tilespmem:$0x1A000] =	vst v63  }
0x118: {  	_ =	swait.ge [sflag:s9], $0xD00  }
0x119: {  	[sflag:s9] =	ssyncset.done $0x0  }
0x11a: {  	s8 =	simm.s32 $0x4E00;
	s15 =	rddreg [dreg:$0x8];
	[sflag:s9] =	ssyncadd.s32 $0xFFFFF300  }
0x11b: {  	[tilespmem:s8], [sflag:$0x3] =	stream.linear.gather [hbm4b:s15+s2], $0xD00, $0x38;
	[tilespmem:$0x1A000] =	vst v63  }
0x11c: {  	_ =	swait.ge [sflag:s9], $0xD00  }
0x11d: {  	[sflag:s9] =	ssyncset.done $0x0  }
0x11e: {  	s0 =	rddreg [dreg:$0x9];
	[sflag:s9] =	ssyncadd.s32 $0xFFFFF300  }
0x11f: {  	[tilespmem:s24], [sflag:$0x3] =	stream.linear.gather [hbm4b:s0+s2], $0xD00, $0x38;
	[tilespmem:$0x1A000] =	vst v63  }
0x120: {  	_ =	swait.ge [sflag:s9], $0xD00  }
0x121: {  	[sflag:s9] =	ssyncset.done $0x0  }
0x122: {  	s0 =	simm.s32 $0x6800;
	s15 =	rddreg [dreg:$0xa];
	[sflag:s9] =	ssyncadd.s32 $0xFFFFF300  }
0x123: {  	[tilespmem:s0], [sflag:$0x3] =	stream.linear.gather [hbm4b:s15+s2], $0xD00, $0x38;
	[tilespmem:$0x1A000] =	vst v63  }
0x124: {  	_ =	swait.ge [sflag:s9], $0xD00  }
0x125: {  	[sflag:s9] =	ssyncset.done $0x0  }
0x126: {  	s15 =	simm.s32 $0x7500;
	s11 =	rddreg [dreg:$0xb];
	[sflag:s9] =	ssyncadd.s32 $0xFFFFF300  }
0x127: {  	[tilespmem:s15], [sflag:$0x3] =	stream.linear.gather [hbm4b:s11+s2], $0xD00, $0x38;
	[tilespmem:$0x1A000] =	vst v63  }
0x128: {  	_ =	swait.ge [sflag:s9], $0xD00  }
0x129: {  	[sflag:s9] =	ssyncset.done $0x0  }
0x12a: {  	s11 =	rddreg [dreg:$0xc];
	[sflag:s9] =	ssyncadd.s32 $0xFFFFF300  }
0x12b: {  	[tilespmem:s25], [sflag:$0x3] =	stream.linear.gather [hbm4b:s11+s2], $0xD00, $0x38;
	[tilespmem:$0x1A000] =	vst v63  }
0x12c: {  	_ =	swait.ge [sflag:s9], $0xD00  }
0x12d: {  	[sflag:s9] =	ssyncset.done $0x0  }
0x12e: {  	s11 =	rddreg [dreg:$0xd];
	[sflag:s9] =	ssyncadd.s32 $0xFFFFF300  }
0x12f: {  	[tilespmem:s26], [sflag:$0x3] =	stream.linear.gather [hbm4b:s11+s2], $0xD00, $0x38;
	[tilespmem:$0x1A000] =	vst v63  }
0x130: {  	_ =	swait.ge [sflag:s9], $0xD00  }
0x131: {  	[sflag:s9] =	ssyncset.done $0x0  }
0x132: {  	s11 =	rddreg [dreg:$0xe];
	[sflag:s9] =	ssyncadd.s32 $0xFFFFF300  }
0x133: {  	[tilespmem:s28], [sflag:$0x3] =	stream.linear.gather [hbm4b:s11+s2], $0xD00, $0x38;
	[tilespmem:$0x1A000] =	vst v63  }
0x134: {  	_ =	swait.ge [sflag:s9], $0xD00  }
0x135: {  	[sflag:s9] =	ssyncset.done $0x0  }
0x136: {  	s11 =	rddreg [dreg:$0xf];
	[sflag:s9] =	ssyncadd.s32 $0xFFFFF300  }
0x137: {  	[tilespmem:s29], [sflag:$0x3] =	stream.linear.gather [hbm4b:s11+s2], $0xD00, $0x38;
	[tilespmem:$0x1A000] =	vst v63  }
0x138: {  	_ =	swait.ge [sflag:s9], $0xD00  }
0x139: {  	[sflag:s9] =	ssyncset.done $0x0  }
0x13a: {  	s11 =	rddreg [dreg:$0x10];
	[sflag:s9] =	ssyncadd.s32 $0xFFFFF300  }
0x13b: {  	[tilespmem:s30], [sflag:$0x3] =	stream.linear.gather [hbm4b:s11+s2], $0xD00, $0x38;
	[tilespmem:$0x1A000] =	vst v63  }
0x13c: {  	_ =	swait.ge [sflag:s9], $0xD00  }
0x13d: {  	[sflag:s9] =	ssyncset.done $0x0  }
0x13e: {  	s11 =	rddreg [dreg:$0x11];
	[sflag:s9] =	ssyncadd.s32 $0xFFFFF300  }
0x13f: {  	[tilespmem:s4], [sflag:$0x3] =	stream.linear.gather [hbm4b:s11+s2], $0xD00, $0x38;
	[tilespmem:$0x1A000] =	vst v63  }
0x140: {  	_ =	swait.ge [sflag:s9], $0xD00  }
0x141: {  	[sflag:s9] =	ssyncset.done $0x0  }
0x142: {  	[sflag:s9] =	ssyncadd.s32 $0xFFFFF300  }
0x143: {  	[tilespmem:s18], [sflag:$0x1] =	stream.indirect.gather [hbm4b:s17+s19], $0x1, s2, s19, $0xb8;
	[tilespmem:$0x1A000] =	vst v63  }
0x144: {  	_ = 	snop  }
0x145: {  	[tilespmem:s21], [sflag:$0x1] =	stream.indirect.gather [hbm4b:s17+s19], $0x1, s19, s19, $0xb8;
	[tilespmem:$0x1A000] =	vst v63  }
0x146: {  	_ = 	snop  }
0x147: {  	[tilespmem:s1], [sflag:$0x1] =	stream.indirect.gather [hbm4b:s17+s19], $0x1, s7, s19, $0xb8;
	[tilespmem:$0x1A000] =	vst v63  }
0x148: {  	s7 =	simm.s32 $0xF700  }
0x149: {  	[tilespmem:s7], [sflag:$0x1] =	stream.indirect.gather [hbm4b:s17+s19], $0x1, s23, s19, $0xb8;
	[tilespmem:$0x1A000] =	vst v63  }
0x14a: {  	s23 =	simm.s32 $0x10400  }
0x14b: {  	[tilespmem:s23], [sflag:$0x1] =	stream.indirect.gather [hbm4b:s17+s19], $0x1, s31, s19, $0xb8;
	[tilespmem:$0x1A000] =	vst v63  }
0x14c: {  	s31 =	simm.s32 $0x11100  }
0x14d: {  	[tilespmem:s31], [sflag:$0x1] =	stream.indirect.gather [hbm4b:s17+s19], $0x1, s6, s19, $0xb8;
	[tilespmem:$0x1A000] =	vst v63  }
0x14e: {  	s6 =	simm.s32 $0x11E00  }
0x14f: {  	[tilespmem:s6], [sflag:$0x1] =	stream.indirect.gather [hbm4b:s17+s19], $0x1, s8, s19, $0xb8;
	[tilespmem:$0x1A000] =	vst v63  }
0x150: {  	_ = 	snop  }
0x151: {  	[tilespmem:s22], [sflag:$0x1] =	stream.indirect.gather [hbm4b:s17+s19], $0x1, s24, s19, $0xb8;
	[tilespmem:$0x1A000] =	vst v63  }
0x152: {  	s8 =	simm.s32 $0x13800  }
0x153: {  	[tilespmem:s8], [sflag:$0x1] =	stream.indirect.gather [hbm4b:s17+s19], $0x1, s0, s19, $0xb8;
	[tilespmem:$0x1A000] =	vst v63  }
0x154: {  	_ = 	snop  }
0x155: {  	[tilespmem:s20], [sflag:$0x1] =	stream.indirect.gather [hbm4b:s17+s19], $0x1, s15, s19, $0xb8;
	[tilespmem:$0x1A000] =	vst v63  }
0x156: {  	s0 =	simm.s32 $0x15200  }
0x157: {  	[tilespmem:s0], [sflag:$0x1] =	stream.indirect.gather [hbm4b:s17+s19], $0x1, s25, s19, $0xb8;
	[tilespmem:$0x1A000] =	vst v63  }
0x158: {  	_ = 	snop  }
0x159: {  	[tilespmem:s16], [sflag:$0x1] =	stream.indirect.gather [hbm4b:s17+s19], $0x1, s26, s19, $0xb8;
	[tilespmem:$0x1A000] =	vst v63  }
0x15a: {  	s15 =	simm.s32 $0x16C00  }
0x15b: {  	[tilespmem:s15], [sflag:$0x1] =	stream.indirect.gather [hbm4b:s17+s19], $0x1, s28, s19, $0xb8;
	[tilespmem:$0x1A000] =	vst v63  }
0x15c: {  	_ = 	snop  }
0x15d: {  	[tilespmem:s14], [sflag:$0x1] =	stream.indirect.gather [hbm4b:s17+s19], $0x1, s29, s19, $0xb8;
	[tilespmem:$0x1A000] =	vst v63  }
0x15e: {  	_ = 	snop  }
0x15f: {  	[tilespmem:s13], [sflag:$0x1] =	stream.indirect.gather [hbm4b:s17+s19], $0x1, s30, s19, $0xb8;
	[tilespmem:$0x1A000] =	vst v63  }
0x160: {  	_ = 	snop  }
0x161: {  	[tilespmem:s12], [sflag:$0x1] =	stream.indirect.gather [hbm4b:s17+s19], $0x1, s4, s19, $0xb8;
	[tilespmem:$0x1A000] =	vst v63  }
0x162: {  	_ =	swait.ge [sflag:s5], $0xD00  }
0x163: {  	[sflag:s5] =	ssyncset.done $0x0  }
0x164: {  	s11 =	rddreg [dreg:$0x12];
	[sflag:s5] =	ssyncadd.s32 $0xFFFFF300  }
0x165: {  	[hbm4b:s11+s2] =	stream.linear.scatter [tilespmem:s18], [sflag:$0x2], $0xD00, $0x38;
	[tilespmem:$0x1A000] =	vst v63  }
0x166: {  	_ =	swait.ge [sflag:s5], $0xD00  }
0x167: {  	[sflag:s5] =	ssyncset.done $0x0  }
0x168: {  	s11 =	rddreg [dreg:$0x13];
	[sflag:s5] =	ssyncadd.s32 $0xFFFFF300  }
0x169: {  	[hbm4b:s11+s2] =	stream.linear.scatter [tilespmem:s21], [sflag:$0x2], $0xD00, $0x38;
	[tilespmem:$0x1A000] =	vst v63  }
0x16a: {  	_ =	swait.ge [sflag:s5], $0xD00  }
0x16b: {  	[sflag:s5] =	ssyncset.done $0x0  }
0x16c: {  	s11 =	rddreg [dreg:$0x14];
	[sflag:s5] =	ssyncadd.s32 $0xFFFFF300  }
0x16d: {  	[hbm4b:s11+s2] =	stream.linear.scatter [tilespmem:s1], [sflag:$0x2], $0xD00, $0x38;
	[tilespmem:$0x1A000] =	vst v63  }
0x16e: {  	_ =	swait.ge [sflag:s5], $0xD00  }
0x16f: {  	[sflag:s5] =	ssyncset.done $0x0  }
0x170: {  	s11 =	rddreg [dreg:$0x15];
	[sflag:s5] =	ssyncadd.s32 $0xFFFFF300  }
0x171: {  	[hbm4b:s11+s2] =	stream.linear.scatter [tilespmem:s7], [sflag:$0x2], $0xD00, $0x38;
	[tilespmem:$0x1A000] =	vst v63  }
0x172: {  	_ =	swait.ge [sflag:s5], $0xD00  }
0x173: {  	[sflag:s5] =	ssyncset.done $0x0  }
0x174: {  	s7 =	rddreg [dreg:$0x16];
	[sflag:s5] =	ssyncadd.s32 $0xFFFFF300  }
0x175: {  	[hbm4b:s7+s2] =	stream.linear.scatter [tilespmem:s23], [sflag:$0x2], $0xD00, $0x38;
	[tilespmem:$0x1A000] =	vst v63  }
0x176: {  	_ =	swait.ge [sflag:s5], $0xD00  }
0x177: {  	[sflag:s5] =	ssyncset.done $0x0  }
0x178: {  	s23 =	rddreg [dreg:$0x17];
	[sflag:s5] =	ssyncadd.s32 $0xFFFFF300  }
0x179: {  	[hbm4b:s23+s2] =	stream.linear.scatter [tilespmem:s31], [sflag:$0x2], $0xD00, $0x38;
	[tilespmem:$0x1A000] =	vst v63  }
0x17a: {  	_ =	swait.ge [sflag:s5], $0xD00  }
0x17b: {  	[sflag:s5] =	ssyncset.done $0x0  }
0x17c: {  	s31 =	rddreg [dreg:$0x18];
	[sflag:s5] =	ssyncadd.s32 $0xFFFFF300  }
0x17d: {  	[hbm4b:s31+s2] =	stream.linear.scatter [tilespmem:s6], [sflag:$0x2], $0xD00, $0x38;
	[tilespmem:$0x1A000] =	vst v63  }
0x17e: {  	_ =	swait.ge [sflag:s5], $0xD00  }
0x17f: {  	[sflag:s5] =	ssyncset.done $0x0  }
0x180: {  	s7 =	rddreg [dreg:$0x19];
	[sflag:s5] =	ssyncadd.s32 $0xFFFFF300  }
0x181: {  	[hbm4b:s7+s2] =	stream.linear.scatter [tilespmem:s22], [sflag:$0x2], $0xD00, $0x38;
	[tilespmem:$0x1A000] =	vst v63  }
0x182: {  	_ =	swait.ge [sflag:s5], $0xD00  }
0x183: {  	[sflag:s5] =	ssyncset.done $0x0  }
0x184: {  	s23 =	rddreg [dreg:$0x1a];
	[sflag:s5] =	ssyncadd.s32 $0xFFFFF300  }
0x185: {  	[hbm4b:s23+s2] =	stream.linear.scatter [tilespmem:s8], [sflag:$0x2], $0xD00, $0x38;
	[tilespmem:$0x1A000] =	vst v63  }
0x186: {  	_ =	swait.ge [sflag:s5], $0xD00  }
0x187: {  	[sflag:s5] =	ssyncset.done $0x0  }
0x188: {  	s31 =	rddreg [dreg:$0x1b];
	[sflag:s5] =	ssyncadd.s32 $0xFFFFF300  }
0x189: {  	[hbm4b:s31+s2] =	stream.linear.scatter [tilespmem:s20], [sflag:$0x2], $0xD00, $0x38;
	[tilespmem:$0x1A000] =	vst v63  }
0x18a: {  	_ =	swait.ge [sflag:s5], $0xD00  }
0x18b: {  	[sflag:s5] =	ssyncset.done $0x0  }
0x18c: {  	s6 =	rddreg [dreg:$0x1c];
	[sflag:s5] =	ssyncadd.s32 $0xFFFFF300  }
0x18d: {  	[hbm4b:s6+s2] =	stream.linear.scatter [tilespmem:s0], [sflag:$0x2], $0xD00, $0x38;
	[tilespmem:$0x1A000] =	vst v63  }
0x18e: {  	_ =	swait.ge [sflag:s5], $0xD00  }
0x18f: {  	[sflag:s5] =	ssyncset.done $0x0  }
0x190: {  	s7 =	rddreg [dreg:$0x1d];
	[sflag:s5] =	ssyncadd.s32 $0xFFFFF300  }
0x191: {  	[hbm4b:s7+s2] =	stream.linear.scatter [tilespmem:s16], [sflag:$0x2], $0xD00, $0x38;
	[tilespmem:$0x1A000] =	vst v63  }
0x192: {  	_ =	swait.ge [sflag:s5], $0xD00  }
0x193: {  	[sflag:s5] =	ssyncset.done $0x0  }
0x194: {  	s8 =	rddreg [dreg:$0x1e];
	[sflag:s5] =	ssyncadd.s32 $0xFFFFF300  }
0x195: {  	[hbm4b:s8+s2] =	stream.linear.scatter [tilespmem:s15], [sflag:$0x2], $0xD00, $0x38;
	[tilespmem:$0x1A000] =	vst v63  }
0x196: {  	_ =	swait.ge [sflag:s5], $0xD00  }
0x197: {  	[sflag:s5] =	ssyncset.done $0x0  }
0x198: {  	s15 =	rddreg [dreg:$0x1f];
	[sflag:s5] =	ssyncadd.s32 $0xFFFFF300  }
0x199: {  	[hbm4b:s15+s2] =	stream.linear.scatter [tilespmem:s14], [sflag:$0x2], $0xD00, $0x38;
	[tilespmem:$0x1A000] =	vst v63  }
0x19a: {  	_ =	swait.ge [sflag:s5], $0xD00  }
0x19b: {  	s23 =	sld [smem:$0x7FC]  }
0x19c: {  	[sflag:s5] =	ssyncset.done $0x0  }
0x19d: {  	[sflag:s5] =	ssyncadd.s32 $0xFFFFF300  }
0x19e: {  	[hbm4b:s23+s2] =	stream.linear.scatter [tilespmem:s13], [sflag:$0x2], $0xD00, $0x38;
	[tilespmem:$0x1A000] =	vst v63  }
0x19f: {  	_ =	swait.ge [sflag:s5], $0xD00  }
0x1a0: {  	s31 =	sld [smem:$0x7FD]  }
0x1a1: {  	[sflag:s5] =	ssyncset.done $0x0  }
0x1a2: {  	[sflag:s5] =	ssyncadd.s32 $0xFFFFF300  }
0x1a3: {  	[hbm4b:s31+s2] =	stream.linear.scatter [tilespmem:s12], [sflag:$0x2], $0xD00, $0x38;
	[tilespmem:$0x1A000] =	vst v63  }
0x1a4: {  	_ =	swait.ge [sflag:s3], $0xD00  }
0x1a5: {  	[sflag:s3] =	ssyncset.done $0x0  }
0x1a6: {  	[sflag:s3] =	ssyncadd.s32 $0xFFFFF300  }
0x1a7: {  	_ =	swait.ge [sflag:s3], $0xD00  }
0x1a8: {  	[sflag:s3] =	ssyncset.done $0x0  }
0x1a9: {  	[sflag:s3] =	ssyncadd.s32 $0xFFFFF300  }
0x1aa: {  	_ =	swait.ge [sflag:s3], $0xD00  }
0x1ab: {  	[sflag:s3] =	ssyncset.done $0x0  }
0x1ac: {  	[sflag:s3] =	ssyncadd.s32 $0xFFFFF300  }
0x1ad: {  	_ =	swait.ge [sflag:s3], $0xD00  }
0x1ae: {  	[sflag:s3] =	ssyncset.done $0x0  }
0x1af: {  	[sflag:s3] =	ssyncadd.s32 $0xFFFFF300  }
0x1b0: {  	_ =	swait.ge [sflag:s3], $0xD00  }
0x1b1: {  	[sflag:s3] =	ssyncset.done $0x0  }
0x1b2: {  	[sflag:s3] =	ssyncadd.s32 $0xFFFFF300  }
0x1b3: {  	_ =	swait.ge [sflag:s3], $0xD00  }
0x1b4: {  	[sflag:s3] =	ssyncset.done $0x0  }
0x1b5: {  	[sflag:s3] =	ssyncadd.s32 $0xFFFFF300  }
0x1b6: {  	_ =	swait.ge [sflag:s3], $0xD00  }
0x1b7: {  	[sflag:s3] =	ssyncset.done $0x0  }
0x1b8: {  	[sflag:s3] =	ssyncadd.s32 $0xFFFFF300  }
0x1b9: {  	_ =	swait.ge [sflag:s3], $0xD00  }
0x1ba: {  	[sflag:s3] =	ssyncset.done $0x0  }
0x1bb: {  	[sflag:s3] =	ssyncadd.s32 $0xFFFFF300  }
0x1bc: {  	_ =	swait.ge [sflag:s3], $0xD00  }
0x1bd: {  	[sflag:s3] =	ssyncset.done $0x0  }
0x1be: {  	[sflag:s3] =	ssyncadd.s32 $0xFFFFF300  }
0x1bf: {  	_ =	swait.ge [sflag:s3], $0xD00  }
0x1c0: {  	[sflag:s3] =	ssyncset.done $0x0  }
0x1c1: {  	[sflag:s3] =	ssyncadd.s32 $0xFFFFF300  }
0x1c2: {  	_ =	swait.ge [sflag:s3], $0xD00  }
0x1c3: {  	[sflag:s3] =	ssyncset.done $0x0  }
0x1c4: {  	[sflag:s3] =	ssyncadd.s32 $0xFFFFF300  }
0x1c5: {  	_ =	swait.ge [sflag:s3], $0xD00  }
0x1c6: {  	[sflag:s3] =	ssyncset.done $0x0  }
0x1c7: {  	[sflag:s3] =	ssyncadd.s32 $0xFFFFF300  }
0x1c8: {  	_ =	swait.ge [sflag:s3], $0xD00  }
0x1c9: {  	[sflag:s3] =	ssyncset.done $0x0  }
0x1ca: {  	[sflag:s3] =	ssyncadd.s32 $0xFFFFF300  }
0x1cb: {  	_ =	swait.ge [sflag:s3], $0xD00  }
0x1cc: {  	[sflag:s3] =	ssyncset.done $0x0  }
0x1cd: {  	p1 =	sne.s32 s10, $0x1;
	[sflag:s3] =	ssyncadd.s32 $0xFFFFF300  }
.Ltmp2:
0x1ce: {  	_ =	swait.ge [sflag:s3], $0xD00;
	(pc) =	sbr.rel @p1 .LBB2_3-.Ltmp2, $4  }
0x1cf: {  	[sflag:s3] =	ssyncset.done $0x0  }
0x1d0: {  	[sflag:s3] =	ssyncadd.s32 $0xFFFFF300  }
0x1d1: {  	_ =	swait.ge [sflag:s3], $0xD00  }
0x1d2: {  	s10 =	sadd.s32 $0xFFFFFFFF, s10;
	s11 =	rddreg [dreg:$0x2];
	[sflag:s3] =	ssyncset.done $0x0  }
.LBB2_4:
0x1d3: {  	[sflag:s3] =	ssyncadd.s32 @p0 $0xFFFFF300  }
0x1d4: {  	[tilespmem:s2], [sflag:$0x3] =	stream.linear.gather [hbm4b:s11+s2], $0xD00, $0x38;
	[tilespmem:$0x1A000] =	vst v63  }
0x1d5: {  	_ =	swait.ge [sflag:s9], $0xD00  }
0x1d6: {  	[sflag:s9] =	ssyncset.done $0x0  }
0x1d7: {  	s10 =	rddreg [dreg:$0x3];
	[sflag:s9] =	ssyncadd.s32 $0xFFFFF300  }
0x1d8: {  	[tilespmem:s19], [sflag:$0x3] =	stream.linear.gather [hbm4b:s10+s2], $0xD00, $0x38;
	[tilespmem:$0x1A000] =	vst v63  }
0x1d9: {  	_ =	swait.ge [sflag:s9], $0xD00  }
0x1da: {  	[sflag:s9] =	ssyncset.done $0x0  }
0x1db: {  	s0 =	simm.s32 $0x1A00;
	s26 =	rddreg [dreg:$0x4];
	[sflag:s9] =	ssyncadd.s32 $0xFFFFF300  }
0x1dc: {  	[tilespmem:s0], [sflag:$0x3] =	stream.linear.gather [hbm4b:s26+s2], $0xD00, $0x38;
	[tilespmem:$0x1A000] =	vst v63  }
0x1dd: {  	_ =	swait.ge [sflag:s9], $0xD00  }
0x1de: {  	[sflag:s9] =	ssyncset.done $0x0  }
0x1df: {  	s1 =	simm.s32 $0x2700;
	s28 =	rddreg [dreg:$0x5];
	[sflag:s9] =	ssyncadd.s32 $0xFFFFF300  }
0x1e0: {  	[tilespmem:s1], [sflag:$0x3] =	stream.linear.gather [hbm4b:s28+s2], $0xD00, $0x38;
	[tilespmem:$0x1A000] =	vst v63  }
0x1e1: {  	_ =	swait.ge [sflag:s9], $0xD00  }
0x1e2: {  	[sflag:s9] =	ssyncset.done $0x0  }
0x1e3: {  	s4 =	simm.s32 $0x3400;
	s29 =	rddreg [dreg:$0x6];
	[sflag:s9] =	ssyncadd.s32 $0xFFFFF300  }
0x1e4: {  	[tilespmem:s4], [sflag:$0x3] =	stream.linear.gather [hbm4b:s29+s2], $0xD00, $0x38;
	[tilespmem:$0x1A000] =	vst v63  }
0x1e5: {  	_ =	swait.ge [sflag:s9], $0xD00  }
0x1e6: {  	[sflag:s9] =	ssyncset.done $0x0  }
0x1e7: {  	s11 =	simm.s32 $0x4100;
	s30 =	rddreg [dreg:$0x7];
	[sflag:s9] =	ssyncadd.s32 $0xFFFFF300  }
0x1e8: {  	[tilespmem:s11], [sflag:$0x3] =	stream.linear.gather [hbm4b:s30+s2], $0xD00, $0x38;
	[tilespmem:$0x1A000] =	vst v63  }
0x1e9: {  	_ =	swait.ge [sflag:s9], $0xD00  }
0x1ea: {  	[sflag:s9] =	ssyncset.done $0x0  }
0x1eb: {  	s12 =	simm.s32 $0x4E00;
	s31 =	rddreg [dreg:$0x8];
	[sflag:s9] =	ssyncadd.s32 $0xFFFFF300  }
0x1ec: {  	[tilespmem:s12], [sflag:$0x3] =	stream.linear.gather [hbm4b:s31+s2], $0xD00, $0x38;
	[tilespmem:$0x1A000] =	vst v63  }
0x1ed: {  	_ =	swait.ge [sflag:s9], $0xD00  }
0x1ee: {  	[sflag:s9] =	ssyncset.done $0x0  }
0x1ef: {  	s13 =	simm.s32 $0x5B00;
	s6 =	rddreg [dreg:$0x9];
	[sflag:s9] =	ssyncadd.s32 $0xFFFFF300  }
0x1f0: {  	[tilespmem:s13], [sflag:$0x3] =	stream.linear.gather [hbm4b:s6+s2], $0xD00, $0x38;
	[tilespmem:$0x1A000] =	vst v63  }
0x1f1: {  	_ =	swait.ge [sflag:s9], $0xD00  }
0x1f2: {  	[sflag:s9] =	ssyncset.done $0x0  }
0x1f3: {  	s22 =	simm.s32 $0x6800;
	s7 =	rddreg [dreg:$0xa];
	[sflag:s9] =	ssyncadd.s32 $0xFFFFF300  }
0x1f4: {  	[tilespmem:s22], [sflag:$0x3] =	stream.linear.gather [hbm4b:s7+s2], $0xD00, $0x38;
	[tilespmem:$0x1A000] =	vst v63  }
0x1f5: {  	_ =	swait.ge [sflag:s9], $0xD00  }
0x1f6: {  	[sflag:s9] =	ssyncset.done $0x0  }
0x1f7: {  	s23 =	simm.s32 $0x7500;
	s8 =	rddreg [dreg:$0xb];
	[sflag:s9] =	ssyncadd.s32 $0xFFFFF300  }
0x1f8: {  	[tilespmem:s23], [sflag:$0x3] =	stream.linear.gather [hbm4b:s8+s2], $0xD00, $0x38;
	[tilespmem:$0x1A000] =	vst v63  }
0x1f9: {  	_ =	swait.ge [sflag:s9], $0xD00  }
0x1fa: {  	[sflag:s9] =	ssyncset.done $0x0  }
0x1fb: {  	s24 =	simm.s32 $0x8200;
	s14 =	rddreg [dreg:$0xc];
	[sflag:s9] =	ssyncadd.s32 $0xFFFFF300  }
0x1fc: {  	[tilespmem:s24], [sflag:$0x3] =	stream.linear.gather [hbm4b:s14+s2], $0xD00, $0x38;
	[tilespmem:$0x1A000] =	vst v63  }
0x1fd: {  	_ =	swait.ge [sflag:s9], $0xD00  }
0x1fe: {  	[sflag:s9] =	ssyncset.done $0x0  }
0x1ff: {  	s25 =	simm.s32 $0x8F00;
	s15 =	rddreg [dreg:$0xd];
	[sflag:s9] =	ssyncadd.s32 $0xFFFFF300  }
0x200: {  	[tilespmem:s25], [sflag:$0x3] =	stream.linear.gather [hbm4b:s15+s2], $0xD00, $0x38;
	[tilespmem:$0x1A000] =	vst v63  }
0x201: {  	_ =	swait.ge [sflag:s9], $0xD00  }
0x202: {  	[sflag:s9] =	ssyncset.done $0x0  }
0x203: {  	s26 =	simm.s32 $0x9C00;
	s16 =	rddreg [dreg:$0xe];
	[sflag:s9] =	ssyncadd.s32 $0xFFFFF300  }
0x204: {  	[tilespmem:s26], [sflag:$0x3] =	stream.linear.gather [hbm4b:s16+s2], $0xD00, $0x38;
	[tilespmem:$0x1A000] =	vst v63  }
0x205: {  	_ =	swait.ge [sflag:s9], $0xD00  }
0x206: {  	[sflag:s9] =	ssyncset.done $0x0  }
0x207: {  	s28 =	simm.s32 $0xA900;
	s18 =	rddreg [dreg:$0xf];
	[sflag:s9] =	ssyncadd.s32 $0xFFFFF300  }
0x208: {  	[tilespmem:s28], [sflag:$0x3] =	stream.linear.gather [hbm4b:s18+s2], $0xD00, $0x38;
	[tilespmem:$0x1A000] =	vst v63  }
0x209: {  	_ =	swait.ge [sflag:s9], $0xD00  }
0x20a: {  	[sflag:s9] =	ssyncset.done $0x0  }
0x20b: {  	s29 =	simm.s32 $0xB600;
	s20 =	rddreg [dreg:$0x10];
	[sflag:s9] =	ssyncadd.s32 $0xFFFFF300  }
0x20c: {  	[tilespmem:s29], [sflag:$0x3] =	stream.linear.gather [hbm4b:s20+s2], $0xD00, $0x38;
	[tilespmem:$0x1A000] =	vst v63  }
0x20d: {  	_ =	swait.ge [sflag:s9], $0xD00  }
0x20e: {  	[sflag:s9] =	ssyncset.done $0x0  }
0x20f: {  	s30 =	simm.s32 $0xC300;
	s21 =	rddreg [dreg:$0x11];
	[sflag:s9] =	ssyncadd.s32 $0xFFFFF300  }
0x210: {  	[tilespmem:s30], [sflag:$0x3] =	stream.linear.gather [hbm4b:s21+s2], $0xD00, $0x38;
	[tilespmem:$0x1A000] =	vst v63  }
0x211: {  	_ =	swait.ge [sflag:s9], $0xD00  }
0x212: {  	[sflag:s9] =	ssyncset.done $0x0  }
0x213: {  	s21 =	simm.s32 $0xD000;
	[sflag:s9] =	ssyncadd.s32 $0xFFFFF300  }
0x214: {  	[tilespmem:s21], [sflag:$0x1] =	stream.indirect.gather [hbm4b:s17+s19], $0x1, s2, s19, $0xb8;
	[tilespmem:$0x1A000] =	vst v63  }
0x215: {  	s8 =	simm.s32 $0xDD00  }
0x216: {  	[tilespmem:s8], [sflag:$0x1] =	stream.indirect.gather [hbm4b:s17+s19], $0x1, s19, s19, $0xb8;
	[tilespmem:$0x1A000] =	vst v63  }
0x217: {  	s7 =	simm.s32 $0xEA00  }
0x218: {  	[tilespmem:s7], [sflag:$0x1] =	stream.indirect.gather [hbm4b:s17+s19], $0x1, s0, s19, $0xb8;
	[tilespmem:$0x1A000] =	vst v63  }
0x219: {  	s6 =	simm.s32 $0xF700  }
0x21a: {  	[tilespmem:s6], [sflag:$0x1] =	stream.indirect.gather [hbm4b:s17+s19], $0x1, s1, s19, $0xb8;
	[tilespmem:$0x1A000] =	vst v63  }
0x21b: {  	s20 =	simm.s32 $0x10400  }
0x21c: {  	[tilespmem:s20], [sflag:$0x1] =	stream.indirect.gather [hbm4b:s17+s19], $0x1, s4, s19, $0xb8;
	[tilespmem:$0x1A000] =	vst v63  }
0x21d: {  	s18 =	simm.s32 $0x11100  }
0x21e: {  	[tilespmem:s18], [sflag:$0x1] =	stream.indirect.gather [hbm4b:s17+s19], $0x1, s11, s19, $0xb8;
	[tilespmem:$0x1A000] =	vst v63  }
0x21f: {  	s16 =	simm.s32 $0x11E00  }
0x220: {  	[tilespmem:s16], [sflag:$0x1] =	stream.indirect.gather [hbm4b:s17+s19], $0x1, s12, s19, $0xb8;
	[tilespmem:$0x1A000] =	vst v63  }
0x221: {  	s15 =	simm.s32 $0x12B00  }
0x222: {  	[tilespmem:s15], [sflag:$0x1] =	stream.indirect.gather [hbm4b:s17+s19], $0x1, s13, s19, $0xb8;
	[tilespmem:$0x1A000] =	vst v63  }
0x223: {  	s14 =	simm.s32 $0x13800  }
0x224: {  	[tilespmem:s14], [sflag:$0x1] =	stream.indirect.gather [hbm4b:s17+s19], $0x1, s22, s19, $0xb8;
	[tilespmem:$0x1A000] =	vst v63  }
0x225: {  	s13 =	simm.s32 $0x14500  }
0x226: {  	[tilespmem:s13], [sflag:$0x1] =	stream.indirect.gather [hbm4b:s17+s19], $0x1, s23, s19, $0xb8;
	[tilespmem:$0x1A000] =	vst v63  }
0x227: {  	s12 =	simm.s32 $0x15200  }
0x228: {  	[tilespmem:s12], [sflag:$0x1] =	stream.indirect.gather [hbm4b:s17+s19], $0x1, s24, s19, $0xb8;
	[tilespmem:$0x1A000] =	vst v63  }
0x229: {  	s11 =	simm.s32 $0x15F00  }
0x22a: {  	[tilespmem:s11], [sflag:$0x1] =	stream.indirect.gather [hbm4b:s17+s19], $0x1, s25, s19, $0xb8;
	[tilespmem:$0x1A000] =	vst v63  }
0x22b: {  	s10 =	simm.s32 $0x16C00  }
0x22c: {  	[tilespmem:s10], [sflag:$0x1] =	stream.indirect.gather [hbm4b:s17+s19], $0x1, s26, s19, $0xb8;
	[tilespmem:$0x1A000] =	vst v63  }
0x22d: {  	s9 =	simm.s32 $0x17900  }
0x22e: {  	[tilespmem:s9], [sflag:$0x1] =	stream.indirect.gather [hbm4b:s17+s19], $0x1, s28, s19, $0xb8;
	[tilespmem:$0x1A000] =	vst v63  }
0x22f: {  	s4 =	simm.s32 $0x18600  }
0x230: {  	[tilespmem:s4], [sflag:$0x1] =	stream.indirect.gather [hbm4b:s17+s19], $0x1, s29, s19, $0xb8;
	[tilespmem:$0x1A000] =	vst v63  }
0x231: {  	s1 =	simm.s32 $0x19300  }
0x232: {  	[tilespmem:s1], [sflag:$0x1] =	stream.indirect.gather [hbm4b:s17+s19], $0x1, s30, s19, $0xb8;
	[tilespmem:$0x1A000] =	vst v63  }
0x233: {  	_ =	swait.ge [sflag:s5], $0xD00  }
0x234: {  	[sflag:s5] =	ssyncset.done $0x0  }
0x235: {  	s29 =	rddreg [dreg:$0x12];
	[sflag:s5] =	ssyncadd.s32 $0xFFFFF300  }
0x236: {  	[hbm4b:s29+s2] =	stream.linear.scatter [tilespmem:s21], [sflag:$0x2], $0xD00, $0x38;
	[tilespmem:$0x1A000] =	vst v63  }
0x237: {  	_ =	swait.ge [sflag:s5], $0xD00  }
0x238: {  	[sflag:s5] =	ssyncset.done $0x0  }
0x239: {  	s30 =	rddreg [dreg:$0x13];
	[sflag:s5] =	ssyncadd.s32 $0xFFFFF300  }
0x23a: {  	[hbm4b:s30+s2] =	stream.linear.scatter [tilespmem:s8], [sflag:$0x2], $0xD00, $0x38;
	[tilespmem:$0x1A000] =	vst v63  }
0x23b: {  	_ =	swait.ge [sflag:s5], $0xD00  }
0x23c: {  	[sflag:s5] =	ssyncset.done $0x0  }
0x23d: {  	s31 =	rddreg [dreg:$0x14];
	[sflag:s5] =	ssyncadd.s32 $0xFFFFF300  }
0x23e: {  	[hbm4b:s31+s2] =	stream.linear.scatter [tilespmem:s7], [sflag:$0x2], $0xD00, $0x38;
	[tilespmem:$0x1A000] =	vst v63  }
0x23f: {  	_ =	swait.ge [sflag:s5], $0xD00  }
0x240: {  	[sflag:s5] =	ssyncset.done $0x0  }
0x241: {  	s8 =	rddreg [dreg:$0x15];
	[sflag:s5] =	ssyncadd.s32 $0xFFFFF300  }
0x242: {  	[hbm4b:s8+s2] =	stream.linear.scatter [tilespmem:s6], [sflag:$0x2], $0xD00, $0x38;
	[tilespmem:$0x1A000] =	vst v63  }
0x243: {  	_ =	swait.ge [sflag:s5], $0xD00  }
0x244: {  	[sflag:s5] =	ssyncset.done $0x0  }
0x245: {  	s17 =	rddreg [dreg:$0x16];
	[sflag:s5] =	ssyncadd.s32 $0xFFFFF300  }
0x246: {  	[hbm4b:s17+s2] =	stream.linear.scatter [tilespmem:s20], [sflag:$0x2], $0xD00, $0x38;
	[tilespmem:$0x1A000] =	vst v63  }
0x247: {  	_ =	swait.ge [sflag:s5], $0xD00  }
0x248: {  	[sflag:s5] =	ssyncset.done $0x0  }
0x249: {  	s19 =	rddreg [dreg:$0x17];
	[sflag:s5] =	ssyncadd.s32 $0xFFFFF300  }
0x24a: {  	[hbm4b:s19+s2] =	stream.linear.scatter [tilespmem:s18], [sflag:$0x2], $0xD00, $0x38;
	[tilespmem:$0x1A000] =	vst v63  }
0x24b: {  	_ =	swait.ge [sflag:s5], $0xD00  }
0x24c: {  	[sflag:s5] =	ssyncset.done $0x0  }
0x24d: {  	s20 =	rddreg [dreg:$0x18];
	[sflag:s5] =	ssyncadd.s32 $0xFFFFF300  }
0x24e: {  	[hbm4b:s20+s2] =	stream.linear.scatter [tilespmem:s16], [sflag:$0x2], $0xD00, $0x38;
	[tilespmem:$0x1A000] =	vst v63  }
0x24f: {  	_ =	swait.ge [sflag:s5], $0xD00  }
0x250: {  	[sflag:s5] =	ssyncset.done $0x0  }
0x251: {  	s21 =	rddreg [dreg:$0x19];
	[sflag:s5] =	ssyncadd.s32 $0xFFFFF300  }
0x252: {  	[hbm4b:s21+s2] =	stream.linear.scatter [tilespmem:s15], [sflag:$0x2], $0xD00, $0x38;
	[tilespmem:$0x1A000] =	vst v63  }
0x253: {  	_ =	swait.ge [sflag:s5], $0xD00  }
0x254: {  	[sflag:s5] =	ssyncset.done $0x0  }
0x255: {  	s22 =	rddreg [dreg:$0x1a];
	[sflag:s5] =	ssyncadd.s32 $0xFFFFF300  }
0x256: {  	[hbm4b:s22+s2] =	stream.linear.scatter [tilespmem:s14], [sflag:$0x2], $0xD00, $0x38;
	[tilespmem:$0x1A000] =	vst v63  }
0x257: {  	_ =	swait.ge [sflag:s5], $0xD00  }
0x258: {  	[sflag:s5] =	ssyncset.done $0x0  }
0x259: {  	s23 =	rddreg [dreg:$0x1b];
	[sflag:s5] =	ssyncadd.s32 $0xFFFFF300  }
0x25a: {  	[hbm4b:s23+s2] =	stream.linear.scatter [tilespmem:s13], [sflag:$0x2], $0xD00, $0x38;
	[tilespmem:$0x1A000] =	vst v63  }
0x25b: {  	_ =	swait.ge [sflag:s5], $0xD00  }
0x25c: {  	[sflag:s5] =	ssyncset.done $0x0  }
0x25d: {  	s24 =	rddreg [dreg:$0x1c];
	[sflag:s5] =	ssyncadd.s32 $0xFFFFF300  }
0x25e: {  	[hbm4b:s24+s2] =	stream.linear.scatter [tilespmem:s12], [sflag:$0x2], $0xD00, $0x38;
	[tilespmem:$0x1A000] =	vst v63  }
0x25f: {  	_ =	swait.ge [sflag:s5], $0xD00  }
0x260: {  	[sflag:s5] =	ssyncset.done $0x0  }
0x261: {  	s25 =	rddreg [dreg:$0x1d];
	[sflag:s5] =	ssyncadd.s32 $0xFFFFF300  }
0x262: {  	[hbm4b:s25+s2] =	stream.linear.scatter [tilespmem:s11], [sflag:$0x2], $0xD00, $0x38;
	[tilespmem:$0x1A000] =	vst v63  }
0x263: {  	_ =	swait.ge [sflag:s5], $0xD00  }
0x264: {  	[sflag:s5] =	ssyncset.done $0x0  }
0x265: {  	s26 =	rddreg [dreg:$0x1e];
	[sflag:s5] =	ssyncadd.s32 $0xFFFFF300  }
0x266: {  	[hbm4b:s26+s2] =	stream.linear.scatter [tilespmem:s10], [sflag:$0x2], $0xD00, $0x38;
	[tilespmem:$0x1A000] =	vst v63  }
0x267: {  	_ =	swait.ge [sflag:s5], $0xD00  }
0x268: {  	[sflag:s5] =	ssyncset.done $0x0  }
0x269: {  	s28 =	rddreg [dreg:$0x1f];
	[sflag:s5] =	ssyncadd.s32 $0xFFFFF300  }
0x26a: {  	[hbm4b:s28+s2] =	stream.linear.scatter [tilespmem:s9], [sflag:$0x2], $0xD00, $0x38;
	[tilespmem:$0x1A000] =	vst v63  }
0x26b: {  	_ =	swait.ge [sflag:s5], $0xD00  }
0x26c: {  	s29 =	sld [smem:$0x7FC]  }
0x26d: {  	[sflag:s5] =	ssyncset.done $0x0  }
0x26e: {  	[sflag:s5] =	ssyncadd.s32 $0xFFFFF300  }
0x26f: {  	[hbm4b:s29+s2] =	stream.linear.scatter [tilespmem:s4], [sflag:$0x2], $0xD00, $0x38;
	[tilespmem:$0x1A000] =	vst v63  }
0x270: {  	_ =	swait.ge [sflag:s5], $0xD00  }
0x271: {  	s30 =	sld [smem:$0x7FD]  }
0x272: {  	[sflag:s5] =	ssyncset.done $0x0  }
0x273: {  	[sflag:s5] =	ssyncadd.s32 $0xFFFFF300  }
0x274: {  	[hbm4b:s30+s2] =	stream.linear.scatter [tilespmem:s1], [sflag:$0x2], $0xD00, $0x38;
	[tilespmem:$0x1A000] =	vst v63  }
0x275: {  	_ =	swait.ge [sflag:s3], $0xD00  }
0x276: {  	[sflag:s3] =	ssyncset.done $0x0  }
0x277: {  	[sflag:s3] =	ssyncadd.s32 $0xFFFFF300  }
0x278: {  	_ =	swait.ge [sflag:s3], $0xD00  }
0x279: {  	[sflag:s3] =	ssyncset.done $0x0  }
0x27a: {  	[sflag:s3] =	ssyncadd.s32 $0xFFFFF300  }
0x27b: {  	_ =	swait.ge [sflag:s3], $0xD00  }
0x27c: {  	[sflag:s3] =	ssyncset.done $0x0  }
0x27d: {  	[sflag:s3] =	ssyncadd.s32 $0xFFFFF300  }
0x27e: {  	_ =	swait.ge [sflag:s3], $0xD00  }
0x27f: {  	[sflag:s3] =	ssyncset.done $0x0  }
0x280: {  	[sflag:s3] =	ssyncadd.s32 $0xFFFFF300  }
0x281: {  	_ =	swait.ge [sflag:s3], $0xD00  }
0x282: {  	[sflag:s3] =	ssyncset.done $0x0  }
0x283: {  	[sflag:s3] =	ssyncadd.s32 $0xFFFFF300  }
0x284: {  	_ =	swait.ge [sflag:s3], $0xD00  }
0x285: {  	[sflag:s3] =	ssyncset.done $0x0  }
0x286: {  	[sflag:s3] =	ssyncadd.s32 $0xFFFFF300  }
0x287: {  	_ =	swait.ge [sflag:s3], $0xD00  }
0x288: {  	[sflag:s3] =	ssyncset.done $0x0  }
0x289: {  	[sflag:s3] =	ssyncadd.s32 $0xFFFFF300  }
0x28a: {  	_ =	swait.ge [sflag:s3], $0xD00  }
0x28b: {  	[sflag:s3] =	ssyncset.done $0x0  }
0x28c: {  	[sflag:s3] =	ssyncadd.s32 $0xFFFFF300  }
0x28d: {  	_ =	swait.ge [sflag:s3], $0xD00  }
0x28e: {  	[sflag:s3] =	ssyncset.done $0x0  }
0x28f: {  	[sflag:s3] =	ssyncadd.s32 $0xFFFFF300  }
0x290: {  	_ =	swait.ge [sflag:s3], $0xD00  }
0x291: {  	[sflag:s3] =	ssyncset.done $0x0  }
0x292: {  	[sflag:s3] =	ssyncadd.s32 $0xFFFFF300  }
0x293: {  	_ =	swait.ge [sflag:s3], $0xD00  }
0x294: {  	[sflag:s3] =	ssyncset.done $0x0  }
0x295: {  	[sflag:s3] =	ssyncadd.s32 $0xFFFFF300  }
0x296: {  	_ =	swait.ge [sflag:s3], $0xD00  }
0x297: {  	[sflag:s3] =	ssyncset.done $0x0  }
0x298: {  	[sflag:s3] =	ssyncadd.s32 $0xFFFFF300  }
0x299: {  	_ =	swait.ge [sflag:s3], $0xD00  }
0x29a: {  	[sflag:s3] =	ssyncset.done $0x0  }
0x29b: {  	[sflag:s3] =	ssyncadd.s32 $0xFFFFF300  }
0x29c: {  	_ =	swait.ge [sflag:s3], $0xD00  }
0x29d: {  	[sflag:s3] =	ssyncset.done $0x0  }
0x29e: {  	[sflag:s3] =	ssyncadd.s32 $0xFFFFF300  }
0x29f: {  	_ =	swait.ge [sflag:s3], $0xD00  }
0x2a0: {  	[sflag:s3] =	ssyncset.done $0x0  }
0x2a1: {  	[sflag:s3] =	ssyncadd.s32 $0xFFFFF300  }
0x2a2: {  	_ =	swait.ge [sflag:s3], $0xD00  }
0x2a3: {  	[sflag:s3] =	ssyncset.done $0x0  }
0x2a4: {  	[sflag:s3] =	ssyncadd.s32 $0xFFFFF300  }
0x2a5: {  	_ =	sfence.sel $0x180000  }
0x2a6: {  	[bflag:$0x0] =	sbarrier.arrive $0xFFFF  }
0x2a7: {  	_ =	strace $0x90000047  }
0x2a8: {  	s31 =	stileid.u32;
	[bflag:$0x2] =	sbarrier.arrive $0xFFFF  }
0x2a9: {  	p0 =	sne.s32 s31, $0x0;
	s0 =	rddreg [dreg:$0x1]  }
0x2aa: {  	s0 =	sadd.s32 @!p0 $0x100000, s0  }
0x2ab: {  	[sflag:s0] =	ssyncadd.tile.s32 @!p0 $0x1;
	_ =	shalt  }
.Lfunc_end2:
_tile_overlayer_lowered:
.L_overlay_start_2:
0x2ac: {  	(tag) =	ssettag $0x2  }
0x2ad: {  	s0 =	rddreg [dreg:$0x0];
	s2 =	stileid.u32  }
0x2ae: {  	s1 =	rddreg [dreg:$0x1];
	p0 =	sne.s32 s2, $0x0  }
0x2af: {  	s3 =	rddreg [dreg:$0x2];
	[bflag:$0x3] =	sbarrier.arrive $0xFFFF;
	s2 =	simm.s32 @!p0 $0x1C03  }
0x2b0: {  	[timem:s3], [sflag:s2] =	dma.local @!p0 [hbm:s0], s1  }
0x2b1: {  	s0 =	simm.s32 @!p0 $0x3  }
0x2b2: {  	_ =	swait.ge @!p0 [sflag:s0], s1  }
0x2b3: {  	s1 =	ssub.s32 @!p0 $0x0, s1;
	[sflag:s0] =	ssyncset.done @!p0 $0x0  }
0x2b4: {  	[sflag:s0] =	ssyncadd.s32 @!p0 s1  }
0x2b5: {  	[bflag:$0x3] =	sbarrier.arrive $0xFFFF  }
0x2b6: {  	_ =	shalt  }

// kernel: kernel.8.cloned.1.call-start
scs
__scs_entry_jumppad:
0x0: {  	(pc) =	sbr.rel $0x88, $3  }
0x1: {  	(tag) =	ssettag $0x0;
	lr =	simm.s32 $0x1  }
0x2: {  	[smem:$0x3F8C] =	sst lr;
	_ =	strace $0xD0000000  }
0x3: {  	_ = 	snop  }
0x4: {  	_ = 	snop  }
0x5: {  	_ = 	snop  }
0x6: {  	_ = 	snop  }
0x7: {  	_ = 	snop  }
__scs_overlays_trampoline_lowered:
0x8: {  	[smem:$0x3F9B] =	sst s0  }
0x9: {  	[smem:$0x3F9C] =	sst s1  }
0xa: {  	[smem:$0x3F9D] =	sst s2  }
0xb: {  	[smem:$0x3F9E] =	sst s3  }
0xc: {  	[smem:$0x3F9F] =	sst s4  }
0xd: {  	[smem:$0x3FA0] =	sst s5  }
0xe: {  	[smem:$0x3FA1] =	sst s6  }
0xf: {  	[smem:$0x3FA2] =	sst s7  }
0x10: {  	[smem:$0x3FA3] =	sst s8  }
0x11: {  	[smem:$0x3FA4] =	sst s9;
	s0 =	simm.s32 @!p0 $0x0  }
0x12: {  	s1 =	sld [smem:$0x3F8A];
	s0 =	simm.s32 @p0 $0x1  }
0x13: {  	[smem:$0x3FA5] =	sst s0;
	s0 =	simm.s32 @!p1 $0x0  }
0x14: {  	s2 =	sld [smem:$0x3F89];
	s0 =	simm.s32 @p1 $0x1  }
0x15: {  	[smem:$0x3FA6] =	sst s0;
	s0 =	simm.s32 @!p2 $0x0  }
0x16: {  	s3 =	sld [smem:$0x3FDB];
	s0 =	simm.s32 @p2 $0x1  }
0x17: {  	s4 =	simm.s32 $0x1BF5;
	[smem:$0x3FA8] =	sst s0  }
0x18: {  	s0 =	sld [smem:$0x3F8B];
	_ =	swait.ge [sflag:s4], $0x0  }
0x19: {  	s7 =	sld [smem:$0x3F8C]  }
0x1a: {  	s8 =	sadd.s32 $0xFFFFE003, lr  }
0x1b: {  	s9 =	sadd.s32 $0xFFFFFEF7, lr;
	s5 =	simm.s32 $0xFFFFFFFF;
	p2 =	slt.u32 s8, $0xFFFFF086  }
0x1c: {  	p1 =	slt.u32 s9, $0xF7A;
	s5 =	simm.s32 @!p2 $0x0  }
0x1d: {  	s5 =	simm.s32 @p1 $0x1;
	p0 =	seq.s32 s7, s2  }
0x1e: {  	s7 =	smul.u32 @!p0 $0xF7A, s2;
	p2 =	seq.s32 @!p0 s5, $0x0  }
0x1f: {  	s9 =	smul.u32 $0xF7A, s1;
	s8 =	simm.s32 @!p0 $0x1BF5;
	p2 =	por !p2, p0  }
0x20: {  	[sflag:s8] =	ssyncset.s32 @!p0 $0xFFFFF086;
	s6 =	sadd.s32 @!p0 s3, s7;
	s7 =	simm.s32 @!p0 $0x108  }
0x21: {  	s3 =	sadd.s32 s3, s9;
	s6 =	sadd.s32 @!p0 $0x88, s6;
	s7 =	simm.s32 @p2 $0x1082  }
0x22: {  	[simem:s7], [sflag:s8] =	dma.local @!p0 [hbm:s6], $0xF7A  }
0x23: {  	s9 =	sor.u32 $0xD0000000, s2;
	s6 =	simm.s32 $0x108;
	_ =	swait.ge @!p0 [sflag:s8], $0x0  }
0x24: {  	s3 =	sadd.s32 $0x88, s3;
	s6 =	simm.s32 @!p1 $0x1082;
	[sflag:s4] =	ssyncset.s32 $0xFFFFF086  }
0x25: {  	[simem:s6], [sflag:s4] =	dma.local [hbm:s3], $0xF7A  }
0x26: {  	[smem:$0x3F8C] =	sst s1;
	(tag) =	ssettag s2;
	_ =	strace s9  }
0x27: {  	s1 =	sld [smem:$0x3F9C]  }
0x28: {  	s2 =	sld [smem:$0x3F9D]  }
0x29: {  	s4 =	sld [smem:$0x3F9F]  }
0x2a: {  	p0 =	seq.s32 s5, $0x0;
	s5 =	sld [smem:$0x3FA0]  }
0x2b: {  	s6 =	sld [smem:$0x3FA1]  }
0x2c: {  	s7 =	sld [smem:$0x3FA2]  }
0x2d: {  	s3 =	simm.s32 $0x108;
	s8 =	sld [smem:$0x3FA3]  }
0x2e: {  	s3 =	simm.s32 @!p0 $0x1082;
	s9 =	sld [smem:$0x3FA4]  }
0x2f: {  	lr =	sadd.s32 s0, s3;
	s0 =	sld [smem:$0x3F9B]  }
0x30: {  	s3 =	sld [smem:$0x3F9E]  }
0x31: {  	[smem:$0x3FA7] =	sst s10  }
0x32: {  	s10 =	sld [smem:$0x3FA5];
	_ =	sdelay $0x3  }
0x33: {  	p0 =	seq.s32 s10, $0x1;
	s10 =	sld [smem:$0x3FA7];
	_ =	sdelay $0x3  }
0x34: {  	[smem:$0x3FA7] =	sst s10  }
0x35: {  	s10 =	sld [smem:$0x3FA6];
	_ =	sdelay $0x3  }
0x36: {  	p1 =	seq.s32 s10, $0x1;
	s10 =	sld [smem:$0x3FA7];
	_ =	sdelay $0x3  }
0x37: {  	[smem:$0x3FA7] =	sst s10  }
0x38: {  	s10 =	sld [smem:$0x3FA8]  }
0x39: {  	_ = 	snop;
	(pc) =	sbr.ind lr, $3  }
0x3a: {  	_ = 	snop  }
0x3b: {  	_ = 	snop  }
0x3c: {  	p2 =	seq.s32 s10, $0x1;
	s10 =	sld [smem:$0x3FA7]  }
0x3d: {  	_ =	shalt  }
0x3e: {  	_ =	shalt  }
0x3f: {  	_ =	shalt  }
0x40: {  	_ =	shalt  }
0x41: {  	_ =	shalt  }
0x42: {  	_ =	shalt  }
0x43: {  	_ =	shalt  }
0x44: {  	_ =	shalt  }
0x45: {  	_ =	shalt  }
0x46: {  	_ =	shalt  }
0x47: {  	_ =	shalt  }
0x48: {  	_ =	shalt  }
0x49: {  	_ =	shalt  }
0x4a: {  	_ =	shalt  }
0x4b: {  	_ =	shalt  }
0x4c: {  	_ =	shalt  }
0x4d: {  	_ =	shalt  }
0x4e: {  	_ =	shalt  }
0x4f: {  	_ =	shalt  }
0x50: {  	_ =	shalt  }
0x51: {  	_ =	shalt  }
0x52: {  	_ =	shalt  }
0x53: {  	_ =	shalt  }
0x54: {  	_ =	shalt  }
0x55: {  	_ =	shalt  }
0x56: {  	_ =	shalt  }
0x57: {  	_ =	shalt  }
0x58: {  	_ =	shalt  }
0x59: {  	_ =	shalt  }
0x5a: {  	_ =	shalt  }
0x5b: {  	_ =	shalt  }
0x5c: {  	_ =	shalt  }
0x5d: {  	_ =	shalt  }
0x5e: {  	_ =	shalt  }
0x5f: {  	_ =	shalt  }
0x60: {  	_ =	shalt  }
0x61: {  	_ =	shalt  }
0x62: {  	_ =	shalt  }
0x63: {  	_ =	shalt  }
0x64: {  	_ =	shalt  }
0x65: {  	_ =	shalt  }
0x66: {  	_ =	shalt  }
0x67: {  	_ =	shalt  }
0x68: {  	_ =	shalt  }
0x69: {  	_ =	shalt  }
0x6a: {  	_ =	shalt  }
0x6b: {  	_ =	shalt  }
0x6c: {  	_ =	shalt  }
0x6d: {  	_ =	shalt  }
0x6e: {  	_ =	shalt  }
0x6f: {  	_ =	shalt  }
0x70: {  	_ =	shalt  }
0x71: {  	_ =	shalt  }
0x72: {  	_ =	shalt  }
0x73: {  	_ =	shalt  }
0x74: {  	_ =	shalt  }
0x75: {  	_ =	shalt  }
0x76: {  	_ =	shalt  }
0x77: {  	_ =	shalt  }
0x78: {  	_ =	shalt  }
0x79: {  	_ =	shalt  }
0x7a: {  	_ =	shalt  }
0x7b: {  	_ =	shalt  }
0x7c: {  	_ =	shalt  }
0x7d: {  	_ =	shalt  }
0x7e: {  	_ =	shalt  }
0x7f: {  	_ =	shalt  }
0x80: {  	_ =	shalt  }
0x81: {  	_ =	shalt  }
0x82: {  	_ =	shalt  }
0x83: {  	_ =	shalt  }
0x84: {  	_ =	shalt  }
0x85: {  	_ =	shalt  }
0x86: {  	_ =	shalt  }
0x87: {  	_ =	shalt  }
.Lfunc_end0:
.L_simem_size_0:
called_computation.1_lowered:
.L_overlay_start_0:
0x88: {  	s2 =	sld [smem:$0x3FD9]  }
0x89: {  	s3 =	sld [smem:$0x3FFE];
	_ =	sdelay $0x1  }
0x8a: {  	s1 =	srdreg.scid  }
0x8b: {  	s0 =	sand.u32 $0x1, s1  }
0x8c: {  	s15 =	sshll.u32 s0, $0xA;
	s2 =	sadd.s32 s3, s2  }
0x8d: {  	s2 =	sadd.s32 s2, s15  }
0x8e: {  	[smem:$0x3FB3] =	sst s2  }
0x8f: {  	_ = 	snop  }
0x90: {  	s2 =	sld [smem:$0x3FD0];
	_ =	sdelay $0x2  }
0x91: {  	s16 =	simm.s32 $0xB;
	s4 =	simm.s32 $0x10  }
0x92: {  	[smem:s4], [sflag:s16] =	dma.local [hbm:s2], $0x1  }
0x93: {  	_ =	swait.eq [sflag:s16], $0x1  }
0x94: {  	[sflag:s16] =	ssyncset.done $0x0  }
0x95: {  	[sflag:s16] =	ssyncadd.s32 $0xFFFFFFFF  }
0x96: {  	s17 =	sld [smem:$0x11];
	(tm) =	ssettm $0x1  }
0x97: {  	s18 =	sld [smem:$0x3FFB];
	_ =	sdelay $0x3  }
0x98: {  	_ =	strace s18  }
0x99: {  	s2 =	sld [smem:$0x3FFC];
	_ =	sdelay $0x3  }
0x9a: {  	_ =	strace s2  }
0x9b: {  	s2 =	sld [smem:$0x3FFD];
	_ =	sdelay $0x3  }
0x9c: {  	_ =	strace s2  }
0x9d: {  	_ =	strace $0x8FFFFFFF  }
0x9e: {  	s19 =	sld [smem:$0x3FDB];
	_ =	sdelay $0x1  }
0x9f: {  	s20 =	simm.s32 $_scs_section_size  }
0xa0: {  	s5 =	simm.s32 $_size__tile_overlayer_lowered;
	s6 =	simm.s32 $_tile_overlayer_lowered  }
0xa1: {  	s7 =	simm.s32 $0x1BFF;
	s21 =	sshll.u32 s6, $0x1;
	s4 =	sadd.s32 s20, s19  }
0xa2: {  	s22 =	simm.s32 $0x0;
	s5 =	sshll.u32 s5, $0x1;
	s6 =	sadd.s32 s21, s4  }
0xa3: {  	[timem:s22], [sflag:s7] =	dma.local [hbm:s6], s5  }
0xa4: {  	_ =	swait.ge [sflag:s7], s5  }
0xa5: {  	s5 =	ssub.s32 $0x0, s5;
	[sflag:s7] =	ssyncset.done $0x0  }
0xa6: {  	[sflag:s7] =	ssyncadd.s32 s5;
	_ =	sdelay $0x1  }
0xa7: {  	s23 =	simm.s32 $0x1B8B  }
0xa8: {  	_ =	swait.ge [sflag:s23], $0x1  }
0xa9: {  	[sflag:s23] =	ssyncset.done $0x0  }
0xaa: {  	[sflag:s23] =	ssyncadd.s32 $0xFFFFFFFF  }
0xab: {  	s5 =	sld [smem:$0x0]  }
0xac: {  	s6 =	sand.u32 $0xFFFFFFFE, s1  }
0xad: {  	p0 =	sne.s32 s1, s6  }
0xae: {  	s6 =	sshll.u32 @p0 s6, $0xE  }
0xaf: {  	s6 =	sadd.s32 @p0 $0x11B8D, s6;
	s7 =	sshll.u32 @p0 s5, $0x11  }
0xb0: {  	s6 =	sor.u32 @p0 s7, s6  }
0xb1: {  	[sflag:s6] =	ssyncadd.remote.s32 @p0 $0x1;
	_ =	sdelay $0x1  }
0xb2: {  	s6 =	simm.s32 @p0 $0x1B8D  }
0xb3: {  	_ =	swait.eq @p0 [sflag:s6], $0x1  }
0xb4: {  	[sflag:s6] =	ssyncadd.s32 @p0 $0xFFFFFFFF  }
0xb5: {  	s7 =	sshll.u32 @!p0 s1, $0xE  }
0xb6: {  	s7 =	sor.u32 @!p0 $0x4000, s7;
	s6 =	simm.s32 @!p0 $0x1B8D  }
0xb7: {  	s5 =	sshll.u32 @!p0 s5, $0x11;
	s7 =	sadd.s32 @!p0 $0x11B8D, s7;
	_ =	swait.eq @!p0 [sflag:s6], $0x1  }
0xb8: {  	s5 =	sor.u32 @!p0 s5, s7;
	[sflag:s6] =	ssyncadd.s32 @!p0 $0xFFFFFFFF  }
0xb9: {  	s25 =	simm.s32 $0x1B8E;
	s24 =	sld [smem:$0x3FFE];
	[sflag:s5] =	ssyncadd.remote.s32 @!p0 $0x1  }
0xba: {  	s26 =	simm.s32 $execute0_lowered;
	[smem:$0x3FD2] =	sst s25  }
0xbb: {  	s6 =	sshll.u32 s26, $0x1;
	_ =	strace $0x80000049;
	[dreg:$0x1] =	wrdreg $0xFFFFFFFF  }
0xbc: {  	s28 =	simm.s32 $_size_execute0_lowered;
	s4 =	sadd.s32 s4, s6;
	[dreg:$0x0] =	wrdreg $0x0  }
0xbd: {  	s6 =	sshll.u32 s28, $0x1;
	[dreg:$0x2] =	wrdreg s4  }
0xbe: {  	[dreg:$0x3] =	wrdreg s6  }
0xbf: {  	[dreg:$0x4] =	wrdreg $0xC0  }
0xc0: {  	_ =	task [dreg:s22], $0x5FFFF  }
0xc1: {  	[dreg:$0x1] =	wrdreg $0xFFFFFFFF  }
0xc2: {  	[dreg:$0x0] =	wrdreg $0x60  }
0xc3: {  	[dreg:$0x2] =	wrdreg s24  }
0xc4: {  	[dreg:$0x3] =	wrdreg s17  }
0xc5: {  	[dreg:$0x4] =	wrdreg $0xA  }
0xc6: {  	_ =	task.clear_ibuf [dreg:s22], $0x5FFFF;
	_ =	strace $0x90000049  }
0xc7: {  	s29 =	simm.s32 $0xA;
	_ =	strace $0x8000004B  }
0xc8: {  	_ =	swait.ge [sflag:s29], $0x1  }
0xc9: {  	[sflag:s29] =	ssyncadd.s32 $0xFFFFFFFF  }
0xca: {  	_ =	strace $0x9000004B  }
0xcb: {  	_ =	sfence  }
0xcc: {  	s30 =	sld [smem:$0x0];
	_ =	sdelay $0x2  }
0xcd: {  	s31 =	sshll.u32 s1, $0xD;
	s1 =	sshrl.u32 s1, $0x2  }
0xce: {  	s4 =	sand.u32 $0x4000, s31;
	s1 =	sadd.s32 s1, s30  }
0xcf: {  	s0 =	sor.u32 s4, s0;
	s1 =	sshll.u32 s1, $0x11  }
0xd0: {  	s0 =	sor.u32 s1, s0  }
0xd1: {  	s0 =	sadd.s32 $0x8F2B, s0  }
0xd2: {  	[sflag:s0] =	ssyncadd.remote.s32 $0x1  }
0xd3: {  	_ =	sfence.sel $0xFFFF  }
0xd4: {  	[dreg:$0x0] =	wrdreg $0xFFFFFFFF;
	(pc) =	sbr.abs _section_cstart, $3  }
0xd5: {  	[dreg:$0x1] =	wrdreg $0xFFFFFFFF  }
0xd6: {  	_ =	task.clear_ibuf [dreg:s22], $0x2FFFF;
	_ =	strace $0x9FFFFFFF  }
0xd7: {  	(tm) =	ssettm $0x7FFFFFFF  }
tec
execute0_lowered:
.L_overlay_start_1:
0x0: {  	(tag) =	ssettag $0x1  }
0x1: {  	s1 =	srdreg.scid;
	s8 =	rddreg [dreg:$0x0]  }
0x2: {  	s0 =	stileid.u32;
	s9 =	rddreg [dreg:$0x1];
	s2 =	simm.s32 $0x0  }
0x3: {  	s13 =	simm.s32 $0xD00;
	s14 =	simm.s32 $0xA00;
	s15 =	simm.s32 $0x1700  }
0x4: {  	s16 =	simm.s32 $0xB700;
	s17 =	simm.s32 $0x2;
	s18 =	simm.s32 $0x1  }
0x5: {  	s19 =	simm.s32 $0xD400;
	s20 =	simm.s32 $0x3;
	s21 =	simm.s32 $0xC400  }
0x6: {  	s4 =	sand.u32 $0x1, s1;
	s30 =	sshll.u32 s0, $0x1;
	s1 =	rddreg [dreg:$0x2]  }
0x7: {  	s22 =	simm.s32 $0x0;
	[smem:$0x7FF] =	sst s2;
	s10 =	sor.u32 s4, s30  }
0x8: {  	_ =	strace $0x8000004A;
	s31 =	ssub.s32 $0x2, s4;
	s3 =	smul.u32 $0x1A0, s10  }
0x9: {  	s4 =	sadd.s32 $0x8C6000, s8;
	s5 =	smul.u32 $0x140, s10;
	s11 =	sshll.u32 s10, $0x9  }
0xa: {  	s12 =	sshrl.u32 s31, $0x1;
	s10 =	sshll.u32 s10, $0x4;
	s11 =	sadd.s32 s11, s8  }
0xb: {  	s12 =	ssub.s32 s31, s12;
	s9 =	sadd.s32 s9, s10;
	s6 =	sadd.s32 s3, s8  }
0xc: {  	s7 =	sadd.s32 s5, s8;
	s3 =	sadd.s32 $0x569600, s8;
	s8 =	sadd.s32 $0x8F6D40, s8  }
0xd: {  	s10 =	sadd.s32 $0x5B8C00, s11;
	s11 =	smax.u32 s12, $0x1;
	s5 =	sadd.s32 $0x2C00, s6  }
0xe: {  	s12 =	simm.s32 $0x4;
	s6 =	sadd.s32 $0x564600, s7;
	s7 =	sadd.s32 $0x566E00, s7  }
.LBB2_1:
0xf: {  	[tilespmem:s2], [sflag:$0x4] =	stream.linear.gather [hbm4b:s5+s2], $0xD00, $0x38;
	[tilespmem:$0xD480] =	vst v63  }
0x10: {  	_ =	swait.ge [sflag:s12], $0xD00  }
0x11: {  	[sflag:s12] =	ssyncset.done $0x0  }
0x12: {  	[sflag:s12] =	ssyncadd.s32 $0xFFFFF300  }
0x13: {  	[tilespmem:s13], [sflag:$0x4] =	stream.linear.gather [hbm4b:s6+s2], $0xA00, $0x38;
	[tilespmem:$0xD480] =	vst v63  }
0x14: {  	_ =	swait.ge [sflag:s12], $0xA00  }
0x15: {  	[sflag:s12] =	ssyncset.done $0x0  }
0x16: {  	[sflag:s12] =	ssyncadd.s32 $0xFFFFF600  }
0x17: {  	[tilespmem:s15], [sflag:$0x2] =	stream.indirect.gather [hbm4b:s4+s14], $0x10, s13, s14, $0xb8;
	[tilespmem:$0xD480] =	vst v63  }
0x18: {  	_ = 	snop  }
0x19: {  	[tilespmem:s16], [sflag:$0x1] =	stream.indirect.gather [hbm4b:s3+s13], $0x1, s2, s13, $0xb8;
	[tilespmem:$0xD480] =	vst v63  }
0x1a: {  	_ =	swait.ge [sflag:s17], $0xA000  }
0x1b: {  	[sflag:s17] =	ssyncset.done $0x0  }
0x1c: {  	s24 =	simm.s32 $0x17A0;
	[sflag:s17] =	ssyncadd.s32 $0xFFFF6000  }
0x1d: {  	s25 =	simm.s32 $0x80;
	s23 =	simm.s32 $0x0;
	v0 =	vld [tilespmem:s24+$0xFFFFFF60]  }
.LBB2_2:
0x1e: {  	p0 =	sne.s32 s25, $0x3F80  }
0x1f: {  	v1 =	vld [tilespmem:s24+$0xFFFFFF70];
	_ =	sdelay $0x1  }
0x20: {  	v2 =	vld [tilespmem:s24+$0xFFFFFF80]  }
0x21: {  	v0 =	vadd.f32 $0.0e+00, v0  }
0x22: {  	v3 =	vld [tilespmem:s24+$0xFFFFFF90]  }
0x23: {  	v0 =	vadd.f32 v1, v0  }
0x24: {  	v1 =	vld [tilespmem:s24+$0xFFFFFFA0]  }
0x25: {  	v0 =	vadd.f32 v2, v0  }
0x26: {  	v2 =	vld [tilespmem:s24+$0xFFFFFFB0]  }
0x27: {  	v0 =	vadd.f32 v3, v0  }
0x28: {  	v3 =	vld [tilespmem:s24+$0xFFFFFFC0]  }
0x29: {  	v0 =	vadd.f32 v1, v0  }
0x2a: {  	v1 =	vld [tilespmem:s24+$0xFFFFFFD0]  }
0x2b: {  	v0 =	vadd.f32 v2, v0  }
0x2c: {  	v2 =	vld [tilespmem:s24+$0xFFFFFFE0]  }
0x2d: {  	v0 =	vadd.f32 v3, v0  }
0x2e: {  	v3 =	vld [tilespmem:s24+$0xFFFFFFF0]  }
0x2f: {  	v0 =	vadd.f32 v1, v0  }
0x30: {  	v1 =	vld [tilespmem:s24+$0x0]  }
0x31: {  	v0 =	vadd.f32 v2, v0  }
0x32: {  	v2 =	vld [tilespmem:s24+$0x10]  }
0x33: {  	v0 =	vadd.f32 v3, v0  }
0x34: {  	v3 =	vld [tilespmem:s24+$0x20]  }
0x35: {  	v0 =	vadd.f32 v1, v0  }
0x36: {  	v1 =	vld [tilespmem:s24+$0x30]  }
0x37: {  	v0 =	vadd.f32 v2, v0  }
0x38: {  	v2 =	vld [tilespmem:s24+$0x40]  }
0x39: {  	v0 =	vadd.f32 v3, v0  }
0x3a: {  	v3 =	vld [tilespmem:s24+$0x50]  }
0x3b: {  	v0 =	vadd.f32 v1, v0  }
0x3c: {  	v1 =	vld [tilespmem:s24+$0x60]  }
0x3d: {  	v0 =	vadd.f32 v2, v0  }
0x3e: {  	v2 =	vld [tilespmem:s24+$0x70]  }
0x3f: {  	v0 =	vadd.f32 v3, v0  }
0x40: {  	v3 =	vld [tilespmem:s24+$0x80]  }
0x41: {  	v0 =	vadd.f32 v1, v0  }
0x42: {  	v1 =	vld [tilespmem:s24+$0x90]  }
0x43: {  	v0 =	vadd.f32 v2, v0;
	_ =	sdelay $0x1  }
0x44: {  	v0 =	vadd.f32 v3, v0;
	_ =	sdelay $0x1  }
0x45: {  	v0 =	vadd.f32 v1, v0  }
.Ltmp0:
0x46: {  	(pc) =	sbr.rel @p0 .LBB2_2-.Ltmp0, $4  }
0x47: {  	v0 =	vmul.f32 $5.000000070e-02, v0  }
0x48: {  	s26 =	sshra.s32 s23, $0x2;
	s23 =	smov.u32 s25  }
0x49: {  	s24 =	sadd.s32 $0x140, s24;
	[tilespmem:s26+$0xC400] =	vst v0  }
0x4a: {  	s25 =	sadd.s32 $0x80, s25;
	v0 =	vld [tilespmem:s24+$0xFFFFFF60]  }
0x4b: {  	_ = 	snop  }
0x4c: {  	v1 =	vld [tilespmem:s24+$0xFFFFFF70];
	_ =	sdelay $0x1  }
0x4d: {  	v2 =	vld [tilespmem:s24+$0xFFFFFF80]  }
0x4e: {  	v0 =	vadd.f32 $0.0e+00, v0  }
0x4f: {  	v3 =	vld [tilespmem:s24+$0xFFFFFF90]  }
0x50: {  	v0 =	vadd.f32 v1, v0  }
0x51: {  	v1 =	vld [tilespmem:s24+$0xFFFFFFA0]  }
0x52: {  	v0 =	vadd.f32 v2, v0  }
0x53: {  	v2 =	vld [tilespmem:s24+$0xFFFFFFB0]  }
0x54: {  	v0 =	vadd.f32 v3, v0  }
0x55: {  	v3 =	vld [tilespmem:s24+$0xFFFFFFC0]  }
0x56: {  	v0 =	vadd.f32 v1, v0  }
0x57: {  	v1 =	vld [tilespmem:s24+$0xFFFFFFD0]  }
0x58: {  	v0 =	vadd.f32 v2, v0  }
0x59: {  	v2 =	vld [tilespmem:s24+$0xFFFFFFE0]  }
0x5a: {  	v0 =	vadd.f32 v3, v0  }
0x5b: {  	v3 =	vld [tilespmem:s24+$0xFFFFFFF0]  }
0x5c: {  	v0 =	vadd.f32 v1, v0  }
0x5d: {  	v1 =	vld [tilespmem:s24+$0x0]  }
0x5e: {  	v0 =	vadd.f32 v2, v0  }
0x5f: {  	v2 =	vld [tilespmem:s24+$0x10]  }
0x60: {  	v0 =	vadd.f32 v3, v0  }
0x61: {  	v3 =	vld [tilespmem:s24+$0x20]  }
0x62: {  	v0 =	vadd.f32 v1, v0  }
0x63: {  	v1 =	vld [tilespmem:s24+$0x30]  }
0x64: {  	v0 =	vadd.f32 v2, v0  }
0x65: {  	v2 =	vld [tilespmem:s24+$0x40]  }
0x66: {  	v0 =	vadd.f32 v3, v0  }
0x67: {  	v3 =	vld [tilespmem:s24+$0x50]  }
0x68: {  	v0 =	vadd.f32 v1, v0  }
0x69: {  	v1 =	vld [tilespmem:s24+$0x60]  }
0x6a: {  	v0 =	vadd.f32 v2, v0  }
0x6b: {  	v2 =	vld [tilespmem:s24+$0x70]  }
0x6c: {  	v0 =	vadd.f32 v3, v0  }
0x6d: {  	v3 =	vld [tilespmem:s24+$0x80]  }
0x6e: {  	v0 =	vadd.f32 v1, v0  }
0x6f: {  	v1 =	vld [tilespmem:s24+$0x90]  }
0x70: {  	v0 =	vadd.f32 v2, v0;
	_ =	sdelay $0x1  }
0x71: {  	v0 =	vadd.f32 v3, v0;
	_ =	sdelay $0x1  }
0x72: {  	v0 =	vadd.f32 v1, v0;
	_ =	sdelay $0x1  }
0x73: {  	v0 =	vmul.f32 $5.000000070e-02, v0  }
0x74: {  	s23 =	sshra.s32 s23, $0x2  }
0x75: {  	s31 =	simm.s32 $0x0;
	[tilespmem:s23+$0xC400] =	vst v0  }
0x76: {  	[tilespmem:s13], [sflag:$0x4] =	stream.linear.gather [hbm4b:s7+s31], $0xA00, $0x38;
	[tilespmem:$0xD480] =	vst v63  }
0x77: {  	_ =	swait.ge [sflag:s12], $0xA00  }
0x78: {  	[sflag:s12] =	ssyncset.done $0x0  }
0x79: {  	[sflag:s12] =	ssyncadd.s32 $0xFFFFF600  }
0x7a: {  	[tilespmem:s15], [sflag:$0x3] =	stream.indirect.gather [hbm4b:s8+s14], $0x10, s13, s14, $0xb8;
	[tilespmem:$0xD480] =	vst v63  }
0x7b: {  	_ =	swait.ge [sflag:s18], $0xD00  }
0x7c: {  	[sflag:s18] =	ssyncset.done $0x0  }
0x7d: {  	s24 =	simm.s32 $0x0;
	[sflag:s18] =	ssyncadd.s32 $0xFFFFF300  }
0x7e: {  	v0 =	vld [tilespmem:s24+$0xB700];
	_ =	sdelay $0x1  }
0x7f: {  	v1 =	vld [tilespmem:s24+$0xB780];
	_ =	sdelay $0x1  }
0x80: {  	v2 =	vld [tilespmem:s24+$0xB800]  }
0x81: {  	v0 =	vadd.f32 $0.0e+00, v0  }
0x82: {  	v3 =	vld [tilespmem:s24+$0xB880]  }
0x83: {  	v0 =	vadd.f32 v1, v0  }
0x84: {  	v1 =	vld [tilespmem:s24+$0xB900]  }
0x85: {  	v0 =	vadd.f32 v2, v0  }
0x86: {  	v2 =	vld [tilespmem:s24+$0xB980]  }
0x87: {  	v0 =	vadd.f32 v3, v0  }
0x88: {  	v3 =	vld [tilespmem:s24+$0xBA00]  }
0x89: {  	v0 =	vadd.f32 v1, v0  }
0x8a: {  	v1 =	vld [tilespmem:s24+$0xBA80]  }
0x8b: {  	v0 =	vadd.f32 v2, v0  }
0x8c: {  	v2 =	vld [tilespmem:s24+$0xBB00]  }
0x8d: {  	v0 =	vadd.f32 v3, v0  }
0x8e: {  	v3 =	vld [tilespmem:s24+$0xBB80]  }
0x8f: {  	v0 =	vadd.f32 v1, v0  }
0x90: {  	v1 =	vld [tilespmem:s24+$0xBC00]  }
0x91: {  	v0 =	vadd.f32 v2, v0  }
0x92: {  	v2 =	vld [tilespmem:s24+$0xBC80]  }
0x93: {  	v0 =	vadd.f32 v3, v0  }
0x94: {  	s23 =	simm.s32 $0x10;
	v3 =	vld [tilespmem:s24+$0xBD00]  }
0x95: {  	v4 =	vld [tilespmem:s23+$0xB700];
	v0 =	vadd.f32 v1, v0  }
0x96: {  	v1 =	vld [tilespmem:s24+$0xBD80]  }
0x97: {  	v5 =	vld [tilespmem:s23+$0xB780];
	v0 =	vadd.f32 v2, v0  }
0x98: {  	v2 =	vld [tilespmem:s24+$0xBE00]  }
0x99: {  	v6 =	vld [tilespmem:s23+$0xB800];
	v0 =	vadd.f32 v3, v0  }
0x9a: {  	v3 =	vld [tilespmem:s24+$0xBE80]  }
0x9b: {  	v7 =	vld [tilespmem:s23+$0xB880];
	v4 =	vadd.f32 $0.0e+00, v4;
	v0 =	vadd.f32 v1, v0  }
0x9c: {  	v1 =	vld [tilespmem:s24+$0xBF00]  }
0x9d: {  	v4 =	vadd.f32 v5, v4;
	v5 =	vld [tilespmem:s23+$0xB900];
	v0 =	vadd.f32 v2, v0  }
0x9e: {  	v2 =	vld [tilespmem:s24+$0xBF80]  }
0x9f: {  	v4 =	vadd.f32 v6, v4;
	v6 =	vld [tilespmem:s23+$0xB980];
	v0 =	vadd.f32 v3, v0  }
0xa0: {  	v3 =	vld [tilespmem:s24+$0xC000]  }
0xa1: {  	v4 =	vadd.f32 v7, v4;
	v7 =	vld [tilespmem:s23+$0xBA00];
	v0 =	vadd.f32 v1, v0  }
0xa2: {  	v1 =	vld [tilespmem:s24+$0xC080]  }
0xa3: {  	v4 =	vadd.f32 v5, v4;
	v5 =	vld [tilespmem:s23+$0xBA80];
	v0 =	vadd.f32 v2, v0  }
0xa4: {  	v2 =	vld [tilespmem:s24+$0xC100]  }
0xa5: {  	v4 =	vadd.f32 v6, v4;
	v6 =	vld [tilespmem:s23+$0xBB00];
	v0 =	vadd.f32 v3, v0  }
0xa6: {  	v3 =	vld [tilespmem:s24+$0xC180]  }
0xa7: {  	v4 =	vadd.f32 v7, v4;
	v7 =	vld [tilespmem:s23+$0xBB80];
	v0 =	vadd.f32 v1, v0  }
0xa8: {  	v1 =	vld [tilespmem:s24+$0xC200]  }
0xa9: {  	v8 =	vld [tilespmem:s24+$0xC280];
	v4 =	vadd.f32 v5, v4;
	v0 =	vadd.f32 v2, v0  }
0xaa: {  	v2 =	vld [tilespmem:s23+$0xBC00]  }
0xab: {  	v4 =	vadd.f32 v6, v4;
	v5 =	vadd.f32 v3, v0;
	v0 =	vld [tilespmem:s24+$0xC300]  }
0xac: {  	v3 =	vld [tilespmem:s23+$0xBC80]  }
0xad: {  	v6 =	vadd.f32 v7, v4;
	v4 =	vld [tilespmem:s23+$0xBD00];
	v7 =	vadd.f32 v1, v5  }
0xae: {  	v1 =	vld [tilespmem:s24+$0xC380]  }
0xaf: {  	s25 =	simm.s32 $0x20;
	s26 =	simm.s32 $0xC0;
	v5 =	vadd.f32 v2, v6;
	v2 =	vld [tilespmem:s23+$0xBD80];
	v6 =	vadd.f32 v8, v7  }
.LBB2_4:
0xb0: {  	p0 =	sne.s32 s26, $0x1C0;
	v7 =	vld [tilespmem:s25+$0xB700]  }
0xb1: {  	v3 =	vadd.f32 v3, v5;
	v5 =	vld [tilespmem:s23+$0xBE00];
	v0 =	vadd.f32 v0, v6  }
0xb2: {  	v6 =	vld [tilespmem:s25+$0xB780]  }
0xb3: {  	v3 =	vadd.f32 v4, v3;
	v4 =	vld [tilespmem:s23+$0xBE80];
	v0 =	vadd.f32 v1, v0  }
0xb4: {  	v1 =	vld [tilespmem:s25+$0xB800]  }
0xb5: {  	v7 =	vadd.f32 $0.0e+00, v7;
	v2 =	vadd.f32 v2, v3;
	v3 =	vld [tilespmem:s23+$0xBF00];
	[tilespmem:s24+$0xD400] =	vst v0;
	s24 =	smov.u32 s23;
	s23 =	smov.u32 s25  }
0xb6: {  	v0 =	vld [tilespmem:s23+$0xB880]  }
0xb7: {  	v6 =	vadd.f32 v6, v7;
	v2 =	vadd.f32 v5, v2;
	v5 =	vld [tilespmem:s24+$0xBF80]  }
0xb8: {  	v7 =	vld [tilespmem:s23+$0xB900]  }
0xb9: {  	v1 =	vadd.f32 v1, v6;
	v2 =	vadd.f32 v4, v2;
	v4 =	vld [tilespmem:s24+$0xC000]  }
0xba: {  	v6 =	vld [tilespmem:s23+$0xB980]  }
0xbb: {  	v0 =	vadd.f32 v0, v1;
	v1 =	vadd.f32 v3, v2;
	v2 =	vld [tilespmem:s24+$0xC080]  }
0xbc: {  	v3 =	vld [tilespmem:s23+$0xBA00]  }
0xbd: {  	v0 =	vadd.f32 v7, v0;
	v1 =	vadd.f32 v5, v1;
	v5 =	vld [tilespmem:s24+$0xC100]  }
0xbe: {  	v7 =	vld [tilespmem:s23+$0xBA80]  }
0xbf: {  	v0 =	vadd.f32 v6, v0;
	v1 =	vadd.f32 v4, v1;
	v4 =	vld [tilespmem:s24+$0xC180]  }
0xc0: {  	v6 =	vld [tilespmem:s23+$0xBB00]  }
0xc1: {  	v0 =	vadd.f32 v3, v0;
	v1 =	vadd.f32 v2, v1;
	v2 =	vld [tilespmem:s24+$0xC200]  }
0xc2: {  	v8 =	vld [tilespmem:s23+$0xBB80]  }
0xc3: {  	v0 =	vadd.f32 v7, v0;
	v1 =	vadd.f32 v5, v1;
	v7 =	vld [tilespmem:s24+$0xC280]  }
0xc4: {  	v5 =	vld [tilespmem:s23+$0xBC00]  }
.Ltmp1:
0xc5: {  	v6 =	vadd.f32 v6, v0;
	v1 =	vadd.f32 v4, v1;
	v0 =	vld [tilespmem:s24+$0xC300];
	(pc) =	sbr.rel @p0 .LBB2_4-.Ltmp1, $4  }
0xc6: {  	v3 =	vld [tilespmem:s23+$0xBC80]  }
0xc7: {  	v6 =	vadd.f32 v8, v6;
	v8 =	vadd.f32 v2, v1;
	v1 =	vld [tilespmem:s24+$0xC380]  }
0xc8: {  	v4 =	vld [tilespmem:s23+$0xBD00]  }
0xc9: {  	s25 =	sshra.s32 s26, $0x2;
	s26 =	sadd.s32 $0x40, s26;
	v5 =	vadd.f32 v5, v6;
	v2 =	vld [tilespmem:s23+$0xBD80];
	v6 =	vadd.f32 v7, v8  }
0xca: {  	v7 =	vld [tilespmem:s25+$0xB700]  }
0xcb: {  	v8 =	vld [tilespmem:s23+$0xBE00];
	v0 =	vadd.f32 v0, v6  }
0xcc: {  	v47 =	vld [tilespmem:s25+$0xB780]  }
0xcd: {  	v9 =	vld [tilespmem:s23+$0xBE80];
	v3 =	vadd.f32 v3, v5;
	v0 =	vadd.f32 v1, v0  }
0xce: {  	v1 =	vld [tilespmem:s25+$0xB800]  }
0xcf: {  	v48 =	vld [tilespmem:s23+$0xBF00];
	v3 =	vadd.f32 v4, v3;
	v49 =	vadd.f32 $0.0e+00, v7;
	[tilespmem:s24+$0xD400] =	vst v0  }
0xd0: {  	v0 =	vld [tilespmem:s25+$0xB880]  }
0xd1: {  	v2 =	vadd.f32 v2, v3;
	v3 =	vadd.f32 v47, v49  }
0xd2: {  	v50 =	vld [tilespmem:s25+$0xB900]  }
0xd3: {  	v51 =	vld [tilespmem:s23+$0xBF80];
	v2 =	vadd.f32 v8, v2;
	v1 =	vadd.f32 v1, v3  }
0xd4: {  	v3 =	vld [tilespmem:s25+$0xB980]  }
0xd5: {  	v52 =	vld [tilespmem:s23+$0xC000];
	v2 =	vadd.f32 v9, v2;
	v0 =	vadd.f32 v0, v1  }
0xd6: {  	v1 =	vld [tilespmem:s25+$0xBA00]  }
0xd7: {  	v53 =	vld [tilespmem:s23+$0xC080];
	v2 =	vadd.f32 v48, v2;
	v0 =	vadd.f32 v50, v0  }
0xd8: {  	v54 =	vld [tilespmem:s25+$0xBA80]  }
0xd9: {  	v55 =	vld [tilespmem:s23+$0xC100];
	v2 =	vadd.f32 v51, v2;
	v0 =	vadd.f32 v3, v0  }
0xda: {  	v3 =	vld [tilespmem:s25+$0xBB00]  }
0xdb: {  	v56 =	vld [tilespmem:s23+$0xC180];
	v2 =	vadd.f32 v52, v2;
	v0 =	vadd.f32 v1, v0  }
0xdc: {  	v1 =	vld [tilespmem:s25+$0xBB80]  }
0xdd: {  	v57 =	vld [tilespmem:s23+$0xC200];
	v2 =	vadd.f32 v53, v2;
	v0 =	vadd.f32 v54, v0  }
0xde: {  	v58 =	vld [tilespmem:s25+$0xBC00]  }
0xdf: {  	v59 =	vld [tilespmem:s23+$0xC280];
	v2 =	vadd.f32 v55, v2;
	v0 =	vadd.f32 v3, v0  }
0xe0: {  	v3 =	vld [tilespmem:s25+$0xBC80]  }
0xe1: {  	v60 =	vld [tilespmem:s23+$0xC300];
	v2 =	vadd.f32 v56, v2;
	v0 =	vadd.f32 v1, v0  }
0xe2: {  	v1 =	vld [tilespmem:s25+$0xBD00]  }
0xe3: {  	v61 =	vld [tilespmem:s23+$0xC380];
	v2 =	vadd.f32 v57, v2;
	v0 =	vadd.f32 v58, v0  }
0xe4: {  	v62 =	vld [tilespmem:s25+$0xBD80]  }
0xe5: {  	v2 =	vadd.f32 v59, v2;
	v0 =	vadd.f32 v3, v0  }
0xe6: {  	v3 =	vld [tilespmem:s25+$0xBE00]  }
0xe7: {  	v2 =	vadd.f32 v60, v2;
	v0 =	vadd.f32 v1, v0  }
0xe8: {  	v1 =	vld [tilespmem:s25+$0xBE80]  }
0xe9: {  	v2 =	vadd.f32 v61, v2;
	v0 =	vadd.f32 v62, v0  }
0xea: {  	v63 =	vld [tilespmem:s25+$0xBF00]  }
0xeb: {  	[tilespmem:s23+$0xD400] =	vst v2;
	v0 =	vadd.f32 v3, v0  }
0xec: {  	v2 =	vld [tilespmem:s25+$0xBF80]  }
0xed: {  	v0 =	vadd.f32 v1, v0  }
0xee: {  	v1 =	vld [tilespmem:s25+$0xC000]  }
0xef: {  	v0 =	vadd.f32 v63, v0  }
0xf0: {  	v3 =	vld [tilespmem:s25+$0xC080]  }
0xf1: {  	v0 =	vadd.f32 v2, v0  }
0xf2: {  	v2 =	vld [tilespmem:s25+$0xC100]  }
0xf3: {  	v0 =	vadd.f32 v1, v0  }
0xf4: {  	v1 =	vld [tilespmem:s25+$0xC180]  }
0xf5: {  	v0 =	vadd.f32 v3, v0  }
0xf6: {  	v3 =	vld [tilespmem:s25+$0xC200]  }
0xf7: {  	v0 =	vadd.f32 v2, v0  }
0xf8: {  	v2 =	vld [tilespmem:s25+$0xC280]  }
0xf9: {  	v0 =	vadd.f32 v1, v0  }
0xfa: {  	v1 =	vld [tilespmem:s25+$0xC300]  }
0xfb: {  	v0 =	vadd.f32 v3, v0  }
0xfc: {  	v3 =	vld [tilespmem:s25+$0xC380]  }
0xfd: {  	v0 =	vadd.f32 v2, v0;
	_ =	sdelay $0x1  }
0xfe: {  	v0 =	vadd.f32 v1, v0;
	_ =	sdelay $0x1  }
0xff: {  	v0 =	vadd.f32 v3, v0;
	_ =	sdelay $0x1  }
0x100: {  	s23 =	simm.s32 $0x0;
	[tilespmem:s25+$0xD400] =	vst v0  }
0x101: {  	[hbm4b:s9+s23] =	stream.linear.scatter [tilespmem:s19], [sflag:$0x4], $0x80, $0x38;
	[tilespmem:$0xD480] =	vst v63  }
0x102: {  	_ =	swait.ge [sflag:s12], $0x80  }
0x103: {  	[sflag:s12] =	ssyncset.done $0x0  }
0x104: {  	[sflag:s12] =	ssyncadd.s32 $0xFFFFFF80  }
0x105: {  	_ =	swait.ge [sflag:s20], $0xA000  }
0x106: {  	[sflag:s20] =	ssyncset.done $0x0  }
0x107: {  	s24 =	simm.s32 $0x17A0;
	[sflag:s20] =	ssyncadd.s32 $0xFFFF6000  }
0x108: {  	s25 =	simm.s32 $0x80;
	v0 =	vld [tilespmem:s24+$0xFFFFFF60]  }
.LBB2_6:
0x109: {  	p0 =	sne.s32 s25, $0x3F80  }
0x10a: {  	v1 =	vld [tilespmem:s24+$0xFFFFFF70];
	_ =	sdelay $0x1  }
0x10b: {  	v2 =	vld [tilespmem:s24+$0xFFFFFF80]  }
0x10c: {  	v0 =	vadd.f32 $0.0e+00, v0  }
0x10d: {  	v3 =	vld [tilespmem:s24+$0xFFFFFF90]  }
0x10e: {  	v0 =	vadd.f32 v1, v0  }
0x10f: {  	v1 =	vld [tilespmem:s24+$0xFFFFFFA0]  }
0x110: {  	v0 =	vadd.f32 v2, v0  }
0x111: {  	v2 =	vld [tilespmem:s24+$0xFFFFFFB0]  }
0x112: {  	v0 =	vadd.f32 v3, v0  }
0x113: {  	v3 =	vld [tilespmem:s24+$0xFFFFFFC0]  }
0x114: {  	v0 =	vadd.f32 v1, v0  }
0x115: {  	v1 =	vld [tilespmem:s24+$0xFFFFFFD0]  }
0x116: {  	v0 =	vadd.f32 v2, v0  }
0x117: {  	v2 =	vld [tilespmem:s24+$0xFFFFFFE0]  }
0x118: {  	v0 =	vadd.f32 v3, v0  }
0x119: {  	v3 =	vld [tilespmem:s24+$0xFFFFFFF0]  }
0x11a: {  	v0 =	vadd.f32 v1, v0  }
0x11b: {  	v1 =	vld [tilespmem:s24+$0x0]  }
0x11c: {  	v0 =	vadd.f32 v2, v0  }
0x11d: {  	v2 =	vld [tilespmem:s24+$0x10]  }
0x11e: {  	v0 =	vadd.f32 v3, v0  }
0x11f: {  	v3 =	vld [tilespmem:s24+$0x20]  }
0x120: {  	v0 =	vadd.f32 v1, v0  }
0x121: {  	v1 =	vld [tilespmem:s24+$0x30]  }
0x122: {  	v0 =	vadd.f32 v2, v0  }
0x123: {  	v2 =	vld [tilespmem:s24+$0x40]  }
0x124: {  	v0 =	vadd.f32 v3, v0  }
0x125: {  	v3 =	vld [tilespmem:s24+$0x50]  }
0x126: {  	v0 =	vadd.f32 v1, v0  }
0x127: {  	v1 =	vld [tilespmem:s24+$0x60]  }
0x128: {  	v0 =	vadd.f32 v2, v0  }
0x129: {  	v2 =	vld [tilespmem:s24+$0x70]  }
0x12a: {  	v0 =	vadd.f32 v3, v0  }
0x12b: {  	v3 =	vld [tilespmem:s24+$0x80]  }
0x12c: {  	v0 =	vadd.f32 v1, v0  }
0x12d: {  	v1 =	vld [tilespmem:s24+$0x90]  }
0x12e: {  	v0 =	vadd.f32 v2, v0;
	_ =	sdelay $0x1  }
0x12f: {  	v0 =	vadd.f32 v3, v0;
	_ =	sdelay $0x1  }
0x130: {  	v0 =	vadd.f32 v1, v0  }
.Ltmp2:
0x131: {  	(pc) =	sbr.rel @p0 .LBB2_6-.Ltmp2, $4  }
0x132: {  	v0 =	vmul.f32 $5.000000070e-02, v0  }
0x133: {  	s26 =	sshra.s32 s23, $0x2;
	s23 =	smov.u32 s25  }
0x134: {  	s24 =	sadd.s32 $0x140, s24;
	[tilespmem:s26+$0xC410] =	vst v0  }
0x135: {  	s25 =	sadd.s32 $0x80, s25;
	v0 =	vld [tilespmem:s24+$0xFFFFFF60]  }
0x136: {  	_ = 	snop  }
0x137: {  	v1 =	vld [tilespmem:s24+$0xFFFFFF70];
	_ =	sdelay $0x1  }
0x138: {  	v2 =	vld [tilespmem:s24+$0xFFFFFF80]  }
0x139: {  	v0 =	vadd.f32 $0.0e+00, v0  }
0x13a: {  	v3 =	vld [tilespmem:s24+$0xFFFFFF90]  }
0x13b: {  	v0 =	vadd.f32 v1, v0  }
0x13c: {  	v48 =	vld [tilespmem:s24+$0xFFFFFFA0]  }
0x13d: {  	v0 =	vadd.f32 v2, v0  }
0x13e: {  	v49 =	vld [tilespmem:s24+$0xFFFFFFB0]  }
0x13f: {  	v0 =	vadd.f32 v3, v0  }
0x140: {  	v50 =	vld [tilespmem:s24+$0xFFFFFFC0]  }
0x141: {  	v0 =	vadd.f32 v48, v0  }
0x142: {  	v51 =	vld [tilespmem:s24+$0xFFFFFFD0]  }
0x143: {  	v0 =	vadd.f32 v49, v0  }
0x144: {  	v52 =	vld [tilespmem:s24+$0xFFFFFFE0]  }
0x145: {  	v0 =	vadd.f32 v50, v0  }
0x146: {  	v53 =	vld [tilespmem:s24+$0xFFFFFFF0]  }
0x147: {  	v0 =	vadd.f32 v51, v0  }
0x148: {  	v54 =	vld [tilespmem:s24+$0x0]  }
0x149: {  	v0 =	vadd.f32 v52, v0  }
0x14a: {  	v55 =	vld [tilespmem:s24+$0x10]  }
0x14b: {  	v0 =	vadd.f32 v53, v0  }
0x14c: {  	v56 =	vld [tilespmem:s24+$0x20]  }
0x14d: {  	v0 =	vadd.f32 v54, v0  }
0x14e: {  	v57 =	vld [tilespmem:s24+$0x30]  }
0x14f: {  	v0 =	vadd.f32 v55, v0  }
0x150: {  	v58 =	vld [tilespmem:s24+$0x40]  }
0x151: {  	v0 =	vadd.f32 v56, v0  }
0x152: {  	v59 =	vld [tilespmem:s24+$0x50]  }
0x153: {  	v0 =	vadd.f32 v57, v0  }
0x154: {  	v60 =	vld [tilespmem:s24+$0x60]  }
0x155: {  	v0 =	vadd.f32 v58, v0  }
0x156: {  	v61 =	vld [tilespmem:s24+$0x70]  }
0x157: {  	v0 =	vadd.f32 v59, v0  }
0x158: {  	v62 =	vld [tilespmem:s24+$0x80]  }
0x159: {  	v0 =	vadd.f32 v60, v0  }
0x15a: {  	v63 =	vld [tilespmem:s24+$0x90]  }
0x15b: {  	v0 =	vadd.f32 v61, v0;
	_ =	sdelay $0x1  }
0x15c: {  	v0 =	vadd.f32 v62, v0;
	_ =	sdelay $0x1  }
0x15d: {  	v0 =	vadd.f32 v63, v0;
	_ =	sdelay $0x1  }
0x15e: {  	s22 =	sadd.s32 $0x1, s22;
	v0 =	vmul.f32 $5.000000070e-02, v0  }
0x15f: {  	s23 =	sshra.s32 s23, $0x2;
	p0 =	sne.s32 s22, s11  }
.Ltmp3:
0x160: {  	[tilespmem:s23+$0xC410] =	vst v0;
	(pc) =	sbr.rel @p0 .LBB2_1-.Ltmp3, $4  }
0x161: {  	[hbm4b:s10+s2] =	stream.linear.scatter [tilespmem:s21], [sflag:$0x4], $0x1000, $0x38;
	[tilespmem:$0xD480] =	vst v63  }
0x162: {  	_ =	swait.ge [sflag:s12], $0x1000  }
0x163: {  	[sflag:s12] =	ssyncset.done $0x0  }
0x164: {  	[sflag:s12] =	ssyncadd.s32 $0xFFFFF000  }
0x165: {  	_ =	sfence.sel $0x180000  }
0x166: {  	[bflag:$0x0] =	sbarrier.arrive $0xFFFF  }
0x167: {  	p0 =	sne.s32 s0, $0x0;
	_ =	strace $0x9000004A  }
0x168: {  	s0 =	sadd.s32 @!p0 $0x100000, s1;
	[bflag:$0x2] =	sbarrier.arrive $0xFFFF  }
0x169: {  	[sflag:s0] =	ssyncadd.tile.s32 @!p0 $0x1;
	_ =	shalt  }
.Lfunc_end2:
_tile_overlayer_lowered:
.L_overlay_start_2:
0x16a: {  	(tag) =	ssettag $0x2  }
0x16b: {  	s0 =	rddreg [dreg:$0x0];
	s2 =	stileid.u32  }
0x16c: {  	s1 =	rddreg [dreg:$0x1];
	p0 =	sne.s32 s2, $0x0  }
0x16d: {  	s3 =	rddreg [dreg:$0x2];
	[bflag:$0x3] =	sbarrier.arrive $0xFFFF;
	s2 =	simm.s32 @!p0 $0x1C04  }
0x16e: {  	[timem:s3], [sflag:s2] =	dma.local @!p0 [hbm:s0], s1  }
0x16f: {  	s0 =	simm.s32 @!p0 $0x4  }
0x170: {  	_ =	swait.ge @!p0 [sflag:s0], s1  }
0x171: {  	s1 =	ssub.s32 @!p0 $0x0, s1;
	[sflag:s0] =	ssyncset.done @!p0 $0x0  }
0x172: {  	[sflag:s0] =	ssyncadd.s32 @!p0 s1  }
0x173: {  	[bflag:$0x3] =	sbarrier.arrive $0xFFFF  }
0x174: {  	_ =	shalt  }

</sc_bundles>
